<compile_context>
chip_gen: v7x
topology: tpu7x:2x2x1
jax: 0.10.2.dev20260603
libtpu: 0.0.44.dev20260713+nightly
codegen_flags: <defaults>
</compile_context>

<pallas_src>
import functools

import jax
import jax.numpy as jnp
from jax import lax
from jax.experimental import pallas as pl
from jax.experimental.pallas import tpu as pltpu
from jax.experimental.pallas import tpu_sc as plsc

N = 10000
E = 320000
D = 128

NC = 2
NS = 16
NW = NC * NS
CHUNK = 128
CPW = 80
ECHUNK = 64
ECPW = 160
E_PAD = NW * CPW * CHUNK
ACC_ROWS = 10240
STRIPE = ACC_ROWS // NS
ROW_BLK = 400
GRID = N // ROW_BLK

_mesh = plsc.VectorSubcoreMesh(
    core_axis_name="c", subcore_axis_name="s", num_cores=NC, num_subcores=NS
)



def _zero_stripe(zeros_hbm, buf, acc, s):
    rows = buf.shape[0]
    pltpu.sync_copy(zeros_hbm, buf)
    for r in range(STRIPE // rows):
        pltpu.sync_copy(buf, acc.at[pl.ds(s * STRIPE + r * rows, rows)])
    plsc.subcore_barrier()
    for r in range(STRIPE // rows):
        pltpu.sync_copy(buf, acc.at[pl.ds(s * STRIPE + r * rows, rows)])


def _copy_out(acc, out_hbm, c, s):
    for r in range(STRIPE // CHUNK):
        off = s * STRIPE + r * CHUNK
        pltpu.sync_copy(acc.at[pl.ds(off, CHUNK)], out_hbm.at[c, pl.ds(off, CHUNK)])


@functools.partial(
    pl.kernel,
    out_type=jax.ShapeDtypeStruct((NC, ACC_ROWS, D), jnp.float32),
    mesh=_mesh,
    scratch_types=[
        pltpu.VMEM((CPW, CHUNK), jnp.int32),
        pltpu.VMEM((CHUNK, D), jnp.float32),
        pltpu.VMEM_SHARED((ACC_ROWS, D), jnp.float32),
        [pltpu.SemaphoreType.DMA for _ in range(4)],
    ],
)
def _deg_kernel(dst_hbm, ones_hbm, zeros_hbm, out_hbm,
                dst_v, ones_v, acc, sc):
    c = lax.axis_index("c")
    s = lax.axis_index("s")
    wid = s * NC + c
    _zero_stripe(zeros_hbm, ones_v, acc, s)
    plsc.subcore_barrier()
    pltpu.sync_copy(dst_hbm.at[wid], dst_v)
    pltpu.sync_copy(ones_hbm, ones_v)
    plsc.subcore_barrier()

    @pl.loop(0, CPW, step=4)
    def _(jbase):
        for b in range(4):
            j = jbase + b

            @pl.when(j >= 4)
            def _():
                pltpu.make_async_copy(ones_v, acc.at[dst_v.at[j]], sc[b]).wait()

            pltpu.async_copy(ones_v, acc.at[dst_v.at[j]], sc[b], add=True)

    for b in range(4):
        pltpu.make_async_copy(ones_v, acc.at[dst_v.at[b]], sc[b]).wait()
    plsc.subcore_barrier()
    _copy_out(acc, out_hbm, c, s)


@functools.partial(
    pl.kernel,
    out_type=jax.ShapeDtypeStruct((NC, ACC_ROWS, D), jnp.float32),
    mesh=_mesh,
    scratch_types=[
        [pltpu.VMEM((ECHUNK,), jnp.int32) for _ in range(4)],
        [pltpu.VMEM((ECHUNK,), jnp.int32) for _ in range(4)],
        [pltpu.VMEM((ECHUNK, D), jnp.float32) for _ in range(4)],
        pltpu.VMEM_SHARED((ACC_ROWS, D), jnp.float32),
        [pltpu.SemaphoreType.DMA for _ in range(4)],
        [pltpu.SemaphoreType.DMA for _ in range(4)],
        [pltpu.SemaphoreType.DMA for _ in range(4)],
        [pltpu.SemaphoreType.DMA for _ in range(4)],
    ],
)
def _edge_kernel(y_hbm, src_hbm, dst_hbm, zeros_hbm, out_hbm,
                 sidx, didx, h, acc, g, sc, asem, adsem):
    c = lax.axis_index("c")
    s = lax.axis_index("s")
    wid = s * NC + c
    _zero_stripe(zeros_hbm, h[0], acc, s)
    plsc.subcore_barrier()

    for r in range(4):
        pltpu.async_copy(src_hbm.at[wid, r], sidx[r], asem[r])
    for r in range(2):
        pltpu.async_copy(dst_hbm.at[wid, r], didx[r], adsem[r])
    for r in range(2):
        pltpu.make_async_copy(src_hbm.at[wid, r], sidx[r], asem[r]).wait()
        pltpu.async_copy(y_hbm.at[sidx[r]], h[r], g[r])

    @pl.loop(0, ECPW, step=4)
    def _(jbase):
        for b in range(4):
            j = jbase + b
            r = b
            q = (b + 2) % 4
            pltpu.make_async_copy(y_hbm.at[sidx[r]], h[r], g[r]).wait()

            @pl.when(j + 4 < ECPW)
            def _():
                pltpu.async_copy(src_hbm.at[wid, j + 4], sidx[r], asem[r])

            pltpu.make_async_copy(dst_hbm.at[wid, j], didx[r], adsem[r]).wait()
            pltpu.async_copy(h[r], acc.at[didx[r]], sc[r], add=True)

            @pl.when(j >= 2)
            def _():
                pltpu.make_async_copy(h[q], acc.at[didx[q]], sc[q]).wait()

            @pl.when(j + 2 < ECPW)
            def _():
                pltpu.async_copy(dst_hbm.at[wid, j + 2], didx[q], adsem[q])
                pltpu.make_async_copy(src_hbm.at[wid, j + 2], sidx[q], asem[q]).wait()
                pltpu.async_copy(y_hbm.at[sidx[q]], h[q], g[q])

    pltpu.make_async_copy(h[(ECPW - 2) % 4], acc.at[didx[(ECPW - 2) % 4]],
                          sc[(ECPW - 2) % 4]).wait()
    pltpu.make_async_copy(h[(ECPW - 1) % 4], acc.at[didx[(ECPW - 1) % 4]],
                          sc[(ECPW - 1) % 4]).wait()
    plsc.subcore_barrier()
    _copy_out(acc, out_hbm, c, s)



def _dinv_from(degp):
    deg = degp[0, :, 0:1] + degp[1, :, 0:1] + 1.0
    return lax.rsqrt(deg)


def _tc1_body(degp_ref, x_ref, w_ref, y_ref):
    dinv = _dinv_from(degp_ref[...])
    xw = jnp.dot(x_ref[...], w_ref[...], preferred_element_type=jnp.float32)
    y_ref[...] = dinv * xw


def _tc2_body(degp_ref, zp_ref, y1_ref, b1_ref, w_ref, y2_ref):
    dinv = _dinv_from(degp_ref[...])
    h = dinv * (zp_ref[0] + zp_ref[1] + y1_ref[...]) + b1_ref[...]
    h = jnp.maximum(h, 0.0)
    y2_ref[...] = dinv * jnp.dot(h, w_ref[...], preferred_element_type=jnp.float32)


def _tc3_body(degp_ref, zp_ref, y2_ref, b2_ref, out_ref):
    dinv = _dinv_from(degp_ref[...])
    out_ref[...] = dinv * (zp_ref[0] + zp_ref[1] + y2_ref[...]) + b2_ref[...]


_pp_spec = pl.BlockSpec((NC, ROW_BLK, D), lambda i: (0, i, 0))
_row_spec = pl.BlockSpec((ROW_BLK, D), lambda i: (i, 0))
_w_spec = pl.BlockSpec((D, D), lambda i: (0, 0))
_b_spec = pl.BlockSpec((1, D), lambda i: (0, 0))
_row_out = jax.ShapeDtypeStruct((N, D), jnp.float32)


def _tc1(degp, x, w1):
    return pl.pallas_call(
        _tc1_body, grid=(GRID,),
        in_specs=[_pp_spec, _row_spec, _w_spec],
        out_specs=_row_spec, out_shape=_row_out,
    )(degp, x, w1)


def _tc2(degp, zp, y1, b1, w2):
    return pl.pallas_call(
        _tc2_body, grid=(GRID,),
        in_specs=[_pp_spec, _pp_spec, _row_spec, _b_spec, _w_spec],
        out_specs=_row_spec, out_shape=_row_out,
    )(degp, zp, y1, b1, w2)


def _tc3(degp, zp, y2, b2):
    return pl.pallas_call(
        _tc3_body, grid=(GRID,),
        in_specs=[_pp_spec, _pp_spec, _row_spec, _b_spec],
        out_specs=_row_spec, out_shape=_row_out,
    )(degp, zp, y2, b2)



def kernel(x, edge_index, W1, b1, W2, b2):
    ei = edge_index.astype(jnp.int32)
    pad = E_PAD - E
    pad_ids = jnp.arange(pad, dtype=jnp.int32)
    src_flat = jnp.concatenate([ei[0], pad_ids % N])
    dst_flat = jnp.concatenate([ei[1], N + pad_ids % (ACC_ROWS - N)])
    src3 = src_flat.reshape(NW, CPW, CHUNK)
    dst3 = dst_flat.reshape(NW, CPW, CHUNK)
    src4 = src_flat.reshape(NW, ECPW, ECHUNK)
    dst4 = dst_flat.reshape(NW, ECPW, ECHUNK)
    onesd = jnp.ones((CHUNK, D), jnp.float32)
    zerosd = jnp.zeros((CHUNK, D), jnp.float32)
    zerose = jnp.zeros((ECHUNK, D), jnp.float32)
    b1r = b1.reshape(1, D)
    b2r = b2.reshape(1, D)

    degp = _deg_kernel(dst3, onesd, zerosd)
    y1 = _tc1(degp, x, W1)
    z1 = _edge_kernel(y1, src4, dst4, zerose)
    y2 = _tc2(degp, z1, y1, b1r, W2)
    z2 = _edge_kernel(y2, src4, dst4, zerose)
    return _tc3(degp, z2, y2, b2r)

# --- scband reference (transcript-rebuilt; emitter-appended) ---
"""Pipeline reference for scband-gnn-64836826301097 (READ-ONLY COPY).

The authoritative reference and input builder live on the scoring server;
editing this copy changes nothing except your own understanding.
"""

import jax, jax.numpy as jnp
import numpy as np

N_NODES = 10000
N_EDGES = 320000
D_IN = 128
D_HID = 128
D_OUT = 128


def setup_inputs(seed: int = 0) -> dict:
    key = jax.random.key(seed)
    k1, k2, k3, k4, k5, k6 = jax.random.split(key, 6)
    x = jax.random.normal(k1, (N_NODES, D_IN), dtype=jnp.float32)
    edge_index = jax.random.randint(k2, (2, N_EDGES), 0, N_NODES, dtype=jnp.int64)
    # GCNConv params (glorot-ish init); weight stored as [in, out] so forward is x @ W
    W1 = jax.random.normal(k3, (D_IN, D_HID), dtype=jnp.float32) * (1.0 / np.sqrt(D_IN))
    b1 = jnp.zeros((D_HID,), dtype=jnp.float32)
    W2 = jax.random.normal(k4, (D_HID, D_OUT), dtype=jnp.float32) * (1.0 / np.sqrt(D_HID))
    b2 = jnp.zeros((D_OUT,), dtype=jnp.float32)
    return {"x": x, "edge_index": edge_index, "W1": W1, "b1": b1, "W2": W2, "b2": b2}


def _gcn_conv(x, src, dst, W, b, n):
    # PyG GCNConv: add self-loops, symmetric normalization, scatter-add aggregation
    xw = x @ W
    deg = jnp.zeros((n,), dtype=x.dtype).at[dst].add(1.0)
    dinv = jnp.where(deg > 0, jax.lax.rsqrt(deg), 0.0)
    norm = dinv[src] * dinv[dst]
    msg = xw[src] * norm[:, None]
    out = jax.ops.segment_sum(msg, dst, num_segments=n)
    return out + b


def reference(x, edge_index, W1, b1, W2, b2):
    n = x.shape[0]
    loops = jnp.arange(n, dtype=edge_index.dtype)
    src = jnp.concatenate([edge_index[0], loops])
    dst = jnp.concatenate([edge_index[1], loops])
    h = _gcn_conv(x, src, dst, W1, b1, n)
    h = jax.nn.relu(h)
    out = _gcn_conv(h, src, dst, W2, b2, n)
    return out

if __name__ == "__main__":
    import jax
    _d = setup_inputs()
    print(jax.jit(kernel)(*tuple(_d.values())))

</pallas_src>

<mosaic_0001>
#map = affine_map<(d0, d1) -> (0, 0, 0)>
#map1 = affine_map<(d0, d1) -> (0, 0)>
module attributes {stable_mosaic.version = 14 : i64} {
  func.func @_deg_kernel(%arg0: i32, %arg1: i32, %arg2: memref<32x80x128xi32, #tpu.memory_space<hbm>>, %arg3: memref<128x128xf32, #tpu.memory_space<hbm>>, %arg4: memref<128x128xf32, #tpu.memory_space<hbm>>, %arg5: memref<2x10240x128xf32, #tpu.memory_space<hbm>>, %arg6: memref<80x128xi32, #tpu.memory_space<vmem>>, %arg7: memref<128x128xf32, #tpu.memory_space<vmem>>, %arg8: memref<10240x128xf32, #tpu.memory_space<vmem_shared>>, %arg9: memref<!tpu.dma_semaphore, #tpu.memory_space<semaphore_mem>>, %arg10: memref<!tpu.dma_semaphore, #tpu.memory_space<semaphore_mem>>, %arg11: memref<!tpu.dma_semaphore, #tpu.memory_space<semaphore_mem>>, %arg12: memref<!tpu.dma_semaphore, #tpu.memory_space<semaphore_mem>>) attributes {dimension_semantics = [#tpu.dimension_semantics<core_parallel>, #tpu.dimension_semantics<subcore_parallel>], iteration_bounds = array<i64: 2, 16>, scalar_prefetch = 0 : i64, scratch_operands = 7 : i64, tpu.core_type = #tpu.core_type<sc_vector_subcore>, window_params = [{transform_indices = #map}, {transform_indices = #map1}, {transform_indices = #map1}, {transform_indices = #map}]} {
    %mul3A = arith.constant 2 : i32
    %mul3A_0 = arith.muli %arg1, %mul3A : i32
    %add3A = arith.addi %mul3A_0, %arg0 : i32
    "tpu.region"() ({
      %run_scoped3A = tpu.sem_alloc : memref<!tpu.dma_semaphore, #tpu.memory_space<semaphore_mem>>
      tpu.enqueue_dma source(%arg4 : memref<128x128xf32, #tpu.memory_space<hbm>>) target(%arg7 : memref<128x128xf32, #tpu.memory_space<vmem>>) target_semaphore(%run_scoped3A : memref<!tpu.dma_semaphore, #tpu.memory_space<semaphore_mem>>)
      tpu.wait_dma2 semaphore(%run_scoped3A : memref<!tpu.dma_semaphore, #tpu.memory_space<semaphore_mem>>) src(%arg4 : memref<128x128xf32, #tpu.memory_space<hbm>>) dst(%arg7 : memref<128x128xf32, #tpu.memory_space<vmem>>)
      tpu.yield
    }) : () -> ()
    %mul3A_1 = arith.constant 640 : i32
    %mul3A_2 = arith.muli %arg1, %mul3A_1 : i32
    %add3A_3 = arith.constant 0 : i32
    %add3A_4 = arith.addi %mul3A_2, %add3A_3 : i32
    "tpu.region"() ({
      %run_scoped3A = tpu.sem_alloc : memref<!tpu.dma_semaphore, #tpu.memory_space<semaphore_mem>>
      %dma_start3A = arith.constant 0 : i32
      %dma_start3A_95 = tpu.memref_slice %arg8[%add3A_4, %dma_start3A] : memref<10240x128xf32, #tpu.memory_space<vmem_shared>> -> memref<128x128xf32, #tpu.memory_space<vmem_shared>>
      %dma_start3A_96 = arith.constant 0 : i32
      %dma_start3A_97 = tpu.memref_slice %arg8[%add3A_4, %dma_start3A_96] : memref<10240x128xf32, #tpu.memory_space<vmem_shared>> -> memref<128x128xf32, #tpu.memory_space<vmem_shared>>
      tpu.enqueue_dma source(%arg7 : memref<128x128xf32, #tpu.memory_space<vmem>>) target(%dma_start3A_97 : memref<128x128xf32, #tpu.memory_space<vmem_shared>>) target_semaphore(%run_scoped3A : memref<!tpu.dma_semaphore, #tpu.memory_space<semaphore_mem>>)
      %dma_wait3A_98 = arith.constant 0 : i32
      %dma_wait3A_99 = tpu.memref_slice %arg8[%add3A_4, %dma_wait3A_98] : memref<10240x128xf32, #tpu.memory_space<vmem_shared>> -> memref<128x128xf32, #tpu.memory_space<vmem_shared>>
      %dma_wait3A_100 = arith.constant 0 : i32
      %dma_wait3A_101 = tpu.memref_slice %arg8[%add3A_4, %dma_wait3A_100] : memref<10240x128xf32, #tpu.memory_space<vmem_shared>> -> memref<128x128xf32, #tpu.memory_space<vmem_shared>>
      tpu.wait_dma2 semaphore(%run_scoped3A : memref<!tpu.dma_semaphore, #tpu.memory_space<semaphore_mem>>) src(%arg7 : memref<128x128xf32, #tpu.memory_space<vmem>>) dst(%dma_wait3A_101 : memref<128x128xf32, #tpu.memory_space<vmem_shared>>)
      tpu.yield
    }) : () -> ()
    %mul3A_5 = arith.constant 640 : i32
    %mul3A_6 = arith.muli %arg1, %mul3A_5 : i32
    %add3A_7 = arith.constant 128 : i32
    %add3A_8 = arith.addi %mul3A_6, %add3A_7 : i32
    "tpu.region"() ({
      %run_scoped3A = tpu.sem_alloc : memref<!tpu.dma_semaphore, #tpu.memory_space<semaphore_mem>>
      %dma_start3A = arith.constant 0 : i32
      %dma_start3A_95 = tpu.memref_slice %arg8[%add3A_8, %dma_start3A] : memref<10240x128xf32, #tpu.memory_space<vmem_shared>> -> memref<128x128xf32, #tpu.memory_space<vmem_shared>>
      %dma_start3A_96 = arith.constant 0 : i32
      %dma_start3A_97 = tpu.memref_slice %arg8[%add3A_8, %dma_start3A_96] : memref<10240x128xf32, #tpu.memory_space<vmem_shared>> -> memref<128x128xf32, #tpu.memory_space<vmem_shared>>
      tpu.enqueue_dma source(%arg7 : memref<128x128xf32, #tpu.memory_space<vmem>>) target(%dma_start3A_97 : memref<128x128xf32, #tpu.memory_space<vmem_shared>>) target_semaphore(%run_scoped3A : memref<!tpu.dma_semaphore, #tpu.memory_space<semaphore_mem>>)
      %dma_wait3A_98 = arith.constant 0 : i32
      %dma_wait3A_99 = tpu.memref_slice %arg8[%add3A_8, %dma_wait3A_98] : memref<10240x128xf32, #tpu.memory_space<vmem_shared>> -> memref<128x128xf32, #tpu.memory_space<vmem_shared>>
      %dma_wait3A_100 = arith.constant 0 : i32
      %dma_wait3A_101 = tpu.memref_slice %arg8[%add3A_8, %dma_wait3A_100] : memref<10240x128xf32, #tpu.memory_space<vmem_shared>> -> memref<128x128xf32, #tpu.memory_space<vmem_shared>>
      tpu.wait_dma2 semaphore(%run_scoped3A : memref<!tpu.dma_semaphore, #tpu.memory_space<semaphore_mem>>) src(%arg7 : memref<128x128xf32, #tpu.memory_space<vmem>>) dst(%dma_wait3A_101 : memref<128x128xf32, #tpu.memory_space<vmem_shared>>)
      tpu.yield
    }) : () -> ()
    %mul3A_9 = arith.constant 640 : i32
    %mul3A_10 = arith.muli %arg1, %mul3A_9 : i32
    %add3A_11 = arith.constant 256 : i32
    %add3A_12 = arith.addi %mul3A_10, %add3A_11 : i32
    "tpu.region"() ({
      %run_scoped3A = tpu.sem_alloc : memref<!tpu.dma_semaphore, #tpu.memory_space<semaphore_mem>>
      %dma_start3A = arith.constant 0 : i32
      %dma_start3A_95 = tpu.memref_slice %arg8[%add3A_12, %dma_start3A] : memref<10240x128xf32, #tpu.memory_space<vmem_shared>> -> memref<128x128xf32, #tpu.memory_space<vmem_shared>>
      %dma_start3A_96 = arith.constant 0 : i32
      %dma_start3A_97 = tpu.memref_slice %arg8[%add3A_12, %dma_start3A_96] : memref<10240x128xf32, #tpu.memory_space<vmem_shared>> -> memref<128x128xf32, #tpu.memory_space<vmem_shared>>
      tpu.enqueue_dma source(%arg7 : memref<128x128xf32, #tpu.memory_space<vmem>>) target(%dma_start3A_97 : memref<128x128xf32, #tpu.memory_space<vmem_shared>>) target_semaphore(%run_scoped3A : memref<!tpu.dma_semaphore, #tpu.memory_space<semaphore_mem>>)
      %dma_wait3A_98 = arith.constant 0 : i32
      %dma_wait3A_99 = tpu.memref_slice %arg8[%add3A_12, %dma_wait3A_98] : memref<10240x128xf32, #tpu.memory_space<vmem_shared>> -> memref<128x128xf32, #tpu.memory_space<vmem_shared>>
      %dma_wait3A_100 = arith.constant 0 : i32
      %dma_wait3A_101 = tpu.memref_slice %arg8[%add3A_12, %dma_wait3A_100] : memref<10240x128xf32, #tpu.memory_space<vmem_shared>> -> memref<128x128xf32, #tpu.memory_space<vmem_shared>>
      tpu.wait_dma2 semaphore(%run_scoped3A : memref<!tpu.dma_semaphore, #tpu.memory_space<semaphore_mem>>) src(%arg7 : memref<128x128xf32, #tpu.memory_space<vmem>>) dst(%dma_wait3A_101 : memref<128x128xf32, #tpu.memory_space<vmem_shared>>)
      tpu.yield
    }) : () -> ()
    %mul3A_13 = arith.constant 640 : i32
    %mul3A_14 = arith.muli %arg1, %mul3A_13 : i32
    %add3A_15 = arith.constant 384 : i32
    %add3A_16 = arith.addi %mul3A_14, %add3A_15 : i32
    "tpu.region"() ({
      %run_scoped3A = tpu.sem_alloc : memref<!tpu.dma_semaphore, #tpu.memory_space<semaphore_mem>>
      %dma_start3A = arith.constant 0 : i32
      %dma_start3A_95 = tpu.memref_slice %arg8[%add3A_16, %dma_start3A] : memref<10240x128xf32, #tpu.memory_space<vmem_shared>> -> memref<128x128xf32, #tpu.memory_space<vmem_shared>>
      %dma_start3A_96 = arith.constant 0 : i32
      %dma_start3A_97 = tpu.memref_slice %arg8[%add3A_16, %dma_start3A_96] : memref<10240x128xf32, #tpu.memory_space<vmem_shared>> -> memref<128x128xf32, #tpu.memory_space<vmem_shared>>
      tpu.enqueue_dma source(%arg7 : memref<128x128xf32, #tpu.memory_space<vmem>>) target(%dma_start3A_97 : memref<128x128xf32, #tpu.memory_space<vmem_shared>>) target_semaphore(%run_scoped3A : memref<!tpu.dma_semaphore, #tpu.memory_space<semaphore_mem>>)
      %dma_wait3A_98 = arith.constant 0 : i32
      %dma_wait3A_99 = tpu.memref_slice %arg8[%add3A_16, %dma_wait3A_98] : memref<10240x128xf32, #tpu.memory_space<vmem_shared>> -> memref<128x128xf32, #tpu.memory_space<vmem_shared>>
      %dma_wait3A_100 = arith.constant 0 : i32
      %dma_wait3A_101 = tpu.memref_slice %arg8[%add3A_16, %dma_wait3A_100] : memref<10240x128xf32, #tpu.memory_space<vmem_shared>> -> memref<128x128xf32, #tpu.memory_space<vmem_shared>>
      tpu.wait_dma2 semaphore(%run_scoped3A : memref<!tpu.dma_semaphore, #tpu.memory_space<semaphore_mem>>) src(%arg7 : memref<128x128xf32, #tpu.memory_space<vmem>>) dst(%dma_wait3A_101 : memref<128x128xf32, #tpu.memory_space<vmem_shared>>)
      tpu.yield
    }) : () -> ()
    %mul3A_17 = arith.constant 640 : i32
    %mul3A_18 = arith.muli %arg1, %mul3A_17 : i32
    %add3A_19 = arith.constant 512 : i32
    %add3A_20 = arith.addi %mul3A_18, %add3A_19 : i32
    "tpu.region"() ({
      %run_scoped3A = tpu.sem_alloc : memref<!tpu.dma_semaphore, #tpu.memory_space<semaphore_mem>>
      %dma_start3A = arith.constant 0 : i32
      %dma_start3A_95 = tpu.memref_slice %arg8[%add3A_20, %dma_start3A] : memref<10240x128xf32, #tpu.memory_space<vmem_shared>> -> memref<128x128xf32, #tpu.memory_space<vmem_shared>>
      %dma_start3A_96 = arith.constant 0 : i32
      %dma_start3A_97 = tpu.memref_slice %arg8[%add3A_20, %dma_start3A_96] : memref<10240x128xf32, #tpu.memory_space<vmem_shared>> -> memref<128x128xf32, #tpu.memory_space<vmem_shared>>
      tpu.enqueue_dma source(%arg7 : memref<128x128xf32, #tpu.memory_space<vmem>>) target(%dma_start3A_97 : memref<128x128xf32, #tpu.memory_space<vmem_shared>>) target_semaphore(%run_scoped3A : memref<!tpu.dma_semaphore, #tpu.memory_space<semaphore_mem>>)
      %dma_wait3A_98 = arith.constant 0 : i32
      %dma_wait3A_99 = tpu.memref_slice %arg8[%add3A_20, %dma_wait3A_98] : memref<10240x128xf32, #tpu.memory_space<vmem_shared>> -> memref<128x128xf32, #tpu.memory_space<vmem_shared>>
      %dma_wait3A_100 = arith.constant 0 : i32
      %dma_wait3A_101 = tpu.memref_slice %arg8[%add3A_20, %dma_wait3A_100] : memref<10240x128xf32, #tpu.memory_space<vmem_shared>> -> memref<128x128xf32, #tpu.memory_space<vmem_shared>>
      tpu.wait_dma2 semaphore(%run_scoped3A : memref<!tpu.dma_semaphore, #tpu.memory_space<semaphore_mem>>) src(%arg7 : memref<128x128xf32, #tpu.memory_space<vmem>>) dst(%dma_wait3A_101 : memref<128x128xf32, #tpu.memory_space<vmem_shared>>)
      tpu.yield
    }) : () -> ()
    %barrier3A = arith.constant 0 : index
    tpu.barrier barrier_id(%barrier3A)
    %mul3A_21 = arith.constant 640 : i32
    %mul3A_22 = arith.muli %arg1, %mul3A_21 : i32
    %add3A_23 = arith.constant 0 : i32
    %add3A_24 = arith.addi %mul3A_22, %add3A_23 : i32
    "tpu.region"() ({
      %run_scoped3A = tpu.sem_alloc : memref<!tpu.dma_semaphore, #tpu.memory_space<semaphore_mem>>
      %dma_start3A = arith.constant 0 : i32
      %dma_start3A_95 = tpu.memref_slice %arg8[%add3A_24, %dma_start3A] : memref<10240x128xf32, #tpu.memory_space<vmem_shared>> -> memref<128x128xf32, #tpu.memory_space<vmem_shared>>
      %dma_start3A_96 = arith.constant 0 : i32
      %dma_start3A_97 = tpu.memref_slice %arg8[%add3A_24, %dma_start3A_96] : memref<10240x128xf32, #tpu.memory_space<vmem_shared>> -> memref<128x128xf32, #tpu.memory_space<vmem_shared>>
      tpu.enqueue_dma source(%arg7 : memref<128x128xf32, #tpu.memory_space<vmem>>) target(%dma_start3A_97 : memref<128x128xf32, #tpu.memory_space<vmem_shared>>) target_semaphore(%run_scoped3A : memref<!tpu.dma_semaphore, #tpu.memory_space<semaphore_mem>>)
      %dma_wait3A_98 = arith.constant 0 : i32
      %dma_wait3A_99 = tpu.memref_slice %arg8[%add3A_24, %dma_wait3A_98] : memref<10240x128xf32, #tpu.memory_space<vmem_shared>> -> memref<128x128xf32, #tpu.memory_space<vmem_shared>>
      %dma_wait3A_100 = arith.constant 0 : i32
      %dma_wait3A_101 = tpu.memref_slice %arg8[%add3A_24, %dma_wait3A_100] : memref<10240x128xf32, #tpu.memory_space<vmem_shared>> -> memref<128x128xf32, #tpu.memory_space<vmem_shared>>
      tpu.wait_dma2 semaphore(%run_scoped3A : memref<!tpu.dma_semaphore, #tpu.memory_space<semaphore_mem>>) src(%arg7 : memref<128x128xf32, #tpu.memory_space<vmem>>) dst(%dma_wait3A_101 : memref<128x128xf32, #tpu.memory_space<vmem_shared>>)
      tpu.yield
    }) : () -> ()
    %mul3A_25 = arith.constant 640 : i32
    %mul3A_26 = arith.muli %arg1, %mul3A_25 : i32
    %add3A_27 = arith.constant 128 : i32
    %add3A_28 = arith.addi %mul3A_26, %add3A_27 : i32
    "tpu.region"() ({
      %run_scoped3A = tpu.sem_alloc : memref<!tpu.dma_semaphore, #tpu.memory_space<semaphore_mem>>
      %dma_start3A = arith.constant 0 : i32
      %dma_start3A_95 = tpu.memref_slice %arg8[%add3A_28, %dma_start3A] : memref<10240x128xf32, #tpu.memory_space<vmem_shared>> -> memref<128x128xf32, #tpu.memory_space<vmem_shared>>
      %dma_start3A_96 = arith.constant 0 : i32
      %dma_start3A_97 = tpu.memref_slice %arg8[%add3A_28, %dma_start3A_96] : memref<10240x128xf32, #tpu.memory_space<vmem_shared>> -> memref<128x128xf32, #tpu.memory_space<vmem_shared>>
      tpu.enqueue_dma source(%arg7 : memref<128x128xf32, #tpu.memory_space<vmem>>) target(%dma_start3A_97 : memref<128x128xf32, #tpu.memory_space<vmem_shared>>) target_semaphore(%run_scoped3A : memref<!tpu.dma_semaphore, #tpu.memory_space<semaphore_mem>>)
      %dma_wait3A_98 = arith.constant 0 : i32
      %dma_wait3A_99 = tpu.memref_slice %arg8[%add3A_28, %dma_wait3A_98] : memref<10240x128xf32, #tpu.memory_space<vmem_shared>> -> memref<128x128xf32, #tpu.memory_space<vmem_shared>>
      %dma_wait3A_100 = arith.constant 0 : i32
      %dma_wait3A_101 = tpu.memref_slice %arg8[%add3A_28, %dma_wait3A_100] : memref<10240x128xf32, #tpu.memory_space<vmem_shared>> -> memref<128x128xf32, #tpu.memory_space<vmem_shared>>
      tpu.wait_dma2 semaphore(%run_scoped3A : memref<!tpu.dma_semaphore, #tpu.memory_space<semaphore_mem>>) src(%arg7 : memref<128x128xf32, #tpu.memory_space<vmem>>) dst(%dma_wait3A_101 : memref<128x128xf32, #tpu.memory_space<vmem_shared>>)
      tpu.yield
    }) : () -> ()
    %mul3A_29 = arith.constant 640 : i32
    %mul3A_30 = arith.muli %arg1, %mul3A_29 : i32
    %add3A_31 = arith.constant 256 : i32
    %add3A_32 = arith.addi %mul3A_30, %add3A_31 : i32
    "tpu.region"() ({
      %run_scoped3A = tpu.sem_alloc : memref<!tpu.dma_semaphore, #tpu.memory_space<semaphore_mem>>
      %dma_start3A = arith.constant 0 : i32
      %dma_start3A_95 = tpu.memref_slice %arg8[%add3A_32, %dma_start3A] : memref<10240x128xf32, #tpu.memory_space<vmem_shared>> -> memref<128x128xf32, #tpu.memory_space<vmem_shared>>
      %dma_start3A_96 = arith.constant 0 : i32
      %dma_start3A_97 = tpu.memref_slice %arg8[%add3A_32, %dma_start3A_96] : memref<10240x128xf32, #tpu.memory_space<vmem_shared>> -> memref<128x128xf32, #tpu.memory_space<vmem_shared>>
      tpu.enqueue_dma source(%arg7 : memref<128x128xf32, #tpu.memory_space<vmem>>) target(%dma_start3A_97 : memref<128x128xf32, #tpu.memory_space<vmem_shared>>) target_semaphore(%run_scoped3A : memref<!tpu.dma_semaphore, #tpu.memory_space<semaphore_mem>>)
      %dma_wait3A_98 = arith.constant 0 : i32
      %dma_wait3A_99 = tpu.memref_slice %arg8[%add3A_32, %dma_wait3A_98] : memref<10240x128xf32, #tpu.memory_space<vmem_shared>> -> memref<128x128xf32, #tpu.memory_space<vmem_shared>>
      %dma_wait3A_100 = arith.constant 0 : i32
      %dma_wait3A_101 = tpu.memref_slice %arg8[%add3A_32, %dma_wait3A_100] : memref<10240x128xf32, #tpu.memory_space<vmem_shared>> -> memref<128x128xf32, #tpu.memory_space<vmem_shared>>
      tpu.wait_dma2 semaphore(%run_scoped3A : memref<!tpu.dma_semaphore, #tpu.memory_space<semaphore_mem>>) src(%arg7 : memref<128x128xf32, #tpu.memory_space<vmem>>) dst(%dma_wait3A_101 : memref<128x128xf32, #tpu.memory_space<vmem_shared>>)
      tpu.yield
    }) : () -> ()
    %mul3A_33 = arith.constant 640 : i32
    %mul3A_34 = arith.muli %arg1, %mul3A_33 : i32
    %add3A_35 = arith.constant 384 : i32
    %add3A_36 = arith.addi %mul3A_34, %add3A_35 : i32
    "tpu.region"() ({
      %run_scoped3A = tpu.sem_alloc : memref<!tpu.dma_semaphore, #tpu.memory_space<semaphore_mem>>
      %dma_start3A = arith.constant 0 : i32
      %dma_start3A_95 = tpu.memref_slice %arg8[%add3A_36, %dma_start3A] : memref<10240x128xf32, #tpu.memory_space<vmem_shared>> -> memref<128x128xf32, #tpu.memory_space<vmem_shared>>
      %dma_start3A_96 = arith.constant 0 : i32
      %dma_start3A_97 = tpu.memref_slice %arg8[%add3A_36, %dma_start3A_96] : memref<10240x128xf32, #tpu.memory_space<vmem_shared>> -> memref<128x128xf32, #tpu.memory_space<vmem_shared>>
      tpu.enqueue_dma source(%arg7 : memref<128x128xf32, #tpu.memory_space<vmem>>) target(%dma_start3A_97 : memref<128x128xf32, #tpu.memory_space<vmem_shared>>) target_semaphore(%run_scoped3A : memref<!tpu.dma_semaphore, #tpu.memory_space<semaphore_mem>>)
      %dma_wait3A_98 = arith.constant 0 : i32
      %dma_wait3A_99 = tpu.memref_slice %arg8[%add3A_36, %dma_wait3A_98] : memref<10240x128xf32, #tpu.memory_space<vmem_shared>> -> memref<128x128xf32, #tpu.memory_space<vmem_shared>>
      %dma_wait3A_100 = arith.constant 0 : i32
      %dma_wait3A_101 = tpu.memref_slice %arg8[%add3A_36, %dma_wait3A_100] : memref<10240x128xf32, #tpu.memory_space<vmem_shared>> -> memref<128x128xf32, #tpu.memory_space<vmem_shared>>
      tpu.wait_dma2 semaphore(%run_scoped3A : memref<!tpu.dma_semaphore, #tpu.memory_space<semaphore_mem>>) src(%arg7 : memref<128x128xf32, #tpu.memory_space<vmem>>) dst(%dma_wait3A_101 : memref<128x128xf32, #tpu.memory_space<vmem_shared>>)
      tpu.yield
    }) : () -> ()
    %mul3A_37 = arith.constant 640 : i32
    %mul3A_38 = arith.muli %arg1, %mul3A_37 : i32
    %add3A_39 = arith.constant 512 : i32
    %add3A_40 = arith.addi %mul3A_38, %add3A_39 : i32
    "tpu.region"() ({
      %run_scoped3A = tpu.sem_alloc : memref<!tpu.dma_semaphore, #tpu.memory_space<semaphore_mem>>
      %dma_start3A = arith.constant 0 : i32
      %dma_start3A_95 = tpu.memref_slice %arg8[%add3A_40, %dma_start3A] : memref<10240x128xf32, #tpu.memory_space<vmem_shared>> -> memref<128x128xf32, #tpu.memory_space<vmem_shared>>
      %dma_start3A_96 = arith.constant 0 : i32
      %dma_start3A_97 = tpu.memref_slice %arg8[%add3A_40, %dma_start3A_96] : memref<10240x128xf32, #tpu.memory_space<vmem_shared>> -> memref<128x128xf32, #tpu.memory_space<vmem_shared>>
      tpu.enqueue_dma source(%arg7 : memref<128x128xf32, #tpu.memory_space<vmem>>) target(%dma_start3A_97 : memref<128x128xf32, #tpu.memory_space<vmem_shared>>) target_semaphore(%run_scoped3A : memref<!tpu.dma_semaphore, #tpu.memory_space<semaphore_mem>>)
      %dma_wait3A_98 = arith.constant 0 : i32
      %dma_wait3A_99 = tpu.memref_slice %arg8[%add3A_40, %dma_wait3A_98] : memref<10240x128xf32, #tpu.memory_space<vmem_shared>> -> memref<128x128xf32, #tpu.memory_space<vmem_shared>>
      %dma_wait3A_100 = arith.constant 0 : i32
      %dma_wait3A_101 = tpu.memref_slice %arg8[%add3A_40, %dma_wait3A_100] : memref<10240x128xf32, #tpu.memory_space<vmem_shared>> -> memref<128x128xf32, #tpu.memory_space<vmem_shared>>
      tpu.wait_dma2 semaphore(%run_scoped3A : memref<!tpu.dma_semaphore, #tpu.memory_space<semaphore_mem>>) src(%arg7 : memref<128x128xf32, #tpu.memory_space<vmem>>) dst(%dma_wait3A_101 : memref<128x128xf32, #tpu.memory_space<vmem_shared>>)
      tpu.yield
    }) : () -> ()
    %barrier3A_41 = arith.constant 0 : index
    tpu.barrier barrier_id(%barrier3A_41)
    "tpu.region"() ({
      %run_scoped3A = tpu.sem_alloc : memref<!tpu.dma_semaphore, #tpu.memory_space<semaphore_mem>>
      %dma_start3A = arith.constant 0 : i32
      %dma_start3A_95 = arith.constant 0 : i32
      %dma_start3A_96 = tpu.memref_slice %arg2[%add3A, %dma_start3A, %dma_start3A_95] : memref<32x80x128xi32, #tpu.memory_space<hbm>> -> memref<1x80x128xi32, #tpu.memory_space<hbm>>
      %dma_start3A_97 = tpu.memref_squeeze %dma_start3A_96 : memref<1x80x128xi32, #tpu.memory_space<hbm>> -> memref<80x128xi32, #tpu.memory_space<hbm>>
      %dma_start3A_98 = arith.constant 0 : i32
      %dma_start3A_99 = arith.constant 0 : i32
      %dma_start3A_100 = tpu.memref_slice %arg2[%add3A, %dma_start3A_98, %dma_start3A_99] : memref<32x80x128xi32, #tpu.memory_space<hbm>> -> memref<1x80x128xi32, #tpu.memory_space<hbm>>
      %dma_start3A_101 = tpu.memref_squeeze %dma_start3A_100 : memref<1x80x128xi32, #tpu.memory_space<hbm>> -> memref<80x128xi32, #tpu.memory_space<hbm>>
      tpu.enqueue_dma source(%dma_start3A_101 : memref<80x128xi32, #tpu.memory_space<hbm>>) target(%arg6 : memref<80x128xi32, #tpu.memory_space<vmem>>) target_semaphore(%run_scoped3A : memref<!tpu.dma_semaphore, #tpu.memory_space<semaphore_mem>>)
      %dma_wait3A_102 = arith.constant 0 : i32
      %dma_wait3A_103 = arith.constant 0 : i32
      %dma_wait3A_104 = tpu.memref_slice %arg2[%add3A, %dma_wait3A_102, %dma_wait3A_103] : memref<32x80x128xi32, #tpu.memory_space<hbm>> -> memref<1x80x128xi32, #tpu.memory_space<hbm>>
      %dma_wait3A_105 = tpu.memref_squeeze %dma_wait3A_104 : memref<1x80x128xi32, #tpu.memory_space<hbm>> -> memref<80x128xi32, #tpu.memory_space<hbm>>
      %dma_wait3A_106 = arith.constant 0 : i32
      %dma_wait3A_107 = arith.constant 0 : i32
      %dma_wait3A_108 = tpu.memref_slice %arg2[%add3A, %dma_wait3A_106, %dma_wait3A_107] : memref<32x80x128xi32, #tpu.memory_space<hbm>> -> memref<1x80x128xi32, #tpu.memory_space<hbm>>
      %dma_wait3A_109 = tpu.memref_squeeze %dma_wait3A_108 : memref<1x80x128xi32, #tpu.memory_space<hbm>> -> memref<80x128xi32, #tpu.memory_space<hbm>>
      tpu.wait_dma2 semaphore(%run_scoped3A : memref<!tpu.dma_semaphore, #tpu.memory_space<semaphore_mem>>) src(%dma_wait3A_109 : memref<80x128xi32, #tpu.memory_space<hbm>>) dst(%arg6 : memref<80x128xi32, #tpu.memory_space<vmem>>)
      tpu.yield
    }) : () -> ()
    "tpu.region"() ({
      %run_scoped3A = tpu.sem_alloc : memref<!tpu.dma_semaphore, #tpu.memory_space<semaphore_mem>>
      tpu.enqueue_dma source(%arg3 : memref<128x128xf32, #tpu.memory_space<hbm>>) target(%arg7 : memref<128x128xf32, #tpu.memory_space<vmem>>) target_semaphore(%run_scoped3A : memref<!tpu.dma_semaphore, #tpu.memory_space<semaphore_mem>>)
      tpu.wait_dma2 semaphore(%run_scoped3A : memref<!tpu.dma_semaphore, #tpu.memory_space<semaphore_mem>>) src(%arg3 : memref<128x128xf32, #tpu.memory_space<hbm>>) dst(%arg7 : memref<128x128xf32, #tpu.memory_space<vmem>>)
      tpu.yield
    }) : () -> ()
    %barrier3A_42 = arith.constant 0 : index
    tpu.barrier barrier_id(%barrier3A_42)
    %scan3A = arith.constant 0 : i32
    %scan3A_43 = arith.constant 20 : i32
    %scan3A_44 = arith.addi %scan3A, %scan3A_43 : i32
    %scan3A_45 = arith.constant 1 : i32
    scf.for %scan3A_95 = %scan3A to %scan3A_44 step %scan3A_45  : i32 {
      %mul3A_96 = arith.constant 4 : i32
      %mul3A_97 = arith.muli %scan3A_95, %mul3A_96 : i32
      %add3A_98 = arith.constant 0 : i32
      %add3A_99 = arith.addi %add3A_98, %mul3A_97 : i32
      %add3A_100 = arith.constant 0 : i32
      %add3A_101 = arith.addi %add3A_99, %add3A_100 : i32
      %ge3A = arith.constant 4 : i32
      %ge3A_102 = arith.cmpi sge, %add3A_101, %ge3A : i32
      %convert_element_type3A = arith.extui %ge3A_102 : i1 to i32
      %cond3A = arith.constant 0 : i32
      %cond3A_103 = arith.cmpi ne, %convert_element_type3A, %cond3A : i32
      scf.if %cond3A_103 {
        %dma_wait3A_148 = arith.constant 0 : i32
        %dma_wait3A_149 = tpu.memref_slice %arg6[%add3A_101, %dma_wait3A_148] : memref<80x128xi32, #tpu.memory_space<vmem>> -> memref<1x128xi32, #tpu.memory_space<vmem>>
        %dma_wait3A_150 = tpu.memref_squeeze %dma_wait3A_149 : memref<1x128xi32, #tpu.memory_space<vmem>> -> memref<128xi32, #tpu.memory_space<vmem>>
        %dma_wait3A_151 = arith.constant 0 : i32
        %dma_wait3A_152 = arith.constant 0 : i32
        %dma_wait3A_153 = tpu.memref_slice %arg8[%dma_wait3A_151, %dma_wait3A_152] : memref<10240x128xf32, #tpu.memory_space<vmem_shared>> -> memref<10240x128xf32, #tpu.memory_space<vmem_shared>>
        tpu.wait_indirect_dma semaphore(%arg9 : memref<!tpu.dma_semaphore, #tpu.memory_space<semaphore_mem>>) src(%arg7 : memref<128x128xf32, #tpu.memory_space<vmem>>) dst(%dma_wait3A_153 : memref<10240x128xf32, #tpu.memory_space<vmem_shared>>)
      } else {
      }
      %dma_start3A = arith.constant 0 : i32
      %dma_start3A_104 = tpu.memref_slice %arg6[%add3A_101, %dma_start3A] : memref<80x128xi32, #tpu.memory_space<vmem>> -> memref<1x128xi32, #tpu.memory_space<vmem>>
      %dma_start3A_105 = tpu.memref_squeeze %dma_start3A_104 : memref<1x128xi32, #tpu.memory_space<vmem>> -> memref<128xi32, #tpu.memory_space<vmem>>
      %dma_start3A_106 = arith.constant 0 : i32
      %dma_start3A_107 = arith.constant 0 : i32
      %dma_start3A_108 = tpu.memref_slice %arg8[%dma_start3A_106, %dma_start3A_107] : memref<10240x128xf32, #tpu.memory_space<vmem_shared>> -> memref<10240x128xf32, #tpu.memory_space<vmem_shared>>
      tpu.enqueue_indirect_dma source(%arg7 : memref<128x128xf32, #tpu.memory_space<vmem>>) target(%dma_start3A_108 : memref<10240x128xf32, #tpu.memory_space<vmem_shared>>) offsets(%dma_start3A_105 : memref<128xi32, #tpu.memory_space<vmem>>) semaphore(%arg9 : memref<!tpu.dma_semaphore, #tpu.memory_space<semaphore_mem>>) {add = true}
      %add3A_109 = arith.constant 1 : i32
      %add3A_110 = arith.addi %add3A_99, %add3A_109 : i32
      %ge3A_111 = arith.constant 4 : i32
      %ge3A_112 = arith.cmpi sge, %add3A_110, %ge3A_111 : i32
      %convert_element_type3A_113 = arith.extui %ge3A_112 : i1 to i32
      %cond3A_114 = arith.constant 0 : i32
      %cond3A_115 = arith.cmpi ne, %convert_element_type3A_113, %cond3A_114 : i32
      scf.if %cond3A_115 {
        %dma_wait3A_148 = arith.constant 0 : i32
        %dma_wait3A_149 = tpu.memref_slice %arg6[%add3A_110, %dma_wait3A_148] : memref<80x128xi32, #tpu.memory_space<vmem>> -> memref<1x128xi32, #tpu.memory_space<vmem>>
        %dma_wait3A_150 = tpu.memref_squeeze %dma_wait3A_149 : memref<1x128xi32, #tpu.memory_space<vmem>> -> memref<128xi32, #tpu.memory_space<vmem>>
        %dma_wait3A_151 = arith.constant 0 : i32
        %dma_wait3A_152 = arith.constant 0 : i32
        %dma_wait3A_153 = tpu.memref_slice %arg8[%dma_wait3A_151, %dma_wait3A_152] : memref<10240x128xf32, #tpu.memory_space<vmem_shared>> -> memref<10240x128xf32, #tpu.memory_space<vmem_shared>>
        tpu.wait_indirect_dma semaphore(%arg10 : memref<!tpu.dma_semaphore, #tpu.memory_space<semaphore_mem>>) src(%arg7 : memref<128x128xf32, #tpu.memory_space<vmem>>) dst(%dma_wait3A_153 : memref<10240x128xf32, #tpu.memory_space<vmem_shared>>)
      } else {
      }
      %dma_start3A_116 = arith.constant 0 : i32
      %dma_start3A_117 = tpu.memref_slice %arg6[%add3A_110, %dma_start3A_116] : memref<80x128xi32, #tpu.memory_space<vmem>> -> memref<1x128xi32, #tpu.memory_space<vmem>>
      %dma_start3A_118 = tpu.memref_squeeze %dma_start3A_117 : memref<1x128xi32, #tpu.memory_space<vmem>> -> memref<128xi32, #tpu.memory_space<vmem>>
      %dma_start3A_119 = arith.constant 0 : i32
      %dma_start3A_120 = arith.constant 0 : i32
      %dma_start3A_121 = tpu.memref_slice %arg8[%dma_start3A_119, %dma_start3A_120] : memref<10240x128xf32, #tpu.memory_space<vmem_shared>> -> memref<10240x128xf32, #tpu.memory_space<vmem_shared>>
      tpu.enqueue_indirect_dma source(%arg7 : memref<128x128xf32, #tpu.memory_space<vmem>>) target(%dma_start3A_121 : memref<10240x128xf32, #tpu.memory_space<vmem_shared>>) offsets(%dma_start3A_118 : memref<128xi32, #tpu.memory_space<vmem>>) semaphore(%arg10 : memref<!tpu.dma_semaphore, #tpu.memory_space<semaphore_mem>>) {add = true}
      %add3A_122 = arith.constant 2 : i32
      %add3A_123 = arith.addi %add3A_99, %add3A_122 : i32
      %ge3A_124 = arith.constant 4 : i32
      %ge3A_125 = arith.cmpi sge, %add3A_123, %ge3A_124 : i32
      %convert_element_type3A_126 = arith.extui %ge3A_125 : i1 to i32
      %cond3A_127 = arith.constant 0 : i32
      %cond3A_128 = arith.cmpi ne, %convert_element_type3A_126, %cond3A_127 : i32
      scf.if %cond3A_128 {
        %dma_wait3A_148 = arith.constant 0 : i32
        %dma_wait3A_149 = tpu.memref_slice %arg6[%add3A_123, %dma_wait3A_148] : memref<80x128xi32, #tpu.memory_space<vmem>> -> memref<1x128xi32, #tpu.memory_space<vmem>>
        %dma_wait3A_150 = tpu.memref_squeeze %dma_wait3A_149 : memref<1x128xi32, #tpu.memory_space<vmem>> -> memref<128xi32, #tpu.memory_space<vmem>>
        %dma_wait3A_151 = arith.constant 0 : i32
        %dma_wait3A_152 = arith.constant 0 : i32
        %dma_wait3A_153 = tpu.memref_slice %arg8[%dma_wait3A_151, %dma_wait3A_152] : memref<10240x128xf32, #tpu.memory_space<vmem_shared>> -> memref<10240x128xf32, #tpu.memory_space<vmem_shared>>
        tpu.wait_indirect_dma semaphore(%arg11 : memref<!tpu.dma_semaphore, #tpu.memory_space<semaphore_mem>>) src(%arg7 : memref<128x128xf32, #tpu.memory_space<vmem>>) dst(%dma_wait3A_153 : memref<10240x128xf32, #tpu.memory_space<vmem_shared>>)
      } else {
      }
      %dma_start3A_129 = arith.constant 0 : i32
      %dma_start3A_130 = tpu.memref_slice %arg6[%add3A_123, %dma_start3A_129] : memref<80x128xi32, #tpu.memory_space<vmem>> -> memref<1x128xi32, #tpu.memory_space<vmem>>
      %dma_start3A_131 = tpu.memref_squeeze %dma_start3A_130 : memref<1x128xi32, #tpu.memory_space<vmem>> -> memref<128xi32, #tpu.memory_space<vmem>>
      %dma_start3A_132 = arith.constant 0 : i32
      %dma_start3A_133 = arith.constant 0 : i32
      %dma_start3A_134 = tpu.memref_slice %arg8[%dma_start3A_132, %dma_start3A_133] : memref<10240x128xf32, #tpu.memory_space<vmem_shared>> -> memref<10240x128xf32, #tpu.memory_space<vmem_shared>>
      tpu.enqueue_indirect_dma source(%arg7 : memref<128x128xf32, #tpu.memory_space<vmem>>) target(%dma_start3A_134 : memref<10240x128xf32, #tpu.memory_space<vmem_shared>>) offsets(%dma_start3A_131 : memref<128xi32, #tpu.memory_space<vmem>>) semaphore(%arg11 : memref<!tpu.dma_semaphore, #tpu.memory_space<semaphore_mem>>) {add = true}
      %add3A_135 = arith.constant 3 : i32
      %add3A_136 = arith.addi %add3A_99, %add3A_135 : i32
      %ge3A_137 = arith.constant 4 : i32
      %ge3A_138 = arith.cmpi sge, %add3A_136, %ge3A_137 : i32
      %convert_element_type3A_139 = arith.extui %ge3A_138 : i1 to i32
      %cond3A_140 = arith.constant 0 : i32
      %cond3A_141 = arith.cmpi ne, %convert_element_type3A_139, %cond3A_140 : i32
      scf.if %cond3A_141 {
        %dma_wait3A_148 = arith.constant 0 : i32
        %dma_wait3A_149 = tpu.memref_slice %arg6[%add3A_136, %dma_wait3A_148] : memref<80x128xi32, #tpu.memory_space<vmem>> -> memref<1x128xi32, #tpu.memory_space<vmem>>
        %dma_wait3A_150 = tpu.memref_squeeze %dma_wait3A_149 : memref<1x128xi32, #tpu.memory_space<vmem>> -> memref<128xi32, #tpu.memory_space<vmem>>
        %dma_wait3A_151 = arith.constant 0 : i32
        %dma_wait3A_152 = arith.constant 0 : i32
        %dma_wait3A_153 = tpu.memref_slice %arg8[%dma_wait3A_151, %dma_wait3A_152] : memref<10240x128xf32, #tpu.memory_space<vmem_shared>> -> memref<10240x128xf32, #tpu.memory_space<vmem_shared>>
        tpu.wait_indirect_dma semaphore(%arg12 : memref<!tpu.dma_semaphore, #tpu.memory_space<semaphore_mem>>) src(%arg7 : memref<128x128xf32, #tpu.memory_space<vmem>>) dst(%dma_wait3A_153 : memref<10240x128xf32, #tpu.memory_space<vmem_shared>>)
      } else {
      }
      %dma_start3A_142 = arith.constant 0 : i32
      %dma_start3A_143 = tpu.memref_slice %arg6[%add3A_136, %dma_start3A_142] : memref<80x128xi32, #tpu.memory_space<vmem>> -> memref<1x128xi32, #tpu.memory_space<vmem>>
      %dma_start3A_144 = tpu.memref_squeeze %dma_start3A_143 : memref<1x128xi32, #tpu.memory_space<vmem>> -> memref<128xi32, #tpu.memory_space<vmem>>
      %dma_start3A_145 = arith.constant 0 : i32
      %dma_start3A_146 = arith.constant 0 : i32
      %dma_start3A_147 = tpu.memref_slice %arg8[%dma_start3A_145, %dma_start3A_146] : memref<10240x128xf32, #tpu.memory_space<vmem_shared>> -> memref<10240x128xf32, #tpu.memory_space<vmem_shared>>
      tpu.enqueue_indirect_dma source(%arg7 : memref<128x128xf32, #tpu.memory_space<vmem>>) target(%dma_start3A_147 : memref<10240x128xf32, #tpu.memory_space<vmem_shared>>) offsets(%dma_start3A_144 : memref<128xi32, #tpu.memory_space<vmem>>) semaphore(%arg12 : memref<!tpu.dma_semaphore, #tpu.memory_space<semaphore_mem>>) {add = true}
    }
    %scan3A_46 = arith.constant 20 : i32
    %dma_wait3A = arith.constant 0 : i32
    %dma_wait3A_47 = arith.constant 0 : i32
    %dma_wait3A_48 = tpu.memref_slice %arg6[%dma_wait3A, %dma_wait3A_47] : memref<80x128xi32, #tpu.memory_space<vmem>> -> memref<1x128xi32, #tpu.memory_space<vmem>>
    %dma_wait3A_49 = tpu.memref_squeeze %dma_wait3A_48 : memref<1x128xi32, #tpu.memory_space<vmem>> -> memref<128xi32, #tpu.memory_space<vmem>>
    %dma_wait3A_50 = arith.constant 0 : i32
    %dma_wait3A_51 = arith.constant 0 : i32
    %dma_wait3A_52 = tpu.memref_slice %arg8[%dma_wait3A_50, %dma_wait3A_51] : memref<10240x128xf32, #tpu.memory_space<vmem_shared>> -> memref<10240x128xf32, #tpu.memory_space<vmem_shared>>
    tpu.wait_indirect_dma semaphore(%arg9 : memref<!tpu.dma_semaphore, #tpu.memory_space<semaphore_mem>>) src(%arg7 : memref<128x128xf32, #tpu.memory_space<vmem>>) dst(%dma_wait3A_52 : memref<10240x128xf32, #tpu.memory_space<vmem_shared>>)
    %dma_wait3A_53 = arith.constant 1 : i32
    %dma_wait3A_54 = arith.constant 0 : i32
    %dma_wait3A_55 = tpu.memref_slice %arg6[%dma_wait3A_53, %dma_wait3A_54] : memref<80x128xi32, #tpu.memory_space<vmem>> -> memref<1x128xi32, #tpu.memory_space<vmem>>
    %dma_wait3A_56 = tpu.memref_squeeze %dma_wait3A_55 : memref<1x128xi32, #tpu.memory_space<vmem>> -> memref<128xi32, #tpu.memory_space<vmem>>
    %dma_wait3A_57 = arith.constant 0 : i32
    %dma_wait3A_58 = arith.constant 0 : i32
    %dma_wait3A_59 = tpu.memref_slice %arg8[%dma_wait3A_57, %dma_wait3A_58] : memref<10240x128xf32, #tpu.memory_space<vmem_shared>> -> memref<10240x128xf32, #tpu.memory_space<vmem_shared>>
    tpu.wait_indirect_dma semaphore(%arg10 : memref<!tpu.dma_semaphore, #tpu.memory_space<semaphore_mem>>) src(%arg7 : memref<128x128xf32, #tpu.memory_space<vmem>>) dst(%dma_wait3A_59 : memref<10240x128xf32, #tpu.memory_space<vmem_shared>>)
    %dma_wait3A_60 = arith.constant 2 : i32
    %dma_wait3A_61 = arith.constant 0 : i32
    %dma_wait3A_62 = tpu.memref_slice %arg6[%dma_wait3A_60, %dma_wait3A_61] : memref<80x128xi32, #tpu.memory_space<vmem>> -> memref<1x128xi32, #tpu.memory_space<vmem>>
    %dma_wait3A_63 = tpu.memref_squeeze %dma_wait3A_62 : memref<1x128xi32, #tpu.memory_space<vmem>> -> memref<128xi32, #tpu.memory_space<vmem>>
    %dma_wait3A_64 = arith.constant 0 : i32
    %dma_wait3A_65 = arith.constant 0 : i32
    %dma_wait3A_66 = tpu.memref_slice %arg8[%dma_wait3A_64, %dma_wait3A_65] : memref<10240x128xf32, #tpu.memory_space<vmem_shared>> -> memref<10240x128xf32, #tpu.memory_space<vmem_shared>>
    tpu.wait_indirect_dma semaphore(%arg11 : memref<!tpu.dma_semaphore, #tpu.memory_space<semaphore_mem>>) src(%arg7 : memref<128x128xf32, #tpu.memory_space<vmem>>) dst(%dma_wait3A_66 : memref<10240x128xf32, #tpu.memory_space<vmem_shared>>)
    %dma_wait3A_67 = arith.constant 3 : i32
    %dma_wait3A_68 = arith.constant 0 : i32
    %dma_wait3A_69 = tpu.memref_slice %arg6[%dma_wait3A_67, %dma_wait3A_68] : memref<80x128xi32, #tpu.memory_space<vmem>> -> memref<1x128xi32, #tpu.memory_space<vmem>>
    %dma_wait3A_70 = tpu.memref_squeeze %dma_wait3A_69 : memref<1x128xi32, #tpu.memory_space<vmem>> -> memref<128xi32, #tpu.memory_space<vmem>>
    %dma_wait3A_71 = arith.constant 0 : i32
    %dma_wait3A_72 = arith.constant 0 : i32
    %dma_wait3A_73 = tpu.memref_slice %arg8[%dma_wait3A_71, %dma_wait3A_72] : memref<10240x128xf32, #tpu.memory_space<vmem_shared>> -> memref<10240x128xf32, #tpu.memory_space<vmem_shared>>
    tpu.wait_indirect_dma semaphore(%arg12 : memref<!tpu.dma_semaphore, #tpu.memory_space<semaphore_mem>>) src(%arg7 : memref<128x128xf32, #tpu.memory_space<vmem>>) dst(%dma_wait3A_73 : memref<10240x128xf32, #tpu.memory_space<vmem_shared>>)
    %barrier3A_74 = arith.constant 0 : index
    tpu.barrier barrier_id(%barrier3A_74)
    %mul3A_75 = arith.constant 640 : i32
    %mul3A_76 = arith.muli %arg1, %mul3A_75 : i32
    %add3A_77 = arith.constant 0 : i32
    %add3A_78 = arith.addi %mul3A_76, %add3A_77 : i32
    "tpu.region"() ({
      %run_scoped3A = tpu.sem_alloc : memref<!tpu.dma_semaphore, #tpu.memory_space<semaphore_mem>>
      %dma_start3A = arith.constant 0 : i32
      %dma_start3A_95 = tpu.memref_slice %arg5[%arg0, %add3A_78, %dma_start3A] : memref<2x10240x128xf32, #tpu.memory_space<hbm>> -> memref<1x128x128xf32, #tpu.memory_space<hbm>>
      %dma_start3A_96 = tpu.memref_squeeze %dma_start3A_95 : memref<1x128x128xf32, #tpu.memory_space<hbm>> -> memref<128x128xf32, #tpu.memory_space<hbm>>
      %dma_start3A_97 = arith.constant 0 : i32
      %dma_start3A_98 = tpu.memref_slice %arg8[%add3A_78, %dma_start3A_97] : memref<10240x128xf32, #tpu.memory_space<vmem_shared>> -> memref<128x128xf32, #tpu.memory_space<vmem_shared>>
      tpu.enqueue_dma source(%dma_start3A_98 : memref<128x128xf32, #tpu.memory_space<vmem_shared>>) target(%dma_start3A_96 : memref<128x128xf32, #tpu.memory_space<hbm>>) target_semaphore(%run_scoped3A : memref<!tpu.dma_semaphore, #tpu.memory_space<semaphore_mem>>)
      %dma_wait3A_99 = arith.constant 0 : i32
      %dma_wait3A_100 = tpu.memref_slice %arg5[%arg0, %add3A_78, %dma_wait3A_99] : memref<2x10240x128xf32, #tpu.memory_space<hbm>> -> memref<1x128x128xf32, #tpu.memory_space<hbm>>
      %dma_wait3A_101 = tpu.memref_squeeze %dma_wait3A_100 : memref<1x128x128xf32, #tpu.memory_space<hbm>> -> memref<128x128xf32, #tpu.memory_space<hbm>>
      %dma_wait3A_102 = arith.constant 0 : i32
      %dma_wait3A_103 = tpu.memref_slice %arg8[%add3A_78, %dma_wait3A_102] : memref<10240x128xf32, #tpu.memory_space<vmem_shared>> -> memref<128x128xf32, #tpu.memory_space<vmem_shared>>
      tpu.wait_dma2 semaphore(%run_scoped3A : memref<!tpu.dma_semaphore, #tpu.memory_space<semaphore_mem>>) src(%dma_wait3A_103 : memref<128x128xf32, #tpu.memory_space<vmem_shared>>) dst(%dma_wait3A_101 : memref<128x128xf32, #tpu.memory_space<hbm>>)
      tpu.yield
    }) : () -> ()
    %mul3A_79 = arith.constant 640 : i32
    %mul3A_80 = arith.muli %arg1, %mul3A_79 : i32
    %add3A_81 = arith.constant 128 : i32
    %add3A_82 = arith.addi %mul3A_80, %add3A_81 : i32
    "tpu.region"() ({
      %run_scoped3A = tpu.sem_alloc : memref<!tpu.dma_semaphore, #tpu.memory_space<semaphore_mem>>
      %dma_start3A = arith.constant 0 : i32
      %dma_start3A_95 = tpu.memref_slice %arg5[%arg0, %add3A_82, %dma_start3A] : memref<2x10240x128xf32, #tpu.memory_space<hbm>> -> memref<1x128x128xf32, #tpu.memory_space<hbm>>
      %dma_start3A_96 = tpu.memref_squeeze %dma_start3A_95 : memref<1x128x128xf32, #tpu.memory_space<hbm>> -> memref<128x128xf32, #tpu.memory_space<hbm>>
      %dma_start3A_97 = arith.constant 0 : i32
      %dma_start3A_98 = tpu.memref_slice %arg8[%add3A_82, %dma_start3A_97] : memref<10240x128xf32, #tpu.memory_space<vmem_shared>> -> memref<128x128xf32, #tpu.memory_space<vmem_shared>>
      tpu.enqueue_dma source(%dma_start3A_98 : memref<128x128xf32, #tpu.memory_space<vmem_shared>>) target(%dma_start3A_96 : memref<128x128xf32, #tpu.memory_space<hbm>>) target_semaphore(%run_scoped3A : memref<!tpu.dma_semaphore, #tpu.memory_space<semaphore_mem>>)
      %dma_wait3A_99 = arith.constant 0 : i32
      %dma_wait3A_100 = tpu.memref_slice %arg5[%arg0, %add3A_82, %dma_wait3A_99] : memref<2x10240x128xf32, #tpu.memory_space<hbm>> -> memref<1x128x128xf32, #tpu.memory_space<hbm>>
      %dma_wait3A_101 = tpu.memref_squeeze %dma_wait3A_100 : memref<1x128x128xf32, #tpu.memory_space<hbm>> -> memref<128x128xf32, #tpu.memory_space<hbm>>
      %dma_wait3A_102 = arith.constant 0 : i32
      %dma_wait3A_103 = tpu.memref_slice %arg8[%add3A_82, %dma_wait3A_102] : memref<10240x128xf32, #tpu.memory_space<vmem_shared>> -> memref<128x128xf32, #tpu.memory_space<vmem_shared>>
      tpu.wait_dma2 semaphore(%run_scoped3A : memref<!tpu.dma_semaphore, #tpu.memory_space<semaphore_mem>>) src(%dma_wait3A_103 : memref<128x128xf32, #tpu.memory_space<vmem_shared>>) dst(%dma_wait3A_101 : memref<128x128xf32, #tpu.memory_space<hbm>>)
      tpu.yield
    }) : () -> ()
    %mul3A_83 = arith.constant 640 : i32
    %mul3A_84 = arith.muli %arg1, %mul3A_83 : i32
    %add3A_85 = arith.constant 256 : i32
    %add3A_86 = arith.addi %mul3A_84, %add3A_85 : i32
    "tpu.region"() ({
      %run_scoped3A = tpu.sem_alloc : memref<!tpu.dma_semaphore, #tpu.memory_space<semaphore_mem>>
      %dma_start3A = arith.constant 0 : i32
      %dma_start3A_95 = tpu.memref_slice %arg5[%arg0, %add3A_86, %dma_start3A] : memref<2x10240x128xf32, #tpu.memory_space<hbm>> -> memref<1x128x128xf32, #tpu.memory_space<hbm>>
      %dma_start3A_96 = tpu.memref_squeeze %dma_start3A_95 : memref<1x128x128xf32, #tpu.memory_space<hbm>> -> memref<128x128xf32, #tpu.memory_space<hbm>>
      %dma_start3A_97 = arith.constant 0 : i32
      %dma_start3A_98 = tpu.memref_slice %arg8[%add3A_86, %dma_start3A_97] : memref<10240x128xf32, #tpu.memory_space<vmem_shared>> -> memref<128x128xf32, #tpu.memory_space<vmem_shared>>
      tpu.enqueue_dma source(%dma_start3A_98 : memref<128x128xf32, #tpu.memory_space<vmem_shared>>) target(%dma_start3A_96 : memref<128x128xf32, #tpu.memory_space<hbm>>) target_semaphore(%run_scoped3A : memref<!tpu.dma_semaphore, #tpu.memory_space<semaphore_mem>>)
      %dma_wait3A_99 = arith.constant 0 : i32
      %dma_wait3A_100 = tpu.memref_slice %arg5[%arg0, %add3A_86, %dma_wait3A_99] : memref<2x10240x128xf32, #tpu.memory_space<hbm>> -> memref<1x128x128xf32, #tpu.memory_space<hbm>>
      %dma_wait3A_101 = tpu.memref_squeeze %dma_wait3A_100 : memref<1x128x128xf32, #tpu.memory_space<hbm>> -> memref<128x128xf32, #tpu.memory_space<hbm>>
      %dma_wait3A_102 = arith.constant 0 : i32
      %dma_wait3A_103 = tpu.memref_slice %arg8[%add3A_86, %dma_wait3A_102] : memref<10240x128xf32, #tpu.memory_space<vmem_shared>> -> memref<128x128xf32, #tpu.memory_space<vmem_shared>>
      tpu.wait_dma2 semaphore(%run_scoped3A : memref<!tpu.dma_semaphore, #tpu.memory_space<semaphore_mem>>) src(%dma_wait3A_103 : memref<128x128xf32, #tpu.memory_space<vmem_shared>>) dst(%dma_wait3A_101 : memref<128x128xf32, #tpu.memory_space<hbm>>)
      tpu.yield
    }) : () -> ()
    %mul3A_87 = arith.constant 640 : i32
    %mul3A_88 = arith.muli %arg1, %mul3A_87 : i32
    %add3A_89 = arith.constant 384 : i32
    %add3A_90 = arith.addi %mul3A_88, %add3A_89 : i32
    "tpu.region"() ({
      %run_scoped3A = tpu.sem_alloc : memref<!tpu.dma_semaphore, #tpu.memory_space<semaphore_mem>>
      %dma_start3A = arith.constant 0 : i32
      %dma_start3A_95 = tpu.memref_slice %arg5[%arg0, %add3A_90, %dma_start3A] : memref<2x10240x128xf32, #tpu.memory_space<hbm>> -> memref<1x128x128xf32, #tpu.memory_space<hbm>>
      %dma_start3A_96 = tpu.memref_squeeze %dma_start3A_95 : memref<1x128x128xf32, #tpu.memory_space<hbm>> -> memref<128x128xf32, #tpu.memory_space<hbm>>
      %dma_start3A_97 = arith.constant 0 : i32
      %dma_start3A_98 = tpu.memref_slice %arg8[%add3A_90, %dma_start3A_97] : memref<10240x128xf32, #tpu.memory_space<vmem_shared>> -> memref<128x128xf32, #tpu.memory_space<vmem_shared>>
      tpu.enqueue_dma source(%dma_start3A_98 : memref<128x128xf32, #tpu.memory_space<vmem_shared>>) target(%dma_start3A_96 : memref<128x128xf32, #tpu.memory_space<hbm>>) target_semaphore(%run_scoped3A : memref<!tpu.dma_semaphore, #tpu.memory_space<semaphore_mem>>)
      %dma_wait3A_99 = arith.constant 0 : i32
      %dma_wait3A_100 = tpu.memref_slice %arg5[%arg0, %add3A_90, %dma_wait3A_99] : memref<2x10240x128xf32, #tpu.memory_space<hbm>> -> memref<1x128x128xf32, #tpu.memory_space<hbm>>
      %dma_wait3A_101 = tpu.memref_squeeze %dma_wait3A_100 : memref<1x128x128xf32, #tpu.memory_space<hbm>> -> memref<128x128xf32, #tpu.memory_space<hbm>>
      %dma_wait3A_102 = arith.constant 0 : i32
      %dma_wait3A_103 = tpu.memref_slice %arg8[%add3A_90, %dma_wait3A_102] : memref<10240x128xf32, #tpu.memory_space<vmem_shared>> -> memref<128x128xf32, #tpu.memory_space<vmem_shared>>
      tpu.wait_dma2 semaphore(%run_scoped3A : memref<!tpu.dma_semaphore, #tpu.memory_space<semaphore_mem>>) src(%dma_wait3A_103 : memref<128x128xf32, #tpu.memory_space<vmem_shared>>) dst(%dma_wait3A_101 : memref<128x128xf32, #tpu.memory_space<hbm>>)
      tpu.yield
    }) : () -> ()
    %mul3A_91 = arith.constant 640 : i32
    %mul3A_92 = arith.muli %arg1, %mul3A_91 : i32
    %add3A_93 = arith.constant 512 : i32
    %add3A_94 = arith.addi %mul3A_92, %add3A_93 : i32
    "tpu.region"() ({
      %run_scoped3A = tpu.sem_alloc : memref<!tpu.dma_semaphore, #tpu.memory_space<semaphore_mem>>
      %dma_start3A = arith.constant 0 : i32
      %dma_start3A_95 = tpu.memref_slice %arg5[%arg0, %add3A_94, %dma_start3A] : memref<2x10240x128xf32, #tpu.memory_space<hbm>> -> memref<1x128x128xf32, #tpu.memory_space<hbm>>
      %dma_start3A_96 = tpu.memref_squeeze %dma_start3A_95 : memref<1x128x128xf32, #tpu.memory_space<hbm>> -> memref<128x128xf32, #tpu.memory_space<hbm>>
      %dma_start3A_97 = arith.constant 0 : i32
      %dma_start3A_98 = tpu.memref_slice %arg8[%add3A_94, %dma_start3A_97] : memref<10240x128xf32, #tpu.memory_space<vmem_shared>> -> memref<128x128xf32, #tpu.memory_space<vmem_shared>>
      tpu.enqueue_dma source(%dma_start3A_98 : memref<128x128xf32, #tpu.memory_space<vmem_shared>>) target(%dma_start3A_96 : memref<128x128xf32, #tpu.memory_space<hbm>>) target_semaphore(%run_scoped3A : memref<!tpu.dma_semaphore, #tpu.memory_space<semaphore_mem>>)
      %dma_wait3A_99 = arith.constant 0 : i32
      %dma_wait3A_100 = tpu.memref_slice %arg5[%arg0, %add3A_94, %dma_wait3A_99] : memref<2x10240x128xf32, #tpu.memory_space<hbm>> -> memref<1x128x128xf32, #tpu.memory_space<hbm>>
      %dma_wait3A_101 = tpu.memref_squeeze %dma_wait3A_100 : memref<1x128x128xf32, #tpu.memory_space<hbm>> -> memref<128x128xf32, #tpu.memory_space<hbm>>
      %dma_wait3A_102 = arith.constant 0 : i32
      %dma_wait3A_103 = tpu.memref_slice %arg8[%add3A_94, %dma_wait3A_102] : memref<10240x128xf32, #tpu.memory_space<vmem_shared>> -> memref<128x128xf32, #tpu.memory_space<vmem_shared>>
      tpu.wait_dma2 semaphore(%run_scoped3A : memref<!tpu.dma_semaphore, #tpu.memory_space<semaphore_mem>>) src(%dma_wait3A_103 : memref<128x128xf32, #tpu.memory_space<vmem_shared>>) dst(%dma_wait3A_101 : memref<128x128xf32, #tpu.memory_space<hbm>>)
      tpu.yield
    }) : () -> ()
    return
  }
}

#map = affine_map<(d0, d1) -> (0, 0)>
#map1 = affine_map<(d0, d1) -> (0, 0, 0)>
module attributes {stable_mosaic.version = 14 : i64} {
  func.func @_edge_kernel(%arg0: i32, %arg1: i32, %arg2: memref<10000x128xf32, #tpu.memory_space<hbm>>, %arg3: memref<32x160x64xi32, #tpu.memory_space<hbm>>, %arg4: memref<32x160x64xi32, #tpu.memory_space<hbm>>, %arg5: memref<64x128xf32, #tpu.memory_space<hbm>>, %arg6: memref<2x10240x128xf32, #tpu.memory_space<hbm>>, %arg7: memref<64xi32, #tpu.memory_space<vmem>>, %arg8: memref<64xi32, #tpu.memory_space<vmem>>, %arg9: memref<64xi32, #tpu.memory_space<vmem>>, %arg10: memref<64xi32, #tpu.memory_space<vmem>>, %arg11: memref<64xi32, #tpu.memory_space<vmem>>, %arg12: memref<64xi32, #tpu.memory_space<vmem>>, %arg13: memref<64xi32, #tpu.memory_space<vmem>>, %arg14: memref<64xi32, #tpu.memory_space<vmem>>, %arg15: memref<64x128xf32, #tpu.memory_space<vmem>>, %arg16: memref<64x128xf32, #tpu.memory_space<vmem>>, %arg17: memref<64x128xf32, #tpu.memory_space<vmem>>, %arg18: memref<64x128xf32, #tpu.memory_space<vmem>>, %arg19: memref<10240x128xf32, #tpu.memory_space<vmem_shared>>, %arg20: memref<!tpu.dma_semaphore, #tpu.memory_space<semaphore_mem>>, %arg21: memref<!tpu.dma_semaphore, #tpu.memory_space<semaphore_mem>>, %arg22: memref<!tpu.dma_semaphore, #tpu.memory_space<semaphore_mem>>, %arg23: memref<!tpu.dma_semaphore, #tpu.memory_space<semaphore_mem>>, %arg24: memref<!tpu.dma_semaphore, #tpu.memory_space<semaphore_mem>>, %arg25: memref<!tpu.dma_semaphore, #tpu.memory_space<semaphore_mem>>, %arg26: memref<!tpu.dma_semaphore, #tpu.memory_space<semaphore_mem>>, %arg27: memref<!tpu.dma_semaphore, #tpu.memory_space<semaphore_mem>>, %arg28: memref<!tpu.dma_semaphore, #tpu.memory_space<semaphore_mem>>, %arg29: memref<!tpu.dma_semaphore, #tpu.memory_space<semaphore_mem>>, %arg30: memref<!tpu.dma_semaphore, #tpu.memory_space<semaphore_mem>>, %arg31: memref<!tpu.dma_semaphore, #tpu.memory_space<semaphore_mem>>, %arg32: memref<!tpu.dma_semaphore, #tpu.memory_space<semaphore_mem>>, %arg33: memref<!tpu.dma_semaphore, #tpu.memory_space<semaphore_mem>>, %arg34: memref<!tpu.dma_semaphore, #tpu.memory_space<semaphore_mem>>, %arg35: memref<!tpu.dma_semaphore, #tpu.memory_space<semaphore_mem>>) attributes {dimension_semantics = [#tpu.dimension_semantics<core_parallel>, #tpu.dimension_semantics<subcore_parallel>], iteration_bounds = array<i64: 2, 16>, scalar_prefetch = 0 : i64, scratch_operands = 29 : i64, tpu.core_type = #tpu.core_type<sc_vector_subcore>, window_params = [{transform_indices = #map}, {transform_indices = #map1}, {transform_indices = #map1}, {transform_indices = #map}, {transform_indices = #map1}]} {
    %mul3A = arith.constant 2 : i32
    %mul3A_0 = arith.muli %arg1, %mul3A : i32
    %add3A = arith.addi %mul3A_0, %arg0 : i32
    "tpu.region"() ({
      %run_scoped3A = tpu.sem_alloc : memref<!tpu.dma_semaphore, #tpu.memory_space<semaphore_mem>>
      tpu.enqueue_dma source(%arg5 : memref<64x128xf32, #tpu.memory_space<hbm>>) target(%arg15 : memref<64x128xf32, #tpu.memory_space<vmem>>) target_semaphore(%run_scoped3A : memref<!tpu.dma_semaphore, #tpu.memory_space<semaphore_mem>>)
      tpu.wait_dma2 semaphore(%run_scoped3A : memref<!tpu.dma_semaphore, #tpu.memory_space<semaphore_mem>>) src(%arg5 : memref<64x128xf32, #tpu.memory_space<hbm>>) dst(%arg15 : memref<64x128xf32, #tpu.memory_space<vmem>>)
      tpu.yield
    }) : () -> ()
    %mul3A_1 = arith.constant 640 : i32
    %mul3A_2 = arith.muli %arg1, %mul3A_1 : i32
    %add3A_3 = arith.constant 0 : i32
    %add3A_4 = arith.addi %mul3A_2, %add3A_3 : i32
    "tpu.region"() ({
      %run_scoped3A = tpu.sem_alloc : memref<!tpu.dma_semaphore, #tpu.memory_space<semaphore_mem>>
      %dma_start3A_173 = arith.constant 0 : i32
      %dma_start3A_174 = tpu.memref_slice %arg19[%add3A_4, %dma_start3A_173] : memref<10240x128xf32, #tpu.memory_space<vmem_shared>> -> memref<64x128xf32, #tpu.memory_space<vmem_shared>>
      %dma_start3A_175 = arith.constant 0 : i32
      %dma_start3A_176 = tpu.memref_slice %arg19[%add3A_4, %dma_start3A_175] : memref<10240x128xf32, #tpu.memory_space<vmem_shared>> -> memref<64x128xf32, #tpu.memory_space<vmem_shared>>
      tpu.enqueue_dma source(%arg15 : memref<64x128xf32, #tpu.memory_space<vmem>>) target(%dma_start3A_176 : memref<64x128xf32, #tpu.memory_space<vmem_shared>>) target_semaphore(%run_scoped3A : memref<!tpu.dma_semaphore, #tpu.memory_space<semaphore_mem>>)
      %dma_wait3A_177 = arith.constant 0 : i32
      %dma_wait3A_178 = tpu.memref_slice %arg19[%add3A_4, %dma_wait3A_177] : memref<10240x128xf32, #tpu.memory_space<vmem_shared>> -> memref<64x128xf32, #tpu.memory_space<vmem_shared>>
      %dma_wait3A_179 = arith.constant 0 : i32
      %dma_wait3A_180 = tpu.memref_slice %arg19[%add3A_4, %dma_wait3A_179] : memref<10240x128xf32, #tpu.memory_space<vmem_shared>> -> memref<64x128xf32, #tpu.memory_space<vmem_shared>>
      tpu.wait_dma2 semaphore(%run_scoped3A : memref<!tpu.dma_semaphore, #tpu.memory_space<semaphore_mem>>) src(%arg15 : memref<64x128xf32, #tpu.memory_space<vmem>>) dst(%dma_wait3A_180 : memref<64x128xf32, #tpu.memory_space<vmem_shared>>)
      tpu.yield
    }) : () -> ()
    %mul3A_5 = arith.constant 640 : i32
    %mul3A_6 = arith.muli %arg1, %mul3A_5 : i32
    %add3A_7 = arith.constant 64 : i32
    %add3A_8 = arith.addi %mul3A_6, %add3A_7 : i32
    "tpu.region"() ({
      %run_scoped3A = tpu.sem_alloc : memref<!tpu.dma_semaphore, #tpu.memory_space<semaphore_mem>>
      %dma_start3A_173 = arith.constant 0 : i32
      %dma_start3A_174 = tpu.memref_slice %arg19[%add3A_8, %dma_start3A_173] : memref<10240x128xf32, #tpu.memory_space<vmem_shared>> -> memref<64x128xf32, #tpu.memory_space<vmem_shared>>
      %dma_start3A_175 = arith.constant 0 : i32
      %dma_start3A_176 = tpu.memref_slice %arg19[%add3A_8, %dma_start3A_175] : memref<10240x128xf32, #tpu.memory_space<vmem_shared>> -> memref<64x128xf32, #tpu.memory_space<vmem_shared>>
      tpu.enqueue_dma source(%arg15 : memref<64x128xf32, #tpu.memory_space<vmem>>) target(%dma_start3A_176 : memref<64x128xf32, #tpu.memory_space<vmem_shared>>) target_semaphore(%run_scoped3A : memref<!tpu.dma_semaphore, #tpu.memory_space<semaphore_mem>>)
      %dma_wait3A_177 = arith.constant 0 : i32
      %dma_wait3A_178 = tpu.memref_slice %arg19[%add3A_8, %dma_wait3A_177] : memref<10240x128xf32, #tpu.memory_space<vmem_shared>> -> memref<64x128xf32, #tpu.memory_space<vmem_shared>>
      %dma_wait3A_179 = arith.constant 0 : i32
      %dma_wait3A_180 = tpu.memref_slice %arg19[%add3A_8, %dma_wait3A_179] : memref<10240x128xf32, #tpu.memory_space<vmem_shared>> -> memref<64x128xf32, #tpu.memory_space<vmem_shared>>
      tpu.wait_dma2 semaphore(%run_scoped3A : memref<!tpu.dma_semaphore, #tpu.memory_space<semaphore_mem>>) src(%arg15 : memref<64x128xf32, #tpu.memory_space<vmem>>) dst(%dma_wait3A_180 : memref<64x128xf32, #tpu.memory_space<vmem_shared>>)
      tpu.yield
    }) : () -> ()
    %mul3A_9 = arith.constant 640 : i32
    %mul3A_10 = arith.muli %arg1, %mul3A_9 : i32
    %add3A_11 = arith.constant 128 : i32
    %add3A_12 = arith.addi %mul3A_10, %add3A_11 : i32
    "tpu.region"() ({
      %run_scoped3A = tpu.sem_alloc : memref<!tpu.dma_semaphore, #tpu.memory_space<semaphore_mem>>
      %dma_start3A_173 = arith.constant 0 : i32
      %dma_start3A_174 = tpu.memref_slice %arg19[%add3A_12, %dma_start3A_173] : memref<10240x128xf32, #tpu.memory_space<vmem_shared>> -> memref<64x128xf32, #tpu.memory_space<vmem_shared>>
      %dma_start3A_175 = arith.constant 0 : i32
      %dma_start3A_176 = tpu.memref_slice %arg19[%add3A_12, %dma_start3A_175] : memref<10240x128xf32, #tpu.memory_space<vmem_shared>> -> memref<64x128xf32, #tpu.memory_space<vmem_shared>>
      tpu.enqueue_dma source(%arg15 : memref<64x128xf32, #tpu.memory_space<vmem>>) target(%dma_start3A_176 : memref<64x128xf32, #tpu.memory_space<vmem_shared>>) target_semaphore(%run_scoped3A : memref<!tpu.dma_semaphore, #tpu.memory_space<semaphore_mem>>)
      %dma_wait3A_177 = arith.constant 0 : i32
      %dma_wait3A_178 = tpu.memref_slice %arg19[%add3A_12, %dma_wait3A_177] : memref<10240x128xf32, #tpu.memory_space<vmem_shared>> -> memref<64x128xf32, #tpu.memory_space<vmem_shared>>
      %dma_wait3A_179 = arith.constant 0 : i32
      %dma_wait3A_180 = tpu.memref_slice %arg19[%add3A_12, %dma_wait3A_179] : memref<10240x128xf32, #tpu.memory_space<vmem_shared>> -> memref<64x128xf32, #tpu.memory_space<vmem_shared>>
      tpu.wait_dma2 semaphore(%run_scoped3A : memref<!tpu.dma_semaphore, #tpu.memory_space<semaphore_mem>>) src(%arg15 : memref<64x128xf32, #tpu.memory_space<vmem>>) dst(%dma_wait3A_180 : memref<64x128xf32, #tpu.memory_space<vmem_shared>>)
      tpu.yield
    }) : () -> ()
    %mul3A_13 = arith.constant 640 : i32
    %mul3A_14 = arith.muli %arg1, %mul3A_13 : i32
    %add3A_15 = arith.constant 192 : i32
    %add3A_16 = arith.addi %mul3A_14, %add3A_15 : i32
    "tpu.region"() ({
      %run_scoped3A = tpu.sem_alloc : memref<!tpu.dma_semaphore, #tpu.memory_space<semaphore_mem>>
      %dma_start3A_173 = arith.constant 0 : i32
      %dma_start3A_174 = tpu.memref_slice %arg19[%add3A_16, %dma_start3A_173] : memref<10240x128xf32, #tpu.memory_space<vmem_shared>> -> memref<64x128xf32, #tpu.memory_space<vmem_shared>>
      %dma_start3A_175 = arith.constant 0 : i32
      %dma_start3A_176 = tpu.memref_slice %arg19[%add3A_16, %dma_start3A_175] : memref<10240x128xf32, #tpu.memory_space<vmem_shared>> -> memref<64x128xf32, #tpu.memory_space<vmem_shared>>
      tpu.enqueue_dma source(%arg15 : memref<64x128xf32, #tpu.memory_space<vmem>>) target(%dma_start3A_176 : memref<64x128xf32, #tpu.memory_space<vmem_shared>>) target_semaphore(%run_scoped3A : memref<!tpu.dma_semaphore, #tpu.memory_space<semaphore_mem>>)
      %dma_wait3A_177 = arith.constant 0 : i32
      %dma_wait3A_178 = tpu.memref_slice %arg19[%add3A_16, %dma_wait3A_177] : memref<10240x128xf32, #tpu.memory_space<vmem_shared>> -> memref<64x128xf32, #tpu.memory_space<vmem_shared>>
      %dma_wait3A_179 = arith.constant 0 : i32
      %dma_wait3A_180 = tpu.memref_slice %arg19[%add3A_16, %dma_wait3A_179] : memref<10240x128xf32, #tpu.memory_space<vmem_shared>> -> memref<64x128xf32, #tpu.memory_space<vmem_shared>>
      tpu.wait_dma2 semaphore(%run_scoped3A : memref<!tpu.dma_semaphore, #tpu.memory_space<semaphore_mem>>) src(%arg15 : memref<64x128xf32, #tpu.memory_space<vmem>>) dst(%dma_wait3A_180 : memref<64x128xf32, #tpu.memory_space<vmem_shared>>)
      tpu.yield
    }) : () -> ()
    %mul3A_17 = arith.constant 640 : i32
    %mul3A_18 = arith.muli %arg1, %mul3A_17 : i32
    %add3A_19 = arith.constant 256 : i32
    %add3A_20 = arith.addi %mul3A_18, %add3A_19 : i32
    "tpu.region"() ({
      %run_scoped3A = tpu.sem_alloc : memref<!tpu.dma_semaphore, #tpu.memory_space<semaphore_mem>>
      %dma_start3A_173 = arith.constant 0 : i32
      %dma_start3A_174 = tpu.memref_slice %arg19[%add3A_20, %dma_start3A_173] : memref<10240x128xf32, #tpu.memory_space<vmem_shared>> -> memref<64x128xf32, #tpu.memory_space<vmem_shared>>
      %dma_start3A_175 = arith.constant 0 : i32
      %dma_start3A_176 = tpu.memref_slice %arg19[%add3A_20, %dma_start3A_175] : memref<10240x128xf32, #tpu.memory_space<vmem_shared>> -> memref<64x128xf32, #tpu.memory_space<vmem_shared>>
      tpu.enqueue_dma source(%arg15 : memref<64x128xf32, #tpu.memory_space<vmem>>) target(%dma_start3A_176 : memref<64x128xf32, #tpu.memory_space<vmem_shared>>) target_semaphore(%run_scoped3A : memref<!tpu.dma_semaphore, #tpu.memory_space<semaphore_mem>>)
      %dma_wait3A_177 = arith.constant 0 : i32
      %dma_wait3A_178 = tpu.memref_slice %arg19[%add3A_20, %dma_wait3A_177] : memref<10240x128xf32, #tpu.memory_space<vmem_shared>> -> memref<64x128xf32, #tpu.memory_space<vmem_shared>>
      %dma_wait3A_179 = arith.constant 0 : i32
      %dma_wait3A_180 = tpu.memref_slice %arg19[%add3A_20, %dma_wait3A_179] : memref<10240x128xf32, #tpu.memory_space<vmem_shared>> -> memref<64x128xf32, #tpu.memory_space<vmem_shared>>
      tpu.wait_dma2 semaphore(%run_scoped3A : memref<!tpu.dma_semaphore, #tpu.memory_space<semaphore_mem>>) src(%arg15 : memref<64x128xf32, #tpu.memory_space<vmem>>) dst(%dma_wait3A_180 : memref<64x128xf32, #tpu.memory_space<vmem_shared>>)
      tpu.yield
    }) : () -> ()
    %mul3A_21 = arith.constant 640 : i32
    %mul3A_22 = arith.muli %arg1, %mul3A_21 : i32
    %add3A_23 = arith.constant 320 : i32
    %add3A_24 = arith.addi %mul3A_22, %add3A_23 : i32
    "tpu.region"() ({
      %run_scoped3A = tpu.sem_alloc : memref<!tpu.dma_semaphore, #tpu.memory_space<semaphore_mem>>
      %dma_start3A_173 = arith.constant 0 : i32
      %dma_start3A_174 = tpu.memref_slice %arg19[%add3A_24, %dma_start3A_173] : memref<10240x128xf32, #tpu.memory_space<vmem_shared>> -> memref<64x128xf32, #tpu.memory_space<vmem_shared>>
      %dma_start3A_175 = arith.constant 0 : i32
      %dma_start3A_176 = tpu.memref_slice %arg19[%add3A_24, %dma_start3A_175] : memref<10240x128xf32, #tpu.memory_space<vmem_shared>> -> memref<64x128xf32, #tpu.memory_space<vmem_shared>>
      tpu.enqueue_dma source(%arg15 : memref<64x128xf32, #tpu.memory_space<vmem>>) target(%dma_start3A_176 : memref<64x128xf32, #tpu.memory_space<vmem_shared>>) target_semaphore(%run_scoped3A : memref<!tpu.dma_semaphore, #tpu.memory_space<semaphore_mem>>)
      %dma_wait3A_177 = arith.constant 0 : i32
      %dma_wait3A_178 = tpu.memref_slice %arg19[%add3A_24, %dma_wait3A_177] : memref<10240x128xf32, #tpu.memory_space<vmem_shared>> -> memref<64x128xf32, #tpu.memory_space<vmem_shared>>
      %dma_wait3A_179 = arith.constant 0 : i32
      %dma_wait3A_180 = tpu.memref_slice %arg19[%add3A_24, %dma_wait3A_179] : memref<10240x128xf32, #tpu.memory_space<vmem_shared>> -> memref<64x128xf32, #tpu.memory_space<vmem_shared>>
      tpu.wait_dma2 semaphore(%run_scoped3A : memref<!tpu.dma_semaphore, #tpu.memory_space<semaphore_mem>>) src(%arg15 : memref<64x128xf32, #tpu.memory_space<vmem>>) dst(%dma_wait3A_180 : memref<64x128xf32, #tpu.memory_space<vmem_shared>>)
      tpu.yield
    }) : () -> ()
    %mul3A_25 = arith.constant 640 : i32
    %mul3A_26 = arith.muli %arg1, %mul3A_25 : i32
    %add3A_27 = arith.constant 384 : i32
    %add3A_28 = arith.addi %mul3A_26, %add3A_27 : i32
    "tpu.region"() ({
      %run_scoped3A = tpu.sem_alloc : memref<!tpu.dma_semaphore, #tpu.memory_space<semaphore_mem>>
      %dma_start3A_173 = arith.constant 0 : i32
      %dma_start3A_174 = tpu.memref_slice %arg19[%add3A_28, %dma_start3A_173] : memref<10240x128xf32, #tpu.memory_space<vmem_shared>> -> memref<64x128xf32, #tpu.memory_space<vmem_shared>>
      %dma_start3A_175 = arith.constant 0 : i32
      %dma_start3A_176 = tpu.memref_slice %arg19[%add3A_28, %dma_start3A_175] : memref<10240x128xf32, #tpu.memory_space<vmem_shared>> -> memref<64x128xf32, #tpu.memory_space<vmem_shared>>
      tpu.enqueue_dma source(%arg15 : memref<64x128xf32, #tpu.memory_space<vmem>>) target(%dma_start3A_176 : memref<64x128xf32, #tpu.memory_space<vmem_shared>>) target_semaphore(%run_scoped3A : memref<!tpu.dma_semaphore, #tpu.memory_space<semaphore_mem>>)
      %dma_wait3A_177 = arith.constant 0 : i32
      %dma_wait3A_178 = tpu.memref_slice %arg19[%add3A_28, %dma_wait3A_177] : memref<10240x128xf32, #tpu.memory_space<vmem_shared>> -> memref<64x128xf32, #tpu.memory_space<vmem_shared>>
      %dma_wait3A_179 = arith.constant 0 : i32
      %dma_wait3A_180 = tpu.memref_slice %arg19[%add3A_28, %dma_wait3A_179] : memref<10240x128xf32, #tpu.memory_space<vmem_shared>> -> memref<64x128xf32, #tpu.memory_space<vmem_shared>>
      tpu.wait_dma2 semaphore(%run_scoped3A : memref<!tpu.dma_semaphore, #tpu.memory_space<semaphore_mem>>) src(%arg15 : memref<64x128xf32, #tpu.memory_space<vmem>>) dst(%dma_wait3A_180 : memref<64x128xf32, #tpu.memory_space<vmem_shared>>)
      tpu.yield
    }) : () -> ()
    %mul3A_29 = arith.constant 640 : i32
    %mul3A_30 = arith.muli %arg1, %mul3A_29 : i32
    %add3A_31 = arith.constant 448 : i32
    %add3A_32 = arith.addi %mul3A_30, %add3A_31 : i32
    "tpu.region"() ({
      %run_scoped3A = tpu.sem_alloc : memref<!tpu.dma_semaphore, #tpu.memory_space<semaphore_mem>>
      %dma_start3A_173 = arith.constant 0 : i32
      %dma_start3A_174 = tpu.memref_slice %arg19[%add3A_32, %dma_start3A_173] : memref<10240x128xf32, #tpu.memory_space<vmem_shared>> -> memref<64x128xf32, #tpu.memory_space<vmem_shared>>
      %dma_start3A_175 = arith.constant 0 : i32
      %dma_start3A_176 = tpu.memref_slice %arg19[%add3A_32, %dma_start3A_175] : memref<10240x128xf32, #tpu.memory_space<vmem_shared>> -> memref<64x128xf32, #tpu.memory_space<vmem_shared>>
      tpu.enqueue_dma source(%arg15 : memref<64x128xf32, #tpu.memory_space<vmem>>) target(%dma_start3A_176 : memref<64x128xf32, #tpu.memory_space<vmem_shared>>) target_semaphore(%run_scoped3A : memref<!tpu.dma_semaphore, #tpu.memory_space<semaphore_mem>>)
      %dma_wait3A_177 = arith.constant 0 : i32
      %dma_wait3A_178 = tpu.memref_slice %arg19[%add3A_32, %dma_wait3A_177] : memref<10240x128xf32, #tpu.memory_space<vmem_shared>> -> memref<64x128xf32, #tpu.memory_space<vmem_shared>>
      %dma_wait3A_179 = arith.constant 0 : i32
      %dma_wait3A_180 = tpu.memref_slice %arg19[%add3A_32, %dma_wait3A_179] : memref<10240x128xf32, #tpu.memory_space<vmem_shared>> -> memref<64x128xf32, #tpu.memory_space<vmem_shared>>
      tpu.wait_dma2 semaphore(%run_scoped3A : memref<!tpu.dma_semaphore, #tpu.memory_space<semaphore_mem>>) src(%arg15 : memref<64x128xf32, #tpu.memory_space<vmem>>) dst(%dma_wait3A_180 : memref<64x128xf32, #tpu.memory_space<vmem_shared>>)
      tpu.yield
    }) : () -> ()
    %mul3A_33 = arith.constant 640 : i32
    %mul3A_34 = arith.muli %arg1, %mul3A_33 : i32
    %add3A_35 = arith.constant 512 : i32
    %add3A_36 = arith.addi %mul3A_34, %add3A_35 : i32
    "tpu.region"() ({
      %run_scoped3A = tpu.sem_alloc : memref<!tpu.dma_semaphore, #tpu.memory_space<semaphore_mem>>
      %dma_start3A_173 = arith.constant 0 : i32
      %dma_start3A_174 = tpu.memref_slice %arg19[%add3A_36, %dma_start3A_173] : memref<10240x128xf32, #tpu.memory_space<vmem_shared>> -> memref<64x128xf32, #tpu.memory_space<vmem_shared>>
      %dma_start3A_175 = arith.constant 0 : i32
      %dma_start3A_176 = tpu.memref_slice %arg19[%add3A_36, %dma_start3A_175] : memref<10240x128xf32, #tpu.memory_space<vmem_shared>> -> memref<64x128xf32, #tpu.memory_space<vmem_shared>>
      tpu.enqueue_dma source(%arg15 : memref<64x128xf32, #tpu.memory_space<vmem>>) target(%dma_start3A_176 : memref<64x128xf32, #tpu.memory_space<vmem_shared>>) target_semaphore(%run_scoped3A : memref<!tpu.dma_semaphore, #tpu.memory_space<semaphore_mem>>)
      %dma_wait3A_177 = arith.constant 0 : i32
      %dma_wait3A_178 = tpu.memref_slice %arg19[%add3A_36, %dma_wait3A_177] : memref<10240x128xf32, #tpu.memory_space<vmem_shared>> -> memref<64x128xf32, #tpu.memory_space<vmem_shared>>
      %dma_wait3A_179 = arith.constant 0 : i32
      %dma_wait3A_180 = tpu.memref_slice %arg19[%add3A_36, %dma_wait3A_179] : memref<10240x128xf32, #tpu.memory_space<vmem_shared>> -> memref<64x128xf32, #tpu.memory_space<vmem_shared>>
      tpu.wait_dma2 semaphore(%run_scoped3A : memref<!tpu.dma_semaphore, #tpu.memory_space<semaphore_mem>>) src(%arg15 : memref<64x128xf32, #tpu.memory_space<vmem>>) dst(%dma_wait3A_180 : memref<64x128xf32, #tpu.memory_space<vmem_shared>>)
      tpu.yield
    }) : () -> ()
    %mul3A_37 = arith.constant 640 : i32
    %mul3A_38 = arith.muli %arg1, %mul3A_37 : i32
    %add3A_39 = arith.constant 576 : i32
    %add3A_40 = arith.addi %mul3A_38, %add3A_39 : i32
    "tpu.region"() ({
      %run_scoped3A = tpu.sem_alloc : memref<!tpu.dma_semaphore, #tpu.memory_space<semaphore_mem>>
      %dma_start3A_173 = arith.constant 0 : i32
      %dma_start3A_174 = tpu.memref_slice %arg19[%add3A_40, %dma_start3A_173] : memref<10240x128xf32, #tpu.memory_space<vmem_shared>> -> memref<64x128xf32, #tpu.memory_space<vmem_shared>>
      %dma_start3A_175 = arith.constant 0 : i32
      %dma_start3A_176 = tpu.memref_slice %arg19[%add3A_40, %dma_start3A_175] : memref<10240x128xf32, #tpu.memory_space<vmem_shared>> -> memref<64x128xf32, #tpu.memory_space<vmem_shared>>
      tpu.enqueue_dma source(%arg15 : memref<64x128xf32, #tpu.memory_space<vmem>>) target(%dma_start3A_176 : memref<64x128xf32, #tpu.memory_space<vmem_shared>>) target_semaphore(%run_scoped3A : memref<!tpu.dma_semaphore, #tpu.memory_space<semaphore_mem>>)
      %dma_wait3A_177 = arith.constant 0 : i32
      %dma_wait3A_178 = tpu.memref_slice %arg19[%add3A_40, %dma_wait3A_177] : memref<10240x128xf32, #tpu.memory_space<vmem_shared>> -> memref<64x128xf32, #tpu.memory_space<vmem_shared>>
      %dma_wait3A_179 = arith.constant 0 : i32
      %dma_wait3A_180 = tpu.memref_slice %arg19[%add3A_40, %dma_wait3A_179] : memref<10240x128xf32, #tpu.memory_space<vmem_shared>> -> memref<64x128xf32, #tpu.memory_space<vmem_shared>>
      tpu.wait_dma2 semaphore(%run_scoped3A : memref<!tpu.dma_semaphore, #tpu.memory_space<semaphore_mem>>) src(%arg15 : memref<64x128xf32, #tpu.memory_space<vmem>>) dst(%dma_wait3A_180 : memref<64x128xf32, #tpu.memory_space<vmem_shared>>)
      tpu.yield
    }) : () -> ()
    %barrier3A = arith.constant 0 : index
    tpu.barrier barrier_id(%barrier3A)
    %mul3A_41 = arith.constant 640 : i32
    %mul3A_42 = arith.muli %arg1, %mul3A_41 : i32
    %add3A_43 = arith.constant 0 : i32
    %add3A_44 = arith.addi %mul3A_42, %add3A_43 : i32
    "tpu.region"() ({
      %run_scoped3A = tpu.sem_alloc : memref<!tpu.dma_semaphore, #tpu.memory_space<semaphore_mem>>
      %dma_start3A_173 = arith.constant 0 : i32
      %dma_start3A_174 = tpu.memref_slice %arg19[%add3A_44, %dma_start3A_173] : memref<10240x128xf32, #tpu.memory_space<vmem_shared>> -> memref<64x128xf32, #tpu.memory_space<vmem_shared>>
      %dma_start3A_175 = arith.constant 0 : i32
      %dma_start3A_176 = tpu.memref_slice %arg19[%add3A_44, %dma_start3A_175] : memref<10240x128xf32, #tpu.memory_space<vmem_shared>> -> memref<64x128xf32, #tpu.memory_space<vmem_shared>>
      tpu.enqueue_dma source(%arg15 : memref<64x128xf32, #tpu.memory_space<vmem>>) target(%dma_start3A_176 : memref<64x128xf32, #tpu.memory_space<vmem_shared>>) target_semaphore(%run_scoped3A : memref<!tpu.dma_semaphore, #tpu.memory_space<semaphore_mem>>)
      %dma_wait3A_177 = arith.constant 0 : i32
      %dma_wait3A_178 = tpu.memref_slice %arg19[%add3A_44, %dma_wait3A_177] : memref<10240x128xf32, #tpu.memory_space<vmem_shared>> -> memref<64x128xf32, #tpu.memory_space<vmem_shared>>
      %dma_wait3A_179 = arith.constant 0 : i32
      %dma_wait3A_180 = tpu.memref_slice %arg19[%add3A_44, %dma_wait3A_179] : memref<10240x128xf32, #tpu.memory_space<vmem_shared>> -> memref<64x128xf32, #tpu.memory_space<vmem_shared>>
      tpu.wait_dma2 semaphore(%run_scoped3A : memref<!tpu.dma_semaphore, #tpu.memory_space<semaphore_mem>>) src(%arg15 : memref<64x128xf32, #tpu.memory_space<vmem>>) dst(%dma_wait3A_180 : memref<64x128xf32, #tpu.memory_space<vmem_shared>>)
      tpu.yield
    }) : () -> ()
    %mul3A_45 = arith.constant 640 : i32
    %mul3A_46 = arith.muli %arg1, %mul3A_45 : i32
    %add3A_47 = arith.constant 64 : i32
    %add3A_48 = arith.addi %mul3A_46, %add3A_47 : i32
    "tpu.region"() ({
      %run_scoped3A = tpu.sem_alloc : memref<!tpu.dma_semaphore, #tpu.memory_space<semaphore_mem>>
      %dma_start3A_173 = arith.constant 0 : i32
      %dma_start3A_174 = tpu.memref_slice %arg19[%add3A_48, %dma_start3A_173] : memref<10240x128xf32, #tpu.memory_space<vmem_shared>> -> memref<64x128xf32, #tpu.memory_space<vmem_shared>>
      %dma_start3A_175 = arith.constant 0 : i32
      %dma_start3A_176 = tpu.memref_slice %arg19[%add3A_48, %dma_start3A_175] : memref<10240x128xf32, #tpu.memory_space<vmem_shared>> -> memref<64x128xf32, #tpu.memory_space<vmem_shared>>
      tpu.enqueue_dma source(%arg15 : memref<64x128xf32, #tpu.memory_space<vmem>>) target(%dma_start3A_176 : memref<64x128xf32, #tpu.memory_space<vmem_shared>>) target_semaphore(%run_scoped3A : memref<!tpu.dma_semaphore, #tpu.memory_space<semaphore_mem>>)
      %dma_wait3A_177 = arith.constant 0 : i32
      %dma_wait3A_178 = tpu.memref_slice %arg19[%add3A_48, %dma_wait3A_177] : memref<10240x128xf32, #tpu.memory_space<vmem_shared>> -> memref<64x128xf32, #tpu.memory_space<vmem_shared>>
      %dma_wait3A_179 = arith.constant 0 : i32
      %dma_wait3A_180 = tpu.memref_slice %arg19[%add3A_48, %dma_wait3A_179] : memref<10240x128xf32, #tpu.memory_space<vmem_shared>> -> memref<64x128xf32, #tpu.memory_space<vmem_shared>>
      tpu.wait_dma2 semaphore(%run_scoped3A : memref<!tpu.dma_semaphore, #tpu.memory_space<semaphore_mem>>) src(%arg15 : memref<64x128xf32, #tpu.memory_space<vmem>>) dst(%dma_wait3A_180 : memref<64x128xf32, #tpu.memory_space<vmem_shared>>)
      tpu.yield
    }) : () -> ()
    %mul3A_49 = arith.constant 640 : i32
    %mul3A_50 = arith.muli %arg1, %mul3A_49 : i32
    %add3A_51 = arith.constant 128 : i32
    %add3A_52 = arith.addi %mul3A_50, %add3A_51 : i32
    "tpu.region"() ({
      %run_scoped3A = tpu.sem_alloc : memref<!tpu.dma_semaphore, #tpu.memory_space<semaphore_mem>>
      %dma_start3A_173 = arith.constant 0 : i32
      %dma_start3A_174 = tpu.memref_slice %arg19[%add3A_52, %dma_start3A_173] : memref<10240x128xf32, #tpu.memory_space<vmem_shared>> -> memref<64x128xf32, #tpu.memory_space<vmem_shared>>
      %dma_start3A_175 = arith.constant 0 : i32
      %dma_start3A_176 = tpu.memref_slice %arg19[%add3A_52, %dma_start3A_175] : memref<10240x128xf32, #tpu.memory_space<vmem_shared>> -> memref<64x128xf32, #tpu.memory_space<vmem_shared>>
      tpu.enqueue_dma source(%arg15 : memref<64x128xf32, #tpu.memory_space<vmem>>) target(%dma_start3A_176 : memref<64x128xf32, #tpu.memory_space<vmem_shared>>) target_semaphore(%run_scoped3A : memref<!tpu.dma_semaphore, #tpu.memory_space<semaphore_mem>>)
      %dma_wait3A_177 = arith.constant 0 : i32
      %dma_wait3A_178 = tpu.memref_slice %arg19[%add3A_52, %dma_wait3A_177] : memref<10240x128xf32, #tpu.memory_space<vmem_shared>> -> memref<64x128xf32, #tpu.memory_space<vmem_shared>>
      %dma_wait3A_179 = arith.constant 0 : i32
      %dma_wait3A_180 = tpu.memref_slice %arg19[%add3A_52, %dma_wait3A_179] : memref<10240x128xf32, #tpu.memory_space<vmem_shared>> -> memref<64x128xf32, #tpu.memory_space<vmem_shared>>
      tpu.wait_dma2 semaphore(%run_scoped3A : memref<!tpu.dma_semaphore, #tpu.memory_space<semaphore_mem>>) src(%arg15 : memref<64x128xf32, #tpu.memory_space<vmem>>) dst(%dma_wait3A_180 : memref<64x128xf32, #tpu.memory_space<vmem_shared>>)
      tpu.yield
    }) : () -> ()
    %mul3A_53 = arith.constant 640 : i32
    %mul3A_54 = arith.muli %arg1, %mul3A_53 : i32
    %add3A_55 = arith.constant 192 : i32
    %add3A_56 = arith.addi %mul3A_54, %add3A_55 : i32
    "tpu.region"() ({
      %run_scoped3A = tpu.sem_alloc : memref<!tpu.dma_semaphore, #tpu.memory_space<semaphore_mem>>
      %dma_start3A_173 = arith.constant 0 : i32
      %dma_start3A_174 = tpu.memref_slice %arg19[%add3A_56, %dma_start3A_173] : memref<10240x128xf32, #tpu.memory_space<vmem_shared>> -> memref<64x128xf32, #tpu.memory_space<vmem_shared>>
      %dma_start3A_175 = arith.constant 0 : i32
      %dma_start3A_176 = tpu.memref_slice %arg19[%add3A_56, %dma_start3A_175] : memref<10240x128xf32, #tpu.memory_space<vmem_shared>> -> memref<64x128xf32, #tpu.memory_space<vmem_shared>>
      tpu.enqueue_dma source(%arg15 : memref<64x128xf32, #tpu.memory_space<vmem>>) target(%dma_start3A_176 : memref<64x128xf32, #tpu.memory_space<vmem_shared>>) target_semaphore(%run_scoped3A : memref<!tpu.dma_semaphore, #tpu.memory_space<semaphore_mem>>)
      %dma_wait3A_177 = arith.constant 0 : i32
      %dma_wait3A_178 = tpu.memref_slice %arg19[%add3A_56, %dma_wait3A_177] : memref<10240x128xf32, #tpu.memory_space<vmem_shared>> -> memref<64x128xf32, #tpu.memory_space<vmem_shared>>
      %dma_wait3A_179 = arith.constant 0 : i32
      %dma_wait3A_180 = tpu.memref_slice %arg19[%add3A_56, %dma_wait3A_179] : memref<10240x128xf32, #tpu.memory_space<vmem_shared>> -> memref<64x128xf32, #tpu.memory_space<vmem_shared>>
      tpu.wait_dma2 semaphore(%run_scoped3A : memref<!tpu.dma_semaphore, #tpu.memory_space<semaphore_mem>>) src(%arg15 : memref<64x128xf32, #tpu.memory_space<vmem>>) dst(%dma_wait3A_180 : memref<64x128xf32, #tpu.memory_space<vmem_shared>>)
      tpu.yield
    }) : () -> ()
    %mul3A_57 = arith.constant 640 : i32
    %mul3A_58 = arith.muli %arg1, %mul3A_57 : i32
    %add3A_59 = arith.constant 256 : i32
    %add3A_60 = arith.addi %mul3A_58, %add3A_59 : i32
    "tpu.region"() ({
      %run_scoped3A = tpu.sem_alloc : memref<!tpu.dma_semaphore, #tpu.memory_space<semaphore_mem>>
      %dma_start3A_173 = arith.constant 0 : i32
      %dma_start3A_174 = tpu.memref_slice %arg19[%add3A_60, %dma_start3A_173] : memref<10240x128xf32, #tpu.memory_space<vmem_shared>> -> memref<64x128xf32, #tpu.memory_space<vmem_shared>>
      %dma_start3A_175 = arith.constant 0 : i32
      %dma_start3A_176 = tpu.memref_slice %arg19[%add3A_60, %dma_start3A_175] : memref<10240x128xf32, #tpu.memory_space<vmem_shared>> -> memref<64x128xf32, #tpu.memory_space<vmem_shared>>
      tpu.enqueue_dma source(%arg15 : memref<64x128xf32, #tpu.memory_space<vmem>>) target(%dma_start3A_176 : memref<64x128xf32, #tpu.memory_space<vmem_shared>>) target_semaphore(%run_scoped3A : memref<!tpu.dma_semaphore, #tpu.memory_space<semaphore_mem>>)
      %dma_wait3A_177 = arith.constant 0 : i32
      %dma_wait3A_178 = tpu.memref_slice %arg19[%add3A_60, %dma_wait3A_177] : memref<10240x128xf32, #tpu.memory_space<vmem_shared>> -> memref<64x128xf32, #tpu.memory_space<vmem_shared>>
      %dma_wait3A_179 = arith.constant 0 : i32
      %dma_wait3A_180 = tpu.memref_slice %arg19[%add3A_60, %dma_wait3A_179] : memref<10240x128xf32, #tpu.memory_space<vmem_shared>> -> memref<64x128xf32, #tpu.memory_space<vmem_shared>>
      tpu.wait_dma2 semaphore(%run_scoped3A : memref<!tpu.dma_semaphore, #tpu.memory_space<semaphore_mem>>) src(%arg15 : memref<64x128xf32, #tpu.memory_space<vmem>>) dst(%dma_wait3A_180 : memref<64x128xf32, #tpu.memory_space<vmem_shared>>)
      tpu.yield
    }) : () -> ()
    %mul3A_61 = arith.constant 640 : i32
    %mul3A_62 = arith.muli %arg1, %mul3A_61 : i32
    %add3A_63 = arith.constant 320 : i32
    %add3A_64 = arith.addi %mul3A_62, %add3A_63 : i32
    "tpu.region"() ({
      %run_scoped3A = tpu.sem_alloc : memref<!tpu.dma_semaphore, #tpu.memory_space<semaphore_mem>>
      %dma_start3A_173 = arith.constant 0 : i32
      %dma_start3A_174 = tpu.memref_slice %arg19[%add3A_64, %dma_start3A_173] : memref<10240x128xf32, #tpu.memory_space<vmem_shared>> -> memref<64x128xf32, #tpu.memory_space<vmem_shared>>
      %dma_start3A_175 = arith.constant 0 : i32
      %dma_start3A_176 = tpu.memref_slice %arg19[%add3A_64, %dma_start3A_175] : memref<10240x128xf32, #tpu.memory_space<vmem_shared>> -> memref<64x128xf32, #tpu.memory_space<vmem_shared>>
      tpu.enqueue_dma source(%arg15 : memref<64x128xf32, #tpu.memory_space<vmem>>) target(%dma_start3A_176 : memref<64x128xf32, #tpu.memory_space<vmem_shared>>) target_semaphore(%run_scoped3A : memref<!tpu.dma_semaphore, #tpu.memory_space<semaphore_mem>>)
      %dma_wait3A_177 = arith.constant 0 : i32
      %dma_wait3A_178 = tpu.memref_slice %arg19[%add3A_64, %dma_wait3A_177] : memref<10240x128xf32, #tpu.memory_space<vmem_shared>> -> memref<64x128xf32, #tpu.memory_space<vmem_shared>>
      %dma_wait3A_179 = arith.constant 0 : i32
      %dma_wait3A_180 = tpu.memref_slice %arg19[%add3A_64, %dma_wait3A_179] : memref<10240x128xf32, #tpu.memory_space<vmem_shared>> -> memref<64x128xf32, #tpu.memory_space<vmem_shared>>
      tpu.wait_dma2 semaphore(%run_scoped3A : memref<!tpu.dma_semaphore, #tpu.memory_space<semaphore_mem>>) src(%arg15 : memref<64x128xf32, #tpu.memory_space<vmem>>) dst(%dma_wait3A_180 : memref<64x128xf32, #tpu.memory_space<vmem_shared>>)
      tpu.yield
    }) : () -> ()
    %mul3A_65 = arith.constant 640 : i32
    %mul3A_66 = arith.muli %arg1, %mul3A_65 : i32
    %add3A_67 = arith.constant 384 : i32
    %add3A_68 = arith.addi %mul3A_66, %add3A_67 : i32
    "tpu.region"() ({
      %run_scoped3A = tpu.sem_alloc : memref<!tpu.dma_semaphore, #tpu.memory_space<semaphore_mem>>
      %dma_start3A_173 = arith.constant 0 : i32
      %dma_start3A_174 = tpu.memref_slice %arg19[%add3A_68, %dma_start3A_173] : memref<10240x128xf32, #tpu.memory_space<vmem_shared>> -> memref<64x128xf32, #tpu.memory_space<vmem_shared>>
      %dma_start3A_175 = arith.constant 0 : i32
      %dma_start3A_176 = tpu.memref_slice %arg19[%add3A_68, %dma_start3A_175] : memref<10240x128xf32, #tpu.memory_space<vmem_shared>> -> memref<64x128xf32, #tpu.memory_space<vmem_shared>>
      tpu.enqueue_dma source(%arg15 : memref<64x128xf32, #tpu.memory_space<vmem>>) target(%dma_start3A_176 : memref<64x128xf32, #tpu.memory_space<vmem_shared>>) target_semaphore(%run_scoped3A : memref<!tpu.dma_semaphore, #tpu.memory_space<semaphore_mem>>)
      %dma_wait3A_177 = arith.constant 0 : i32
      %dma_wait3A_178 = tpu.memref_slice %arg19[%add3A_68, %dma_wait3A_177] : memref<10240x128xf32, #tpu.memory_space<vmem_shared>> -> memref<64x128xf32, #tpu.memory_space<vmem_shared>>
      %dma_wait3A_179 = arith.constant 0 : i32
      %dma_wait3A_180 = tpu.memref_slice %arg19[%add3A_68, %dma_wait3A_179] : memref<10240x128xf32, #tpu.memory_space<vmem_shared>> -> memref<64x128xf32, #tpu.memory_space<vmem_shared>>
      tpu.wait_dma2 semaphore(%run_scoped3A : memref<!tpu.dma_semaphore, #tpu.memory_space<semaphore_mem>>) src(%arg15 : memref<64x128xf32, #tpu.memory_space<vmem>>) dst(%dma_wait3A_180 : memref<64x128xf32, #tpu.memory_space<vmem_shared>>)
      tpu.yield
    }) : () -> ()
    %mul3A_69 = arith.constant 640 : i32
    %mul3A_70 = arith.muli %arg1, %mul3A_69 : i32
    %add3A_71 = arith.constant 448 : i32
    %add3A_72 = arith.addi %mul3A_70, %add3A_71 : i32
    "tpu.region"() ({
      %run_scoped3A = tpu.sem_alloc : memref<!tpu.dma_semaphore, #tpu.memory_space<semaphore_mem>>
      %dma_start3A_173 = arith.constant 0 : i32
      %dma_start3A_174 = tpu.memref_slice %arg19[%add3A_72, %dma_start3A_173] : memref<10240x128xf32, #tpu.memory_space<vmem_shared>> -> memref<64x128xf32, #tpu.memory_space<vmem_shared>>
      %dma_start3A_175 = arith.constant 0 : i32
      %dma_start3A_176 = tpu.memref_slice %arg19[%add3A_72, %dma_start3A_175] : memref<10240x128xf32, #tpu.memory_space<vmem_shared>> -> memref<64x128xf32, #tpu.memory_space<vmem_shared>>
      tpu.enqueue_dma source(%arg15 : memref<64x128xf32, #tpu.memory_space<vmem>>) target(%dma_start3A_176 : memref<64x128xf32, #tpu.memory_space<vmem_shared>>) target_semaphore(%run_scoped3A : memref<!tpu.dma_semaphore, #tpu.memory_space<semaphore_mem>>)
      %dma_wait3A_177 = arith.constant 0 : i32
      %dma_wait3A_178 = tpu.memref_slice %arg19[%add3A_72, %dma_wait3A_177] : memref<10240x128xf32, #tpu.memory_space<vmem_shared>> -> memref<64x128xf32, #tpu.memory_space<vmem_shared>>
      %dma_wait3A_179 = arith.constant 0 : i32
      %dma_wait3A_180 = tpu.memref_slice %arg19[%add3A_72, %dma_wait3A_179] : memref<10240x128xf32, #tpu.memory_space<vmem_shared>> -> memref<64x128xf32, #tpu.memory_space<vmem_shared>>
      tpu.wait_dma2 semaphore(%run_scoped3A : memref<!tpu.dma_semaphore, #tpu.memory_space<semaphore_mem>>) src(%arg15 : memref<64x128xf32, #tpu.memory_space<vmem>>) dst(%dma_wait3A_180 : memref<64x128xf32, #tpu.memory_space<vmem_shared>>)
      tpu.yield
    }) : () -> ()
    %mul3A_73 = arith.constant 640 : i32
    %mul3A_74 = arith.muli %arg1, %mul3A_73 : i32
    %add3A_75 = arith.constant 512 : i32
    %add3A_76 = arith.addi %mul3A_74, %add3A_75 : i32
    "tpu.region"() ({
      %run_scoped3A = tpu.sem_alloc : memref<!tpu.dma_semaphore, #tpu.memory_space<semaphore_mem>>
      %dma_start3A_173 = arith.constant 0 : i32
      %dma_start3A_174 = tpu.memref_slice %arg19[%add3A_76, %dma_start3A_173] : memref<10240x128xf32, #tpu.memory_space<vmem_shared>> -> memref<64x128xf32, #tpu.memory_space<vmem_shared>>
      %dma_start3A_175 = arith.constant 0 : i32
      %dma_start3A_176 = tpu.memref_slice %arg19[%add3A_76, %dma_start3A_175] : memref<10240x128xf32, #tpu.memory_space<vmem_shared>> -> memref<64x128xf32, #tpu.memory_space<vmem_shared>>
      tpu.enqueue_dma source(%arg15 : memref<64x128xf32, #tpu.memory_space<vmem>>) target(%dma_start3A_176 : memref<64x128xf32, #tpu.memory_space<vmem_shared>>) target_semaphore(%run_scoped3A : memref<!tpu.dma_semaphore, #tpu.memory_space<semaphore_mem>>)
      %dma_wait3A_177 = arith.constant 0 : i32
      %dma_wait3A_178 = tpu.memref_slice %arg19[%add3A_76, %dma_wait3A_177] : memref<10240x128xf32, #tpu.memory_space<vmem_shared>> -> memref<64x128xf32, #tpu.memory_space<vmem_shared>>
      %dma_wait3A_179 = arith.constant 0 : i32
      %dma_wait3A_180 = tpu.memref_slice %arg19[%add3A_76, %dma_wait3A_179] : memref<10240x128xf32, #tpu.memory_space<vmem_shared>> -> memref<64x128xf32, #tpu.memory_space<vmem_shared>>
      tpu.wait_dma2 semaphore(%run_scoped3A : memref<!tpu.dma_semaphore, #tpu.memory_space<semaphore_mem>>) src(%arg15 : memref<64x128xf32, #tpu.memory_space<vmem>>) dst(%dma_wait3A_180 : memref<64x128xf32, #tpu.memory_space<vmem_shared>>)
      tpu.yield
    }) : () -> ()
    %mul3A_77 = arith.constant 640 : i32
    %mul3A_78 = arith.muli %arg1, %mul3A_77 : i32
    %add3A_79 = arith.constant 576 : i32
    %add3A_80 = arith.addi %mul3A_78, %add3A_79 : i32
    "tpu.region"() ({
      %run_scoped3A = tpu.sem_alloc : memref<!tpu.dma_semaphore, #tpu.memory_space<semaphore_mem>>
      %dma_start3A_173 = arith.constant 0 : i32
      %dma_start3A_174 = tpu.memref_slice %arg19[%add3A_80, %dma_start3A_173] : memref<10240x128xf32, #tpu.memory_space<vmem_shared>> -> memref<64x128xf32, #tpu.memory_space<vmem_shared>>
      %dma_start3A_175 = arith.constant 0 : i32
      %dma_start3A_176 = tpu.memref_slice %arg19[%add3A_80, %dma_start3A_175] : memref<10240x128xf32, #tpu.memory_space<vmem_shared>> -> memref<64x128xf32, #tpu.memory_space<vmem_shared>>
      tpu.enqueue_dma source(%arg15 : memref<64x128xf32, #tpu.memory_space<vmem>>) target(%dma_start3A_176 : memref<64x128xf32, #tpu.memory_space<vmem_shared>>) target_semaphore(%run_scoped3A : memref<!tpu.dma_semaphore, #tpu.memory_space<semaphore_mem>>)
      %dma_wait3A_177 = arith.constant 0 : i32
      %dma_wait3A_178 = tpu.memref_slice %arg19[%add3A_80, %dma_wait3A_177] : memref<10240x128xf32, #tpu.memory_space<vmem_shared>> -> memref<64x128xf32, #tpu.memory_space<vmem_shared>>
      %dma_wait3A_179 = arith.constant 0 : i32
      %dma_wait3A_180 = tpu.memref_slice %arg19[%add3A_80, %dma_wait3A_179] : memref<10240x128xf32, #tpu.memory_space<vmem_shared>> -> memref<64x128xf32, #tpu.memory_space<vmem_shared>>
      tpu.wait_dma2 semaphore(%run_scoped3A : memref<!tpu.dma_semaphore, #tpu.memory_space<semaphore_mem>>) src(%arg15 : memref<64x128xf32, #tpu.memory_space<vmem>>) dst(%dma_wait3A_180 : memref<64x128xf32, #tpu.memory_space<vmem_shared>>)
      tpu.yield
    }) : () -> ()
    %barrier3A_81 = arith.constant 0 : index
    tpu.barrier barrier_id(%barrier3A_81)
    %dma_start3A = arith.constant 0 : i32
    %dma_start3A_82 = arith.constant 0 : i32
    %dma_start3A_83 = tpu.memref_slice %arg3[%add3A, %dma_start3A, %dma_start3A_82] : memref<32x160x64xi32, #tpu.memory_space<hbm>> -> memref<1x1x64xi32, #tpu.memory_space<hbm>>
    %dma_start3A_84 = tpu.memref_squeeze %dma_start3A_83 : memref<1x1x64xi32, #tpu.memory_space<hbm>> -> memref<64xi32, #tpu.memory_space<hbm>>
    %dma_start3A_85 = arith.constant 0 : i32
    %dma_start3A_86 = tpu.memref_slice %arg3[%add3A, %dma_start3A, %dma_start3A_85] : memref<32x160x64xi32, #tpu.memory_space<hbm>> -> memref<1x1x64xi32, #tpu.memory_space<hbm>>
    %dma_start3A_87 = tpu.memref_squeeze %dma_start3A_86 : memref<1x1x64xi32, #tpu.memory_space<hbm>> -> memref<64xi32, #tpu.memory_space<hbm>>
    tpu.enqueue_dma source(%dma_start3A_87 : memref<64xi32, #tpu.memory_space<hbm>>) target(%arg7 : memref<64xi32, #tpu.memory_space<vmem>>) target_semaphore(%arg28 : memref<!tpu.dma_semaphore, #tpu.memory_space<semaphore_mem>>)
    %dma_start3A_88 = arith.constant 1 : i32
    %dma_start3A_89 = arith.constant 0 : i32
    %dma_start3A_90 = tpu.memref_slice %arg3[%add3A, %dma_start3A_88, %dma_start3A_89] : memref<32x160x64xi32, #tpu.memory_space<hbm>> -> memref<1x1x64xi32, #tpu.memory_space<hbm>>
    %dma_start3A_91 = tpu.memref_squeeze %dma_start3A_90 : memref<1x1x64xi32, #tpu.memory_space<hbm>> -> memref<64xi32, #tpu.memory_space<hbm>>
    %dma_start3A_92 = arith.constant 0 : i32
    %dma_start3A_93 = tpu.memref_slice %arg3[%add3A, %dma_start3A_88, %dma_start3A_92] : memref<32x160x64xi32, #tpu.memory_space<hbm>> -> memref<1x1x64xi32, #tpu.memory_space<hbm>>
    %dma_start3A_94 = tpu.memref_squeeze %dma_start3A_93 : memref<1x1x64xi32, #tpu.memory_space<hbm>> -> memref<64xi32, #tpu.memory_space<hbm>>
    tpu.enqueue_dma source(%dma_start3A_94 : memref<64xi32, #tpu.memory_space<hbm>>) target(%arg8 : memref<64xi32, #tpu.memory_space<vmem>>) target_semaphore(%arg29 : memref<!tpu.dma_semaphore, #tpu.memory_space<semaphore_mem>>)
    %dma_start3A_95 = arith.constant 2 : i32
    %dma_start3A_96 = arith.constant 0 : i32
    %dma_start3A_97 = tpu.memref_slice %arg3[%add3A, %dma_start3A_95, %dma_start3A_96] : memref<32x160x64xi32, #tpu.memory_space<hbm>> -> memref<1x1x64xi32, #tpu.memory_space<hbm>>
    %dma_start3A_98 = tpu.memref_squeeze %dma_start3A_97 : memref<1x1x64xi32, #tpu.memory_space<hbm>> -> memref<64xi32, #tpu.memory_space<hbm>>
    %dma_start3A_99 = arith.constant 0 : i32
    %dma_start3A_100 = tpu.memref_slice %arg3[%add3A, %dma_start3A_95, %dma_start3A_99] : memref<32x160x64xi32, #tpu.memory_space<hbm>> -> memref<1x1x64xi32, #tpu.memory_space<hbm>>
    %dma_start3A_101 = tpu.memref_squeeze %dma_start3A_100 : memref<1x1x64xi32, #tpu.memory_space<hbm>> -> memref<64xi32, #tpu.memory_space<hbm>>
    tpu.enqueue_dma source(%dma_start3A_101 : memref<64xi32, #tpu.memory_space<hbm>>) target(%arg9 : memref<64xi32, #tpu.memory_space<vmem>>) target_semaphore(%arg30 : memref<!tpu.dma_semaphore, #tpu.memory_space<semaphore_mem>>)
    %dma_start3A_102 = arith.constant 3 : i32
    %dma_start3A_103 = arith.constant 0 : i32
    %dma_start3A_104 = tpu.memref_slice %arg3[%add3A, %dma_start3A_102, %dma_start3A_103] : memref<32x160x64xi32, #tpu.memory_space<hbm>> -> memref<1x1x64xi32, #tpu.memory_space<hbm>>
    %dma_start3A_105 = tpu.memref_squeeze %dma_start3A_104 : memref<1x1x64xi32, #tpu.memory_space<hbm>> -> memref<64xi32, #tpu.memory_space<hbm>>
    %dma_start3A_106 = arith.constant 0 : i32
    %dma_start3A_107 = tpu.memref_slice %arg3[%add3A, %dma_start3A_102, %dma_start3A_106] : memref<32x160x64xi32, #tpu.memory_space<hbm>> -> memref<1x1x64xi32, #tpu.memory_space<hbm>>
    %dma_start3A_108 = tpu.memref_squeeze %dma_start3A_107 : memref<1x1x64xi32, #tpu.memory_space<hbm>> -> memref<64xi32, #tpu.memory_space<hbm>>
    tpu.enqueue_dma source(%dma_start3A_108 : memref<64xi32, #tpu.memory_space<hbm>>) target(%arg10 : memref<64xi32, #tpu.memory_space<vmem>>) target_semaphore(%arg31 : memref<!tpu.dma_semaphore, #tpu.memory_space<semaphore_mem>>)
    %dma_start3A_109 = arith.constant 0 : i32
    %dma_start3A_110 = arith.constant 0 : i32
    %dma_start3A_111 = tpu.memref_slice %arg4[%add3A, %dma_start3A_109, %dma_start3A_110] : memref<32x160x64xi32, #tpu.memory_space<hbm>> -> memref<1x1x64xi32, #tpu.memory_space<hbm>>
    %dma_start3A_112 = tpu.memref_squeeze %dma_start3A_111 : memref<1x1x64xi32, #tpu.memory_space<hbm>> -> memref<64xi32, #tpu.memory_space<hbm>>
    %dma_start3A_113 = arith.constant 0 : i32
    %dma_start3A_114 = tpu.memref_slice %arg4[%add3A, %dma_start3A_109, %dma_start3A_113] : memref<32x160x64xi32, #tpu.memory_space<hbm>> -> memref<1x1x64xi32, #tpu.memory_space<hbm>>
    %dma_start3A_115 = tpu.memref_squeeze %dma_start3A_114 : memref<1x1x64xi32, #tpu.memory_space<hbm>> -> memref<64xi32, #tpu.memory_space<hbm>>
    tpu.enqueue_dma source(%dma_start3A_115 : memref<64xi32, #tpu.memory_space<hbm>>) target(%arg11 : memref<64xi32, #tpu.memory_space<vmem>>) target_semaphore(%arg32 : memref<!tpu.dma_semaphore, #tpu.memory_space<semaphore_mem>>)
    %dma_start3A_116 = arith.constant 1 : i32
    %dma_start3A_117 = arith.constant 0 : i32
    %dma_start3A_118 = tpu.memref_slice %arg4[%add3A, %dma_start3A_116, %dma_start3A_117] : memref<32x160x64xi32, #tpu.memory_space<hbm>> -> memref<1x1x64xi32, #tpu.memory_space<hbm>>
    %dma_start3A_119 = tpu.memref_squeeze %dma_start3A_118 : memref<1x1x64xi32, #tpu.memory_space<hbm>> -> memref<64xi32, #tpu.memory_space<hbm>>
    %dma_start3A_120 = arith.constant 0 : i32
    %dma_start3A_121 = tpu.memref_slice %arg4[%add3A, %dma_start3A_116, %dma_start3A_120] : memref<32x160x64xi32, #tpu.memory_space<hbm>> -> memref<1x1x64xi32, #tpu.memory_space<hbm>>
    %dma_start3A_122 = tpu.memref_squeeze %dma_start3A_121 : memref<1x1x64xi32, #tpu.memory_space<hbm>> -> memref<64xi32, #tpu.memory_space<hbm>>
    tpu.enqueue_dma source(%dma_start3A_122 : memref<64xi32, #tpu.memory_space<hbm>>) target(%arg12 : memref<64xi32, #tpu.memory_space<vmem>>) target_semaphore(%arg33 : memref<!tpu.dma_semaphore, #tpu.memory_space<semaphore_mem>>)
    %dma_wait3A = arith.constant 0 : i32
    %dma_wait3A_123 = arith.constant 0 : i32
    %dma_wait3A_124 = tpu.memref_slice %arg3[%add3A, %dma_wait3A, %dma_wait3A_123] : memref<32x160x64xi32, #tpu.memory_space<hbm>> -> memref<1x1x64xi32, #tpu.memory_space<hbm>>
    %dma_wait3A_125 = tpu.memref_squeeze %dma_wait3A_124 : memref<1x1x64xi32, #tpu.memory_space<hbm>> -> memref<64xi32, #tpu.memory_space<hbm>>
    %dma_wait3A_126 = arith.constant 0 : i32
    %dma_wait3A_127 = tpu.memref_slice %arg3[%add3A, %dma_wait3A, %dma_wait3A_126] : memref<32x160x64xi32, #tpu.memory_space<hbm>> -> memref<1x1x64xi32, #tpu.memory_space<hbm>>
    %dma_wait3A_128 = tpu.memref_squeeze %dma_wait3A_127 : memref<1x1x64xi32, #tpu.memory_space<hbm>> -> memref<64xi32, #tpu.memory_space<hbm>>
    tpu.wait_dma2 semaphore(%arg28 : memref<!tpu.dma_semaphore, #tpu.memory_space<semaphore_mem>>) src(%dma_wait3A_128 : memref<64xi32, #tpu.memory_space<hbm>>) dst(%arg7 : memref<64xi32, #tpu.memory_space<vmem>>)
    %dma_start3A_129 = arith.constant 0 : i32
    %dma_start3A_130 = arith.constant 0 : i32
    %dma_start3A_131 = tpu.memref_slice %arg2[%dma_start3A_129, %dma_start3A_130] : memref<10000x128xf32, #tpu.memory_space<hbm>> -> memref<10000x128xf32, #tpu.memory_space<hbm>>
    tpu.enqueue_indirect_dma source(%dma_start3A_131 : memref<10000x128xf32, #tpu.memory_space<hbm>>) target(%arg15 : memref<64x128xf32, #tpu.memory_space<vmem>>) offsets(%arg7 : memref<64xi32, #tpu.memory_space<vmem>>) semaphore(%arg20 : memref<!tpu.dma_semaphore, #tpu.memory_space<semaphore_mem>>)
    %dma_wait3A_132 = arith.constant 1 : i32
    %dma_wait3A_133 = arith.constant 0 : i32
    %dma_wait3A_134 = tpu.memref_slice %arg3[%add3A, %dma_wait3A_132, %dma_wait3A_133] : memref<32x160x64xi32, #tpu.memory_space<hbm>> -> memref<1x1x64xi32, #tpu.memory_space<hbm>>
    %dma_wait3A_135 = tpu.memref_squeeze %dma_wait3A_134 : memref<1x1x64xi32, #tpu.memory_space<hbm>> -> memref<64xi32, #tpu.memory_space<hbm>>
    %dma_wait3A_136 = arith.constant 0 : i32
    %dma_wait3A_137 = tpu.memref_slice %arg3[%add3A, %dma_wait3A_132, %dma_wait3A_136] : memref<32x160x64xi32, #tpu.memory_space<hbm>> -> memref<1x1x64xi32, #tpu.memory_space<hbm>>
    %dma_wait3A_138 = tpu.memref_squeeze %dma_wait3A_137 : memref<1x1x64xi32, #tpu.memory_space<hbm>> -> memref<64xi32, #tpu.memory_space<hbm>>
    tpu.wait_dma2 semaphore(%arg29 : memref<!tpu.dma_semaphore, #tpu.memory_space<semaphore_mem>>) src(%dma_wait3A_138 : memref<64xi32, #tpu.memory_space<hbm>>) dst(%arg8 : memref<64xi32, #tpu.memory_space<vmem>>)
    %dma_start3A_139 = arith.constant 0 : i32
    %dma_start3A_140 = arith.constant 0 : i32
    %dma_start3A_141 = tpu.memref_slice %arg2[%dma_start3A_139, %dma_start3A_140] : memref<10000x128xf32, #tpu.memory_space<hbm>> -> memref<10000x128xf32, #tpu.memory_space<hbm>>
    tpu.enqueue_indirect_dma source(%dma_start3A_141 : memref<10000x128xf32, #tpu.memory_space<hbm>>) target(%arg16 : memref<64x128xf32, #tpu.memory_space<vmem>>) offsets(%arg8 : memref<64xi32, #tpu.memory_space<vmem>>) semaphore(%arg21 : memref<!tpu.dma_semaphore, #tpu.memory_space<semaphore_mem>>)
    %scan3A = arith.constant 0 : i32
    %scan3A_142 = arith.constant 40 : i32
    %scan3A_143 = arith.addi %scan3A, %scan3A_142 : i32
    %scan3A_144 = arith.constant 1 : i32
    scf.for %scan3A_173 = %scan3A to %scan3A_143 step %scan3A_144  : i32 {
      %mul3A_174 = arith.constant 4 : i32
      %mul3A_175 = arith.muli %scan3A_173, %mul3A_174 : i32
      %add3A_176 = arith.constant 0 : i32
      %add3A_177 = arith.addi %add3A_176, %mul3A_175 : i32
      %add3A_178 = arith.constant 0 : i32
      %add3A_179 = arith.addi %add3A_177, %add3A_178 : i32
      %dma_wait3A_180 = arith.constant 0 : i32
      %dma_wait3A_181 = arith.constant 0 : i32
      %dma_wait3A_182 = tpu.memref_slice %arg2[%dma_wait3A_180, %dma_wait3A_181] : memref<10000x128xf32, #tpu.memory_space<hbm>> -> memref<10000x128xf32, #tpu.memory_space<hbm>>
      tpu.wait_indirect_dma semaphore(%arg20 : memref<!tpu.dma_semaphore, #tpu.memory_space<semaphore_mem>>) src(%dma_wait3A_182 : memref<10000x128xf32, #tpu.memory_space<hbm>>) dst(%arg15 : memref<64x128xf32, #tpu.memory_space<vmem>>)
      %add3A_183 = arith.constant 4 : i32
      %add3A_184 = arith.addi %add3A_179, %add3A_183 : i32
      %lt3A = arith.constant 160 : i32
      %lt3A_185 = arith.cmpi slt, %add3A_184, %lt3A : i32
      %convert_element_type3A = arith.extui %lt3A_185 : i1 to i32
      %cond3A = arith.constant 0 : i32
      %cond3A_186 = arith.cmpi ne, %convert_element_type3A, %cond3A : i32
      scf.if %cond3A_186 {
        %add3A_306 = arith.constant 4 : i32
        %add3A_307 = arith.addi %add3A_179, %add3A_306 : i32
        %dma_start3A_308 = arith.constant 0 : i32
        %dma_start3A_309 = tpu.memref_slice %arg3[%add3A, %add3A_307, %dma_start3A_308] : memref<32x160x64xi32, #tpu.memory_space<hbm>> -> memref<1x1x64xi32, #tpu.memory_space<hbm>>
        %dma_start3A_310 = tpu.memref_squeeze %dma_start3A_309 : memref<1x1x64xi32, #tpu.memory_space<hbm>> -> memref<64xi32, #tpu.memory_space<hbm>>
        %dma_start3A_311 = arith.constant 0 : i32
        %dma_start3A_312 = tpu.memref_slice %arg3[%add3A, %add3A_307, %dma_start3A_311] : memref<32x160x64xi32, #tpu.memory_space<hbm>> -> memref<1x1x64xi32, #tpu.memory_space<hbm>>
        %dma_start3A_313 = tpu.memref_squeeze %dma_start3A_312 : memref<1x1x64xi32, #tpu.memory_space<hbm>> -> memref<64xi32, #tpu.memory_space<hbm>>
        tpu.enqueue_dma source(%dma_start3A_313 : memref<64xi32, #tpu.memory_space<hbm>>) target(%arg7 : memref<64xi32, #tpu.memory_space<vmem>>) target_semaphore(%arg28 : memref<!tpu.dma_semaphore, #tpu.memory_space<semaphore_mem>>)
      } else {
      }
      %dma_wait3A_187 = arith.constant 0 : i32
      %dma_wait3A_188 = tpu.memref_slice %arg4[%add3A, %add3A_179, %dma_wait3A_187] : memref<32x160x64xi32, #tpu.memory_space<hbm>> -> memref<1x1x64xi32, #tpu.memory_space<hbm>>
      %dma_wait3A_189 = tpu.memref_squeeze %dma_wait3A_188 : memref<1x1x64xi32, #tpu.memory_space<hbm>> -> memref<64xi32, #tpu.memory_space<hbm>>
      %dma_wait3A_190 = arith.constant 0 : i32
      %dma_wait3A_191 = tpu.memref_slice %arg4[%add3A, %add3A_179, %dma_wait3A_190] : memref<32x160x64xi32, #tpu.memory_space<hbm>> -> memref<1x1x64xi32, #tpu.memory_space<hbm>>
      %dma_wait3A_192 = tpu.memref_squeeze %dma_wait3A_191 : memref<1x1x64xi32, #tpu.memory_space<hbm>> -> memref<64xi32, #tpu.memory_space<hbm>>
      tpu.wait_dma2 semaphore(%arg32 : memref<!tpu.dma_semaphore, #tpu.memory_space<semaphore_mem>>) src(%dma_wait3A_192 : memref<64xi32, #tpu.memory_space<hbm>>) dst(%arg11 : memref<64xi32, #tpu.memory_space<vmem>>)
      %dma_start3A_193 = arith.constant 0 : i32
      %dma_start3A_194 = arith.constant 0 : i32
      %dma_start3A_195 = tpu.memref_slice %arg19[%dma_start3A_193, %dma_start3A_194] : memref<10240x128xf32, #tpu.memory_space<vmem_shared>> -> memref<10240x128xf32, #tpu.memory_space<vmem_shared>>
      tpu.enqueue_indirect_dma source(%arg15 : memref<64x128xf32, #tpu.memory_space<vmem>>) target(%dma_start3A_195 : memref<10240x128xf32, #tpu.memory_space<vmem_shared>>) offsets(%arg11 : memref<64xi32, #tpu.memory_space<vmem>>) semaphore(%arg24 : memref<!tpu.dma_semaphore, #tpu.memory_space<semaphore_mem>>) {add = true}
      %ge3A = arith.constant 2 : i32
      %ge3A_196 = arith.cmpi sge, %add3A_179, %ge3A : i32
      %convert_element_type3A_197 = arith.extui %ge3A_196 : i1 to i32
      %cond3A_198 = arith.constant 0 : i32
      %cond3A_199 = arith.cmpi ne, %convert_element_type3A_197, %cond3A_198 : i32
      scf.if %cond3A_199 {
        %dma_wait3A_306 = arith.constant 0 : i32
        %dma_wait3A_307 = arith.constant 0 : i32
        %dma_wait3A_308 = tpu.memref_slice %arg19[%dma_wait3A_306, %dma_wait3A_307] : memref<10240x128xf32, #tpu.memory_space<vmem_shared>> -> memref<10240x128xf32, #tpu.memory_space<vmem_shared>>
        tpu.wait_indirect_dma semaphore(%arg26 : memref<!tpu.dma_semaphore, #tpu.memory_space<semaphore_mem>>) src(%arg17 : memref<64x128xf32, #tpu.memory_space<vmem>>) dst(%dma_wait3A_308 : memref<10240x128xf32, #tpu.memory_space<vmem_shared>>)
      } else {
      }
      %add3A_200 = arith.constant 2 : i32
      %add3A_201 = arith.addi %add3A_179, %add3A_200 : i32
      %lt3A_202 = arith.constant 160 : i32
      %lt3A_203 = arith.cmpi slt, %add3A_201, %lt3A_202 : i32
      %convert_element_type3A_204 = arith.extui %lt3A_203 : i1 to i32
      %cond3A_205 = arith.constant 0 : i32
      %cond3A_206 = arith.cmpi ne, %convert_element_type3A_204, %cond3A_205 : i32
      scf.if %cond3A_206 {
        %add3A_306 = arith.constant 2 : i32
        %add3A_307 = arith.addi %add3A_179, %add3A_306 : i32
        %dma_start3A_308 = arith.constant 0 : i32
        %dma_start3A_309 = tpu.memref_slice %arg4[%add3A, %add3A_307, %dma_start3A_308] : memref<32x160x64xi32, #tpu.memory_space<hbm>> -> memref<1x1x64xi32, #tpu.memory_space<hbm>>
        %dma_start3A_310 = tpu.memref_squeeze %dma_start3A_309 : memref<1x1x64xi32, #tpu.memory_space<hbm>> -> memref<64xi32, #tpu.memory_space<hbm>>
        %dma_start3A_311 = arith.constant 0 : i32
        %dma_start3A_312 = tpu.memref_slice %arg4[%add3A, %add3A_307, %dma_start3A_311] : memref<32x160x64xi32, #tpu.memory_space<hbm>> -> memref<1x1x64xi32, #tpu.memory_space<hbm>>
        %dma_start3A_313 = tpu.memref_squeeze %dma_start3A_312 : memref<1x1x64xi32, #tpu.memory_space<hbm>> -> memref<64xi32, #tpu.memory_space<hbm>>
        tpu.enqueue_dma source(%dma_start3A_313 : memref<64xi32, #tpu.memory_space<hbm>>) target(%arg13 : memref<64xi32, #tpu.memory_space<vmem>>) target_semaphore(%arg34 : memref<!tpu.dma_semaphore, #tpu.memory_space<semaphore_mem>>)
        %add3A_314 = arith.constant 2 : i32
        %add3A_315 = arith.addi %add3A_179, %add3A_314 : i32
        %dma_wait3A_316 = arith.constant 0 : i32
        %dma_wait3A_317 = tpu.memref_slice %arg3[%add3A, %add3A_315, %dma_wait3A_316] : memref<32x160x64xi32, #tpu.memory_space<hbm>> -> memref<1x1x64xi32, #tpu.memory_space<hbm>>
        %dma_wait3A_318 = tpu.memref_squeeze %dma_wait3A_317 : memref<1x1x64xi32, #tpu.memory_space<hbm>> -> memref<64xi32, #tpu.memory_space<hbm>>
        %dma_wait3A_319 = arith.constant 0 : i32
        %dma_wait3A_320 = tpu.memref_slice %arg3[%add3A, %add3A_315, %dma_wait3A_319] : memref<32x160x64xi32, #tpu.memory_space<hbm>> -> memref<1x1x64xi32, #tpu.memory_space<hbm>>
        %dma_wait3A_321 = tpu.memref_squeeze %dma_wait3A_320 : memref<1x1x64xi32, #tpu.memory_space<hbm>> -> memref<64xi32, #tpu.memory_space<hbm>>
        tpu.wait_dma2 semaphore(%arg30 : memref<!tpu.dma_semaphore, #tpu.memory_space<semaphore_mem>>) src(%dma_wait3A_321 : memref<64xi32, #tpu.memory_space<hbm>>) dst(%arg9 : memref<64xi32, #tpu.memory_space<vmem>>)
        %dma_start3A_322 = arith.constant 0 : i32
        %dma_start3A_323 = arith.constant 0 : i32
        %dma_start3A_324 = tpu.memref_slice %arg2[%dma_start3A_322, %dma_start3A_323] : memref<10000x128xf32, #tpu.memory_space<hbm>> -> memref<10000x128xf32, #tpu.memory_space<hbm>>
        tpu.enqueue_indirect_dma source(%dma_start3A_324 : memref<10000x128xf32, #tpu.memory_space<hbm>>) target(%arg17 : memref<64x128xf32, #tpu.memory_space<vmem>>) offsets(%arg9 : memref<64xi32, #tpu.memory_space<vmem>>) semaphore(%arg22 : memref<!tpu.dma_semaphore, #tpu.memory_space<semaphore_mem>>)
      } else {
      }
      %add3A_207 = arith.constant 1 : i32
      %add3A_208 = arith.addi %add3A_177, %add3A_207 : i32
      %dma_wait3A_209 = arith.constant 0 : i32
      %dma_wait3A_210 = arith.constant 0 : i32
      %dma_wait3A_211 = tpu.memref_slice %arg2[%dma_wait3A_209, %dma_wait3A_210] : memref<10000x128xf32, #tpu.memory_space<hbm>> -> memref<10000x128xf32, #tpu.memory_space<hbm>>
      tpu.wait_indirect_dma semaphore(%arg21 : memref<!tpu.dma_semaphore, #tpu.memory_space<semaphore_mem>>) src(%dma_wait3A_211 : memref<10000x128xf32, #tpu.memory_space<hbm>>) dst(%arg16 : memref<64x128xf32, #tpu.memory_space<vmem>>)
      %add3A_212 = arith.constant 4 : i32
      %add3A_213 = arith.addi %add3A_208, %add3A_212 : i32
      %lt3A_214 = arith.constant 160 : i32
      %lt3A_215 = arith.cmpi slt, %add3A_213, %lt3A_214 : i32
      %convert_element_type3A_216 = arith.extui %lt3A_215 : i1 to i32
      %cond3A_217 = arith.constant 0 : i32
      %cond3A_218 = arith.cmpi ne, %convert_element_type3A_216, %cond3A_217 : i32
      scf.if %cond3A_218 {
        %add3A_306 = arith.constant 4 : i32
        %add3A_307 = arith.addi %add3A_208, %add3A_306 : i32
        %dma_start3A_308 = arith.constant 0 : i32
        %dma_start3A_309 = tpu.memref_slice %arg3[%add3A, %add3A_307, %dma_start3A_308] : memref<32x160x64xi32, #tpu.memory_space<hbm>> -> memref<1x1x64xi32, #tpu.memory_space<hbm>>
        %dma_start3A_310 = tpu.memref_squeeze %dma_start3A_309 : memref<1x1x64xi32, #tpu.memory_space<hbm>> -> memref<64xi32, #tpu.memory_space<hbm>>
        %dma_start3A_311 = arith.constant 0 : i32
        %dma_start3A_312 = tpu.memref_slice %arg3[%add3A, %add3A_307, %dma_start3A_311] : memref<32x160x64xi32, #tpu.memory_space<hbm>> -> memref<1x1x64xi32, #tpu.memory_space<hbm>>
        %dma_start3A_313 = tpu.memref_squeeze %dma_start3A_312 : memref<1x1x64xi32, #tpu.memory_space<hbm>> -> memref<64xi32, #tpu.memory_space<hbm>>
        tpu.enqueue_dma source(%dma_start3A_313 : memref<64xi32, #tpu.memory_space<hbm>>) target(%arg8 : memref<64xi32, #tpu.memory_space<vmem>>) target_semaphore(%arg29 : memref<!tpu.dma_semaphore, #tpu.memory_space<semaphore_mem>>)
      } else {
      }
      %dma_wait3A_219 = arith.constant 0 : i32
      %dma_wait3A_220 = tpu.memref_slice %arg4[%add3A, %add3A_208, %dma_wait3A_219] : memref<32x160x64xi32, #tpu.memory_space<hbm>> -> memref<1x1x64xi32, #tpu.memory_space<hbm>>
      %dma_wait3A_221 = tpu.memref_squeeze %dma_wait3A_220 : memref<1x1x64xi32, #tpu.memory_space<hbm>> -> memref<64xi32, #tpu.memory_space<hbm>>
      %dma_wait3A_222 = arith.constant 0 : i32
      %dma_wait3A_223 = tpu.memref_slice %arg4[%add3A, %add3A_208, %dma_wait3A_222] : memref<32x160x64xi32, #tpu.memory_space<hbm>> -> memref<1x1x64xi32, #tpu.memory_space<hbm>>
      %dma_wait3A_224 = tpu.memref_squeeze %dma_wait3A_223 : memref<1x1x64xi32, #tpu.memory_space<hbm>> -> memref<64xi32, #tpu.memory_space<hbm>>
      tpu.wait_dma2 semaphore(%arg33 : memref<!tpu.dma_semaphore, #tpu.memory_space<semaphore_mem>>) src(%dma_wait3A_224 : memref<64xi32, #tpu.memory_space<hbm>>) dst(%arg12 : memref<64xi32, #tpu.memory_space<vmem>>)
      %dma_start3A_225 = arith.constant 0 : i32
      %dma_start3A_226 = arith.constant 0 : i32
      %dma_start3A_227 = tpu.memref_slice %arg19[%dma_start3A_225, %dma_start3A_226] : memref<10240x128xf32, #tpu.memory_space<vmem_shared>> -> memref<10240x128xf32, #tpu.memory_space<vmem_shared>>
      tpu.enqueue_indirect_dma source(%arg16 : memref<64x128xf32, #tpu.memory_space<vmem>>) target(%dma_start3A_227 : memref<10240x128xf32, #tpu.memory_space<vmem_shared>>) offsets(%arg12 : memref<64xi32, #tpu.memory_space<vmem>>) semaphore(%arg25 : memref<!tpu.dma_semaphore, #tpu.memory_space<semaphore_mem>>) {add = true}
      %ge3A_228 = arith.constant 2 : i32
      %ge3A_229 = arith.cmpi sge, %add3A_208, %ge3A_228 : i32
      %convert_element_type3A_230 = arith.extui %ge3A_229 : i1 to i32
      %cond3A_231 = arith.constant 0 : i32
      %cond3A_232 = arith.cmpi ne, %convert_element_type3A_230, %cond3A_231 : i32
      scf.if %cond3A_232 {
        %dma_wait3A_306 = arith.constant 0 : i32
        %dma_wait3A_307 = arith.constant 0 : i32
        %dma_wait3A_308 = tpu.memref_slice %arg19[%dma_wait3A_306, %dma_wait3A_307] : memref<10240x128xf32, #tpu.memory_space<vmem_shared>> -> memref<10240x128xf32, #tpu.memory_space<vmem_shared>>
        tpu.wait_indirect_dma semaphore(%arg27 : memref<!tpu.dma_semaphore, #tpu.memory_space<semaphore_mem>>) src(%arg18 : memref<64x128xf32, #tpu.memory_space<vmem>>) dst(%dma_wait3A_308 : memref<10240x128xf32, #tpu.memory_space<vmem_shared>>)
      } else {
      }
      %add3A_233 = arith.constant 2 : i32
      %add3A_234 = arith.addi %add3A_208, %add3A_233 : i32
      %lt3A_235 = arith.constant 160 : i32
      %lt3A_236 = arith.cmpi slt, %add3A_234, %lt3A_235 : i32
      %convert_element_type3A_237 = arith.extui %lt3A_236 : i1 to i32
      %cond3A_238 = arith.constant 0 : i32
      %cond3A_239 = arith.cmpi ne, %convert_element_type3A_237, %cond3A_238 : i32
      scf.if %cond3A_239 {
        %add3A_306 = arith.constant 2 : i32
        %add3A_307 = arith.addi %add3A_208, %add3A_306 : i32
        %dma_start3A_308 = arith.constant 0 : i32
        %dma_start3A_309 = tpu.memref_slice %arg4[%add3A, %add3A_307, %dma_start3A_308] : memref<32x160x64xi32, #tpu.memory_space<hbm>> -> memref<1x1x64xi32, #tpu.memory_space<hbm>>
        %dma_start3A_310 = tpu.memref_squeeze %dma_start3A_309 : memref<1x1x64xi32, #tpu.memory_space<hbm>> -> memref<64xi32, #tpu.memory_space<hbm>>
        %dma_start3A_311 = arith.constant 0 : i32
        %dma_start3A_312 = tpu.memref_slice %arg4[%add3A, %add3A_307, %dma_start3A_311] : memref<32x160x64xi32, #tpu.memory_space<hbm>> -> memref<1x1x64xi32, #tpu.memory_space<hbm>>
        %dma_start3A_313 = tpu.memref_squeeze %dma_start3A_312 : memref<1x1x64xi32, #tpu.memory_space<hbm>> -> memref<64xi32, #tpu.memory_space<hbm>>
        tpu.enqueue_dma source(%dma_start3A_313 : memref<64xi32, #tpu.memory_space<hbm>>) target(%arg14 : memref<64xi32, #tpu.memory_space<vmem>>) target_semaphore(%arg35 : memref<!tpu.dma_semaphore, #tpu.memory_space<semaphore_mem>>)
        %add3A_314 = arith.constant 2 : i32
        %add3A_315 = arith.addi %add3A_208, %add3A_314 : i32
        %dma_wait3A_316 = arith.constant 0 : i32
        %dma_wait3A_317 = tpu.memref_slice %arg3[%add3A, %add3A_315, %dma_wait3A_316] : memref<32x160x64xi32, #tpu.memory_space<hbm>> -> memref<1x1x64xi32, #tpu.memory_space<hbm>>
        %dma_wait3A_318 = tpu.memref_squeeze %dma_wait3A_317 : memref<1x1x64xi32, #tpu.memory_space<hbm>> -> memref<64xi32, #tpu.memory_space<hbm>>
        %dma_wait3A_319 = arith.constant 0 : i32
        %dma_wait3A_320 = tpu.memref_slice %arg3[%add3A, %add3A_315, %dma_wait3A_319] : memref<32x160x64xi32, #tpu.memory_space<hbm>> -> memref<1x1x64xi32, #tpu.memory_space<hbm>>
        %dma_wait3A_321 = tpu.memref_squeeze %dma_wait3A_320 : memref<1x1x64xi32, #tpu.memory_space<hbm>> -> memref<64xi32, #tpu.memory_space<hbm>>
        tpu.wait_dma2 semaphore(%arg31 : memref<!tpu.dma_semaphore, #tpu.memory_space<semaphore_mem>>) src(%dma_wait3A_321 : memref<64xi32, #tpu.memory_space<hbm>>) dst(%arg10 : memref<64xi32, #tpu.memory_space<vmem>>)
        %dma_start3A_322 = arith.constant 0 : i32
        %dma_start3A_323 = arith.constant 0 : i32
        %dma_start3A_324 = tpu.memref_slice %arg2[%dma_start3A_322, %dma_start3A_323] : memref<10000x128xf32, #tpu.memory_space<hbm>> -> memref<10000x128xf32, #tpu.memory_space<hbm>>
        tpu.enqueue_indirect_dma source(%dma_start3A_324 : memref<10000x128xf32, #tpu.memory_space<hbm>>) target(%arg18 : memref<64x128xf32, #tpu.memory_space<vmem>>) offsets(%arg10 : memref<64xi32, #tpu.memory_space<vmem>>) semaphore(%arg23 : memref<!tpu.dma_semaphore, #tpu.memory_space<semaphore_mem>>)
      } else {
      }
      %add3A_240 = arith.constant 2 : i32
      %add3A_241 = arith.addi %add3A_177, %add3A_240 : i32
      %dma_wait3A_242 = arith.constant 0 : i32
      %dma_wait3A_243 = arith.constant 0 : i32
      %dma_wait3A_244 = tpu.memref_slice %arg2[%dma_wait3A_242, %dma_wait3A_243] : memref<10000x128xf32, #tpu.memory_space<hbm>> -> memref<10000x128xf32, #tpu.memory_space<hbm>>
      tpu.wait_indirect_dma semaphore(%arg22 : memref<!tpu.dma_semaphore, #tpu.memory_space<semaphore_mem>>) src(%dma_wait3A_244 : memref<10000x128xf32, #tpu.memory_space<hbm>>) dst(%arg17 : memref<64x128xf32, #tpu.memory_space<vmem>>)
      %add3A_245 = arith.constant 4 : i32
      %add3A_246 = arith.addi %add3A_241, %add3A_245 : i32
      %lt3A_247 = arith.constant 160 : i32
      %lt3A_248 = arith.cmpi slt, %add3A_246, %lt3A_247 : i32
      %convert_element_type3A_249 = arith.extui %lt3A_248 : i1 to i32
      %cond3A_250 = arith.constant 0 : i32
      %cond3A_251 = arith.cmpi ne, %convert_element_type3A_249, %cond3A_250 : i32
      scf.if %cond3A_251 {
        %add3A_306 = arith.constant 4 : i32
        %add3A_307 = arith.addi %add3A_241, %add3A_306 : i32
        %dma_start3A_308 = arith.constant 0 : i32
        %dma_start3A_309 = tpu.memref_slice %arg3[%add3A, %add3A_307, %dma_start3A_308] : memref<32x160x64xi32, #tpu.memory_space<hbm>> -> memref<1x1x64xi32, #tpu.memory_space<hbm>>
        %dma_start3A_310 = tpu.memref_squeeze %dma_start3A_309 : memref<1x1x64xi32, #tpu.memory_space<hbm>> -> memref<64xi32, #tpu.memory_space<hbm>>
        %dma_start3A_311 = arith.constant 0 : i32
        %dma_start3A_312 = tpu.memref_slice %arg3[%add3A, %add3A_307, %dma_start3A_311] : memref<32x160x64xi32, #tpu.memory_space<hbm>> -> memref<1x1x64xi32, #tpu.memory_space<hbm>>
        %dma_start3A_313 = tpu.memref_squeeze %dma_start3A_312 : memref<1x1x64xi32, #tpu.memory_space<hbm>> -> memref<64xi32, #tpu.memory_space<hbm>>
        tpu.enqueue_dma source(%dma_start3A_313 : memref<64xi32, #tpu.memory_space<hbm>>) target(%arg9 : memref<64xi32, #tpu.memory_space<vmem>>) target_semaphore(%arg30 : memref<!tpu.dma_semaphore, #tpu.memory_space<semaphore_mem>>)
      } else {
      }
      %dma_wait3A_252 = arith.constant 0 : i32
      %dma_wait3A_253 = tpu.memref_slice %arg4[%add3A, %add3A_241, %dma_wait3A_252] : memref<32x160x64xi32, #tpu.memory_space<hbm>> -> memref<1x1x64xi32, #tpu.memory_space<hbm>>
      %dma_wait3A_254 = tpu.memref_squeeze %dma_wait3A_253 : memref<1x1x64xi32, #tpu.memory_space<hbm>> -> memref<64xi32, #tpu.memory_space<hbm>>
      %dma_wait3A_255 = arith.constant 0 : i32
      %dma_wait3A_256 = tpu.memref_slice %arg4[%add3A, %add3A_241, %dma_wait3A_255] : memref<32x160x64xi32, #tpu.memory_space<hbm>> -> memref<1x1x64xi32, #tpu.memory_space<hbm>>
      %dma_wait3A_257 = tpu.memref_squeeze %dma_wait3A_256 : memref<1x1x64xi32, #tpu.memory_space<hbm>> -> memref<64xi32, #tpu.memory_space<hbm>>
      tpu.wait_dma2 semaphore(%arg34 : memref<!tpu.dma_semaphore, #tpu.memory_space<semaphore_mem>>) src(%dma_wait3A_257 : memref<64xi32, #tpu.memory_space<hbm>>) dst(%arg13 : memref<64xi32, #tpu.memory_space<vmem>>)
      %dma_start3A_258 = arith.constant 0 : i32
      %dma_start3A_259 = arith.constant 0 : i32
      %dma_start3A_260 = tpu.memref_slice %arg19[%dma_start3A_258, %dma_start3A_259] : memref<10240x128xf32, #tpu.memory_space<vmem_shared>> -> memref<10240x128xf32, #tpu.memory_space<vmem_shared>>
      tpu.enqueue_indirect_dma source(%arg17 : memref<64x128xf32, #tpu.memory_space<vmem>>) target(%dma_start3A_260 : memref<10240x128xf32, #tpu.memory_space<vmem_shared>>) offsets(%arg13 : memref<64xi32, #tpu.memory_space<vmem>>) semaphore(%arg26 : memref<!tpu.dma_semaphore, #tpu.memory_space<semaphore_mem>>) {add = true}
      %ge3A_261 = arith.constant 2 : i32
      %ge3A_262 = arith.cmpi sge, %add3A_241, %ge3A_261 : i32
      %convert_element_type3A_263 = arith.extui %ge3A_262 : i1 to i32
      %cond3A_264 = arith.constant 0 : i32
      %cond3A_265 = arith.cmpi ne, %convert_element_type3A_263, %cond3A_264 : i32
      scf.if %cond3A_265 {
        %dma_wait3A_306 = arith.constant 0 : i32
        %dma_wait3A_307 = arith.constant 0 : i32
        %dma_wait3A_308 = tpu.memref_slice %arg19[%dma_wait3A_306, %dma_wait3A_307] : memref<10240x128xf32, #tpu.memory_space<vmem_shared>> -> memref<10240x128xf32, #tpu.memory_space<vmem_shared>>
        tpu.wait_indirect_dma semaphore(%arg24 : memref<!tpu.dma_semaphore, #tpu.memory_space<semaphore_mem>>) src(%arg15 : memref<64x128xf32, #tpu.memory_space<vmem>>) dst(%dma_wait3A_308 : memref<10240x128xf32, #tpu.memory_space<vmem_shared>>)
      } else {
      }
      %add3A_266 = arith.constant 2 : i32
      %add3A_267 = arith.addi %add3A_241, %add3A_266 : i32
      %lt3A_268 = arith.constant 160 : i32
      %lt3A_269 = arith.cmpi slt, %add3A_267, %lt3A_268 : i32
      %convert_element_type3A_270 = arith.extui %lt3A_269 : i1 to i32
      %cond3A_271 = arith.constant 0 : i32
      %cond3A_272 = arith.cmpi ne, %convert_element_type3A_270, %cond3A_271 : i32
      scf.if %cond3A_272 {
        %add3A_306 = arith.constant 2 : i32
        %add3A_307 = arith.addi %add3A_241, %add3A_306 : i32
        %dma_start3A_308 = arith.constant 0 : i32
        %dma_start3A_309 = tpu.memref_slice %arg4[%add3A, %add3A_307, %dma_start3A_308] : memref<32x160x64xi32, #tpu.memory_space<hbm>> -> memref<1x1x64xi32, #tpu.memory_space<hbm>>
        %dma_start3A_310 = tpu.memref_squeeze %dma_start3A_309 : memref<1x1x64xi32, #tpu.memory_space<hbm>> -> memref<64xi32, #tpu.memory_space<hbm>>
        %dma_start3A_311 = arith.constant 0 : i32
        %dma_start3A_312 = tpu.memref_slice %arg4[%add3A, %add3A_307, %dma_start3A_311] : memref<32x160x64xi32, #tpu.memory_space<hbm>> -> memref<1x1x64xi32, #tpu.memory_space<hbm>>
        %dma_start3A_313 = tpu.memref_squeeze %dma_start3A_312 : memref<1x1x64xi32, #tpu.memory_space<hbm>> -> memref<64xi32, #tpu.memory_space<hbm>>
        tpu.enqueue_dma source(%dma_start3A_313 : memref<64xi32, #tpu.memory_space<hbm>>) target(%arg11 : memref<64xi32, #tpu.memory_space<vmem>>) target_semaphore(%arg32 : memref<!tpu.dma_semaphore, #tpu.memory_space<semaphore_mem>>)
        %add3A_314 = arith.constant 2 : i32
        %add3A_315 = arith.addi %add3A_241, %add3A_314 : i32
        %dma_wait3A_316 = arith.constant 0 : i32
        %dma_wait3A_317 = tpu.memref_slice %arg3[%add3A, %add3A_315, %dma_wait3A_316] : memref<32x160x64xi32, #tpu.memory_space<hbm>> -> memref<1x1x64xi32, #tpu.memory_space<hbm>>
        %dma_wait3A_318 = tpu.memref_squeeze %dma_wait3A_317 : memref<1x1x64xi32, #tpu.memory_space<hbm>> -> memref<64xi32, #tpu.memory_space<hbm>>
        %dma_wait3A_319 = arith.constant 0 : i32
        %dma_wait3A_320 = tpu.memref_slice %arg3[%add3A, %add3A_315, %dma_wait3A_319] : memref<32x160x64xi32, #tpu.memory_space<hbm>> -> memref<1x1x64xi32, #tpu.memory_space<hbm>>
        %dma_wait3A_321 = tpu.memref_squeeze %dma_wait3A_320 : memref<1x1x64xi32, #tpu.memory_space<hbm>> -> memref<64xi32, #tpu.memory_space<hbm>>
        tpu.wait_dma2 semaphore(%arg28 : memref<!tpu.dma_semaphore, #tpu.memory_space<semaphore_mem>>) src(%dma_wait3A_321 : memref<64xi32, #tpu.memory_space<hbm>>) dst(%arg7 : memref<64xi32, #tpu.memory_space<vmem>>)
        %dma_start3A_322 = arith.constant 0 : i32
        %dma_start3A_323 = arith.constant 0 : i32
        %dma_start3A_324 = tpu.memref_slice %arg2[%dma_start3A_322, %dma_start3A_323] : memref<10000x128xf32, #tpu.memory_space<hbm>> -> memref<10000x128xf32, #tpu.memory_space<hbm>>
        tpu.enqueue_indirect_dma source(%dma_start3A_324 : memref<10000x128xf32, #tpu.memory_space<hbm>>) target(%arg15 : memref<64x128xf32, #tpu.memory_space<vmem>>) offsets(%arg7 : memref<64xi32, #tpu.memory_space<vmem>>) semaphore(%arg20 : memref<!tpu.dma_semaphore, #tpu.memory_space<semaphore_mem>>)
      } else {
      }
      %add3A_273 = arith.constant 3 : i32
      %add3A_274 = arith.addi %add3A_177, %add3A_273 : i32
      %dma_wait3A_275 = arith.constant 0 : i32
      %dma_wait3A_276 = arith.constant 0 : i32
      %dma_wait3A_277 = tpu.memref_slice %arg2[%dma_wait3A_275, %dma_wait3A_276] : memref<10000x128xf32, #tpu.memory_space<hbm>> -> memref<10000x128xf32, #tpu.memory_space<hbm>>
      tpu.wait_indirect_dma semaphore(%arg23 : memref<!tpu.dma_semaphore, #tpu.memory_space<semaphore_mem>>) src(%dma_wait3A_277 : memref<10000x128xf32, #tpu.memory_space<hbm>>) dst(%arg18 : memref<64x128xf32, #tpu.memory_space<vmem>>)
      %add3A_278 = arith.constant 4 : i32
      %add3A_279 = arith.addi %add3A_274, %add3A_278 : i32
      %lt3A_280 = arith.constant 160 : i32
      %lt3A_281 = arith.cmpi slt, %add3A_279, %lt3A_280 : i32
      %convert_element_type3A_282 = arith.extui %lt3A_281 : i1 to i32
      %cond3A_283 = arith.constant 0 : i32
      %cond3A_284 = arith.cmpi ne, %convert_element_type3A_282, %cond3A_283 : i32
      scf.if %cond3A_284 {
        %add3A_306 = arith.constant 4 : i32
        %add3A_307 = arith.addi %add3A_274, %add3A_306 : i32
        %dma_start3A_308 = arith.constant 0 : i32
        %dma_start3A_309 = tpu.memref_slice %arg3[%add3A, %add3A_307, %dma_start3A_308] : memref<32x160x64xi32, #tpu.memory_space<hbm>> -> memref<1x1x64xi32, #tpu.memory_space<hbm>>
        %dma_start3A_310 = tpu.memref_squeeze %dma_start3A_309 : memref<1x1x64xi32, #tpu.memory_space<hbm>> -> memref<64xi32, #tpu.memory_space<hbm>>
        %dma_start3A_311 = arith.constant 0 : i32
        %dma_start3A_312 = tpu.memref_slice %arg3[%add3A, %add3A_307, %dma_start3A_311] : memref<32x160x64xi32, #tpu.memory_space<hbm>> -> memref<1x1x64xi32, #tpu.memory_space<hbm>>
        %dma_start3A_313 = tpu.memref_squeeze %dma_start3A_312 : memref<1x1x64xi32, #tpu.memory_space<hbm>> -> memref<64xi32, #tpu.memory_space<hbm>>
        tpu.enqueue_dma source(%dma_start3A_313 : memref<64xi32, #tpu.memory_space<hbm>>) target(%arg10 : memref<64xi32, #tpu.memory_space<vmem>>) target_semaphore(%arg31 : memref<!tpu.dma_semaphore, #tpu.memory_space<semaphore_mem>>)
      } else {
      }
      %dma_wait3A_285 = arith.constant 0 : i32
      %dma_wait3A_286 = tpu.memref_slice %arg4[%add3A, %add3A_274, %dma_wait3A_285] : memref<32x160x64xi32, #tpu.memory_space<hbm>> -> memref<1x1x64xi32, #tpu.memory_space<hbm>>
      %dma_wait3A_287 = tpu.memref_squeeze %dma_wait3A_286 : memref<1x1x64xi32, #tpu.memory_space<hbm>> -> memref<64xi32, #tpu.memory_space<hbm>>
      %dma_wait3A_288 = arith.constant 0 : i32
      %dma_wait3A_289 = tpu.memref_slice %arg4[%add3A, %add3A_274, %dma_wait3A_288] : memref<32x160x64xi32, #tpu.memory_space<hbm>> -> memref<1x1x64xi32, #tpu.memory_space<hbm>>
      %dma_wait3A_290 = tpu.memref_squeeze %dma_wait3A_289 : memref<1x1x64xi32, #tpu.memory_space<hbm>> -> memref<64xi32, #tpu.memory_space<hbm>>
      tpu.wait_dma2 semaphore(%arg35 : memref<!tpu.dma_semaphore, #tpu.memory_space<semaphore_mem>>) src(%dma_wait3A_290 : memref<64xi32, #tpu.memory_space<hbm>>) dst(%arg14 : memref<64xi32, #tpu.memory_space<vmem>>)
      %dma_start3A_291 = arith.constant 0 : i32
      %dma_start3A_292 = arith.constant 0 : i32
      %dma_start3A_293 = tpu.memref_slice %arg19[%dma_start3A_291, %dma_start3A_292] : memref<10240x128xf32, #tpu.memory_space<vmem_shared>> -> memref<10240x128xf32, #tpu.memory_space<vmem_shared>>
      tpu.enqueue_indirect_dma source(%arg18 : memref<64x128xf32, #tpu.memory_space<vmem>>) target(%dma_start3A_293 : memref<10240x128xf32, #tpu.memory_space<vmem_shared>>) offsets(%arg14 : memref<64xi32, #tpu.memory_space<vmem>>) semaphore(%arg27 : memref<!tpu.dma_semaphore, #tpu.memory_space<semaphore_mem>>) {add = true}
      %ge3A_294 = arith.constant 2 : i32
      %ge3A_295 = arith.cmpi sge, %add3A_274, %ge3A_294 : i32
      %convert_element_type3A_296 = arith.extui %ge3A_295 : i1 to i32
      %cond3A_297 = arith.constant 0 : i32
      %cond3A_298 = arith.cmpi ne, %convert_element_type3A_296, %cond3A_297 : i32
      scf.if %cond3A_298 {
        %dma_wait3A_306 = arith.constant 0 : i32
        %dma_wait3A_307 = arith.constant 0 : i32
        %dma_wait3A_308 = tpu.memref_slice %arg19[%dma_wait3A_306, %dma_wait3A_307] : memref<10240x128xf32, #tpu.memory_space<vmem_shared>> -> memref<10240x128xf32, #tpu.memory_space<vmem_shared>>
        tpu.wait_indirect_dma semaphore(%arg25 : memref<!tpu.dma_semaphore, #tpu.memory_space<semaphore_mem>>) src(%arg16 : memref<64x128xf32, #tpu.memory_space<vmem>>) dst(%dma_wait3A_308 : memref<10240x128xf32, #tpu.memory_space<vmem_shared>>)
      } else {
      }
      %add3A_299 = arith.constant 2 : i32
      %add3A_300 = arith.addi %add3A_274, %add3A_299 : i32
      %lt3A_301 = arith.constant 160 : i32
      %lt3A_302 = arith.cmpi slt, %add3A_300, %lt3A_301 : i32
      %convert_element_type3A_303 = arith.extui %lt3A_302 : i1 to i32
      %cond3A_304 = arith.constant 0 : i32
      %cond3A_305 = arith.cmpi ne, %convert_element_type3A_303, %cond3A_304 : i32
      scf.if %cond3A_305 {
        %add3A_306 = arith.constant 2 : i32
        %add3A_307 = arith.addi %add3A_274, %add3A_306 : i32
        %dma_start3A_308 = arith.constant 0 : i32
        %dma_start3A_309 = tpu.memref_slice %arg4[%add3A, %add3A_307, %dma_start3A_308] : memref<32x160x64xi32, #tpu.memory_space<hbm>> -> memref<1x1x64xi32, #tpu.memory_space<hbm>>
        %dma_start3A_310 = tpu.memref_squeeze %dma_start3A_309 : memref<1x1x64xi32, #tpu.memory_space<hbm>> -> memref<64xi32, #tpu.memory_space<hbm>>
        %dma_start3A_311 = arith.constant 0 : i32
        %dma_start3A_312 = tpu.memref_slice %arg4[%add3A, %add3A_307, %dma_start3A_311] : memref<32x160x64xi32, #tpu.memory_space<hbm>> -> memref<1x1x64xi32, #tpu.memory_space<hbm>>
        %dma_start3A_313 = tpu.memref_squeeze %dma_start3A_312 : memref<1x1x64xi32, #tpu.memory_space<hbm>> -> memref<64xi32, #tpu.memory_space<hbm>>
        tpu.enqueue_dma source(%dma_start3A_313 : memref<64xi32, #tpu.memory_space<hbm>>) target(%arg12 : memref<64xi32, #tpu.memory_space<vmem>>) target_semaphore(%arg33 : memref<!tpu.dma_semaphore, #tpu.memory_space<semaphore_mem>>)
        %add3A_314 = arith.constant 2 : i32
        %add3A_315 = arith.addi %add3A_274, %add3A_314 : i32
        %dma_wait3A_316 = arith.constant 0 : i32
        %dma_wait3A_317 = tpu.memref_slice %arg3[%add3A, %add3A_315, %dma_wait3A_316] : memref<32x160x64xi32, #tpu.memory_space<hbm>> -> memref<1x1x64xi32, #tpu.memory_space<hbm>>
        %dma_wait3A_318 = tpu.memref_squeeze %dma_wait3A_317 : memref<1x1x64xi32, #tpu.memory_space<hbm>> -> memref<64xi32, #tpu.memory_space<hbm>>
        %dma_wait3A_319 = arith.constant 0 : i32
        %dma_wait3A_320 = tpu.memref_slice %arg3[%add3A, %add3A_315, %dma_wait3A_319] : memref<32x160x64xi32, #tpu.memory_space<hbm>> -> memref<1x1x64xi32, #tpu.memory_space<hbm>>
        %dma_wait3A_321 = tpu.memref_squeeze %dma_wait3A_320 : memref<1x1x64xi32, #tpu.memory_space<hbm>> -> memref<64xi32, #tpu.memory_space<hbm>>
        tpu.wait_dma2 semaphore(%arg29 : memref<!tpu.dma_semaphore, #tpu.memory_space<semaphore_mem>>) src(%dma_wait3A_321 : memref<64xi32, #tpu.memory_space<hbm>>) dst(%arg8 : memref<64xi32, #tpu.memory_space<vmem>>)
        %dma_start3A_322 = arith.constant 0 : i32
        %dma_start3A_323 = arith.constant 0 : i32
        %dma_start3A_324 = tpu.memref_slice %arg2[%dma_start3A_322, %dma_start3A_323] : memref<10000x128xf32, #tpu.memory_space<hbm>> -> memref<10000x128xf32, #tpu.memory_space<hbm>>
        tpu.enqueue_indirect_dma source(%dma_start3A_324 : memref<10000x128xf32, #tpu.memory_space<hbm>>) target(%arg16 : memref<64x128xf32, #tpu.memory_space<vmem>>) offsets(%arg8 : memref<64xi32, #tpu.memory_space<vmem>>) semaphore(%arg21 : memref<!tpu.dma_semaphore, #tpu.memory_space<semaphore_mem>>)
      } else {
      }
    }
    %scan3A_145 = arith.constant 40 : i32
    %dma_wait3A_146 = arith.constant 0 : i32
    %dma_wait3A_147 = arith.constant 0 : i32
    %dma_wait3A_148 = tpu.memref_slice %arg19[%dma_wait3A_146, %dma_wait3A_147] : memref<10240x128xf32, #tpu.memory_space<vmem_shared>> -> memref<10240x128xf32, #tpu.memory_space<vmem_shared>>
    tpu.wait_indirect_dma semaphore(%arg26 : memref<!tpu.dma_semaphore, #tpu.memory_space<semaphore_mem>>) src(%arg17 : memref<64x128xf32, #tpu.memory_space<vmem>>) dst(%dma_wait3A_148 : memref<10240x128xf32, #tpu.memory_space<vmem_shared>>)
    %dma_wait3A_149 = arith.constant 0 : i32
    %dma_wait3A_150 = arith.constant 0 : i32
    %dma_wait3A_151 = tpu.memref_slice %arg19[%dma_wait3A_149, %dma_wait3A_150] : memref<10240x128xf32, #tpu.memory_space<vmem_shared>> -> memref<10240x128xf32, #tpu.memory_space<vmem_shared>>
    tpu.wait_indirect_dma semaphore(%arg27 : memref<!tpu.dma_semaphore, #tpu.memory_space<semaphore_mem>>) src(%arg18 : memref<64x128xf32, #tpu.memory_space<vmem>>) dst(%dma_wait3A_151 : memref<10240x128xf32, #tpu.memory_space<vmem_shared>>)
    %barrier3A_152 = arith.constant 0 : index
    tpu.barrier barrier_id(%barrier3A_152)
    %mul3A_153 = arith.constant 640 : i32
    %mul3A_154 = arith.muli %arg1, %mul3A_153 : i32
    %add3A_155 = arith.constant 0 : i32
    %add3A_156 = arith.addi %mul3A_154, %add3A_155 : i32
    "tpu.region"() ({
      %run_scoped3A = tpu.sem_alloc : memref<!tpu.dma_semaphore, #tpu.memory_space<semaphore_mem>>
      %dma_start3A_173 = arith.constant 0 : i32
      %dma_start3A_174 = tpu.memref_slice %arg6[%arg0, %add3A_156, %dma_start3A_173] : memref<2x10240x128xf32, #tpu.memory_space<hbm>> -> memref<1x128x128xf32, #tpu.memory_space<hbm>>
      %dma_start3A_175 = tpu.memref_squeeze %dma_start3A_174 : memref<1x128x128xf32, #tpu.memory_space<hbm>> -> memref<128x128xf32, #tpu.memory_space<hbm>>
      %dma_start3A_176 = arith.constant 0 : i32
      %dma_start3A_177 = tpu.memref_slice %arg19[%add3A_156, %dma_start3A_176] : memref<10240x128xf32, #tpu.memory_space<vmem_shared>> -> memref<128x128xf32, #tpu.memory_space<vmem_shared>>
      tpu.enqueue_dma source(%dma_start3A_177 : memref<128x128xf32, #tpu.memory_space<vmem_shared>>) target(%dma_start3A_175 : memref<128x128xf32, #tpu.memory_space<hbm>>) target_semaphore(%run_scoped3A : memref<!tpu.dma_semaphore, #tpu.memory_space<semaphore_mem>>)
      %dma_wait3A_178 = arith.constant 0 : i32
      %dma_wait3A_179 = tpu.memref_slice %arg6[%arg0, %add3A_156, %dma_wait3A_178] : memref<2x10240x128xf32, #tpu.memory_space<hbm>> -> memref<1x128x128xf32, #tpu.memory_space<hbm>>
      %dma_wait3A_180 = tpu.memref_squeeze %dma_wait3A_179 : memref<1x128x128xf32, #tpu.memory_space<hbm>> -> memref<128x128xf32, #tpu.memory_space<hbm>>
      %dma_wait3A_181 = arith.constant 0 : i32
      %dma_wait3A_182 = tpu.memref_slice %arg19[%add3A_156, %dma_wait3A_181] : memref<10240x128xf32, #tpu.memory_space<vmem_shared>> -> memref<128x128xf32, #tpu.memory_space<vmem_shared>>
      tpu.wait_dma2 semaphore(%run_scoped3A : memref<!tpu.dma_semaphore, #tpu.memory_space<semaphore_mem>>) src(%dma_wait3A_182 : memref<128x128xf32, #tpu.memory_space<vmem_shared>>) dst(%dma_wait3A_180 : memref<128x128xf32, #tpu.memory_space<hbm>>)
      tpu.yield
    }) : () -> ()
    %mul3A_157 = arith.constant 640 : i32
    %mul3A_158 = arith.muli %arg1, %mul3A_157 : i32
    %add3A_159 = arith.constant 128 : i32
    %add3A_160 = arith.addi %mul3A_158, %add3A_159 : i32
    "tpu.region"() ({
      %run_scoped3A = tpu.sem_alloc : memref<!tpu.dma_semaphore, #tpu.memory_space<semaphore_mem>>
      %dma_start3A_173 = arith.constant 0 : i32
      %dma_start3A_174 = tpu.memref_slice %arg6[%arg0, %add3A_160, %dma_start3A_173] : memref<2x10240x128xf32, #tpu.memory_space<hbm>> -> memref<1x128x128xf32, #tpu.memory_space<hbm>>
      %dma_start3A_175 = tpu.memref_squeeze %dma_start3A_174 : memref<1x128x128xf32, #tpu.memory_space<hbm>> -> memref<128x128xf32, #tpu.memory_space<hbm>>
      %dma_start3A_176 = arith.constant 0 : i32
      %dma_start3A_177 = tpu.memref_slice %arg19[%add3A_160, %dma_start3A_176] : memref<10240x128xf32, #tpu.memory_space<vmem_shared>> -> memref<128x128xf32, #tpu.memory_space<vmem_shared>>
      tpu.enqueue_dma source(%dma_start3A_177 : memref<128x128xf32, #tpu.memory_space<vmem_shared>>) target(%dma_start3A_175 : memref<128x128xf32, #tpu.memory_space<hbm>>) target_semaphore(%run_scoped3A : memref<!tpu.dma_semaphore, #tpu.memory_space<semaphore_mem>>)
      %dma_wait3A_178 = arith.constant 0 : i32
      %dma_wait3A_179 = tpu.memref_slice %arg6[%arg0, %add3A_160, %dma_wait3A_178] : memref<2x10240x128xf32, #tpu.memory_space<hbm>> -> memref<1x128x128xf32, #tpu.memory_space<hbm>>
      %dma_wait3A_180 = tpu.memref_squeeze %dma_wait3A_179 : memref<1x128x128xf32, #tpu.memory_space<hbm>> -> memref<128x128xf32, #tpu.memory_space<hbm>>
      %dma_wait3A_181 = arith.constant 0 : i32
      %dma_wait3A_182 = tpu.memref_slice %arg19[%add3A_160, %dma_wait3A_181] : memref<10240x128xf32, #tpu.memory_space<vmem_shared>> -> memref<128x128xf32, #tpu.memory_space<vmem_shared>>
      tpu.wait_dma2 semaphore(%run_scoped3A : memref<!tpu.dma_semaphore, #tpu.memory_space<semaphore_mem>>) src(%dma_wait3A_182 : memref<128x128xf32, #tpu.memory_space<vmem_shared>>) dst(%dma_wait3A_180 : memref<128x128xf32, #tpu.memory_space<hbm>>)
      tpu.yield
    }) : () -> ()
    %mul3A_161 = arith.constant 640 : i32
    %mul3A_162 = arith.muli %arg1, %mul3A_161 : i32
    %add3A_163 = arith.constant 256 : i32
    %add3A_164 = arith.addi %mul3A_162, %add3A_163 : i32
    "tpu.region"() ({
      %run_scoped3A = tpu.sem_alloc : memref<!tpu.dma_semaphore, #tpu.memory_space<semaphore_mem>>
      %dma_start3A_173 = arith.constant 0 : i32
      %dma_start3A_174 = tpu.memref_slice %arg6[%arg0, %add3A_164, %dma_start3A_173] : memref<2x10240x128xf32, #tpu.memory_space<hbm>> -> memref<1x128x128xf32, #tpu.memory_space<hbm>>
      %dma_start3A_175 = tpu.memref_squeeze %dma_start3A_174 : memref<1x128x128xf32, #tpu.memory_space<hbm>> -> memref<128x128xf32, #tpu.memory_space<hbm>>
      %dma_start3A_176 = arith.constant 0 : i32
      %dma_start3A_177 = tpu.memref_slice %arg19[%add3A_164, %dma_start3A_176] : memref<10240x128xf32, #tpu.memory_space<vmem_shared>> -> memref<128x128xf32, #tpu.memory_space<vmem_shared>>
      tpu.enqueue_dma source(%dma_start3A_177 : memref<128x128xf32, #tpu.memory_space<vmem_shared>>) target(%dma_start3A_175 : memref<128x128xf32, #tpu.memory_space<hbm>>) target_semaphore(%run_scoped3A : memref<!tpu.dma_semaphore, #tpu.memory_space<semaphore_mem>>)
      %dma_wait3A_178 = arith.constant 0 : i32
      %dma_wait3A_179 = tpu.memref_slice %arg6[%arg0, %add3A_164, %dma_wait3A_178] : memref<2x10240x128xf32, #tpu.memory_space<hbm>> -> memref<1x128x128xf32, #tpu.memory_space<hbm>>
      %dma_wait3A_180 = tpu.memref_squeeze %dma_wait3A_179 : memref<1x128x128xf32, #tpu.memory_space<hbm>> -> memref<128x128xf32, #tpu.memory_space<hbm>>
      %dma_wait3A_181 = arith.constant 0 : i32
      %dma_wait3A_182 = tpu.memref_slice %arg19[%add3A_164, %dma_wait3A_181] : memref<10240x128xf32, #tpu.memory_space<vmem_shared>> -> memref<128x128xf32, #tpu.memory_space<vmem_shared>>
      tpu.wait_dma2 semaphore(%run_scoped3A : memref<!tpu.dma_semaphore, #tpu.memory_space<semaphore_mem>>) src(%dma_wait3A_182 : memref<128x128xf32, #tpu.memory_space<vmem_shared>>) dst(%dma_wait3A_180 : memref<128x128xf32, #tpu.memory_space<hbm>>)
      tpu.yield
    }) : () -> ()
    %mul3A_165 = arith.constant 640 : i32
    %mul3A_166 = arith.muli %arg1, %mul3A_165 : i32
    %add3A_167 = arith.constant 384 : i32
    %add3A_168 = arith.addi %mul3A_166, %add3A_167 : i32
    "tpu.region"() ({
      %run_scoped3A = tpu.sem_alloc : memref<!tpu.dma_semaphore, #tpu.memory_space<semaphore_mem>>
      %dma_start3A_173 = arith.constant 0 : i32
      %dma_start3A_174 = tpu.memref_slice %arg6[%arg0, %add3A_168, %dma_start3A_173] : memref<2x10240x128xf32, #tpu.memory_space<hbm>> -> memref<1x128x128xf32, #tpu.memory_space<hbm>>
      %dma_start3A_175 = tpu.memref_squeeze %dma_start3A_174 : memref<1x128x128xf32, #tpu.memory_space<hbm>> -> memref<128x128xf32, #tpu.memory_space<hbm>>
      %dma_start3A_176 = arith.constant 0 : i32
      %dma_start3A_177 = tpu.memref_slice %arg19[%add3A_168, %dma_start3A_176] : memref<10240x128xf32, #tpu.memory_space<vmem_shared>> -> memref<128x128xf32, #tpu.memory_space<vmem_shared>>
      tpu.enqueue_dma source(%dma_start3A_177 : memref<128x128xf32, #tpu.memory_space<vmem_shared>>) target(%dma_start3A_175 : memref<128x128xf32, #tpu.memory_space<hbm>>) target_semaphore(%run_scoped3A : memref<!tpu.dma_semaphore, #tpu.memory_space<semaphore_mem>>)
      %dma_wait3A_178 = arith.constant 0 : i32
      %dma_wait3A_179 = tpu.memref_slice %arg6[%arg0, %add3A_168, %dma_wait3A_178] : memref<2x10240x128xf32, #tpu.memory_space<hbm>> -> memref<1x128x128xf32, #tpu.memory_space<hbm>>
      %dma_wait3A_180 = tpu.memref_squeeze %dma_wait3A_179 : memref<1x128x128xf32, #tpu.memory_space<hbm>> -> memref<128x128xf32, #tpu.memory_space<hbm>>
      %dma_wait3A_181 = arith.constant 0 : i32
      %dma_wait3A_182 = tpu.memref_slice %arg19[%add3A_168, %dma_wait3A_181] : memref<10240x128xf32, #tpu.memory_space<vmem_shared>> -> memref<128x128xf32, #tpu.memory_space<vmem_shared>>
      tpu.wait_dma2 semaphore(%run_scoped3A : memref<!tpu.dma_semaphore, #tpu.memory_space<semaphore_mem>>) src(%dma_wait3A_182 : memref<128x128xf32, #tpu.memory_space<vmem_shared>>) dst(%dma_wait3A_180 : memref<128x128xf32, #tpu.memory_space<hbm>>)
      tpu.yield
    }) : () -> ()
    %mul3A_169 = arith.constant 640 : i32
    %mul3A_170 = arith.muli %arg1, %mul3A_169 : i32
    %add3A_171 = arith.constant 512 : i32
    %add3A_172 = arith.addi %mul3A_170, %add3A_171 : i32
    "tpu.region"() ({
      %run_scoped3A = tpu.sem_alloc : memref<!tpu.dma_semaphore, #tpu.memory_space<semaphore_mem>>
      %dma_start3A_173 = arith.constant 0 : i32
      %dma_start3A_174 = tpu.memref_slice %arg6[%arg0, %add3A_172, %dma_start3A_173] : memref<2x10240x128xf32, #tpu.memory_space<hbm>> -> memref<1x128x128xf32, #tpu.memory_space<hbm>>
      %dma_start3A_175 = tpu.memref_squeeze %dma_start3A_174 : memref<1x128x128xf32, #tpu.memory_space<hbm>> -> memref<128x128xf32, #tpu.memory_space<hbm>>
      %dma_start3A_176 = arith.constant 0 : i32
      %dma_start3A_177 = tpu.memref_slice %arg19[%add3A_172, %dma_start3A_176] : memref<10240x128xf32, #tpu.memory_space<vmem_shared>> -> memref<128x128xf32, #tpu.memory_space<vmem_shared>>
      tpu.enqueue_dma source(%dma_start3A_177 : memref<128x128xf32, #tpu.memory_space<vmem_shared>>) target(%dma_start3A_175 : memref<128x128xf32, #tpu.memory_space<hbm>>) target_semaphore(%run_scoped3A : memref<!tpu.dma_semaphore, #tpu.memory_space<semaphore_mem>>)
      %dma_wait3A_178 = arith.constant 0 : i32
      %dma_wait3A_179 = tpu.memref_slice %arg6[%arg0, %add3A_172, %dma_wait3A_178] : memref<2x10240x128xf32, #tpu.memory_space<hbm>> -> memref<1x128x128xf32, #tpu.memory_space<hbm>>
      %dma_wait3A_180 = tpu.memref_squeeze %dma_wait3A_179 : memref<1x128x128xf32, #tpu.memory_space<hbm>> -> memref<128x128xf32, #tpu.memory_space<hbm>>
      %dma_wait3A_181 = arith.constant 0 : i32
      %dma_wait3A_182 = tpu.memref_slice %arg19[%add3A_172, %dma_wait3A_181] : memref<10240x128xf32, #tpu.memory_space<vmem_shared>> -> memref<128x128xf32, #tpu.memory_space<vmem_shared>>
      tpu.wait_dma2 semaphore(%run_scoped3A : memref<!tpu.dma_semaphore, #tpu.memory_space<semaphore_mem>>) src(%dma_wait3A_182 : memref<128x128xf32, #tpu.memory_space<vmem_shared>>) dst(%dma_wait3A_180 : memref<128x128xf32, #tpu.memory_space<hbm>>)
      tpu.yield
    }) : () -> ()
    return
  }
}

#map = affine_map<(d0, d1) -> (0, 0)>
#map1 = affine_map<(d0, d1) -> (0, 0, 0)>
module attributes {stable_mosaic.version = 14 : i64} {
  func.func @_edge_kernel(%arg0: i32, %arg1: i32, %arg2: memref<10000x128xf32, #tpu.memory_space<hbm>>, %arg3: memref<32x160x64xi32, #tpu.memory_space<hbm>>, %arg4: memref<32x160x64xi32, #tpu.memory_space<hbm>>, %arg5: memref<64x128xf32, #tpu.memory_space<hbm>>, %arg6: memref<2x10240x128xf32, #tpu.memory_space<hbm>>, %arg7: memref<64xi32, #tpu.memory_space<vmem>>, %arg8: memref<64xi32, #tpu.memory_space<vmem>>, %arg9: memref<64xi32, #tpu.memory_space<vmem>>, %arg10: memref<64xi32, #tpu.memory_space<vmem>>, %arg11: memref<64xi32, #tpu.memory_space<vmem>>, %arg12: memref<64xi32, #tpu.memory_space<vmem>>, %arg13: memref<64xi32, #tpu.memory_space<vmem>>, %arg14: memref<64xi32, #tpu.memory_space<vmem>>, %arg15: memref<64x128xf32, #tpu.memory_space<vmem>>, %arg16: memref<64x128xf32, #tpu.memory_space<vmem>>, %arg17: memref<64x128xf32, #tpu.memory_space<vmem>>, %arg18: memref<64x128xf32, #tpu.memory_space<vmem>>, %arg19: memref<10240x128xf32, #tpu.memory_space<vmem_shared>>, %arg20: memref<!tpu.dma_semaphore, #tpu.memory_space<semaphore_mem>>, %arg21: memref<!tpu.dma_semaphore, #tpu.memory_space<semaphore_mem>>, %arg22: memref<!tpu.dma_semaphore, #tpu.memory_space<semaphore_mem>>, %arg23: memref<!tpu.dma_semaphore, #tpu.memory_space<semaphore_mem>>, %arg24: memref<!tpu.dma_semaphore, #tpu.memory_space<semaphore_mem>>, %arg25: memref<!tpu.dma_semaphore, #tpu.memory_space<semaphore_mem>>, %arg26: memref<!tpu.dma_semaphore, #tpu.memory_space<semaphore_mem>>, %arg27: memref<!tpu.dma_semaphore, #tpu.memory_space<semaphore_mem>>, %arg28: memref<!tpu.dma_semaphore, #tpu.memory_space<semaphore_mem>>, %arg29: memref<!tpu.dma_semaphore, #tpu.memory_space<semaphore_mem>>, %arg30: memref<!tpu.dma_semaphore, #tpu.memory_space<semaphore_mem>>, %arg31: memref<!tpu.dma_semaphore, #tpu.memory_space<semaphore_mem>>, %arg32: memref<!tpu.dma_semaphore, #tpu.memory_space<semaphore_mem>>, %arg33: memref<!tpu.dma_semaphore, #tpu.memory_space<semaphore_mem>>, %arg34: memref<!tpu.dma_semaphore, #tpu.memory_space<semaphore_mem>>, %arg35: memref<!tpu.dma_semaphore, #tpu.memory_space<semaphore_mem>>) attributes {dimension_semantics = [#tpu.dimension_semantics<core_parallel>, #tpu.dimension_semantics<subcore_parallel>], iteration_bounds = array<i64: 2, 16>, scalar_prefetch = 0 : i64, scratch_operands = 29 : i64, tpu.core_type = #tpu.core_type<sc_vector_subcore>, window_params = [{transform_indices = #map}, {transform_indices = #map1}, {transform_indices = #map1}, {transform_indices = #map}, {transform_indices = #map1}]} {
    %mul3A = arith.constant 2 : i32
    %mul3A_0 = arith.muli %arg1, %mul3A : i32
    %add3A = arith.addi %mul3A_0, %arg0 : i32
    "tpu.region"() ({
      %run_scoped3A = tpu.sem_alloc : memref<!tpu.dma_semaphore, #tpu.memory_space<semaphore_mem>>
      tpu.enqueue_dma source(%arg5 : memref<64x128xf32, #tpu.memory_space<hbm>>) target(%arg15 : memref<64x128xf32, #tpu.memory_space<vmem>>) target_semaphore(%run_scoped3A : memref<!tpu.dma_semaphore, #tpu.memory_space<semaphore_mem>>)
      tpu.wait_dma2 semaphore(%run_scoped3A : memref<!tpu.dma_semaphore, #tpu.memory_space<semaphore_mem>>) src(%arg5 : memref<64x128xf32, #tpu.memory_space<hbm>>) dst(%arg15 : memref<64x128xf32, #tpu.memory_space<vmem>>)
      tpu.yield
    }) : () -> ()
    %mul3A_1 = arith.constant 640 : i32
    %mul3A_2 = arith.muli %arg1, %mul3A_1 : i32
    %add3A_3 = arith.constant 0 : i32
    %add3A_4 = arith.addi %mul3A_2, %add3A_3 : i32
    "tpu.region"() ({
      %run_scoped3A = tpu.sem_alloc : memref<!tpu.dma_semaphore, #tpu.memory_space<semaphore_mem>>
      %dma_start3A_173 = arith.constant 0 : i32
      %dma_start3A_174 = tpu.memref_slice %arg19[%add3A_4, %dma_start3A_173] : memref<10240x128xf32, #tpu.memory_space<vmem_shared>> -> memref<64x128xf32, #tpu.memory_space<vmem_shared>>
      %dma_start3A_175 = arith.constant 0 : i32
      %dma_start3A_176 = tpu.memref_slice %arg19[%add3A_4, %dma_start3A_175] : memref<10240x128xf32, #tpu.memory_space<vmem_shared>> -> memref<64x128xf32, #tpu.memory_space<vmem_shared>>
      tpu.enqueue_dma source(%arg15 : memref<64x128xf32, #tpu.memory_space<vmem>>) target(%dma_start3A_176 : memref<64x128xf32, #tpu.memory_space<vmem_shared>>) target_semaphore(%run_scoped3A : memref<!tpu.dma_semaphore, #tpu.memory_space<semaphore_mem>>)
      %dma_wait3A_177 = arith.constant 0 : i32
      %dma_wait3A_178 = tpu.memref_slice %arg19[%add3A_4, %dma_wait3A_177] : memref<10240x128xf32, #tpu.memory_space<vmem_shared>> -> memref<64x128xf32, #tpu.memory_space<vmem_shared>>
      %dma_wait3A_179 = arith.constant 0 : i32
      %dma_wait3A_180 = tpu.memref_slice %arg19[%add3A_4, %dma_wait3A_179] : memref<10240x128xf32, #tpu.memory_space<vmem_shared>> -> memref<64x128xf32, #tpu.memory_space<vmem_shared>>
      tpu.wait_dma2 semaphore(%run_scoped3A : memref<!tpu.dma_semaphore, #tpu.memory_space<semaphore_mem>>) src(%arg15 : memref<64x128xf32, #tpu.memory_space<vmem>>) dst(%dma_wait3A_180 : memref<64x128xf32, #tpu.memory_space<vmem_shared>>)
      tpu.yield
    }) : () -> ()
    %mul3A_5 = arith.constant 640 : i32
    %mul3A_6 = arith.muli %arg1, %mul3A_5 : i32
    %add3A_7 = arith.constant 64 : i32
    %add3A_8 = arith.addi %mul3A_6, %add3A_7 : i32
    "tpu.region"() ({
      %run_scoped3A = tpu.sem_alloc : memref<!tpu.dma_semaphore, #tpu.memory_space<semaphore_mem>>
      %dma_start3A_173 = arith.constant 0 : i32
      %dma_start3A_174 = tpu.memref_slice %arg19[%add3A_8, %dma_start3A_173] : memref<10240x128xf32, #tpu.memory_space<vmem_shared>> -> memref<64x128xf32, #tpu.memory_space<vmem_shared>>
      %dma_start3A_175 = arith.constant 0 : i32
      %dma_start3A_176 = tpu.memref_slice %arg19[%add3A_8, %dma_start3A_175] : memref<10240x128xf32, #tpu.memory_space<vmem_shared>> -> memref<64x128xf32, #tpu.memory_space<vmem_shared>>
      tpu.enqueue_dma source(%arg15 : memref<64x128xf32, #tpu.memory_space<vmem>>) target(%dma_start3A_176 : memref<64x128xf32, #tpu.memory_space<vmem_shared>>) target_semaphore(%run_scoped3A : memref<!tpu.dma_semaphore, #tpu.memory_space<semaphore_mem>>)
      %dma_wait3A_177 = arith.constant 0 : i32
      %dma_wait3A_178 = tpu.memref_slice %arg19[%add3A_8, %dma_wait3A_177] : memref<10240x128xf32, #tpu.memory_space<vmem_shared>> -> memref<64x128xf32, #tpu.memory_space<vmem_shared>>
      %dma_wait3A_179 = arith.constant 0 : i32
      %dma_wait3A_180 = tpu.memref_slice %arg19[%add3A_8, %dma_wait3A_179] : memref<10240x128xf32, #tpu.memory_space<vmem_shared>> -> memref<64x128xf32, #tpu.memory_space<vmem_shared>>
      tpu.wait_dma2 semaphore(%run_scoped3A : memref<!tpu.dma_semaphore, #tpu.memory_space<semaphore_mem>>) src(%arg15 : memref<64x128xf32, #tpu.memory_space<vmem>>) dst(%dma_wait3A_180 : memref<64x128xf32, #tpu.memory_space<vmem_shared>>)
      tpu.yield
    }) : () -> ()
    %mul3A_9 = arith.constant 640 : i32
    %mul3A_10 = arith.muli %arg1, %mul3A_9 : i32
    %add3A_11 = arith.constant 128 : i32
    %add3A_12 = arith.addi %mul3A_10, %add3A_11 : i32
    "tpu.region"() ({
      %run_scoped3A = tpu.sem_alloc : memref<!tpu.dma_semaphore, #tpu.memory_space<semaphore_mem>>
      %dma_start3A_173 = arith.constant 0 : i32
      %dma_start3A_174 = tpu.memref_slice %arg19[%add3A_12, %dma_start3A_173] : memref<10240x128xf32, #tpu.memory_space<vmem_shared>> -> memref<64x128xf32, #tpu.memory_space<vmem_shared>>
      %dma_start3A_175 = arith.constant 0 : i32
      %dma_start3A_176 = tpu.memref_slice %arg19[%add3A_12, %dma_start3A_175] : memref<10240x128xf32, #tpu.memory_space<vmem_shared>> -> memref<64x128xf32, #tpu.memory_space<vmem_shared>>
      tpu.enqueue_dma source(%arg15 : memref<64x128xf32, #tpu.memory_space<vmem>>) target(%dma_start3A_176 : memref<64x128xf32, #tpu.memory_space<vmem_shared>>) target_semaphore(%run_scoped3A : memref<!tpu.dma_semaphore, #tpu.memory_space<semaphore_mem>>)
      %dma_wait3A_177 = arith.constant 0 : i32
      %dma_wait3A_178 = tpu.memref_slice %arg19[%add3A_12, %dma_wait3A_177] : memref<10240x128xf32, #tpu.memory_space<vmem_shared>> -> memref<64x128xf32, #tpu.memory_space<vmem_shared>>
      %dma_wait3A_179 = arith.constant 0 : i32
      %dma_wait3A_180 = tpu.memref_slice %arg19[%add3A_12, %dma_wait3A_179] : memref<10240x128xf32, #tpu.memory_space<vmem_shared>> -> memref<64x128xf32, #tpu.memory_space<vmem_shared>>
      tpu.wait_dma2 semaphore(%run_scoped3A : memref<!tpu.dma_semaphore, #tpu.memory_space<semaphore_mem>>) src(%arg15 : memref<64x128xf32, #tpu.memory_space<vmem>>) dst(%dma_wait3A_180 : memref<64x128xf32, #tpu.memory_space<vmem_shared>>)
      tpu.yield
    }) : () -> ()
    %mul3A_13 = arith.constant 640 : i32
    %mul3A_14 = arith.muli %arg1, %mul3A_13 : i32
    %add3A_15 = arith.constant 192 : i32
    %add3A_16 = arith.addi %mul3A_14, %add3A_15 : i32
    "tpu.region"() ({
      %run_scoped3A = tpu.sem_alloc : memref<!tpu.dma_semaphore, #tpu.memory_space<semaphore_mem>>
      %dma_start3A_173 = arith.constant 0 : i32
      %dma_start3A_174 = tpu.memref_slice %arg19[%add3A_16, %dma_start3A_173] : memref<10240x128xf32, #tpu.memory_space<vmem_shared>> -> memref<64x128xf32, #tpu.memory_space<vmem_shared>>
      %dma_start3A_175 = arith.constant 0 : i32
      %dma_start3A_176 = tpu.memref_slice %arg19[%add3A_16, %dma_start3A_175] : memref<10240x128xf32, #tpu.memory_space<vmem_shared>> -> memref<64x128xf32, #tpu.memory_space<vmem_shared>>
      tpu.enqueue_dma source(%arg15 : memref<64x128xf32, #tpu.memory_space<vmem>>) target(%dma_start3A_176 : memref<64x128xf32, #tpu.memory_space<vmem_shared>>) target_semaphore(%run_scoped3A : memref<!tpu.dma_semaphore, #tpu.memory_space<semaphore_mem>>)
      %dma_wait3A_177 = arith.constant 0 : i32
      %dma_wait3A_178 = tpu.memref_slice %arg19[%add3A_16, %dma_wait3A_177] : memref<10240x128xf32, #tpu.memory_space<vmem_shared>> -> memref<64x128xf32, #tpu.memory_space<vmem_shared>>
      %dma_wait3A_179 = arith.constant 0 : i32
      %dma_wait3A_180 = tpu.memref_slice %arg19[%add3A_16, %dma_wait3A_179] : memref<10240x128xf32, #tpu.memory_space<vmem_shared>> -> memref<64x128xf32, #tpu.memory_space<vmem_shared>>
      tpu.wait_dma2 semaphore(%run_scoped3A : memref<!tpu.dma_semaphore, #tpu.memory_space<semaphore_mem>>) src(%arg15 : memref<64x128xf32, #tpu.memory_space<vmem>>) dst(%dma_wait3A_180 : memref<64x128xf32, #tpu.memory_space<vmem_shared>>)
      tpu.yield
    }) : () -> ()
    %mul3A_17 = arith.constant 640 : i32
    %mul3A_18 = arith.muli %arg1, %mul3A_17 : i32
    %add3A_19 = arith.constant 256 : i32
    %add3A_20 = arith.addi %mul3A_18, %add3A_19 : i32
    "tpu.region"() ({
      %run_scoped3A = tpu.sem_alloc : memref<!tpu.dma_semaphore, #tpu.memory_space<semaphore_mem>>
      %dma_start3A_173 = arith.constant 0 : i32
      %dma_start3A_174 = tpu.memref_slice %arg19[%add3A_20, %dma_start3A_173] : memref<10240x128xf32, #tpu.memory_space<vmem_shared>> -> memref<64x128xf32, #tpu.memory_space<vmem_shared>>
      %dma_start3A_175 = arith.constant 0 : i32
      %dma_start3A_176 = tpu.memref_slice %arg19[%add3A_20, %dma_start3A_175] : memref<10240x128xf32, #tpu.memory_space<vmem_shared>> -> memref<64x128xf32, #tpu.memory_space<vmem_shared>>
      tpu.enqueue_dma source(%arg15 : memref<64x128xf32, #tpu.memory_space<vmem>>) target(%dma_start3A_176 : memref<64x128xf32, #tpu.memory_space<vmem_shared>>) target_semaphore(%run_scoped3A : memref<!tpu.dma_semaphore, #tpu.memory_space<semaphore_mem>>)
      %dma_wait3A_177 = arith.constant 0 : i32
      %dma_wait3A_178 = tpu.memref_slice %arg19[%add3A_20, %dma_wait3A_177] : memref<10240x128xf32, #tpu.memory_space<vmem_shared>> -> memref<64x128xf32, #tpu.memory_space<vmem_shared>>
      %dma_wait3A_179 = arith.constant 0 : i32
      %dma_wait3A_180 = tpu.memref_slice %arg19[%add3A_20, %dma_wait3A_179] : memref<10240x128xf32, #tpu.memory_space<vmem_shared>> -> memref<64x128xf32, #tpu.memory_space<vmem_shared>>
      tpu.wait_dma2 semaphore(%run_scoped3A : memref<!tpu.dma_semaphore, #tpu.memory_space<semaphore_mem>>) src(%arg15 : memref<64x128xf32, #tpu.memory_space<vmem>>) dst(%dma_wait3A_180 : memref<64x128xf32, #tpu.memory_space<vmem_shared>>)
      tpu.yield
    }) : () -> ()
    %mul3A_21 = arith.constant 640 : i32
    %mul3A_22 = arith.muli %arg1, %mul3A_21 : i32
    %add3A_23 = arith.constant 320 : i32
    %add3A_24 = arith.addi %mul3A_22, %add3A_23 : i32
    "tpu.region"() ({
      %run_scoped3A = tpu.sem_alloc : memref<!tpu.dma_semaphore, #tpu.memory_space<semaphore_mem>>
      %dma_start3A_173 = arith.constant 0 : i32
      %dma_start3A_174 = tpu.memref_slice %arg19[%add3A_24, %dma_start3A_173] : memref<10240x128xf32, #tpu.memory_space<vmem_shared>> -> memref<64x128xf32, #tpu.memory_space<vmem_shared>>
      %dma_start3A_175 = arith.constant 0 : i32
      %dma_start3A_176 = tpu.memref_slice %arg19[%add3A_24, %dma_start3A_175] : memref<10240x128xf32, #tpu.memory_space<vmem_shared>> -> memref<64x128xf32, #tpu.memory_space<vmem_shared>>
      tpu.enqueue_dma source(%arg15 : memref<64x128xf32, #tpu.memory_space<vmem>>) target(%dma_start3A_176 : memref<64x128xf32, #tpu.memory_space<vmem_shared>>) target_semaphore(%run_scoped3A : memref<!tpu.dma_semaphore, #tpu.memory_space<semaphore_mem>>)
      %dma_wait3A_177 = arith.constant 0 : i32
      %dma_wait3A_178 = tpu.memref_slice %arg19[%add3A_24, %dma_wait3A_177] : memref<10240x128xf32, #tpu.memory_space<vmem_shared>> -> memref<64x128xf32, #tpu.memory_space<vmem_shared>>
      %dma_wait3A_179 = arith.constant 0 : i32
      %dma_wait3A_180 = tpu.memref_slice %arg19[%add3A_24, %dma_wait3A_179] : memref<10240x128xf32, #tpu.memory_space<vmem_shared>> -> memref<64x128xf32, #tpu.memory_space<vmem_shared>>
      tpu.wait_dma2 semaphore(%run_scoped3A : memref<!tpu.dma_semaphore, #tpu.memory_space<semaphore_mem>>) src(%arg15 : memref<64x128xf32, #tpu.memory_space<vmem>>) dst(%dma_wait3A_180 : memref<64x128xf32, #tpu.memory_space<vmem_shared>>)
      tpu.yield
    }) : () -> ()
    %mul3A_25 = arith.constant 640 : i32
    %mul3A_26 = arith.muli %arg1, %mul3A_25 : i32
    %add3A_27 = arith.constant 384 : i32
    %add3A_28 = arith.addi %mul3A_26, %add3A_27 : i32
    "tpu.region"() ({
      %run_scoped3A = tpu.sem_alloc : memref<!tpu.dma_semaphore, #tpu.memory_space<semaphore_mem>>
      %dma_start3A_173 = arith.constant 0 : i32
      %dma_start3A_174 = tpu.memref_slice %arg19[%add3A_28, %dma_start3A_173] : memref<10240x128xf32, #tpu.memory_space<vmem_shared>> -> memref<64x128xf32, #tpu.memory_space<vmem_shared>>
      %dma_start3A_175 = arith.constant 0 : i32
      %dma_start3A_176 = tpu.memref_slice %arg19[%add3A_28, %dma_start3A_175] : memref<10240x128xf32, #tpu.memory_space<vmem_shared>> -> memref<64x128xf32, #tpu.memory_space<vmem_shared>>
      tpu.enqueue_dma source(%arg15 : memref<64x128xf32, #tpu.memory_space<vmem>>) target(%dma_start3A_176 : memref<64x128xf32, #tpu.memory_space<vmem_shared>>) target_semaphore(%run_scoped3A : memref<!tpu.dma_semaphore, #tpu.memory_space<semaphore_mem>>)
      %dma_wait3A_177 = arith.constant 0 : i32
      %dma_wait3A_178 = tpu.memref_slice %arg19[%add3A_28, %dma_wait3A_177] : memref<10240x128xf32, #tpu.memory_space<vmem_shared>> -> memref<64x128xf32, #tpu.memory_space<vmem_shared>>
      %dma_wait3A_179 = arith.constant 0 : i32
      %dma_wait3A_180 = tpu.memref_slice %arg19[%add3A_28, %dma_wait3A_179] : memref<10240x128xf32, #tpu.memory_space<vmem_shared>> -> memref<64x128xf32, #tpu.memory_space<vmem_shared>>
      tpu.wait_dma2 semaphore(%run_scoped3A : memref<!tpu.dma_semaphore, #tpu.memory_space<semaphore_mem>>) src(%arg15 : memref<64x128xf32, #tpu.memory_space<vmem>>) dst(%dma_wait3A_180 : memref<64x128xf32, #tpu.memory_space<vmem_shared>>)
      tpu.yield
    }) : () -> ()
    %mul3A_29 = arith.constant 640 : i32
    %mul3A_30 = arith.muli %arg1, %mul3A_29 : i32
    %add3A_31 = arith.constant 448 : i32
    %add3A_32 = arith.addi %mul3A_30, %add3A_31 : i32
    "tpu.region"() ({
      %run_scoped3A = tpu.sem_alloc : memref<!tpu.dma_semaphore, #tpu.memory_space<semaphore_mem>>
      %dma_start3A_173 = arith.constant 0 : i32
      %dma_start3A_174 = tpu.memref_slice %arg19[%add3A_32, %dma_start3A_173] : memref<10240x128xf32, #tpu.memory_space<vmem_shared>> -> memref<64x128xf32, #tpu.memory_space<vmem_shared>>
      %dma_start3A_175 = arith.constant 0 : i32
      %dma_start3A_176 = tpu.memref_slice %arg19[%add3A_32, %dma_start3A_175] : memref<10240x128xf32, #tpu.memory_space<vmem_shared>> -> memref<64x128xf32, #tpu.memory_space<vmem_shared>>
      tpu.enqueue_dma source(%arg15 : memref<64x128xf32, #tpu.memory_space<vmem>>) target(%dma_start3A_176 : memref<64x128xf32, #tpu.memory_space<vmem_shared>>) target_semaphore(%run_scoped3A : memref<!tpu.dma_semaphore, #tpu.memory_space<semaphore_mem>>)
      %dma_wait3A_177 = arith.constant 0 : i32
      %dma_wait3A_178 = tpu.memref_slice %arg19[%add3A_32, %dma_wait3A_177] : memref<10240x128xf32, #tpu.memory_space<vmem_shared>> -> memref<64x128xf32, #tpu.memory_space<vmem_shared>>
      %dma_wait3A_179 = arith.constant 0 : i32
      %dma_wait3A_180 = tpu.memref_slice %arg19[%add3A_32, %dma_wait3A_179] : memref<10240x128xf32, #tpu.memory_space<vmem_shared>> -> memref<64x128xf32, #tpu.memory_space<vmem_shared>>
      tpu.wait_dma2 semaphore(%run_scoped3A : memref<!tpu.dma_semaphore, #tpu.memory_space<semaphore_mem>>) src(%arg15 : memref<64x128xf32, #tpu.memory_space<vmem>>) dst(%dma_wait3A_180 : memref<64x128xf32, #tpu.memory_space<vmem_shared>>)
      tpu.yield
    }) : () -> ()
    %mul3A_33 = arith.constant 640 : i32
    %mul3A_34 = arith.muli %arg1, %mul3A_33 : i32
    %add3A_35 = arith.constant 512 : i32
    %add3A_36 = arith.addi %mul3A_34, %add3A_35 : i32
    "tpu.region"() ({
      %run_scoped3A = tpu.sem_alloc : memref<!tpu.dma_semaphore, #tpu.memory_space<semaphore_mem>>
      %dma_start3A_173 = arith.constant 0 : i32
      %dma_start3A_174 = tpu.memref_slice %arg19[%add3A_36, %dma_start3A_173] : memref<10240x128xf32, #tpu.memory_space<vmem_shared>> -> memref<64x128xf32, #tpu.memory_space<vmem_shared>>
      %dma_start3A_175 = arith.constant 0 : i32
      %dma_start3A_176 = tpu.memref_slice %arg19[%add3A_36, %dma_start3A_175] : memref<10240x128xf32, #tpu.memory_space<vmem_shared>> -> memref<64x128xf32, #tpu.memory_space<vmem_shared>>
      tpu.enqueue_dma source(%arg15 : memref<64x128xf32, #tpu.memory_space<vmem>>) target(%dma_start3A_176 : memref<64x128xf32, #tpu.memory_space<vmem_shared>>) target_semaphore(%run_scoped3A : memref<!tpu.dma_semaphore, #tpu.memory_space<semaphore_mem>>)
      %dma_wait3A_177 = arith.constant 0 : i32
      %dma_wait3A_178 = tpu.memref_slice %arg19[%add3A_36, %dma_wait3A_177] : memref<10240x128xf32, #tpu.memory_space<vmem_shared>> -> memref<64x128xf32, #tpu.memory_space<vmem_shared>>
      %dma_wait3A_179 = arith.constant 0 : i32
      %dma_wait3A_180 = tpu.memref_slice %arg19[%add3A_36, %dma_wait3A_179] : memref<10240x128xf32, #tpu.memory_space<vmem_shared>> -> memref<64x128xf32, #tpu.memory_space<vmem_shared>>
      tpu.wait_dma2 semaphore(%run_scoped3A : memref<!tpu.dma_semaphore, #tpu.memory_space<semaphore_mem>>) src(%arg15 : memref<64x128xf32, #tpu.memory_space<vmem>>) dst(%dma_wait3A_180 : memref<64x128xf32, #tpu.memory_space<vmem_shared>>)
      tpu.yield
    }) : () -> ()
    %mul3A_37 = arith.constant 640 : i32
    %mul3A_38 = arith.muli %arg1, %mul3A_37 : i32
    %add3A_39 = arith.constant 576 : i32
    %add3A_40 = arith.addi %mul3A_38, %add3A_39 : i32
    "tpu.region"() ({
      %run_scoped3A = tpu.sem_alloc : memref<!tpu.dma_semaphore, #tpu.memory_space<semaphore_mem>>
      %dma_start3A_173 = arith.constant 0 : i32
      %dma_start3A_174 = tpu.memref_slice %arg19[%add3A_40, %dma_start3A_173] : memref<10240x128xf32, #tpu.memory_space<vmem_shared>> -> memref<64x128xf32, #tpu.memory_space<vmem_shared>>
      %dma_start3A_175 = arith.constant 0 : i32
      %dma_start3A_176 = tpu.memref_slice %arg19[%add3A_40, %dma_start3A_175] : memref<10240x128xf32, #tpu.memory_space<vmem_shared>> -> memref<64x128xf32, #tpu.memory_space<vmem_shared>>
      tpu.enqueue_dma source(%arg15 : memref<64x128xf32, #tpu.memory_space<vmem>>) target(%dma_start3A_176 : memref<64x128xf32, #tpu.memory_space<vmem_shared>>) target_semaphore(%run_scoped3A : memref<!tpu.dma_semaphore, #tpu.memory_space<semaphore_mem>>)
      %dma_wait3A_177 = arith.constant 0 : i32
      %dma_wait3A_178 = tpu.memref_slice %arg19[%add3A_40, %dma_wait3A_177] : memref<10240x128xf32, #tpu.memory_space<vmem_shared>> -> memref<64x128xf32, #tpu.memory_space<vmem_shared>>
      %dma_wait3A_179 = arith.constant 0 : i32
      %dma_wait3A_180 = tpu.memref_slice %arg19[%add3A_40, %dma_wait3A_179] : memref<10240x128xf32, #tpu.memory_space<vmem_shared>> -> memref<64x128xf32, #tpu.memory_space<vmem_shared>>
      tpu.wait_dma2 semaphore(%run_scoped3A : memref<!tpu.dma_semaphore, #tpu.memory_space<semaphore_mem>>) src(%arg15 : memref<64x128xf32, #tpu.memory_space<vmem>>) dst(%dma_wait3A_180 : memref<64x128xf32, #tpu.memory_space<vmem_shared>>)
      tpu.yield
    }) : () -> ()
    %barrier3A = arith.constant 0 : index
    tpu.barrier barrier_id(%barrier3A)
    %mul3A_41 = arith.constant 640 : i32
    %mul3A_42 = arith.muli %arg1, %mul3A_41 : i32
    %add3A_43 = arith.constant 0 : i32
    %add3A_44 = arith.addi %mul3A_42, %add3A_43 : i32
    "tpu.region"() ({
      %run_scoped3A = tpu.sem_alloc : memref<!tpu.dma_semaphore, #tpu.memory_space<semaphore_mem>>
      %dma_start3A_173 = arith.constant 0 : i32
      %dma_start3A_174 = tpu.memref_slice %arg19[%add3A_44, %dma_start3A_173] : memref<10240x128xf32, #tpu.memory_space<vmem_shared>> -> memref<64x128xf32, #tpu.memory_space<vmem_shared>>
      %dma_start3A_175 = arith.constant 0 : i32
      %dma_start3A_176 = tpu.memref_slice %arg19[%add3A_44, %dma_start3A_175] : memref<10240x128xf32, #tpu.memory_space<vmem_shared>> -> memref<64x128xf32, #tpu.memory_space<vmem_shared>>
      tpu.enqueue_dma source(%arg15 : memref<64x128xf32, #tpu.memory_space<vmem>>) target(%dma_start3A_176 : memref<64x128xf32, #tpu.memory_space<vmem_shared>>) target_semaphore(%run_scoped3A : memref<!tpu.dma_semaphore, #tpu.memory_space<semaphore_mem>>)
      %dma_wait3A_177 = arith.constant 0 : i32
      %dma_wait3A_178 = tpu.memref_slice %arg19[%add3A_44, %dma_wait3A_177] : memref<10240x128xf32, #tpu.memory_space<vmem_shared>> -> memref<64x128xf32, #tpu.memory_space<vmem_shared>>
      %dma_wait3A_179 = arith.constant 0 : i32
      %dma_wait3A_180 = tpu.memref_slice %arg19[%add3A_44, %dma_wait3A_179] : memref<10240x128xf32, #tpu.memory_space<vmem_shared>> -> memref<64x128xf32, #tpu.memory_space<vmem_shared>>
      tpu.wait_dma2 semaphore(%run_scoped3A : memref<!tpu.dma_semaphore, #tpu.memory_space<semaphore_mem>>) src(%arg15 : memref<64x128xf32, #tpu.memory_space<vmem>>) dst(%dma_wait3A_180 : memref<64x128xf32, #tpu.memory_space<vmem_shared>>)
      tpu.yield
    }) : () -> ()
    %mul3A_45 = arith.constant 640 : i32
    %mul3A_46 = arith.muli %arg1, %mul3A_45 : i32
    %add3A_47 = arith.constant 64 : i32
    %add3A_48 = arith.addi %mul3A_46, %add3A_47 : i32
    "tpu.region"() ({
      %run_scoped3A = tpu.sem_alloc : memref<!tpu.dma_semaphore, #tpu.memory_space<semaphore_mem>>
      %dma_start3A_173 = arith.constant 0 : i32
      %dma_start3A_174 = tpu.memref_slice %arg19[%add3A_48, %dma_start3A_173] : memref<10240x128xf32, #tpu.memory_space<vmem_shared>> -> memref<64x128xf32, #tpu.memory_space<vmem_shared>>
      %dma_start3A_175 = arith.constant 0 : i32
      %dma_start3A_176 = tpu.memref_slice %arg19[%add3A_48, %dma_start3A_175] : memref<10240x128xf32, #tpu.memory_space<vmem_shared>> -> memref<64x128xf32, #tpu.memory_space<vmem_shared>>
      tpu.enqueue_dma source(%arg15 : memref<64x128xf32, #tpu.memory_space<vmem>>) target(%dma_start3A_176 : memref<64x128xf32, #tpu.memory_space<vmem_shared>>) target_semaphore(%run_scoped3A : memref<!tpu.dma_semaphore, #tpu.memory_space<semaphore_mem>>)
      %dma_wait3A_177 = arith.constant 0 : i32
      %dma_wait3A_178 = tpu.memref_slice %arg19[%add3A_48, %dma_wait3A_177] : memref<10240x128xf32, #tpu.memory_space<vmem_shared>> -> memref<64x128xf32, #tpu.memory_space<vmem_shared>>
      %dma_wait3A_179 = arith.constant 0 : i32
      %dma_wait3A_180 = tpu.memref_slice %arg19[%add3A_48, %dma_wait3A_179] : memref<10240x128xf32, #tpu.memory_space<vmem_shared>> -> memref<64x128xf32, #tpu.memory_space<vmem_shared>>
      tpu.wait_dma2 semaphore(%run_scoped3A : memref<!tpu.dma_semaphore, #tpu.memory_space<semaphore_mem>>) src(%arg15 : memref<64x128xf32, #tpu.memory_space<vmem>>) dst(%dma_wait3A_180 : memref<64x128xf32, #tpu.memory_space<vmem_shared>>)
      tpu.yield
    }) : () -> ()
    %mul3A_49 = arith.constant 640 : i32
    %mul3A_50 = arith.muli %arg1, %mul3A_49 : i32
    %add3A_51 = arith.constant 128 : i32
    %add3A_52 = arith.addi %mul3A_50, %add3A_51 : i32
    "tpu.region"() ({
      %run_scoped3A = tpu.sem_alloc : memref<!tpu.dma_semaphore, #tpu.memory_space<semaphore_mem>>
      %dma_start3A_173 = arith.constant 0 : i32
      %dma_start3A_174 = tpu.memref_slice %arg19[%add3A_52, %dma_start3A_173] : memref<10240x128xf32, #tpu.memory_space<vmem_shared>> -> memref<64x128xf32, #tpu.memory_space<vmem_shared>>
      %dma_start3A_175 = arith.constant 0 : i32
      %dma_start3A_176 = tpu.memref_slice %arg19[%add3A_52, %dma_start3A_175] : memref<10240x128xf32, #tpu.memory_space<vmem_shared>> -> memref<64x128xf32, #tpu.memory_space<vmem_shared>>
      tpu.enqueue_dma source(%arg15 : memref<64x128xf32, #tpu.memory_space<vmem>>) target(%dma_start3A_176 : memref<64x128xf32, #tpu.memory_space<vmem_shared>>) target_semaphore(%run_scoped3A : memref<!tpu.dma_semaphore, #tpu.memory_space<semaphore_mem>>)
      %dma_wait3A_177 = arith.constant 0 : i32
      %dma_wait3A_178 = tpu.memref_slice %arg19[%add3A_52, %dma_wait3A_177] : memref<10240x128xf32, #tpu.memory_space<vmem_shared>> -> memref<64x128xf32, #tpu.memory_space<vmem_shared>>
      %dma_wait3A_179 = arith.constant 0 : i32
      %dma_wait3A_180 = tpu.memref_slice %arg19[%add3A_52, %dma_wait3A_179] : memref<10240x128xf32, #tpu.memory_space<vmem_shared>> -> memref<64x128xf32, #tpu.memory_space<vmem_shared>>
      tpu.wait_dma2 semaphore(%run_scoped3A : memref<!tpu.dma_semaphore, #tpu.memory_space<semaphore_mem>>) src(%arg15 : memref<64x128xf32, #tpu.memory_space<vmem>>) dst(%dma_wait3A_180 : memref<64x128xf32, #tpu.memory_space<vmem_shared>>)
      tpu.yield
    }) : () -> ()
    %mul3A_53 = arith.constant 640 : i32
    %mul3A_54 = arith.muli %arg1, %mul3A_53 : i32
    %add3A_55 = arith.constant 192 : i32
    %add3A_56 = arith.addi %mul3A_54, %add3A_55 : i32
    "tpu.region"() ({
      %run_scoped3A = tpu.sem_alloc : memref<!tpu.dma_semaphore, #tpu.memory_space<semaphore_mem>>
      %dma_start3A_173 = arith.constant 0 : i32
      %dma_start3A_174 = tpu.memref_slice %arg19[%add3A_56, %dma_start3A_173] : memref<10240x128xf32, #tpu.memory_space<vmem_shared>> -> memref<64x128xf32, #tpu.memory_space<vmem_shared>>
      %dma_start3A_175 = arith.constant 0 : i32
      %dma_start3A_176 = tpu.memref_slice %arg19[%add3A_56, %dma_start3A_175] : memref<10240x128xf32, #tpu.memory_space<vmem_shared>> -> memref<64x128xf32, #tpu.memory_space<vmem_shared>>
      tpu.enqueue_dma source(%arg15 : memref<64x128xf32, #tpu.memory_space<vmem>>) target(%dma_start3A_176 : memref<64x128xf32, #tpu.memory_space<vmem_shared>>) target_semaphore(%run_scoped3A : memref<!tpu.dma_semaphore, #tpu.memory_space<semaphore_mem>>)
      %dma_wait3A_177 = arith.constant 0 : i32
      %dma_wait3A_178 = tpu.memref_slice %arg19[%add3A_56, %dma_wait3A_177] : memref<10240x128xf32, #tpu.memory_space<vmem_shared>> -> memref<64x128xf32, #tpu.memory_space<vmem_shared>>
      %dma_wait3A_179 = arith.constant 0 : i32
      %dma_wait3A_180 = tpu.memref_slice %arg19[%add3A_56, %dma_wait3A_179] : memref<10240x128xf32, #tpu.memory_space<vmem_shared>> -> memref<64x128xf32, #tpu.memory_space<vmem_shared>>
      tpu.wait_dma2 semaphore(%run_scoped3A : memref<!tpu.dma_semaphore, #tpu.memory_space<semaphore_mem>>) src(%arg15 : memref<64x128xf32, #tpu.memory_space<vmem>>) dst(%dma_wait3A_180 : memref<64x128xf32, #tpu.memory_space<vmem_shared>>)
      tpu.yield
    }) : () -> ()
    %mul3A_57 = arith.constant 640 : i32
    %mul3A_58 = arith.muli %arg1, %mul3A_57 : i32
    %add3A_59 = arith.constant 256 : i32
    %add3A_60 = arith.addi %mul3A_58, %add3A_59 : i32
    "tpu.region"() ({
      %run_scoped3A = tpu.sem_alloc : memref<!tpu.dma_semaphore, #tpu.memory_space<semaphore_mem>>
      %dma_start3A_173 = arith.constant 0 : i32
      %dma_start3A_174 = tpu.memref_slice %arg19[%add3A_60, %dma_start3A_173] : memref<10240x128xf32, #tpu.memory_space<vmem_shared>> -> memref<64x128xf32, #tpu.memory_space<vmem_shared>>
      %dma_start3A_175 = arith.constant 0 : i32
      %dma_start3A_176 = tpu.memref_slice %arg19[%add3A_60, %dma_start3A_175] : memref<10240x128xf32, #tpu.memory_space<vmem_shared>> -> memref<64x128xf32, #tpu.memory_space<vmem_shared>>
      tpu.enqueue_dma source(%arg15 : memref<64x128xf32, #tpu.memory_space<vmem>>) target(%dma_start3A_176 : memref<64x128xf32, #tpu.memory_space<vmem_shared>>) target_semaphore(%run_scoped3A : memref<!tpu.dma_semaphore, #tpu.memory_space<semaphore_mem>>)
      %dma_wait3A_177 = arith.constant 0 : i32
      %dma_wait3A_178 = tpu.memref_slice %arg19[%add3A_60, %dma_wait3A_177] : memref<10240x128xf32, #tpu.memory_space<vmem_shared>> -> memref<64x128xf32, #tpu.memory_space<vmem_shared>>
      %dma_wait3A_179 = arith.constant 0 : i32
      %dma_wait3A_180 = tpu.memref_slice %arg19[%add3A_60, %dma_wait3A_179] : memref<10240x128xf32, #tpu.memory_space<vmem_shared>> -> memref<64x128xf32, #tpu.memory_space<vmem_shared>>
      tpu.wait_dma2 semaphore(%run_scoped3A : memref<!tpu.dma_semaphore, #tpu.memory_space<semaphore_mem>>) src(%arg15 : memref<64x128xf32, #tpu.memory_space<vmem>>) dst(%dma_wait3A_180 : memref<64x128xf32, #tpu.memory_space<vmem_shared>>)
      tpu.yield
    }) : () -> ()
    %mul3A_61 = arith.constant 640 : i32
    %mul3A_62 = arith.muli %arg1, %mul3A_61 : i32
    %add3A_63 = arith.constant 320 : i32
    %add3A_64 = arith.addi %mul3A_62, %add3A_63 : i32
    "tpu.region"() ({
      %run_scoped3A = tpu.sem_alloc : memref<!tpu.dma_semaphore, #tpu.memory_space<semaphore_mem>>
      %dma_start3A_173 = arith.constant 0 : i32
      %dma_start3A_174 = tpu.memref_slice %arg19[%add3A_64, %dma_start3A_173] : memref<10240x128xf32, #tpu.memory_space<vmem_shared>> -> memref<64x128xf32, #tpu.memory_space<vmem_shared>>
      %dma_start3A_175 = arith.constant 0 : i32
      %dma_start3A_176 = tpu.memref_slice %arg19[%add3A_64, %dma_start3A_175] : memref<10240x128xf32, #tpu.memory_space<vmem_shared>> -> memref<64x128xf32, #tpu.memory_space<vmem_shared>>
      tpu.enqueue_dma source(%arg15 : memref<64x128xf32, #tpu.memory_space<vmem>>) target(%dma_start3A_176 : memref<64x128xf32, #tpu.memory_space<vmem_shared>>) target_semaphore(%run_scoped3A : memref<!tpu.dma_semaphore, #tpu.memory_space<semaphore_mem>>)
      %dma_wait3A_177 = arith.constant 0 : i32
      %dma_wait3A_178 = tpu.memref_slice %arg19[%add3A_64, %dma_wait3A_177] : memref<10240x128xf32, #tpu.memory_space<vmem_shared>> -> memref<64x128xf32, #tpu.memory_space<vmem_shared>>
      %dma_wait3A_179 = arith.constant 0 : i32
      %dma_wait3A_180 = tpu.memref_slice %arg19[%add3A_64, %dma_wait3A_179] : memref<10240x128xf32, #tpu.memory_space<vmem_shared>> -> memref<64x128xf32, #tpu.memory_space<vmem_shared>>
      tpu.wait_dma2 semaphore(%run_scoped3A : memref<!tpu.dma_semaphore, #tpu.memory_space<semaphore_mem>>) src(%arg15 : memref<64x128xf32, #tpu.memory_space<vmem>>) dst(%dma_wait3A_180 : memref<64x128xf32, #tpu.memory_space<vmem_shared>>)
      tpu.yield
    }) : () -> ()
    %mul3A_65 = arith.constant 640 : i32
    %mul3A_66 = arith.muli %arg1, %mul3A_65 : i32
    %add3A_67 = arith.constant 384 : i32
    %add3A_68 = arith.addi %mul3A_66, %add3A_67 : i32
    "tpu.region"() ({
      %run_scoped3A = tpu.sem_alloc : memref<!tpu.dma_semaphore, #tpu.memory_space<semaphore_mem>>
      %dma_start3A_173 = arith.constant 0 : i32
      %dma_start3A_174 = tpu.memref_slice %arg19[%add3A_68, %dma_start3A_173] : memref<10240x128xf32, #tpu.memory_space<vmem_shared>> -> memref<64x128xf32, #tpu.memory_space<vmem_shared>>
      %dma_start3A_175 = arith.constant 0 : i32
      %dma_start3A_176 = tpu.memref_slice %arg19[%add3A_68, %dma_start3A_175] : memref<10240x128xf32, #tpu.memory_space<vmem_shared>> -> memref<64x128xf32, #tpu.memory_space<vmem_shared>>
      tpu.enqueue_dma source(%arg15 : memref<64x128xf32, #tpu.memory_space<vmem>>) target(%dma_start3A_176 : memref<64x128xf32, #tpu.memory_space<vmem_shared>>) target_semaphore(%run_scoped3A : memref<!tpu.dma_semaphore, #tpu.memory_space<semaphore_mem>>)
      %dma_wait3A_177 = arith.constant 0 : i32
      %dma_wait3A_178 = tpu.memref_slice %arg19[%add3A_68, %dma_wait3A_177] : memref<10240x128xf32, #tpu.memory_space<vmem_shared>> -> memref<64x128xf32, #tpu.memory_space<vmem_shared>>
      %dma_wait3A_179 = arith.constant 0 : i32
      %dma_wait3A_180 = tpu.memref_slice %arg19[%add3A_68, %dma_wait3A_179] : memref<10240x128xf32, #tpu.memory_space<vmem_shared>> -> memref<64x128xf32, #tpu.memory_space<vmem_shared>>
      tpu.wait_dma2 semaphore(%run_scoped3A : memref<!tpu.dma_semaphore, #tpu.memory_space<semaphore_mem>>) src(%arg15 : memref<64x128xf32, #tpu.memory_space<vmem>>) dst(%dma_wait3A_180 : memref<64x128xf32, #tpu.memory_space<vmem_shared>>)
      tpu.yield
    }) : () -> ()
    %mul3A_69 = arith.constant 640 : i32
    %mul3A_70 = arith.muli %arg1, %mul3A_69 : i32
    %add3A_71 = arith.constant 448 : i32
    %add3A_72 = arith.addi %mul3A_70, %add3A_71 : i32
    "tpu.region"() ({
      %run_scoped3A = tpu.sem_alloc : memref<!tpu.dma_semaphore, #tpu.memory_space<semaphore_mem>>
      %dma_start3A_173 = arith.constant 0 : i32
      %dma_start3A_174 = tpu.memref_slice %arg19[%add3A_72, %dma_start3A_173] : memref<10240x128xf32, #tpu.memory_space<vmem_shared>> -> memref<64x128xf32, #tpu.memory_space<vmem_shared>>
      %dma_start3A_175 = arith.constant 0 : i32
      %dma_start3A_176 = tpu.memref_slice %arg19[%add3A_72, %dma_start3A_175] : memref<10240x128xf32, #tpu.memory_space<vmem_shared>> -> memref<64x128xf32, #tpu.memory_space<vmem_shared>>
      tpu.enqueue_dma source(%arg15 : memref<64x128xf32, #tpu.memory_space<vmem>>) target(%dma_start3A_176 : memref<64x128xf32, #tpu.memory_space<vmem_shared>>) target_semaphore(%run_scoped3A : memref<!tpu.dma_semaphore, #tpu.memory_space<semaphore_mem>>)
      %dma_wait3A_177 = arith.constant 0 : i32
      %dma_wait3A_178 = tpu.memref_slice %arg19[%add3A_72, %dma_wait3A_177] : memref<10240x128xf32, #tpu.memory_space<vmem_shared>> -> memref<64x128xf32, #tpu.memory_space<vmem_shared>>
      %dma_wait3A_179 = arith.constant 0 : i32
      %dma_wait3A_180 = tpu.memref_slice %arg19[%add3A_72, %dma_wait3A_179] : memref<10240x128xf32, #tpu.memory_space<vmem_shared>> -> memref<64x128xf32, #tpu.memory_space<vmem_shared>>
      tpu.wait_dma2 semaphore(%run_scoped3A : memref<!tpu.dma_semaphore, #tpu.memory_space<semaphore_mem>>) src(%arg15 : memref<64x128xf32, #tpu.memory_space<vmem>>) dst(%dma_wait3A_180 : memref<64x128xf32, #tpu.memory_space<vmem_shared>>)
      tpu.yield
    }) : () -> ()
    %mul3A_73 = arith.constant 640 : i32
    %mul3A_74 = arith.muli %arg1, %mul3A_73 : i32
    %add3A_75 = arith.constant 512 : i32
    %add3A_76 = arith.addi %mul3A_74, %add3A_75 : i32
    "tpu.region"() ({
      %run_scoped3A = tpu.sem_alloc : memref<!tpu.dma_semaphore, #tpu.memory_space<semaphore_mem>>
      %dma_start3A_173 = arith.constant 0 : i32
      %dma_start3A_174 = tpu.memref_slice %arg19[%add3A_76, %dma_start3A_173] : memref<10240x128xf32, #tpu.memory_space<vmem_shared>> -> memref<64x128xf32, #tpu.memory_space<vmem_shared>>
      %dma_start3A_175 = arith.constant 0 : i32
      %dma_start3A_176 = tpu.memref_slice %arg19[%add3A_76, %dma_start3A_175] : memref<10240x128xf32, #tpu.memory_space<vmem_shared>> -> memref<64x128xf32, #tpu.memory_space<vmem_shared>>
      tpu.enqueue_dma source(%arg15 : memref<64x128xf32, #tpu.memory_space<vmem>>) target(%dma_start3A_176 : memref<64x128xf32, #tpu.memory_space<vmem_shared>>) target_semaphore(%run_scoped3A : memref<!tpu.dma_semaphore, #tpu.memory_space<semaphore_mem>>)
      %dma_wait3A_177 = arith.constant 0 : i32
      %dma_wait3A_178 = tpu.memref_slice %arg19[%add3A_76, %dma_wait3A_177] : memref<10240x128xf32, #tpu.memory_space<vmem_shared>> -> memref<64x128xf32, #tpu.memory_space<vmem_shared>>
      %dma_wait3A_179 = arith.constant 0 : i32
      %dma_wait3A_180 = tpu.memref_slice %arg19[%add3A_76, %dma_wait3A_179] : memref<10240x128xf32, #tpu.memory_space<vmem_shared>> -> memref<64x128xf32, #tpu.memory_space<vmem_shared>>
      tpu.wait_dma2 semaphore(%run_scoped3A : memref<!tpu.dma_semaphore, #tpu.memory_space<semaphore_mem>>) src(%arg15 : memref<64x128xf32, #tpu.memory_space<vmem>>) dst(%dma_wait3A_180 : memref<64x128xf32, #tpu.memory_space<vmem_shared>>)
      tpu.yield
    }) : () -> ()
    %mul3A_77 = arith.constant 640 : i32
    %mul3A_78 = arith.muli %arg1, %mul3A_77 : i32
    %add3A_79 = arith.constant 576 : i32
    %add3A_80 = arith.addi %mul3A_78, %add3A_79 : i32
    "tpu.region"() ({
      %run_scoped3A = tpu.sem_alloc : memref<!tpu.dma_semaphore, #tpu.memory_space<semaphore_mem>>
      %dma_start3A_173 = arith.constant 0 : i32
      %dma_start3A_174 = tpu.memref_slice %arg19[%add3A_80, %dma_start3A_173] : memref<10240x128xf32, #tpu.memory_space<vmem_shared>> -> memref<64x128xf32, #tpu.memory_space<vmem_shared>>
      %dma_start3A_175 = arith.constant 0 : i32
      %dma_start3A_176 = tpu.memref_slice %arg19[%add3A_80, %dma_start3A_175] : memref<10240x128xf32, #tpu.memory_space<vmem_shared>> -> memref<64x128xf32, #tpu.memory_space<vmem_shared>>
      tpu.enqueue_dma source(%arg15 : memref<64x128xf32, #tpu.memory_space<vmem>>) target(%dma_start3A_176 : memref<64x128xf32, #tpu.memory_space<vmem_shared>>) target_semaphore(%run_scoped3A : memref<!tpu.dma_semaphore, #tpu.memory_space<semaphore_mem>>)
      %dma_wait3A_177 = arith.constant 0 : i32
      %dma_wait3A_178 = tpu.memref_slice %arg19[%add3A_80, %dma_wait3A_177] : memref<10240x128xf32, #tpu.memory_space<vmem_shared>> -> memref<64x128xf32, #tpu.memory_space<vmem_shared>>
      %dma_wait3A_179 = arith.constant 0 : i32
      %dma_wait3A_180 = tpu.memref_slice %arg19[%add3A_80, %dma_wait3A_179] : memref<10240x128xf32, #tpu.memory_space<vmem_shared>> -> memref<64x128xf32, #tpu.memory_space<vmem_shared>>
      tpu.wait_dma2 semaphore(%run_scoped3A : memref<!tpu.dma_semaphore, #tpu.memory_space<semaphore_mem>>) src(%arg15 : memref<64x128xf32, #tpu.memory_space<vmem>>) dst(%dma_wait3A_180 : memref<64x128xf32, #tpu.memory_space<vmem_shared>>)
      tpu.yield
    }) : () -> ()
    %barrier3A_81 = arith.constant 0 : index
    tpu.barrier barrier_id(%barrier3A_81)
    %dma_start3A = arith.constant 0 : i32
    %dma_start3A_82 = arith.constant 0 : i32
    %dma_start3A_83 = tpu.memref_slice %arg3[%add3A, %dma_start3A, %dma_start3A_82] : memref<32x160x64xi32, #tpu.memory_space<hbm>> -> memref<1x1x64xi32, #tpu.memory_space<hbm>>
    %dma_start3A_84 = tpu.memref_squeeze %dma_start3A_83 : memref<1x1x64xi32, #tpu.memory_space<hbm>> -> memref<64xi32, #tpu.memory_space<hbm>>
    %dma_start3A_85 = arith.constant 0 : i32
    %dma_start3A_86 = tpu.memref_slice %arg3[%add3A, %dma_start3A, %dma_start3A_85] : memref<32x160x64xi32, #tpu.memory_space<hbm>> -> memref<1x1x64xi32, #tpu.memory_space<hbm>>
    %dma_start3A_87 = tpu.memref_squeeze %dma_start3A_86 : memref<1x1x64xi32, #tpu.memory_space<hbm>> -> memref<64xi32, #tpu.memory_space<hbm>>
    tpu.enqueue_dma source(%dma_start3A_87 : memref<64xi32, #tpu.memory_space<hbm>>) target(%arg7 : memref<64xi32, #tpu.memory_space<vmem>>) target_semaphore(%arg28 : memref<!tpu.dma_semaphore, #tpu.memory_space<semaphore_mem>>)
    %dma_start3A_88 = arith.constant 1 : i32
    %dma_start3A_89 = arith.constant 0 : i32
    %dma_start3A_90 = tpu.memref_slice %arg3[%add3A, %dma_start3A_88, %dma_start3A_89] : memref<32x160x64xi32, #tpu.memory_space<hbm>> -> memref<1x1x64xi32, #tpu.memory_space<hbm>>
    %dma_start3A_91 = tpu.memref_squeeze %dma_start3A_90 : memref<1x1x64xi32, #tpu.memory_space<hbm>> -> memref<64xi32, #tpu.memory_space<hbm>>
    %dma_start3A_92 = arith.constant 0 : i32
    %dma_start3A_93 = tpu.memref_slice %arg3[%add3A, %dma_start3A_88, %dma_start3A_92] : memref<32x160x64xi32, #tpu.memory_space<hbm>> -> memref<1x1x64xi32, #tpu.memory_space<hbm>>
    %dma_start3A_94 = tpu.memref_squeeze %dma_start3A_93 : memref<1x1x64xi32, #tpu.memory_space<hbm>> -> memref<64xi32, #tpu.memory_space<hbm>>
    tpu.enqueue_dma source(%dma_start3A_94 : memref<64xi32, #tpu.memory_space<hbm>>) target(%arg8 : memref<64xi32, #tpu.memory_space<vmem>>) target_semaphore(%arg29 : memref<!tpu.dma_semaphore, #tpu.memory_space<semaphore_mem>>)
    %dma_start3A_95 = arith.constant 2 : i32
    %dma_start3A_96 = arith.constant 0 : i32
    %dma_start3A_97 = tpu.memref_slice %arg3[%add3A, %dma_start3A_95, %dma_start3A_96] : memref<32x160x64xi32, #tpu.memory_space<hbm>> -> memref<1x1x64xi32, #tpu.memory_space<hbm>>
    %dma_start3A_98 = tpu.memref_squeeze %dma_start3A_97 : memref<1x1x64xi32, #tpu.memory_space<hbm>> -> memref<64xi32, #tpu.memory_space<hbm>>
    %dma_start3A_99 = arith.constant 0 : i32
    %dma_start3A_100 = tpu.memref_slice %arg3[%add3A, %dma_start3A_95, %dma_start3A_99] : memref<32x160x64xi32, #tpu.memory_space<hbm>> -> memref<1x1x64xi32, #tpu.memory_space<hbm>>
    %dma_start3A_101 = tpu.memref_squeeze %dma_start3A_100 : memref<1x1x64xi32, #tpu.memory_space<hbm>> -> memref<64xi32, #tpu.memory_space<hbm>>
    tpu.enqueue_dma source(%dma_start3A_101 : memref<64xi32, #tpu.memory_space<hbm>>) target(%arg9 : memref<64xi32, #tpu.memory_space<vmem>>) target_semaphore(%arg30 : memref<!tpu.dma_semaphore, #tpu.memory_space<semaphore_mem>>)
    %dma_start3A_102 = arith.constant 3 : i32
    %dma_start3A_103 = arith.constant 0 : i32
    %dma_start3A_104 = tpu.memref_slice %arg3[%add3A, %dma_start3A_102, %dma_start3A_103] : memref<32x160x64xi32, #tpu.memory_space<hbm>> -> memref<1x1x64xi32, #tpu.memory_space<hbm>>
    %dma_start3A_105 = tpu.memref_squeeze %dma_start3A_104 : memref<1x1x64xi32, #tpu.memory_space<hbm>> -> memref<64xi32, #tpu.memory_space<hbm>>
    %dma_start3A_106 = arith.constant 0 : i32
    %dma_start3A_107 = tpu.memref_slice %arg3[%add3A, %dma_start3A_102, %dma_start3A_106] : memref<32x160x64xi32, #tpu.memory_space<hbm>> -> memref<1x1x64xi32, #tpu.memory_space<hbm>>
    %dma_start3A_108 = tpu.memref_squeeze %dma_start3A_107 : memref<1x1x64xi32, #tpu.memory_space<hbm>> -> memref<64xi32, #tpu.memory_space<hbm>>
    tpu.enqueue_dma source(%dma_start3A_108 : memref<64xi32, #tpu.memory_space<hbm>>) target(%arg10 : memref<64xi32, #tpu.memory_space<vmem>>) target_semaphore(%arg31 : memref<!tpu.dma_semaphore, #tpu.memory_space<semaphore_mem>>)
    %dma_start3A_109 = arith.constant 0 : i32
    %dma_start3A_110 = arith.constant 0 : i32
    %dma_start3A_111 = tpu.memref_slice %arg4[%add3A, %dma_start3A_109, %dma_start3A_110] : memref<32x160x64xi32, #tpu.memory_space<hbm>> -> memref<1x1x64xi32, #tpu.memory_space<hbm>>
    %dma_start3A_112 = tpu.memref_squeeze %dma_start3A_111 : memref<1x1x64xi32, #tpu.memory_space<hbm>> -> memref<64xi32, #tpu.memory_space<hbm>>
    %dma_start3A_113 = arith.constant 0 : i32
    %dma_start3A_114 = tpu.memref_slice %arg4[%add3A, %dma_start3A_109, %dma_start3A_113] : memref<32x160x64xi32, #tpu.memory_space<hbm>> -> memref<1x1x64xi32, #tpu.memory_space<hbm>>
    %dma_start3A_115 = tpu.memref_squeeze %dma_start3A_114 : memref<1x1x64xi32, #tpu.memory_space<hbm>> -> memref<64xi32, #tpu.memory_space<hbm>>
    tpu.enqueue_dma source(%dma_start3A_115 : memref<64xi32, #tpu.memory_space<hbm>>) target(%arg11 : memref<64xi32, #tpu.memory_space<vmem>>) target_semaphore(%arg32 : memref<!tpu.dma_semaphore, #tpu.memory_space<semaphore_mem>>)
    %dma_start3A_116 = arith.constant 1 : i32
    %dma_start3A_117 = arith.constant 0 : i32
    %dma_start3A_118 = tpu.memref_slice %arg4[%add3A, %dma_start3A_116, %dma_start3A_117] : memref<32x160x64xi32, #tpu.memory_space<hbm>> -> memref<1x1x64xi32, #tpu.memory_space<hbm>>
    %dma_start3A_119 = tpu.memref_squeeze %dma_start3A_118 : memref<1x1x64xi32, #tpu.memory_space<hbm>> -> memref<64xi32, #tpu.memory_space<hbm>>
    %dma_start3A_120 = arith.constant 0 : i32
    %dma_start3A_121 = tpu.memref_slice %arg4[%add3A, %dma_start3A_116, %dma_start3A_120] : memref<32x160x64xi32, #tpu.memory_space<hbm>> -> memref<1x1x64xi32, #tpu.memory_space<hbm>>
    %dma_start3A_122 = tpu.memref_squeeze %dma_start3A_121 : memref<1x1x64xi32, #tpu.memory_space<hbm>> -> memref<64xi32, #tpu.memory_space<hbm>>
    tpu.enqueue_dma source(%dma_start3A_122 : memref<64xi32, #tpu.memory_space<hbm>>) target(%arg12 : memref<64xi32, #tpu.memory_space<vmem>>) target_semaphore(%arg33 : memref<!tpu.dma_semaphore, #tpu.memory_space<semaphore_mem>>)
    %dma_wait3A = arith.constant 0 : i32
    %dma_wait3A_123 = arith.constant 0 : i32
    %dma_wait3A_124 = tpu.memref_slice %arg3[%add3A, %dma_wait3A, %dma_wait3A_123] : memref<32x160x64xi32, #tpu.memory_space<hbm>> -> memref<1x1x64xi32, #tpu.memory_space<hbm>>
    %dma_wait3A_125 = tpu.memref_squeeze %dma_wait3A_124 : memref<1x1x64xi32, #tpu.memory_space<hbm>> -> memref<64xi32, #tpu.memory_space<hbm>>
    %dma_wait3A_126 = arith.constant 0 : i32
    %dma_wait3A_127 = tpu.memref_slice %arg3[%add3A, %dma_wait3A, %dma_wait3A_126] : memref<32x160x64xi32, #tpu.memory_space<hbm>> -> memref<1x1x64xi32, #tpu.memory_space<hbm>>
    %dma_wait3A_128 = tpu.memref_squeeze %dma_wait3A_127 : memref<1x1x64xi32, #tpu.memory_space<hbm>> -> memref<64xi32, #tpu.memory_space<hbm>>
    tpu.wait_dma2 semaphore(%arg28 : memref<!tpu.dma_semaphore, #tpu.memory_space<semaphore_mem>>) src(%dma_wait3A_128 : memref<64xi32, #tpu.memory_space<hbm>>) dst(%arg7 : memref<64xi32, #tpu.memory_space<vmem>>)
    %dma_start3A_129 = arith.constant 0 : i32
    %dma_start3A_130 = arith.constant 0 : i32
    %dma_start3A_131 = tpu.memref_slice %arg2[%dma_start3A_129, %dma_start3A_130] : memref<10000x128xf32, #tpu.memory_space<hbm>> -> memref<10000x128xf32, #tpu.memory_space<hbm>>
    tpu.enqueue_indirect_dma source(%dma_start3A_131 : memref<10000x128xf32, #tpu.memory_space<hbm>>) target(%arg15 : memref<64x128xf32, #tpu.memory_space<vmem>>) offsets(%arg7 : memref<64xi32, #tpu.memory_space<vmem>>) semaphore(%arg20 : memref<!tpu.dma_semaphore, #tpu.memory_space<semaphore_mem>>)
    %dma_wait3A_132 = arith.constant 1 : i32
    %dma_wait3A_133 = arith.constant 0 : i32
    %dma_wait3A_134 = tpu.memref_slice %arg3[%add3A, %dma_wait3A_132, %dma_wait3A_133] : memref<32x160x64xi32, #tpu.memory_space<hbm>> -> memref<1x1x64xi32, #tpu.memory_space<hbm>>
    %dma_wait3A_135 = tpu.memref_squeeze %dma_wait3A_134 : memref<1x1x64xi32, #tpu.memory_space<hbm>> -> memref<64xi32, #tpu.memory_space<hbm>>
    %dma_wait3A_136 = arith.constant 0 : i32
    %dma_wait3A_137 = tpu.memref_slice %arg3[%add3A, %dma_wait3A_132, %dma_wait3A_136] : memref<32x160x64xi32, #tpu.memory_space<hbm>> -> memref<1x1x64xi32, #tpu.memory_space<hbm>>
    %dma_wait3A_138 = tpu.memref_squeeze %dma_wait3A_137 : memref<1x1x64xi32, #tpu.memory_space<hbm>> -> memref<64xi32, #tpu.memory_space<hbm>>
    tpu.wait_dma2 semaphore(%arg29 : memref<!tpu.dma_semaphore, #tpu.memory_space<semaphore_mem>>) src(%dma_wait3A_138 : memref<64xi32, #tpu.memory_space<hbm>>) dst(%arg8 : memref<64xi32, #tpu.memory_space<vmem>>)
    %dma_start3A_139 = arith.constant 0 : i32
    %dma_start3A_140 = arith.constant 0 : i32
    %dma_start3A_141 = tpu.memref_slice %arg2[%dma_start3A_139, %dma_start3A_140] : memref<10000x128xf32, #tpu.memory_space<hbm>> -> memref<10000x128xf32, #tpu.memory_space<hbm>>
    tpu.enqueue_indirect_dma source(%dma_start3A_141 : memref<10000x128xf32, #tpu.memory_space<hbm>>) target(%arg16 : memref<64x128xf32, #tpu.memory_space<vmem>>) offsets(%arg8 : memref<64xi32, #tpu.memory_space<vmem>>) semaphore(%arg21 : memref<!tpu.dma_semaphore, #tpu.memory_space<semaphore_mem>>)
    %scan3A = arith.constant 0 : i32
    %scan3A_142 = arith.constant 40 : i32
    %scan3A_143 = arith.addi %scan3A, %scan3A_142 : i32
    %scan3A_144 = arith.constant 1 : i32
    scf.for %scan3A_173 = %scan3A to %scan3A_143 step %scan3A_144  : i32 {
      %mul3A_174 = arith.constant 4 : i32
      %mul3A_175 = arith.muli %scan3A_173, %mul3A_174 : i32
      %add3A_176 = arith.constant 0 : i32
      %add3A_177 = arith.addi %add3A_176, %mul3A_175 : i32
      %add3A_178 = arith.constant 0 : i32
      %add3A_179 = arith.addi %add3A_177, %add3A_178 : i32
      %dma_wait3A_180 = arith.constant 0 : i32
      %dma_wait3A_181 = arith.constant 0 : i32
      %dma_wait3A_182 = tpu.memref_slice %arg2[%dma_wait3A_180, %dma_wait3A_181] : memref<10000x128xf32, #tpu.memory_space<hbm>> -> memref<10000x128xf32, #tpu.memory_space<hbm>>
      tpu.wait_indirect_dma semaphore(%arg20 : memref<!tpu.dma_semaphore, #tpu.memory_space<semaphore_mem>>) src(%dma_wait3A_182 : memref<10000x128xf32, #tpu.memory_space<hbm>>) dst(%arg15 : memref<64x128xf32, #tpu.memory_space<vmem>>)
      %add3A_183 = arith.constant 4 : i32
      %add3A_184 = arith.addi %add3A_179, %add3A_183 : i32
      %lt3A = arith.constant 160 : i32
      %lt3A_185 = arith.cmpi slt, %add3A_184, %lt3A : i32
      %convert_element_type3A = arith.extui %lt3A_185 : i1 to i32
      %cond3A = arith.constant 0 : i32
      %cond3A_186 = arith.cmpi ne, %convert_element_type3A, %cond3A : i32
      scf.if %cond3A_186 {
        %add3A_306 = arith.constant 4 : i32
        %add3A_307 = arith.addi %add3A_179, %add3A_306 : i32
        %dma_start3A_308 = arith.constant 0 : i32
        %dma_start3A_309 = tpu.memref_slice %arg3[%add3A, %add3A_307, %dma_start3A_308] : memref<32x160x64xi32, #tpu.memory_space<hbm>> -> memref<1x1x64xi32, #tpu.memory_space<hbm>>
        %dma_start3A_310 = tpu.memref_squeeze %dma_start3A_309 : memref<1x1x64xi32, #tpu.memory_space<hbm>> -> memref<64xi32, #tpu.memory_space<hbm>>
        %dma_start3A_311 = arith.constant 0 : i32
        %dma_start3A_312 = tpu.memref_slice %arg3[%add3A, %add3A_307, %dma_start3A_311] : memref<32x160x64xi32, #tpu.memory_space<hbm>> -> memref<1x1x64xi32, #tpu.memory_space<hbm>>
        %dma_start3A_313 = tpu.memref_squeeze %dma_start3A_312 : memref<1x1x64xi32, #tpu.memory_space<hbm>> -> memref<64xi32, #tpu.memory_space<hbm>>
        tpu.enqueue_dma source(%dma_start3A_313 : memref<64xi32, #tpu.memory_space<hbm>>) target(%arg7 : memref<64xi32, #tpu.memory_space<vmem>>) target_semaphore(%arg28 : memref<!tpu.dma_semaphore, #tpu.memory_space<semaphore_mem>>)
      } else {
      }
      %dma_wait3A_187 = arith.constant 0 : i32
      %dma_wait3A_188 = tpu.memref_slice %arg4[%add3A, %add3A_179, %dma_wait3A_187] : memref<32x160x64xi32, #tpu.memory_space<hbm>> -> memref<1x1x64xi32, #tpu.memory_space<hbm>>
      %dma_wait3A_189 = tpu.memref_squeeze %dma_wait3A_188 : memref<1x1x64xi32, #tpu.memory_space<hbm>> -> memref<64xi32, #tpu.memory_space<hbm>>
      %dma_wait3A_190 = arith.constant 0 : i32
      %dma_wait3A_191 = tpu.memref_slice %arg4[%add3A, %add3A_179, %dma_wait3A_190] : memref<32x160x64xi32, #tpu.memory_space<hbm>> -> memref<1x1x64xi32, #tpu.memory_space<hbm>>
      %dma_wait3A_192 = tpu.memref_squeeze %dma_wait3A_191 : memref<1x1x64xi32, #tpu.memory_space<hbm>> -> memref<64xi32, #tpu.memory_space<hbm>>
      tpu.wait_dma2 semaphore(%arg32 : memref<!tpu.dma_semaphore, #tpu.memory_space<semaphore_mem>>) src(%dma_wait3A_192 : memref<64xi32, #tpu.memory_space<hbm>>) dst(%arg11 : memref<64xi32, #tpu.memory_space<vmem>>)
      %dma_start3A_193 = arith.constant 0 : i32
      %dma_start3A_194 = arith.constant 0 : i32
      %dma_start3A_195 = tpu.memref_slice %arg19[%dma_start3A_193, %dma_start3A_194] : memref<10240x128xf32, #tpu.memory_space<vmem_shared>> -> memref<10240x128xf32, #tpu.memory_space<vmem_shared>>
      tpu.enqueue_indirect_dma source(%arg15 : memref<64x128xf32, #tpu.memory_space<vmem>>) target(%dma_start3A_195 : memref<10240x128xf32, #tpu.memory_space<vmem_shared>>) offsets(%arg11 : memref<64xi32, #tpu.memory_space<vmem>>) semaphore(%arg24 : memref<!tpu.dma_semaphore, #tpu.memory_space<semaphore_mem>>) {add = true}
      %ge3A = arith.constant 2 : i32
      %ge3A_196 = arith.cmpi sge, %add3A_179, %ge3A : i32
      %convert_element_type3A_197 = arith.extui %ge3A_196 : i1 to i32
      %cond3A_198 = arith.constant 0 : i32
      %cond3A_199 = arith.cmpi ne, %convert_element_type3A_197, %cond3A_198 : i32
      scf.if %cond3A_199 {
        %dma_wait3A_306 = arith.constant 0 : i32
        %dma_wait3A_307 = arith.constant 0 : i32
        %dma_wait3A_308 = tpu.memref_slice %arg19[%dma_wait3A_306, %dma_wait3A_307] : memref<10240x128xf32, #tpu.memory_space<vmem_shared>> -> memref<10240x128xf32, #tpu.memory_space<vmem_shared>>
        tpu.wait_indirect_dma semaphore(%arg26 : memref<!tpu.dma_semaphore, #tpu.memory_space<semaphore_mem>>) src(%arg17 : memref<64x128xf32, #tpu.memory_space<vmem>>) dst(%dma_wait3A_308 : memref<10240x128xf32, #tpu.memory_space<vmem_shared>>)
      } else {
      }
      %add3A_200 = arith.constant 2 : i32
      %add3A_201 = arith.addi %add3A_179, %add3A_200 : i32
      %lt3A_202 = arith.constant 160 : i32
      %lt3A_203 = arith.cmpi slt, %add3A_201, %lt3A_202 : i32
      %convert_element_type3A_204 = arith.extui %lt3A_203 : i1 to i32
      %cond3A_205 = arith.constant 0 : i32
      %cond3A_206 = arith.cmpi ne, %convert_element_type3A_204, %cond3A_205 : i32
      scf.if %cond3A_206 {
        %add3A_306 = arith.constant 2 : i32
        %add3A_307 = arith.addi %add3A_179, %add3A_306 : i32
        %dma_start3A_308 = arith.constant 0 : i32
        %dma_start3A_309 = tpu.memref_slice %arg4[%add3A, %add3A_307, %dma_start3A_308] : memref<32x160x64xi32, #tpu.memory_space<hbm>> -> memref<1x1x64xi32, #tpu.memory_space<hbm>>
        %dma_start3A_310 = tpu.memref_squeeze %dma_start3A_309 : memref<1x1x64xi32, #tpu.memory_space<hbm>> -> memref<64xi32, #tpu.memory_space<hbm>>
        %dma_start3A_311 = arith.constant 0 : i32
        %dma_start3A_312 = tpu.memref_slice %arg4[%add3A, %add3A_307, %dma_start3A_311] : memref<32x160x64xi32, #tpu.memory_space<hbm>> -> memref<1x1x64xi32, #tpu.memory_space<hbm>>
        %dma_start3A_313 = tpu.memref_squeeze %dma_start3A_312 : memref<1x1x64xi32, #tpu.memory_space<hbm>> -> memref<64xi32, #tpu.memory_space<hbm>>
        tpu.enqueue_dma source(%dma_start3A_313 : memref<64xi32, #tpu.memory_space<hbm>>) target(%arg13 : memref<64xi32, #tpu.memory_space<vmem>>) target_semaphore(%arg34 : memref<!tpu.dma_semaphore, #tpu.memory_space<semaphore_mem>>)
        %add3A_314 = arith.constant 2 : i32
        %add3A_315 = arith.addi %add3A_179, %add3A_314 : i32
        %dma_wait3A_316 = arith.constant 0 : i32
        %dma_wait3A_317 = tpu.memref_slice %arg3[%add3A, %add3A_315, %dma_wait3A_316] : memref<32x160x64xi32, #tpu.memory_space<hbm>> -> memref<1x1x64xi32, #tpu.memory_space<hbm>>
        %dma_wait3A_318 = tpu.memref_squeeze %dma_wait3A_317 : memref<1x1x64xi32, #tpu.memory_space<hbm>> -> memref<64xi32, #tpu.memory_space<hbm>>
        %dma_wait3A_319 = arith.constant 0 : i32
        %dma_wait3A_320 = tpu.memref_slice %arg3[%add3A, %add3A_315, %dma_wait3A_319] : memref<32x160x64xi32, #tpu.memory_space<hbm>> -> memref<1x1x64xi32, #tpu.memory_space<hbm>>
        %dma_wait3A_321 = tpu.memref_squeeze %dma_wait3A_320 : memref<1x1x64xi32, #tpu.memory_space<hbm>> -> memref<64xi32, #tpu.memory_space<hbm>>
        tpu.wait_dma2 semaphore(%arg30 : memref<!tpu.dma_semaphore, #tpu.memory_space<semaphore_mem>>) src(%dma_wait3A_321 : memref<64xi32, #tpu.memory_space<hbm>>) dst(%arg9 : memref<64xi32, #tpu.memory_space<vmem>>)
        %dma_start3A_322 = arith.constant 0 : i32
        %dma_start3A_323 = arith.constant 0 : i32
        %dma_start3A_324 = tpu.memref_slice %arg2[%dma_start3A_322, %dma_start3A_323] : memref<10000x128xf32, #tpu.memory_space<hbm>> -> memref<10000x128xf32, #tpu.memory_space<hbm>>
        tpu.enqueue_indirect_dma source(%dma_start3A_324 : memref<10000x128xf32, #tpu.memory_space<hbm>>) target(%arg17 : memref<64x128xf32, #tpu.memory_space<vmem>>) offsets(%arg9 : memref<64xi32, #tpu.memory_space<vmem>>) semaphore(%arg22 : memref<!tpu.dma_semaphore, #tpu.memory_space<semaphore_mem>>)
      } else {
      }
      %add3A_207 = arith.constant 1 : i32
      %add3A_208 = arith.addi %add3A_177, %add3A_207 : i32
      %dma_wait3A_209 = arith.constant 0 : i32
      %dma_wait3A_210 = arith.constant 0 : i32
      %dma_wait3A_211 = tpu.memref_slice %arg2[%dma_wait3A_209, %dma_wait3A_210] : memref<10000x128xf32, #tpu.memory_space<hbm>> -> memref<10000x128xf32, #tpu.memory_space<hbm>>
      tpu.wait_indirect_dma semaphore(%arg21 : memref<!tpu.dma_semaphore, #tpu.memory_space<semaphore_mem>>) src(%dma_wait3A_211 : memref<10000x128xf32, #tpu.memory_space<hbm>>) dst(%arg16 : memref<64x128xf32, #tpu.memory_space<vmem>>)
      %add3A_212 = arith.constant 4 : i32
      %add3A_213 = arith.addi %add3A_208, %add3A_212 : i32
      %lt3A_214 = arith.constant 160 : i32
      %lt3A_215 = arith.cmpi slt, %add3A_213, %lt3A_214 : i32
      %convert_element_type3A_216 = arith.extui %lt3A_215 : i1 to i32
      %cond3A_217 = arith.constant 0 : i32
      %cond3A_218 = arith.cmpi ne, %convert_element_type3A_216, %cond3A_217 : i32
      scf.if %cond3A_218 {
        %add3A_306 = arith.constant 4 : i32
        %add3A_307 = arith.addi %add3A_208, %add3A_306 : i32
        %dma_start3A_308 = arith.constant 0 : i32
        %dma_start3A_309 = tpu.memref_slice %arg3[%add3A, %add3A_307, %dma_start3A_308] : memref<32x160x64xi32, #tpu.memory_space<hbm>> -> memref<1x1x64xi32, #tpu.memory_space<hbm>>
        %dma_start3A_310 = tpu.memref_squeeze %dma_start3A_309 : memref<1x1x64xi32, #tpu.memory_space<hbm>> -> memref<64xi32, #tpu.memory_space<hbm>>
        %dma_start3A_311 = arith.constant 0 : i32
        %dma_start3A_312 = tpu.memref_slice %arg3[%add3A, %add3A_307, %dma_start3A_311] : memref<32x160x64xi32, #tpu.memory_space<hbm>> -> memref<1x1x64xi32, #tpu.memory_space<hbm>>
        %dma_start3A_313 = tpu.memref_squeeze %dma_start3A_312 : memref<1x1x64xi32, #tpu.memory_space<hbm>> -> memref<64xi32, #tpu.memory_space<hbm>>
        tpu.enqueue_dma source(%dma_start3A_313 : memref<64xi32, #tpu.memory_space<hbm>>) target(%arg8 : memref<64xi32, #tpu.memory_space<vmem>>) target_semaphore(%arg29 : memref<!tpu.dma_semaphore, #tpu.memory_space<semaphore_mem>>)
      } else {
      }
      %dma_wait3A_219 = arith.constant 0 : i32
      %dma_wait3A_220 = tpu.memref_slice %arg4[%add3A, %add3A_208, %dma_wait3A_219] : memref<32x160x64xi32, #tpu.memory_space<hbm>> -> memref<1x1x64xi32, #tpu.memory_space<hbm>>
      %dma_wait3A_221 = tpu.memref_squeeze %dma_wait3A_220 : memref<1x1x64xi32, #tpu.memory_space<hbm>> -> memref<64xi32, #tpu.memory_space<hbm>>
      %dma_wait3A_222 = arith.constant 0 : i32
      %dma_wait3A_223 = tpu.memref_slice %arg4[%add3A, %add3A_208, %dma_wait3A_222] : memref<32x160x64xi32, #tpu.memory_space<hbm>> -> memref<1x1x64xi32, #tpu.memory_space<hbm>>
      %dma_wait3A_224 = tpu.memref_squeeze %dma_wait3A_223 : memref<1x1x64xi32, #tpu.memory_space<hbm>> -> memref<64xi32, #tpu.memory_space<hbm>>
      tpu.wait_dma2 semaphore(%arg33 : memref<!tpu.dma_semaphore, #tpu.memory_space<semaphore_mem>>) src(%dma_wait3A_224 : memref<64xi32, #tpu.memory_space<hbm>>) dst(%arg12 : memref<64xi32, #tpu.memory_space<vmem>>)
      %dma_start3A_225 = arith.constant 0 : i32
      %dma_start3A_226 = arith.constant 0 : i32
      %dma_start3A_227 = tpu.memref_slice %arg19[%dma_start3A_225, %dma_start3A_226] : memref<10240x128xf32, #tpu.memory_space<vmem_shared>> -> memref<10240x128xf32, #tpu.memory_space<vmem_shared>>
      tpu.enqueue_indirect_dma source(%arg16 : memref<64x128xf32, #tpu.memory_space<vmem>>) target(%dma_start3A_227 : memref<10240x128xf32, #tpu.memory_space<vmem_shared>>) offsets(%arg12 : memref<64xi32, #tpu.memory_space<vmem>>) semaphore(%arg25 : memref<!tpu.dma_semaphore, #tpu.memory_space<semaphore_mem>>) {add = true}
      %ge3A_228 = arith.constant 2 : i32
      %ge3A_229 = arith.cmpi sge, %add3A_208, %ge3A_228 : i32
      %convert_element_type3A_230 = arith.extui %ge3A_229 : i1 to i32
      %cond3A_231 = arith.constant 0 : i32
      %cond3A_232 = arith.cmpi ne, %convert_element_type3A_230, %cond3A_231 : i32
      scf.if %cond3A_232 {
        %dma_wait3A_306 = arith.constant 0 : i32
        %dma_wait3A_307 = arith.constant 0 : i32
        %dma_wait3A_308 = tpu.memref_slice %arg19[%dma_wait3A_306, %dma_wait3A_307] : memref<10240x128xf32, #tpu.memory_space<vmem_shared>> -> memref<10240x128xf32, #tpu.memory_space<vmem_shared>>
        tpu.wait_indirect_dma semaphore(%arg27 : memref<!tpu.dma_semaphore, #tpu.memory_space<semaphore_mem>>) src(%arg18 : memref<64x128xf32, #tpu.memory_space<vmem>>) dst(%dma_wait3A_308 : memref<10240x128xf32, #tpu.memory_space<vmem_shared>>)
      } else {
      }
      %add3A_233 = arith.constant 2 : i32
      %add3A_234 = arith.addi %add3A_208, %add3A_233 : i32
      %lt3A_235 = arith.constant 160 : i32
      %lt3A_236 = arith.cmpi slt, %add3A_234, %lt3A_235 : i32
      %convert_element_type3A_237 = arith.extui %lt3A_236 : i1 to i32
      %cond3A_238 = arith.constant 0 : i32
      %cond3A_239 = arith.cmpi ne, %convert_element_type3A_237, %cond3A_238 : i32
      scf.if %cond3A_239 {
        %add3A_306 = arith.constant 2 : i32
        %add3A_307 = arith.addi %add3A_208, %add3A_306 : i32
        %dma_start3A_308 = arith.constant 0 : i32
        %dma_start3A_309 = tpu.memref_slice %arg4[%add3A, %add3A_307, %dma_start3A_308] : memref<32x160x64xi32, #tpu.memory_space<hbm>> -> memref<1x1x64xi32, #tpu.memory_space<hbm>>
        %dma_start3A_310 = tpu.memref_squeeze %dma_start3A_309 : memref<1x1x64xi32, #tpu.memory_space<hbm>> -> memref<64xi32, #tpu.memory_space<hbm>>
        %dma_start3A_311 = arith.constant 0 : i32
        %dma_start3A_312 = tpu.memref_slice %arg4[%add3A, %add3A_307, %dma_start3A_311] : memref<32x160x64xi32, #tpu.memory_space<hbm>> -> memref<1x1x64xi32, #tpu.memory_space<hbm>>
        %dma_start3A_313 = tpu.memref_squeeze %dma_start3A_312 : memref<1x1x64xi32, #tpu.memory_space<hbm>> -> memref<64xi32, #tpu.memory_space<hbm>>
        tpu.enqueue_dma source(%dma_start3A_313 : memref<64xi32, #tpu.memory_space<hbm>>) target(%arg14 : memref<64xi32, #tpu.memory_space<vmem>>) target_semaphore(%arg35 : memref<!tpu.dma_semaphore, #tpu.memory_space<semaphore_mem>>)
        %add3A_314 = arith.constant 2 : i32
        %add3A_315 = arith.addi %add3A_208, %add3A_314 : i32
        %dma_wait3A_316 = arith.constant 0 : i32
        %dma_wait3A_317 = tpu.memref_slice %arg3[%add3A, %add3A_315, %dma_wait3A_316] : memref<32x160x64xi32, #tpu.memory_space<hbm>> -> memref<1x1x64xi32, #tpu.memory_space<hbm>>
        %dma_wait3A_318 = tpu.memref_squeeze %dma_wait3A_317 : memref<1x1x64xi32, #tpu.memory_space<hbm>> -> memref<64xi32, #tpu.memory_space<hbm>>
        %dma_wait3A_319 = arith.constant 0 : i32
        %dma_wait3A_320 = tpu.memref_slice %arg3[%add3A, %add3A_315, %dma_wait3A_319] : memref<32x160x64xi32, #tpu.memory_space<hbm>> -> memref<1x1x64xi32, #tpu.memory_space<hbm>>
        %dma_wait3A_321 = tpu.memref_squeeze %dma_wait3A_320 : memref<1x1x64xi32, #tpu.memory_space<hbm>> -> memref<64xi32, #tpu.memory_space<hbm>>
        tpu.wait_dma2 semaphore(%arg31 : memref<!tpu.dma_semaphore, #tpu.memory_space<semaphore_mem>>) src(%dma_wait3A_321 : memref<64xi32, #tpu.memory_space<hbm>>) dst(%arg10 : memref<64xi32, #tpu.memory_space<vmem>>)
        %dma_start3A_322 = arith.constant 0 : i32
        %dma_start3A_323 = arith.constant 0 : i32
        %dma_start3A_324 = tpu.memref_slice %arg2[%dma_start3A_322, %dma_start3A_323] : memref<10000x128xf32, #tpu.memory_space<hbm>> -> memref<10000x128xf32, #tpu.memory_space<hbm>>
        tpu.enqueue_indirect_dma source(%dma_start3A_324 : memref<10000x128xf32, #tpu.memory_space<hbm>>) target(%arg18 : memref<64x128xf32, #tpu.memory_space<vmem>>) offsets(%arg10 : memref<64xi32, #tpu.memory_space<vmem>>) semaphore(%arg23 : memref<!tpu.dma_semaphore, #tpu.memory_space<semaphore_mem>>)
      } else {
      }
      %add3A_240 = arith.constant 2 : i32
      %add3A_241 = arith.addi %add3A_177, %add3A_240 : i32
      %dma_wait3A_242 = arith.constant 0 : i32
      %dma_wait3A_243 = arith.constant 0 : i32
      %dma_wait3A_244 = tpu.memref_slice %arg2[%dma_wait3A_242, %dma_wait3A_243] : memref<10000x128xf32, #tpu.memory_space<hbm>> -> memref<10000x128xf32, #tpu.memory_space<hbm>>
      tpu.wait_indirect_dma semaphore(%arg22 : memref<!tpu.dma_semaphore, #tpu.memory_space<semaphore_mem>>) src(%dma_wait3A_244 : memref<10000x128xf32, #tpu.memory_space<hbm>>) dst(%arg17 : memref<64x128xf32, #tpu.memory_space<vmem>>)
      %add3A_245 = arith.constant 4 : i32
      %add3A_246 = arith.addi %add3A_241, %add3A_245 : i32
      %lt3A_247 = arith.constant 160 : i32
      %lt3A_248 = arith.cmpi slt, %add3A_246, %lt3A_247 : i32
      %convert_element_type3A_249 = arith.extui %lt3A_248 : i1 to i32
      %cond3A_250 = arith.constant 0 : i32
      %cond3A_251 = arith.cmpi ne, %convert_element_type3A_249, %cond3A_250 : i32
      scf.if %cond3A_251 {
        %add3A_306 = arith.constant 4 : i32
        %add3A_307 = arith.addi %add3A_241, %add3A_306 : i32
        %dma_start3A_308 = arith.constant 0 : i32
        %dma_start3A_309 = tpu.memref_slice %arg3[%add3A, %add3A_307, %dma_start3A_308] : memref<32x160x64xi32, #tpu.memory_space<hbm>> -> memref<1x1x64xi32, #tpu.memory_space<hbm>>
        %dma_start3A_310 = tpu.memref_squeeze %dma_start3A_309 : memref<1x1x64xi32, #tpu.memory_space<hbm>> -> memref<64xi32, #tpu.memory_space<hbm>>
        %dma_start3A_311 = arith.constant 0 : i32
        %dma_start3A_312 = tpu.memref_slice %arg3[%add3A, %add3A_307, %dma_start3A_311] : memref<32x160x64xi32, #tpu.memory_space<hbm>> -> memref<1x1x64xi32, #tpu.memory_space<hbm>>
        %dma_start3A_313 = tpu.memref_squeeze %dma_start3A_312 : memref<1x1x64xi32, #tpu.memory_space<hbm>> -> memref<64xi32, #tpu.memory_space<hbm>>
        tpu.enqueue_dma source(%dma_start3A_313 : memref<64xi32, #tpu.memory_space<hbm>>) target(%arg9 : memref<64xi32, #tpu.memory_space<vmem>>) target_semaphore(%arg30 : memref<!tpu.dma_semaphore, #tpu.memory_space<semaphore_mem>>)
      } else {
      }
      %dma_wait3A_252 = arith.constant 0 : i32
      %dma_wait3A_253 = tpu.memref_slice %arg4[%add3A, %add3A_241, %dma_wait3A_252] : memref<32x160x64xi32, #tpu.memory_space<hbm>> -> memref<1x1x64xi32, #tpu.memory_space<hbm>>
      %dma_wait3A_254 = tpu.memref_squeeze %dma_wait3A_253 : memref<1x1x64xi32, #tpu.memory_space<hbm>> -> memref<64xi32, #tpu.memory_space<hbm>>
      %dma_wait3A_255 = arith.constant 0 : i32
      %dma_wait3A_256 = tpu.memref_slice %arg4[%add3A, %add3A_241, %dma_wait3A_255] : memref<32x160x64xi32, #tpu.memory_space<hbm>> -> memref<1x1x64xi32, #tpu.memory_space<hbm>>
      %dma_wait3A_257 = tpu.memref_squeeze %dma_wait3A_256 : memref<1x1x64xi32, #tpu.memory_space<hbm>> -> memref<64xi32, #tpu.memory_space<hbm>>
      tpu.wait_dma2 semaphore(%arg34 : memref<!tpu.dma_semaphore, #tpu.memory_space<semaphore_mem>>) src(%dma_wait3A_257 : memref<64xi32, #tpu.memory_space<hbm>>) dst(%arg13 : memref<64xi32, #tpu.memory_space<vmem>>)
      %dma_start3A_258 = arith.constant 0 : i32
      %dma_start3A_259 = arith.constant 0 : i32
      %dma_start3A_260 = tpu.memref_slice %arg19[%dma_start3A_258, %dma_start3A_259] : memref<10240x128xf32, #tpu.memory_space<vmem_shared>> -> memref<10240x128xf32, #tpu.memory_space<vmem_shared>>
      tpu.enqueue_indirect_dma source(%arg17 : memref<64x128xf32, #tpu.memory_space<vmem>>) target(%dma_start3A_260 : memref<10240x128xf32, #tpu.memory_space<vmem_shared>>) offsets(%arg13 : memref<64xi32, #tpu.memory_space<vmem>>) semaphore(%arg26 : memref<!tpu.dma_semaphore, #tpu.memory_space<semaphore_mem>>) {add = true}
      %ge3A_261 = arith.constant 2 : i32
      %ge3A_262 = arith.cmpi sge, %add3A_241, %ge3A_261 : i32
      %convert_element_type3A_263 = arith.extui %ge3A_262 : i1 to i32
      %cond3A_264 = arith.constant 0 : i32
      %cond3A_265 = arith.cmpi ne, %convert_element_type3A_263, %cond3A_264 : i32
      scf.if %cond3A_265 {
        %dma_wait3A_306 = arith.constant 0 : i32
        %dma_wait3A_307 = arith.constant 0 : i32
        %dma_wait3A_308 = tpu.memref_slice %arg19[%dma_wait3A_306, %dma_wait3A_307] : memref<10240x128xf32, #tpu.memory_space<vmem_shared>> -> memref<10240x128xf32, #tpu.memory_space<vmem_shared>>
        tpu.wait_indirect_dma semaphore(%arg24 : memref<!tpu.dma_semaphore, #tpu.memory_space<semaphore_mem>>) src(%arg15 : memref<64x128xf32, #tpu.memory_space<vmem>>) dst(%dma_wait3A_308 : memref<10240x128xf32, #tpu.memory_space<vmem_shared>>)
      } else {
      }
      %add3A_266 = arith.constant 2 : i32
      %add3A_267 = arith.addi %add3A_241, %add3A_266 : i32
      %lt3A_268 = arith.constant 160 : i32
      %lt3A_269 = arith.cmpi slt, %add3A_267, %lt3A_268 : i32
      %convert_element_type3A_270 = arith.extui %lt3A_269 : i1 to i32
      %cond3A_271 = arith.constant 0 : i32
      %cond3A_272 = arith.cmpi ne, %convert_element_type3A_270, %cond3A_271 : i32
      scf.if %cond3A_272 {
        %add3A_306 = arith.constant 2 : i32
        %add3A_307 = arith.addi %add3A_241, %add3A_306 : i32
        %dma_start3A_308 = arith.constant 0 : i32
        %dma_start3A_309 = tpu.memref_slice %arg4[%add3A, %add3A_307, %dma_start3A_308] : memref<32x160x64xi32, #tpu.memory_space<hbm>> -> memref<1x1x64xi32, #tpu.memory_space<hbm>>
        %dma_start3A_310 = tpu.memref_squeeze %dma_start3A_309 : memref<1x1x64xi32, #tpu.memory_space<hbm>> -> memref<64xi32, #tpu.memory_space<hbm>>
        %dma_start3A_311 = arith.constant 0 : i32
        %dma_start3A_312 = tpu.memref_slice %arg4[%add3A, %add3A_307, %dma_start3A_311] : memref<32x160x64xi32, #tpu.memory_space<hbm>> -> memref<1x1x64xi32, #tpu.memory_space<hbm>>
        %dma_start3A_313 = tpu.memref_squeeze %dma_start3A_312 : memref<1x1x64xi32, #tpu.memory_space<hbm>> -> memref<64xi32, #tpu.memory_space<hbm>>
        tpu.enqueue_dma source(%dma_start3A_313 : memref<64xi32, #tpu.memory_space<hbm>>) target(%arg11 : memref<64xi32, #tpu.memory_space<vmem>>) target_semaphore(%arg32 : memref<!tpu.dma_semaphore, #tpu.memory_space<semaphore_mem>>)
        %add3A_314 = arith.constant 2 : i32
        %add3A_315 = arith.addi %add3A_241, %add3A_314 : i32
        %dma_wait3A_316 = arith.constant 0 : i32
        %dma_wait3A_317 = tpu.memref_slice %arg3[%add3A, %add3A_315, %dma_wait3A_316] : memref<32x160x64xi32, #tpu.memory_space<hbm>> -> memref<1x1x64xi32, #tpu.memory_space<hbm>>
        %dma_wait3A_318 = tpu.memref_squeeze %dma_wait3A_317 : memref<1x1x64xi32, #tpu.memory_space<hbm>> -> memref<64xi32, #tpu.memory_space<hbm>>
        %dma_wait3A_319 = arith.constant 0 : i32
        %dma_wait3A_320 = tpu.memref_slice %arg3[%add3A, %add3A_315, %dma_wait3A_319] : memref<32x160x64xi32, #tpu.memory_space<hbm>> -> memref<1x1x64xi32, #tpu.memory_space<hbm>>
        %dma_wait3A_321 = tpu.memref_squeeze %dma_wait3A_320 : memref<1x1x64xi32, #tpu.memory_space<hbm>> -> memref<64xi32, #tpu.memory_space<hbm>>
        tpu.wait_dma2 semaphore(%arg28 : memref<!tpu.dma_semaphore, #tpu.memory_space<semaphore_mem>>) src(%dma_wait3A_321 : memref<64xi32, #tpu.memory_space<hbm>>) dst(%arg7 : memref<64xi32, #tpu.memory_space<vmem>>)
        %dma_start3A_322 = arith.constant 0 : i32
        %dma_start3A_323 = arith.constant 0 : i32
        %dma_start3A_324 = tpu.memref_slice %arg2[%dma_start3A_322, %dma_start3A_323] : memref<10000x128xf32, #tpu.memory_space<hbm>> -> memref<10000x128xf32, #tpu.memory_space<hbm>>
        tpu.enqueue_indirect_dma source(%dma_start3A_324 : memref<10000x128xf32, #tpu.memory_space<hbm>>) target(%arg15 : memref<64x128xf32, #tpu.memory_space<vmem>>) offsets(%arg7 : memref<64xi32, #tpu.memory_space<vmem>>) semaphore(%arg20 : memref<!tpu.dma_semaphore, #tpu.memory_space<semaphore_mem>>)
      } else {
      }
      %add3A_273 = arith.constant 3 : i32
      %add3A_274 = arith.addi %add3A_177, %add3A_273 : i32
      %dma_wait3A_275 = arith.constant 0 : i32
      %dma_wait3A_276 = arith.constant 0 : i32
      %dma_wait3A_277 = tpu.memref_slice %arg2[%dma_wait3A_275, %dma_wait3A_276] : memref<10000x128xf32, #tpu.memory_space<hbm>> -> memref<10000x128xf32, #tpu.memory_space<hbm>>
      tpu.wait_indirect_dma semaphore(%arg23 : memref<!tpu.dma_semaphore, #tpu.memory_space<semaphore_mem>>) src(%dma_wait3A_277 : memref<10000x128xf32, #tpu.memory_space<hbm>>) dst(%arg18 : memref<64x128xf32, #tpu.memory_space<vmem>>)
      %add3A_278 = arith.constant 4 : i32
      %add3A_279 = arith.addi %add3A_274, %add3A_278 : i32
      %lt3A_280 = arith.constant 160 : i32
      %lt3A_281 = arith.cmpi slt, %add3A_279, %lt3A_280 : i32
      %convert_element_type3A_282 = arith.extui %lt3A_281 : i1 to i32
      %cond3A_283 = arith.constant 0 : i32
      %cond3A_284 = arith.cmpi ne, %convert_element_type3A_282, %cond3A_283 : i32
      scf.if %cond3A_284 {
        %add3A_306 = arith.constant 4 : i32
        %add3A_307 = arith.addi %add3A_274, %add3A_306 : i32
        %dma_start3A_308 = arith.constant 0 : i32
        %dma_start3A_309 = tpu.memref_slice %arg3[%add3A, %add3A_307, %dma_start3A_308] : memref<32x160x64xi32, #tpu.memory_space<hbm>> -> memref<1x1x64xi32, #tpu.memory_space<hbm>>
        %dma_start3A_310 = tpu.memref_squeeze %dma_start3A_309 : memref<1x1x64xi32, #tpu.memory_space<hbm>> -> memref<64xi32, #tpu.memory_space<hbm>>
        %dma_start3A_311 = arith.constant 0 : i32
        %dma_start3A_312 = tpu.memref_slice %arg3[%add3A, %add3A_307, %dma_start3A_311] : memref<32x160x64xi32, #tpu.memory_space<hbm>> -> memref<1x1x64xi32, #tpu.memory_space<hbm>>
        %dma_start3A_313 = tpu.memref_squeeze %dma_start3A_312 : memref<1x1x64xi32, #tpu.memory_space<hbm>> -> memref<64xi32, #tpu.memory_space<hbm>>
        tpu.enqueue_dma source(%dma_start3A_313 : memref<64xi32, #tpu.memory_space<hbm>>) target(%arg10 : memref<64xi32, #tpu.memory_space<vmem>>) target_semaphore(%arg31 : memref<!tpu.dma_semaphore, #tpu.memory_space<semaphore_mem>>)
      } else {
      }
      %dma_wait3A_285 = arith.constant 0 : i32
      %dma_wait3A_286 = tpu.memref_slice %arg4[%add3A, %add3A_274, %dma_wait3A_285] : memref<32x160x64xi32, #tpu.memory_space<hbm>> -> memref<1x1x64xi32, #tpu.memory_space<hbm>>
      %dma_wait3A_287 = tpu.memref_squeeze %dma_wait3A_286 : memref<1x1x64xi32, #tpu.memory_space<hbm>> -> memref<64xi32, #tpu.memory_space<hbm>>
      %dma_wait3A_288 = arith.constant 0 : i32
      %dma_wait3A_289 = tpu.memref_slice %arg4[%add3A, %add3A_274, %dma_wait3A_288] : memref<32x160x64xi32, #tpu.memory_space<hbm>> -> memref<1x1x64xi32, #tpu.memory_space<hbm>>
      %dma_wait3A_290 = tpu.memref_squeeze %dma_wait3A_289 : memref<1x1x64xi32, #tpu.memory_space<hbm>> -> memref<64xi32, #tpu.memory_space<hbm>>
      tpu.wait_dma2 semaphore(%arg35 : memref<!tpu.dma_semaphore, #tpu.memory_space<semaphore_mem>>) src(%dma_wait3A_290 : memref<64xi32, #tpu.memory_space<hbm>>) dst(%arg14 : memref<64xi32, #tpu.memory_space<vmem>>)
      %dma_start3A_291 = arith.constant 0 : i32
      %dma_start3A_292 = arith.constant 0 : i32
      %dma_start3A_293 = tpu.memref_slice %arg19[%dma_start3A_291, %dma_start3A_292] : memref<10240x128xf32, #tpu.memory_space<vmem_shared>> -> memref<10240x128xf32, #tpu.memory_space<vmem_shared>>
      tpu.enqueue_indirect_dma source(%arg18 : memref<64x128xf32, #tpu.memory_space<vmem>>) target(%dma_start3A_293 : memref<10240x128xf32, #tpu.memory_space<vmem_shared>>) offsets(%arg14 : memref<64xi32, #tpu.memory_space<vmem>>) semaphore(%arg27 : memref<!tpu.dma_semaphore, #tpu.memory_space<semaphore_mem>>) {add = true}
      %ge3A_294 = arith.constant 2 : i32
      %ge3A_295 = arith.cmpi sge, %add3A_274, %ge3A_294 : i32
      %convert_element_type3A_296 = arith.extui %ge3A_295 : i1 to i32
      %cond3A_297 = arith.constant 0 : i32
      %cond3A_298 = arith.cmpi ne, %convert_element_type3A_296, %cond3A_297 : i32
      scf.if %cond3A_298 {
        %dma_wait3A_306 = arith.constant 0 : i32
        %dma_wait3A_307 = arith.constant 0 : i32
        %dma_wait3A_308 = tpu.memref_slice %arg19[%dma_wait3A_306, %dma_wait3A_307] : memref<10240x128xf32, #tpu.memory_space<vmem_shared>> -> memref<10240x128xf32, #tpu.memory_space<vmem_shared>>
        tpu.wait_indirect_dma semaphore(%arg25 : memref<!tpu.dma_semaphore, #tpu.memory_space<semaphore_mem>>) src(%arg16 : memref<64x128xf32, #tpu.memory_space<vmem>>) dst(%dma_wait3A_308 : memref<10240x128xf32, #tpu.memory_space<vmem_shared>>)
      } else {
      }
      %add3A_299 = arith.constant 2 : i32
      %add3A_300 = arith.addi %add3A_274, %add3A_299 : i32
      %lt3A_301 = arith.constant 160 : i32
      %lt3A_302 = arith.cmpi slt, %add3A_300, %lt3A_301 : i32
      %convert_element_type3A_303 = arith.extui %lt3A_302 : i1 to i32
      %cond3A_304 = arith.constant 0 : i32
      %cond3A_305 = arith.cmpi ne, %convert_element_type3A_303, %cond3A_304 : i32
      scf.if %cond3A_305 {
        %add3A_306 = arith.constant 2 : i32
        %add3A_307 = arith.addi %add3A_274, %add3A_306 : i32
        %dma_start3A_308 = arith.constant 0 : i32
        %dma_start3A_309 = tpu.memref_slice %arg4[%add3A, %add3A_307, %dma_start3A_308] : memref<32x160x64xi32, #tpu.memory_space<hbm>> -> memref<1x1x64xi32, #tpu.memory_space<hbm>>
        %dma_start3A_310 = tpu.memref_squeeze %dma_start3A_309 : memref<1x1x64xi32, #tpu.memory_space<hbm>> -> memref<64xi32, #tpu.memory_space<hbm>>
        %dma_start3A_311 = arith.constant 0 : i32
        %dma_start3A_312 = tpu.memref_slice %arg4[%add3A, %add3A_307, %dma_start3A_311] : memref<32x160x64xi32, #tpu.memory_space<hbm>> -> memref<1x1x64xi32, #tpu.memory_space<hbm>>
        %dma_start3A_313 = tpu.memref_squeeze %dma_start3A_312 : memref<1x1x64xi32, #tpu.memory_space<hbm>> -> memref<64xi32, #tpu.memory_space<hbm>>
        tpu.enqueue_dma source(%dma_start3A_313 : memref<64xi32, #tpu.memory_space<hbm>>) target(%arg12 : memref<64xi32, #tpu.memory_space<vmem>>) target_semaphore(%arg33 : memref<!tpu.dma_semaphore, #tpu.memory_space<semaphore_mem>>)
        %add3A_314 = arith.constant 2 : i32
        %add3A_315 = arith.addi %add3A_274, %add3A_314 : i32
        %dma_wait3A_316 = arith.constant 0 : i32
        %dma_wait3A_317 = tpu.memref_slice %arg3[%add3A, %add3A_315, %dma_wait3A_316] : memref<32x160x64xi32, #tpu.memory_space<hbm>> -> memref<1x1x64xi32, #tpu.memory_space<hbm>>
        %dma_wait3A_318 = tpu.memref_squeeze %dma_wait3A_317 : memref<1x1x64xi32, #tpu.memory_space<hbm>> -> memref<64xi32, #tpu.memory_space<hbm>>
        %dma_wait3A_319 = arith.constant 0 : i32
        %dma_wait3A_320 = tpu.memref_slice %arg3[%add3A, %add3A_315, %dma_wait3A_319] : memref<32x160x64xi32, #tpu.memory_space<hbm>> -> memref<1x1x64xi32, #tpu.memory_space<hbm>>
        %dma_wait3A_321 = tpu.memref_squeeze %dma_wait3A_320 : memref<1x1x64xi32, #tpu.memory_space<hbm>> -> memref<64xi32, #tpu.memory_space<hbm>>
        tpu.wait_dma2 semaphore(%arg29 : memref<!tpu.dma_semaphore, #tpu.memory_space<semaphore_mem>>) src(%dma_wait3A_321 : memref<64xi32, #tpu.memory_space<hbm>>) dst(%arg8 : memref<64xi32, #tpu.memory_space<vmem>>)
        %dma_start3A_322 = arith.constant 0 : i32
        %dma_start3A_323 = arith.constant 0 : i32
        %dma_start3A_324 = tpu.memref_slice %arg2[%dma_start3A_322, %dma_start3A_323] : memref<10000x128xf32, #tpu.memory_space<hbm>> -> memref<10000x128xf32, #tpu.memory_space<hbm>>
        tpu.enqueue_indirect_dma source(%dma_start3A_324 : memref<10000x128xf32, #tpu.memory_space<hbm>>) target(%arg16 : memref<64x128xf32, #tpu.memory_space<vmem>>) offsets(%arg8 : memref<64xi32, #tpu.memory_space<vmem>>) semaphore(%arg21 : memref<!tpu.dma_semaphore, #tpu.memory_space<semaphore_mem>>)
      } else {
      }
    }
    %scan3A_145 = arith.constant 40 : i32
    %dma_wait3A_146 = arith.constant 0 : i32
    %dma_wait3A_147 = arith.constant 0 : i32
    %dma_wait3A_148 = tpu.memref_slice %arg19[%dma_wait3A_146, %dma_wait3A_147] : memref<10240x128xf32, #tpu.memory_space<vmem_shared>> -> memref<10240x128xf32, #tpu.memory_space<vmem_shared>>
    tpu.wait_indirect_dma semaphore(%arg26 : memref<!tpu.dma_semaphore, #tpu.memory_space<semaphore_mem>>) src(%arg17 : memref<64x128xf32, #tpu.memory_space<vmem>>) dst(%dma_wait3A_148 : memref<10240x128xf32, #tpu.memory_space<vmem_shared>>)
    %dma_wait3A_149 = arith.constant 0 : i32
    %dma_wait3A_150 = arith.constant 0 : i32
    %dma_wait3A_151 = tpu.memref_slice %arg19[%dma_wait3A_149, %dma_wait3A_150] : memref<10240x128xf32, #tpu.memory_space<vmem_shared>> -> memref<10240x128xf32, #tpu.memory_space<vmem_shared>>
    tpu.wait_indirect_dma semaphore(%arg27 : memref<!tpu.dma_semaphore, #tpu.memory_space<semaphore_mem>>) src(%arg18 : memref<64x128xf32, #tpu.memory_space<vmem>>) dst(%dma_wait3A_151 : memref<10240x128xf32, #tpu.memory_space<vmem_shared>>)
    %barrier3A_152 = arith.constant 0 : index
    tpu.barrier barrier_id(%barrier3A_152)
    %mul3A_153 = arith.constant 640 : i32
    %mul3A_154 = arith.muli %arg1, %mul3A_153 : i32
    %add3A_155 = arith.constant 0 : i32
    %add3A_156 = arith.addi %mul3A_154, %add3A_155 : i32
    "tpu.region"() ({
      %run_scoped3A = tpu.sem_alloc : memref<!tpu.dma_semaphore, #tpu.memory_space<semaphore_mem>>
      %dma_start3A_173 = arith.constant 0 : i32
      %dma_start3A_174 = tpu.memref_slice %arg6[%arg0, %add3A_156, %dma_start3A_173] : memref<2x10240x128xf32, #tpu.memory_space<hbm>> -> memref<1x128x128xf32, #tpu.memory_space<hbm>>
      %dma_start3A_175 = tpu.memref_squeeze %dma_start3A_174 : memref<1x128x128xf32, #tpu.memory_space<hbm>> -> memref<128x128xf32, #tpu.memory_space<hbm>>
      %dma_start3A_176 = arith.constant 0 : i32
      %dma_start3A_177 = tpu.memref_slice %arg19[%add3A_156, %dma_start3A_176] : memref<10240x128xf32, #tpu.memory_space<vmem_shared>> -> memref<128x128xf32, #tpu.memory_space<vmem_shared>>
      tpu.enqueue_dma source(%dma_start3A_177 : memref<128x128xf32, #tpu.memory_space<vmem_shared>>) target(%dma_start3A_175 : memref<128x128xf32, #tpu.memory_space<hbm>>) target_semaphore(%run_scoped3A : memref<!tpu.dma_semaphore, #tpu.memory_space<semaphore_mem>>)
      %dma_wait3A_178 = arith.constant 0 : i32
      %dma_wait3A_179 = tpu.memref_slice %arg6[%arg0, %add3A_156, %dma_wait3A_178] : memref<2x10240x128xf32, #tpu.memory_space<hbm>> -> memref<1x128x128xf32, #tpu.memory_space<hbm>>
      %dma_wait3A_180 = tpu.memref_squeeze %dma_wait3A_179 : memref<1x128x128xf32, #tpu.memory_space<hbm>> -> memref<128x128xf32, #tpu.memory_space<hbm>>
      %dma_wait3A_181 = arith.constant 0 : i32
      %dma_wait3A_182 = tpu.memref_slice %arg19[%add3A_156, %dma_wait3A_181] : memref<10240x128xf32, #tpu.memory_space<vmem_shared>> -> memref<128x128xf32, #tpu.memory_space<vmem_shared>>
      tpu.wait_dma2 semaphore(%run_scoped3A : memref<!tpu.dma_semaphore, #tpu.memory_space<semaphore_mem>>) src(%dma_wait3A_182 : memref<128x128xf32, #tpu.memory_space<vmem_shared>>) dst(%dma_wait3A_180 : memref<128x128xf32, #tpu.memory_space<hbm>>)
      tpu.yield
    }) : () -> ()
    %mul3A_157 = arith.constant 640 : i32
    %mul3A_158 = arith.muli %arg1, %mul3A_157 : i32
    %add3A_159 = arith.constant 128 : i32
    %add3A_160 = arith.addi %mul3A_158, %add3A_159 : i32
    "tpu.region"() ({
      %run_scoped3A = tpu.sem_alloc : memref<!tpu.dma_semaphore, #tpu.memory_space<semaphore_mem>>
      %dma_start3A_173 = arith.constant 0 : i32
      %dma_start3A_174 = tpu.memref_slice %arg6[%arg0, %add3A_160, %dma_start3A_173] : memref<2x10240x128xf32, #tpu.memory_space<hbm>> -> memref<1x128x128xf32, #tpu.memory_space<hbm>>
      %dma_start3A_175 = tpu.memref_squeeze %dma_start3A_174 : memref<1x128x128xf32, #tpu.memory_space<hbm>> -> memref<128x128xf32, #tpu.memory_space<hbm>>
      %dma_start3A_176 = arith.constant 0 : i32
      %dma_start3A_177 = tpu.memref_slice %arg19[%add3A_160, %dma_start3A_176] : memref<10240x128xf32, #tpu.memory_space<vmem_shared>> -> memref<128x128xf32, #tpu.memory_space<vmem_shared>>
      tpu.enqueue_dma source(%dma_start3A_177 : memref<128x128xf32, #tpu.memory_space<vmem_shared>>) target(%dma_start3A_175 : memref<128x128xf32, #tpu.memory_space<hbm>>) target_semaphore(%run_scoped3A : memref<!tpu.dma_semaphore, #tpu.memory_space<semaphore_mem>>)
      %dma_wait3A_178 = arith.constant 0 : i32
      %dma_wait3A_179 = tpu.memref_slice %arg6[%arg0, %add3A_160, %dma_wait3A_178] : memref<2x10240x128xf32, #tpu.memory_space<hbm>> -> memref<1x128x128xf32, #tpu.memory_space<hbm>>
      %dma_wait3A_180 = tpu.memref_squeeze %dma_wait3A_179 : memref<1x128x128xf32, #tpu.memory_space<hbm>> -> memref<128x128xf32, #tpu.memory_space<hbm>>
      %dma_wait3A_181 = arith.constant 0 : i32
      %dma_wait3A_182 = tpu.memref_slice %arg19[%add3A_160, %dma_wait3A_181] : memref<10240x128xf32, #tpu.memory_space<vmem_shared>> -> memref<128x128xf32, #tpu.memory_space<vmem_shared>>
      tpu.wait_dma2 semaphore(%run_scoped3A : memref<!tpu.dma_semaphore, #tpu.memory_space<semaphore_mem>>) src(%dma_wait3A_182 : memref<128x128xf32, #tpu.memory_space<vmem_shared>>) dst(%dma_wait3A_180 : memref<128x128xf32, #tpu.memory_space<hbm>>)
      tpu.yield
    }) : () -> ()
    %mul3A_161 = arith.constant 640 : i32
    %mul3A_162 = arith.muli %arg1, %mul3A_161 : i32
    %add3A_163 = arith.constant 256 : i32
    %add3A_164 = arith.addi %mul3A_162, %add3A_163 : i32
    "tpu.region"() ({
      %run_scoped3A = tpu.sem_alloc : memref<!tpu.dma_semaphore, #tpu.memory_space<semaphore_mem>>
      %dma_start3A_173 = arith.constant 0 : i32
      %dma_start3A_174 = tpu.memref_slice %arg6[%arg0, %add3A_164, %dma_start3A_173] : memref<2x10240x128xf32, #tpu.memory_space<hbm>> -> memref<1x128x128xf32, #tpu.memory_space<hbm>>
      %dma_start3A_175 = tpu.memref_squeeze %dma_start3A_174 : memref<1x128x128xf32, #tpu.memory_space<hbm>> -> memref<128x128xf32, #tpu.memory_space<hbm>>
      %dma_start3A_176 = arith.constant 0 : i32
      %dma_start3A_177 = tpu.memref_slice %arg19[%add3A_164, %dma_start3A_176] : memref<10240x128xf32, #tpu.memory_space<vmem_shared>> -> memref<128x128xf32, #tpu.memory_space<vmem_shared>>
      tpu.enqueue_dma source(%dma_start3A_177 : memref<128x128xf32, #tpu.memory_space<vmem_shared>>) target(%dma_start3A_175 : memref<128x128xf32, #tpu.memory_space<hbm>>) target_semaphore(%run_scoped3A : memref<!tpu.dma_semaphore, #tpu.memory_space<semaphore_mem>>)
      %dma_wait3A_178 = arith.constant 0 : i32
      %dma_wait3A_179 = tpu.memref_slice %arg6[%arg0, %add3A_164, %dma_wait3A_178] : memref<2x10240x128xf32, #tpu.memory_space<hbm>> -> memref<1x128x128xf32, #tpu.memory_space<hbm>>
      %dma_wait3A_180 = tpu.memref_squeeze %dma_wait3A_179 : memref<1x128x128xf32, #tpu.memory_space<hbm>> -> memref<128x128xf32, #tpu.memory_space<hbm>>
      %dma_wait3A_181 = arith.constant 0 : i32
      %dma_wait3A_182 = tpu.memref_slice %arg19[%add3A_164, %dma_wait3A_181] : memref<10240x128xf32, #tpu.memory_space<vmem_shared>> -> memref<128x128xf32, #tpu.memory_space<vmem_shared>>
      tpu.wait_dma2 semaphore(%run_scoped3A : memref<!tpu.dma_semaphore, #tpu.memory_space<semaphore_mem>>) src(%dma_wait3A_182 : memref<128x128xf32, #tpu.memory_space<vmem_shared>>) dst(%dma_wait3A_180 : memref<128x128xf32, #tpu.memory_space<hbm>>)
      tpu.yield
    }) : () -> ()
    %mul3A_165 = arith.constant 640 : i32
    %mul3A_166 = arith.muli %arg1, %mul3A_165 : i32
    %add3A_167 = arith.constant 384 : i32
    %add3A_168 = arith.addi %mul3A_166, %add3A_167 : i32
    "tpu.region"() ({
      %run_scoped3A = tpu.sem_alloc : memref<!tpu.dma_semaphore, #tpu.memory_space<semaphore_mem>>
      %dma_start3A_173 = arith.constant 0 : i32
      %dma_start3A_174 = tpu.memref_slice %arg6[%arg0, %add3A_168, %dma_start3A_173] : memref<2x10240x128xf32, #tpu.memory_space<hbm>> -> memref<1x128x128xf32, #tpu.memory_space<hbm>>
      %dma_start3A_175 = tpu.memref_squeeze %dma_start3A_174 : memref<1x128x128xf32, #tpu.memory_space<hbm>> -> memref<128x128xf32, #tpu.memory_space<hbm>>
      %dma_start3A_176 = arith.constant 0 : i32
      %dma_start3A_177 = tpu.memref_slice %arg19[%add3A_168, %dma_start3A_176] : memref<10240x128xf32, #tpu.memory_space<vmem_shared>> -> memref<128x128xf32, #tpu.memory_space<vmem_shared>>
      tpu.enqueue_dma source(%dma_start3A_177 : memref<128x128xf32, #tpu.memory_space<vmem_shared>>) target(%dma_start3A_175 : memref<128x128xf32, #tpu.memory_space<hbm>>) target_semaphore(%run_scoped3A : memref<!tpu.dma_semaphore, #tpu.memory_space<semaphore_mem>>)
      %dma_wait3A_178 = arith.constant 0 : i32
      %dma_wait3A_179 = tpu.memref_slice %arg6[%arg0, %add3A_168, %dma_wait3A_178] : memref<2x10240x128xf32, #tpu.memory_space<hbm>> -> memref<1x128x128xf32, #tpu.memory_space<hbm>>
      %dma_wait3A_180 = tpu.memref_squeeze %dma_wait3A_179 : memref<1x128x128xf32, #tpu.memory_space<hbm>> -> memref<128x128xf32, #tpu.memory_space<hbm>>
      %dma_wait3A_181 = arith.constant 0 : i32
      %dma_wait3A_182 = tpu.memref_slice %arg19[%add3A_168, %dma_wait3A_181] : memref<10240x128xf32, #tpu.memory_space<vmem_shared>> -> memref<128x128xf32, #tpu.memory_space<vmem_shared>>
      tpu.wait_dma2 semaphore(%run_scoped3A : memref<!tpu.dma_semaphore, #tpu.memory_space<semaphore_mem>>) src(%dma_wait3A_182 : memref<128x128xf32, #tpu.memory_space<vmem_shared>>) dst(%dma_wait3A_180 : memref<128x128xf32, #tpu.memory_space<hbm>>)
      tpu.yield
    }) : () -> ()
    %mul3A_169 = arith.constant 640 : i32
    %mul3A_170 = arith.muli %arg1, %mul3A_169 : i32
    %add3A_171 = arith.constant 512 : i32
    %add3A_172 = arith.addi %mul3A_170, %add3A_171 : i32
    "tpu.region"() ({
      %run_scoped3A = tpu.sem_alloc : memref<!tpu.dma_semaphore, #tpu.memory_space<semaphore_mem>>
      %dma_start3A_173 = arith.constant 0 : i32
      %dma_start3A_174 = tpu.memref_slice %arg6[%arg0, %add3A_172, %dma_start3A_173] : memref<2x10240x128xf32, #tpu.memory_space<hbm>> -> memref<1x128x128xf32, #tpu.memory_space<hbm>>
      %dma_start3A_175 = tpu.memref_squeeze %dma_start3A_174 : memref<1x128x128xf32, #tpu.memory_space<hbm>> -> memref<128x128xf32, #tpu.memory_space<hbm>>
      %dma_start3A_176 = arith.constant 0 : i32
      %dma_start3A_177 = tpu.memref_slice %arg19[%add3A_172, %dma_start3A_176] : memref<10240x128xf32, #tpu.memory_space<vmem_shared>> -> memref<128x128xf32, #tpu.memory_space<vmem_shared>>
      tpu.enqueue_dma source(%dma_start3A_177 : memref<128x128xf32, #tpu.memory_space<vmem_shared>>) target(%dma_start3A_175 : memref<128x128xf32, #tpu.memory_space<hbm>>) target_semaphore(%run_scoped3A : memref<!tpu.dma_semaphore, #tpu.memory_space<semaphore_mem>>)
      %dma_wait3A_178 = arith.constant 0 : i32
      %dma_wait3A_179 = tpu.memref_slice %arg6[%arg0, %add3A_172, %dma_wait3A_178] : memref<2x10240x128xf32, #tpu.memory_space<hbm>> -> memref<1x128x128xf32, #tpu.memory_space<hbm>>
      %dma_wait3A_180 = tpu.memref_squeeze %dma_wait3A_179 : memref<1x128x128xf32, #tpu.memory_space<hbm>> -> memref<128x128xf32, #tpu.memory_space<hbm>>
      %dma_wait3A_181 = arith.constant 0 : i32
      %dma_wait3A_182 = tpu.memref_slice %arg19[%add3A_172, %dma_wait3A_181] : memref<10240x128xf32, #tpu.memory_space<vmem_shared>> -> memref<128x128xf32, #tpu.memory_space<vmem_shared>>
      tpu.wait_dma2 semaphore(%run_scoped3A : memref<!tpu.dma_semaphore, #tpu.memory_space<semaphore_mem>>) src(%dma_wait3A_182 : memref<128x128xf32, #tpu.memory_space<vmem_shared>>) dst(%dma_wait3A_180 : memref<128x128xf32, #tpu.memory_space<hbm>>)
      tpu.yield
    }) : () -> ()
    return
  }
}

module attributes {stable_mosaic.version = 14 : i64} {
  func.func @_tc1_body(%arg0: i32, %arg1: memref<2x400x128xf32, #tpu.memory_space<vmem>>, %arg2: memref<400x128xf32, #tpu.memory_space<vmem>>, %arg3: memref<128x128xf32, #tpu.memory_space<vmem>>, %arg4: memref<400x128xf32, #tpu.memory_space<vmem>>) attributes {dimension_semantics = [#tpu.dimension_semantics<arbitrary>], iteration_bounds = array<i64: 25>, scalar_prefetch = 0 : i64, scratch_operands = 0 : i64, tpu.core_type = #tpu.core_type<tc>, window_params = [{transform_indices = @transform_0, window_bounds = array<i64: 2, 400, 128>}, {transform_indices = @transform_1, window_bounds = array<i64: 400, 128>}, {pipeline_mode = #tpu.pipeline_mode<synchronous>, transform_indices = @transform_2, window_bounds = array<i64: 128, 128>}, {transform_indices = @transform_3, window_bounds = array<i64: 400, 128>}]} {
    %get3A = arith.constant 0 : index
    %get3A_0 = arith.constant 0 : index
    %get3A_1 = arith.constant 0 : index
    %get3A_2 = vector.load %arg1[%get3A, %get3A_0, %get3A_1] : memref<2x400x128xf32, #tpu.memory_space<vmem>>, vector<2x400x128xf32>
    %slice3A = vector.extract_strided_slice %get3A_2 {offsets = [0, 0, 0], sizes = [1, 400, 1], strides = [1, 1, 1]} : vector<2x400x128xf32> to vector<1x400x1xf32>
    %squeeze3A = vector.shape_cast %slice3A : vector<1x400x1xf32> to vector<400x1xf32>
    %slice3A_3 = vector.extract_strided_slice %get3A_2 {offsets = [1, 0, 0], sizes = [1, 400, 1], strides = [1, 1, 1]} : vector<2x400x128xf32> to vector<1x400x1xf32>
    %squeeze3A_4 = vector.shape_cast %slice3A_3 : vector<1x400x1xf32> to vector<400x1xf32>
    %add3A = arith.addf %squeeze3A, %squeeze3A_4 : vector<400x1xf32>
    %add3A_5 = arith.constant 1.000000e+00 : f32
    %add3A_6 = vector.broadcast %add3A_5 : f32 to vector<400x1xf32>
    %add3A_7 = arith.addf %add3A, %add3A_6 : vector<400x1xf32>
    %rsqrt3A = math.rsqrt %add3A_7 : vector<400x1xf32>
    %get3A_8 = arith.constant 0 : index
    %get3A_9 = arith.constant 0 : index
    %get3A_10 = vector.load %arg2[%get3A_8, %get3A_9] : memref<400x128xf32, #tpu.memory_space<vmem>>, vector<400x128xf32>
    %get3A_11 = arith.constant 0 : index
    %get3A_12 = arith.constant 0 : index
    %get3A_13 = vector.load %arg3[%get3A_11, %get3A_12] : memref<128x128xf32, #tpu.memory_space<vmem>>, vector<128x128xf32>
    %dot_general3A = arith.constant dense<0.000000e+00> : vector<400x128xf32>
    %dot_general3A_14 = tpu.matmul %get3A_10, %get3A_13, %dot_general3A {dimension_numbers = #tpu.dot_dimension_numbers<[1], [0], [0], [1], [0, 0, 1, 1], [], []>, transpose_lhs_hint = false} : vector<400x128xf32>, vector<128x128xf32>, vector<400x128xf32> -> vector<400x128xf32>
    %mul3A = vector.broadcast %rsqrt3A : vector<400x1xf32> to vector<400x128xf32>
    %mul3A_15 = arith.mulf %mul3A, %dot_general3A_14 : vector<400x128xf32>
    %swap3A = arith.constant 0 : index
    %swap3A_16 = arith.constant 0 : index
    %swap3A_17 = vector.load %arg4[%swap3A, %swap3A_16] : memref<400x128xf32, #tpu.memory_space<vmem>>, vector<400x128xf32>
    tpu.vector_store %arg4[%swap3A, %swap3A_16], %mul3A_15 {strides = array<i32>} : memref<400x128xf32, #tpu.memory_space<vmem>>, vector<400x128xf32>,
    return
  }
  func.func @transform_0(%arg0: i32) -> (i32, i32, i32) {
    %c0_i32 = arith.constant 0 : i32
    %c0_i32_0 = arith.constant 0 : i32
    %c0_i32_1 = arith.constant 0 : i32
    return %c0_i32, %arg0, %c0_i32_0 : i32, i32, i32
  }
  func.func @transform_1(%arg0: i32) -> (i32, i32) {
    %c0_i32 = arith.constant 0 : i32
    %c0_i32_0 = arith.constant 0 : i32
    return %arg0, %c0_i32 : i32, i32
  }
  func.func @transform_2(%arg0: i32) -> (i32, i32) {
    %c0_i32 = arith.constant 0 : i32
    %c0_i32_0 = arith.constant 0 : i32
    %c0_i32_1 = arith.constant 0 : i32
    return %c0_i32, %c0_i32_0 : i32, i32
  }
  func.func @transform_3(%arg0: i32) -> (i32, i32) {
    %c0_i32 = arith.constant 0 : i32
    %c0_i32_0 = arith.constant 0 : i32
    return %arg0, %c0_i32 : i32, i32
  }
}

module attributes {stable_mosaic.version = 14 : i64} {
  func.func @_tc2_body(%arg0: i32, %arg1: memref<2x400x128xf32, #tpu.memory_space<vmem>>, %arg2: memref<2x400x128xf32, #tpu.memory_space<vmem>>, %arg3: memref<400x128xf32, #tpu.memory_space<vmem>>, %arg4: memref<1x128xf32, #tpu.memory_space<vmem>>, %arg5: memref<128x128xf32, #tpu.memory_space<vmem>>, %arg6: memref<400x128xf32, #tpu.memory_space<vmem>>) attributes {dimension_semantics = [#tpu.dimension_semantics<arbitrary>], iteration_bounds = array<i64: 25>, scalar_prefetch = 0 : i64, scratch_operands = 0 : i64, tpu.core_type = #tpu.core_type<tc>, window_params = [{transform_indices = @transform_0, window_bounds = array<i64: 2, 400, 128>}, {transform_indices = @transform_1, window_bounds = array<i64: 2, 400, 128>}, {transform_indices = @transform_2, window_bounds = array<i64: 400, 128>}, {pipeline_mode = #tpu.pipeline_mode<synchronous>, transform_indices = @transform_3, window_bounds = array<i64: 1, 128>}, {pipeline_mode = #tpu.pipeline_mode<synchronous>, transform_indices = @transform_4, window_bounds = array<i64: 128, 128>}, {transform_indices = @transform_5, window_bounds = array<i64: 400, 128>}]} {
    %get3A = arith.constant 0 : index
    %get3A_0 = arith.constant 0 : index
    %get3A_1 = arith.constant 0 : index
    %get3A_2 = vector.load %arg1[%get3A, %get3A_0, %get3A_1] : memref<2x400x128xf32, #tpu.memory_space<vmem>>, vector<2x400x128xf32>
    %slice3A = vector.extract_strided_slice %get3A_2 {offsets = [0, 0, 0], sizes = [1, 400, 1], strides = [1, 1, 1]} : vector<2x400x128xf32> to vector<1x400x1xf32>
    %squeeze3A = vector.shape_cast %slice3A : vector<1x400x1xf32> to vector<400x1xf32>
    %slice3A_3 = vector.extract_strided_slice %get3A_2 {offsets = [1, 0, 0], sizes = [1, 400, 1], strides = [1, 1, 1]} : vector<2x400x128xf32> to vector<1x400x1xf32>
    %squeeze3A_4 = vector.shape_cast %slice3A_3 : vector<1x400x1xf32> to vector<400x1xf32>
    %add3A = arith.addf %squeeze3A, %squeeze3A_4 : vector<400x1xf32>
    %add3A_5 = arith.constant 1.000000e+00 : f32
    %add3A_6 = vector.broadcast %add3A_5 : f32 to vector<400x1xf32>
    %add3A_7 = arith.addf %add3A, %add3A_6 : vector<400x1xf32>
    %rsqrt3A = math.rsqrt %add3A_7 : vector<400x1xf32>
    %get3A_8 = arith.constant 0 : index
    %get3A_9 = arith.constant 0 : index
    %get3A_10 = arith.constant 0 : index
    %get3A_11 = vector.load %arg2[%get3A_8, %get3A_9, %get3A_10] : memref<2x400x128xf32, #tpu.memory_space<vmem>>, vector<1x400x128xf32>
    %get3A_12 = vector.shape_cast %get3A_11 : vector<1x400x128xf32> to vector<400x128xf32>
    %get3A_13 = arith.constant 1 : index
    %get3A_14 = arith.constant 0 : index
    %get3A_15 = arith.constant 0 : index
    %get3A_16 = vector.load %arg2[%get3A_13, %get3A_14, %get3A_15] : memref<2x400x128xf32, #tpu.memory_space<vmem>>, vector<1x400x128xf32>
    %get3A_17 = vector.shape_cast %get3A_16 : vector<1x400x128xf32> to vector<400x128xf32>
    %add3A_18 = arith.addf %get3A_12, %get3A_17 : vector<400x128xf32>
    %get3A_19 = arith.constant 0 : index
    %get3A_20 = arith.constant 0 : index
    %get3A_21 = vector.load %arg3[%get3A_19, %get3A_20] : memref<400x128xf32, #tpu.memory_space<vmem>>, vector<400x128xf32>
    %add3A_22 = arith.addf %add3A_18, %get3A_21 : vector<400x128xf32>
    %mul3A = vector.broadcast %rsqrt3A : vector<400x1xf32> to vector<400x128xf32>
    %mul3A_23 = arith.mulf %mul3A, %add3A_22 : vector<400x128xf32>
    %get3A_24 = arith.constant 0 : index
    %get3A_25 = arith.constant 0 : index
    %get3A_26 = vector.load %arg4[%get3A_24, %get3A_25] : memref<1x128xf32, #tpu.memory_space<vmem>>, vector<1x128xf32>
    %add3A_27 = vector.broadcast %get3A_26 : vector<1x128xf32> to vector<400x128xf32>
    %add3A_28 = arith.addf %mul3A_23, %add3A_27 : vector<400x128xf32>
    %max3A = arith.constant 0.000000e+00 : f32
    %max3A_29 = vector.broadcast %max3A : f32 to vector<400x128xf32>
    %max3A_30 = arith.maximumf %add3A_28, %max3A_29 : vector<400x128xf32>
    %get3A_31 = arith.constant 0 : index
    %get3A_32 = arith.constant 0 : index
    %get3A_33 = vector.load %arg5[%get3A_31, %get3A_32] : memref<128x128xf32, #tpu.memory_space<vmem>>, vector<128x128xf32>
    %dot_general3A = arith.constant dense<0.000000e+00> : vector<400x128xf32>
    %dot_general3A_34 = tpu.matmul %max3A_30, %get3A_33, %dot_general3A {dimension_numbers = #tpu.dot_dimension_numbers<[1], [0], [0], [1], [0, 0, 1, 1], [], []>, transpose_lhs_hint = false} : vector<400x128xf32>, vector<128x128xf32>, vector<400x128xf32> -> vector<400x128xf32>
    %mul3A_35 = vector.broadcast %rsqrt3A : vector<400x1xf32> to vector<400x128xf32>
    %mul3A_36 = arith.mulf %mul3A_35, %dot_general3A_34 : vector<400x128xf32>
    %swap3A = arith.constant 0 : index
    %swap3A_37 = arith.constant 0 : index
    %swap3A_38 = vector.load %arg6[%swap3A, %swap3A_37] : memref<400x128xf32, #tpu.memory_space<vmem>>, vector<400x128xf32>
    tpu.vector_store %arg6[%swap3A, %swap3A_37], %mul3A_36 {strides = array<i32>} : memref<400x128xf32, #tpu.memory_space<vmem>>, vector<400x128xf32>,
    return
  }
  func.func @transform_0(%arg0: i32) -> (i32, i32, i32) {
    %c0_i32 = arith.constant 0 : i32
    %c0_i32_0 = arith.constant 0 : i32
    %c0_i32_1 = arith.constant 0 : i32
    return %c0_i32, %arg0, %c0_i32_0 : i32, i32, i32
  }
  func.func @transform_1(%arg0: i32) -> (i32, i32, i32) {
    %c0_i32 = arith.constant 0 : i32
    %c0_i32_0 = arith.constant 0 : i32
    %c0_i32_1 = arith.constant 0 : i32
    return %c0_i32, %arg0, %c0_i32_0 : i32, i32, i32
  }
  func.func @transform_2(%arg0: i32) -> (i32, i32) {
    %c0_i32 = arith.constant 0 : i32
    %c0_i32_0 = arith.constant 0 : i32
    return %arg0, %c0_i32 : i32, i32
  }
  func.func @transform_3(%arg0: i32) -> (i32, i32) {
    %c0_i32 = arith.constant 0 : i32
    %c0_i32_0 = arith.constant 0 : i32
    %c0_i32_1 = arith.constant 0 : i32
    return %c0_i32, %c0_i32_0 : i32, i32
  }
  func.func @transform_4(%arg0: i32) -> (i32, i32) {
    %c0_i32 = arith.constant 0 : i32
    %c0_i32_0 = arith.constant 0 : i32
    %c0_i32_1 = arith.constant 0 : i32
    return %c0_i32, %c0_i32_0 : i32, i32
  }
  func.func @transform_5(%arg0: i32) -> (i32, i32) {
    %c0_i32 = arith.constant 0 : i32
    %c0_i32_0 = arith.constant 0 : i32
    return %arg0, %c0_i32 : i32, i32
  }
}

module attributes {stable_mosaic.version = 14 : i64} {
  func.func @_tc3_body(%arg0: i32, %arg1: memref<2x400x128xf32, #tpu.memory_space<vmem>>, %arg2: memref<2x400x128xf32, #tpu.memory_space<vmem>>, %arg3: memref<400x128xf32, #tpu.memory_space<vmem>>, %arg4: memref<1x128xf32, #tpu.memory_space<vmem>>, %arg5: memref<400x128xf32, #tpu.memory_space<vmem>>) attributes {dimension_semantics = [#tpu.dimension_semantics<arbitrary>], iteration_bounds = array<i64: 25>, scalar_prefetch = 0 : i64, scratch_operands = 0 : i64, tpu.core_type = #tpu.core_type<tc>, window_params = [{transform_indices = @transform_0, window_bounds = array<i64: 2, 400, 128>}, {transform_indices = @transform_1, window_bounds = array<i64: 2, 400, 128>}, {transform_indices = @transform_2, window_bounds = array<i64: 400, 128>}, {pipeline_mode = #tpu.pipeline_mode<synchronous>, transform_indices = @transform_3, window_bounds = array<i64: 1, 128>}, {transform_indices = @transform_4, window_bounds = array<i64: 400, 128>}]} {
    %get3A = arith.constant 0 : index
    %get3A_0 = arith.constant 0 : index
    %get3A_1 = arith.constant 0 : index
    %get3A_2 = vector.load %arg1[%get3A, %get3A_0, %get3A_1] : memref<2x400x128xf32, #tpu.memory_space<vmem>>, vector<2x400x128xf32>
    %slice3A = vector.extract_strided_slice %get3A_2 {offsets = [0, 0, 0], sizes = [1, 400, 1], strides = [1, 1, 1]} : vector<2x400x128xf32> to vector<1x400x1xf32>
    %squeeze3A = vector.shape_cast %slice3A : vector<1x400x1xf32> to vector<400x1xf32>
    %slice3A_3 = vector.extract_strided_slice %get3A_2 {offsets = [1, 0, 0], sizes = [1, 400, 1], strides = [1, 1, 1]} : vector<2x400x128xf32> to vector<1x400x1xf32>
    %squeeze3A_4 = vector.shape_cast %slice3A_3 : vector<1x400x1xf32> to vector<400x1xf32>
    %add3A = arith.addf %squeeze3A, %squeeze3A_4 : vector<400x1xf32>
    %add3A_5 = arith.constant 1.000000e+00 : f32
    %add3A_6 = vector.broadcast %add3A_5 : f32 to vector<400x1xf32>
    %add3A_7 = arith.addf %add3A, %add3A_6 : vector<400x1xf32>
    %rsqrt3A = math.rsqrt %add3A_7 : vector<400x1xf32>
    %get3A_8 = arith.constant 0 : index
    %get3A_9 = arith.constant 0 : index
    %get3A_10 = arith.constant 0 : index
    %get3A_11 = vector.load %arg2[%get3A_8, %get3A_9, %get3A_10] : memref<2x400x128xf32, #tpu.memory_space<vmem>>, vector<1x400x128xf32>
    %get3A_12 = vector.shape_cast %get3A_11 : vector<1x400x128xf32> to vector<400x128xf32>
    %get3A_13 = arith.constant 1 : index
    %get3A_14 = arith.constant 0 : index
    %get3A_15 = arith.constant 0 : index
    %get3A_16 = vector.load %arg2[%get3A_13, %get3A_14, %get3A_15] : memref<2x400x128xf32, #tpu.memory_space<vmem>>, vector<1x400x128xf32>
    %get3A_17 = vector.shape_cast %get3A_16 : vector<1x400x128xf32> to vector<400x128xf32>
    %add3A_18 = arith.addf %get3A_12, %get3A_17 : vector<400x128xf32>
    %get3A_19 = arith.constant 0 : index
    %get3A_20 = arith.constant 0 : index
    %get3A_21 = vector.load %arg3[%get3A_19, %get3A_20] : memref<400x128xf32, #tpu.memory_space<vmem>>, vector<400x128xf32>
    %add3A_22 = arith.addf %add3A_18, %get3A_21 : vector<400x128xf32>
    %mul3A = vector.broadcast %rsqrt3A : vector<400x1xf32> to vector<400x128xf32>
    %mul3A_23 = arith.mulf %mul3A, %add3A_22 : vector<400x128xf32>
    %get3A_24 = arith.constant 0 : index
    %get3A_25 = arith.constant 0 : index
    %get3A_26 = vector.load %arg4[%get3A_24, %get3A_25] : memref<1x128xf32, #tpu.memory_space<vmem>>, vector<1x128xf32>
    %add3A_27 = vector.broadcast %get3A_26 : vector<1x128xf32> to vector<400x128xf32>
    %add3A_28 = arith.addf %mul3A_23, %add3A_27 : vector<400x128xf32>
    %swap3A = arith.constant 0 : index
    %swap3A_29 = arith.constant 0 : index
    %swap3A_30 = vector.load %arg5[%swap3A, %swap3A_29] : memref<400x128xf32, #tpu.memory_space<vmem>>, vector<400x128xf32>
    tpu.vector_store %arg5[%swap3A, %swap3A_29], %add3A_28 {strides = array<i32>} : memref<400x128xf32, #tpu.memory_space<vmem>>, vector<400x128xf32>,
    return
  }
  func.func @transform_0(%arg0: i32) -> (i32, i32, i32) {
    %c0_i32 = arith.constant 0 : i32
    %c0_i32_0 = arith.constant 0 : i32
    %c0_i32_1 = arith.constant 0 : i32
    return %c0_i32, %arg0, %c0_i32_0 : i32, i32, i32
  }
  func.func @transform_1(%arg0: i32) -> (i32, i32, i32) {
    %c0_i32 = arith.constant 0 : i32
    %c0_i32_0 = arith.constant 0 : i32
    %c0_i32_1 = arith.constant 0 : i32
    return %c0_i32, %arg0, %c0_i32_0 : i32, i32, i32
  }
  func.func @transform_2(%arg0: i32) -> (i32, i32) {
    %c0_i32 = arith.constant 0 : i32
    %c0_i32_0 = arith.constant 0 : i32
    return %arg0, %c0_i32 : i32, i32
  }
  func.func @transform_3(%arg0: i32) -> (i32, i32) {
    %c0_i32 = arith.constant 0 : i32
    %c0_i32_0 = arith.constant 0 : i32
    %c0_i32_1 = arith.constant 0 : i32
    return %c0_i32, %c0_i32_0 : i32, i32
  }
  func.func @transform_4(%arg0: i32) -> (i32, i32) {
    %c0_i32 = arith.constant 0 : i32
    %c0_i32_0 = arith.constant 0 : i32
    return %arg0, %c0_i32 : i32, i32
  }
}

</mosaic_0001>

<sc_bundles>
// kernel: kernel.11.cloned.1.call-start
scs
__scs_entry_jumppad:
0x0: {  	(pc) =	sbr.rel $0x88, $3  }
0x1: {  	(tag) =	ssettag $0x0;
	lr =	simm.s32 $0x1  }
0x2: {  	[smem:$0x3F9B] =	sst lr;
	_ =	strace $0xD0000000  }
0x3: {  	_ = 	snop  }
0x4: {  	_ = 	snop  }
0x5: {  	_ = 	snop  }
0x6: {  	_ = 	snop  }
0x7: {  	_ = 	snop  }
__scs_overlays_trampoline_lowered:
0x8: {  	[smem:$0x3FAA] =	sst s0  }
0x9: {  	[smem:$0x3FAB] =	sst s1  }
0xa: {  	[smem:$0x3FAC] =	sst s2  }
0xb: {  	[smem:$0x3FAD] =	sst s3  }
0xc: {  	[smem:$0x3FAE] =	sst s4  }
0xd: {  	[smem:$0x3FAF] =	sst s5  }
0xe: {  	[smem:$0x3FB0] =	sst s6  }
0xf: {  	[smem:$0x3FB1] =	sst s7  }
0x10: {  	[smem:$0x3FB2] =	sst s8  }
0x11: {  	[smem:$0x3FB3] =	sst s9;
	s0 =	simm.s32 @!p0 $0x0  }
0x12: {  	s1 =	sld [smem:$0x3F99];
	s0 =	simm.s32 @p0 $0x1  }
0x13: {  	[smem:$0x3FB4] =	sst s0;
	s0 =	simm.s32 @!p1 $0x0  }
0x14: {  	s2 =	sld [smem:$0x3F98];
	s0 =	simm.s32 @p1 $0x1  }
0x15: {  	[smem:$0x3FB5] =	sst s0;
	s0 =	simm.s32 @!p2 $0x0  }
0x16: {  	s3 =	sld [smem:$0x3FDB];
	s0 =	simm.s32 @p2 $0x1  }
0x17: {  	s4 =	simm.s32 $0x1BF5;
	[smem:$0x3FB7] =	sst s0  }
0x18: {  	s0 =	sld [smem:$0x3F9A];
	_ =	swait.ge [sflag:s4], $0x0  }
0x19: {  	s7 =	sld [smem:$0x3F9B]  }
0x1a: {  	s8 =	sadd.s32 $0xFFFFE003, lr  }
0x1b: {  	s9 =	sadd.s32 $0xFFFFFEF7, lr;
	s5 =	simm.s32 $0xFFFFFFFF;
	p2 =	slt.u32 s8, $0xFFFFF086  }
0x1c: {  	p1 =	slt.u32 s9, $0xF7A;
	s5 =	simm.s32 @!p2 $0x0  }
0x1d: {  	s5 =	simm.s32 @p1 $0x1;
	p0 =	seq.s32 s7, s2  }
0x1e: {  	s7 =	smul.u32 @!p0 $0xF7A, s2;
	p2 =	seq.s32 @!p0 s5, $0x0  }
0x1f: {  	s9 =	smul.u32 $0xF7A, s1;
	s8 =	simm.s32 @!p0 $0x1BF5;
	p2 =	por !p2, p0  }
0x20: {  	[sflag:s8] =	ssyncset.s32 @!p0 $0xFFFFF086;
	s6 =	sadd.s32 @!p0 s3, s7;
	s7 =	simm.s32 @!p0 $0x108  }
0x21: {  	s3 =	sadd.s32 s3, s9;
	s6 =	sadd.s32 @!p0 $0x88, s6;
	s7 =	simm.s32 @p2 $0x1082  }
0x22: {  	[simem:s7], [sflag:s8] =	dma.local @!p0 [hbm:s6], $0xF7A  }
0x23: {  	s9 =	sor.u32 $0xD0000000, s2;
	s6 =	simm.s32 $0x108;
	_ =	swait.ge @!p0 [sflag:s8], $0x0  }
0x24: {  	s3 =	sadd.s32 $0x88, s3;
	s6 =	simm.s32 @!p1 $0x1082;
	[sflag:s4] =	ssyncset.s32 $0xFFFFF086  }
0x25: {  	[simem:s6], [sflag:s4] =	dma.local [hbm:s3], $0xF7A  }
0x26: {  	[smem:$0x3F9B] =	sst s1;
	(tag) =	ssettag s2;
	_ =	strace s9  }
0x27: {  	s1 =	sld [smem:$0x3FAB]  }
0x28: {  	s2 =	sld [smem:$0x3FAC]  }
0x29: {  	s4 =	sld [smem:$0x3FAE]  }
0x2a: {  	p0 =	seq.s32 s5, $0x0;
	s5 =	sld [smem:$0x3FAF]  }
0x2b: {  	s6 =	sld [smem:$0x3FB0]  }
0x2c: {  	s7 =	sld [smem:$0x3FB1]  }
0x2d: {  	s3 =	simm.s32 $0x108;
	s8 =	sld [smem:$0x3FB2]  }
0x2e: {  	s3 =	simm.s32 @!p0 $0x1082;
	s9 =	sld [smem:$0x3FB3]  }
0x2f: {  	lr =	sadd.s32 s0, s3;
	s0 =	sld [smem:$0x3FAA]  }
0x30: {  	s3 =	sld [smem:$0x3FAD]  }
0x31: {  	[smem:$0x3FB6] =	sst s10  }
0x32: {  	s10 =	sld [smem:$0x3FB4];
	_ =	sdelay $0x3  }
0x33: {  	p0 =	seq.s32 s10, $0x1;
	s10 =	sld [smem:$0x3FB6];
	_ =	sdelay $0x3  }
0x34: {  	[smem:$0x3FB6] =	sst s10  }
0x35: {  	s10 =	sld [smem:$0x3FB5];
	_ =	sdelay $0x3  }
0x36: {  	p1 =	seq.s32 s10, $0x1;
	s10 =	sld [smem:$0x3FB6];
	_ =	sdelay $0x3  }
0x37: {  	[smem:$0x3FB6] =	sst s10  }
0x38: {  	s10 =	sld [smem:$0x3FB7]  }
0x39: {  	_ = 	snop;
	(pc) =	sbr.ind lr, $3  }
0x3a: {  	_ = 	snop  }
0x3b: {  	_ = 	snop  }
0x3c: {  	p2 =	seq.s32 s10, $0x1;
	s10 =	sld [smem:$0x3FB6]  }
0x3d: {  	_ =	shalt  }
0x3e: {  	_ =	shalt  }
0x3f: {  	_ =	shalt  }
0x40: {  	_ =	shalt  }
0x41: {  	_ =	shalt  }
0x42: {  	_ =	shalt  }
0x43: {  	_ =	shalt  }
0x44: {  	_ =	shalt  }
0x45: {  	_ =	shalt  }
0x46: {  	_ =	shalt  }
0x47: {  	_ =	shalt  }
0x48: {  	_ =	shalt  }
0x49: {  	_ =	shalt  }
0x4a: {  	_ =	shalt  }
0x4b: {  	_ =	shalt  }
0x4c: {  	_ =	shalt  }
0x4d: {  	_ =	shalt  }
0x4e: {  	_ =	shalt  }
0x4f: {  	_ =	shalt  }
0x50: {  	_ =	shalt  }
0x51: {  	_ =	shalt  }
0x52: {  	_ =	shalt  }
0x53: {  	_ =	shalt  }
0x54: {  	_ =	shalt  }
0x55: {  	_ =	shalt  }
0x56: {  	_ =	shalt  }
0x57: {  	_ =	shalt  }
0x58: {  	_ =	shalt  }
0x59: {  	_ =	shalt  }
0x5a: {  	_ =	shalt  }
0x5b: {  	_ =	shalt  }
0x5c: {  	_ =	shalt  }
0x5d: {  	_ =	shalt  }
0x5e: {  	_ =	shalt  }
0x5f: {  	_ =	shalt  }
0x60: {  	_ =	shalt  }
0x61: {  	_ =	shalt  }
0x62: {  	_ =	shalt  }
0x63: {  	_ =	shalt  }
0x64: {  	_ =	shalt  }
0x65: {  	_ =	shalt  }
0x66: {  	_ =	shalt  }
0x67: {  	_ =	shalt  }
0x68: {  	_ =	shalt  }
0x69: {  	_ =	shalt  }
0x6a: {  	_ =	shalt  }
0x6b: {  	_ =	shalt  }
0x6c: {  	_ =	shalt  }
0x6d: {  	_ =	shalt  }
0x6e: {  	_ =	shalt  }
0x6f: {  	_ =	shalt  }
0x70: {  	_ =	shalt  }
0x71: {  	_ =	shalt  }
0x72: {  	_ =	shalt  }
0x73: {  	_ =	shalt  }
0x74: {  	_ =	shalt  }
0x75: {  	_ =	shalt  }
0x76: {  	_ =	shalt  }
0x77: {  	_ =	shalt  }
0x78: {  	_ =	shalt  }
0x79: {  	_ =	shalt  }
0x7a: {  	_ =	shalt  }
0x7b: {  	_ =	shalt  }
0x7c: {  	_ =	shalt  }
0x7d: {  	_ =	shalt  }
0x7e: {  	_ =	shalt  }
0x7f: {  	_ =	shalt  }
0x80: {  	_ =	shalt  }
0x81: {  	_ =	shalt  }
0x82: {  	_ =	shalt  }
0x83: {  	_ =	shalt  }
0x84: {  	_ =	shalt  }
0x85: {  	_ =	shalt  }
0x86: {  	_ =	shalt  }
0x87: {  	_ =	shalt  }
.Lfunc_end0:
.L_simem_size_0:
called_computation.1_lowered:
.L_overlay_start_0:
0x88: {  	s2 =	sld [smem:$0x3FD9]  }
0x89: {  	s3 =	sld [smem:$0x3FFE];
	_ =	sdelay $0x1  }
0x8a: {  	s1 =	srdreg.scid  }
0x8b: {  	s0 =	sand.u32 $0x1, s1  }
0x8c: {  	s17 =	sshll.u32 s0, $0xA;
	s2 =	sadd.s32 s3, s2  }
0x8d: {  	s2 =	sadd.s32 s2, s17  }
0x8e: {  	[smem:$0x3FC2] =	sst s2  }
0x8f: {  	_ = 	snop  }
0x90: {  	s2 =	sld [smem:$0x3FD0];
	(tm) =	ssettm $0x1  }
0x91: {  	s18 =	sld [smem:$0x3FFB];
	_ =	sdelay $0x3  }
0x92: {  	_ =	strace s18  }
0x93: {  	s3 =	sld [smem:$0x3FFC];
	_ =	sdelay $0x3  }
0x94: {  	_ =	strace s3  }
0x95: {  	s3 =	sld [smem:$0x3FFD];
	_ =	sdelay $0x3  }
0x96: {  	_ =	strace s3  }
0x97: {  	_ =	strace $0x8FFFFFFF  }
0x98: {  	s19 =	sld [smem:$0x3FDB];
	_ =	sdelay $0x1  }
0x99: {  	s4 =	simm.s32 $_scs_section_size  }
0x9a: {  	s5 =	simm.s32 $_size__tile_overlayer_lowered;
	s6 =	simm.s32 $_tile_overlayer_lowered  }
0x9b: {  	s22 =	simm.s32 $0x1BFF;
	s21 =	sshll.u32 s6, $0x1;
	s3 =	sadd.s32 s4, s19  }
0x9c: {  	s7 =	simm.s32 $0x0;
	s20 =	sshll.u32 s5, $0x1;
	s5 =	sadd.s32 s21, s3  }
0x9d: {  	[timem:s7], [sflag:s22] =	dma.local [hbm:s5], s20  }
0x9e: {  	_ =	swait.ge [sflag:s22], s20  }
0x9f: {  	s4 =	ssub.s32 $0x0, s20;
	[sflag:s22] =	ssyncset.done $0x0  }
0xa0: {  	[sflag:s22] =	ssyncadd.s32 s4;
	_ =	sdelay $0x1  }
0xa1: {  	s23 =	simm.s32 $0x1B8B  }
0xa2: {  	_ =	swait.ge [sflag:s23], $0x1  }
0xa3: {  	[sflag:s23] =	ssyncset.done $0x0  }
0xa4: {  	s25 =	simm.s32 $0x1B8E;
	s24 =	sld [smem:$0x3FFE];
	[sflag:s23] =	ssyncadd.s32 $0xFFFFFFFF  }
0xa5: {  	s26 =	simm.s32 $execute0_lowered;
	[smem:$0x3FD2] =	sst s25  }
0xa6: {  	s5 =	sshll.u32 s26, $0x1;
	_ =	strace $0x80000049;
	[dreg:$0x1] =	wrdreg $0xFFFFFFFF  }
0xa7: {  	s28 =	simm.s32 $_size_execute0_lowered;
	s3 =	sadd.s32 s3, s5;
	[dreg:$0x0] =	wrdreg $0x0  }
0xa8: {  	s5 =	sshll.u32 s28, $0x1;
	[dreg:$0x2] =	wrdreg s3  }
0xa9: {  	[dreg:$0x3] =	wrdreg s5  }
0xaa: {  	[dreg:$0x4] =	wrdreg $0xC0  }
0xab: {  	_ =	task [dreg:s7], $0x5FFFF  }
0xac: {  	[dreg:$0x1] =	wrdreg $0xFFFFFFFF  }
0xad: {  	[dreg:$0x0] =	wrdreg $0x60  }
0xae: {  	[dreg:$0x2] =	wrdreg s2  }
0xaf: {  	[dreg:$0x3] =	wrdreg s24  }
0xb0: {  	[dreg:$0x4] =	wrdreg $0x84000  }
0xb1: {  	[dreg:$0x5] =	wrdreg $0x9  }
0xb2: {  	_ =	task.clear_ibuf [dreg:s7], $0x6FFFF;
	_ =	strace $0x90000049  }
0xb3: {  	s29 =	simm.s32 $0x9;
	_ =	strace $0x8000004B  }
0xb4: {  	_ =	swait.ge [sflag:s29], $0x1  }
0xb5: {  	[sflag:s29] =	ssyncadd.s32 $0xFFFFFFFF  }
0xb6: {  	_ =	strace $0x9000004B  }
0xb7: {  	_ =	sfence  }
0xb8: {  	s30 =	sld [smem:$0x0];
	_ =	sdelay $0x2  }
0xb9: {  	s31 =	sshll.u32 s1, $0xD;
	s1 =	sshrl.u32 s1, $0x2  }
0xba: {  	s3 =	sand.u32 $0x4000, s31;
	s1 =	sadd.s32 s1, s30  }
0xbb: {  	s0 =	sor.u32 s3, s0;
	s1 =	sshll.u32 s1, $0x11  }
0xbc: {  	s0 =	sor.u32 s1, s0  }
0xbd: {  	s0 =	sadd.s32 $0x8F2B, s0  }
0xbe: {  	[sflag:s0] =	ssyncadd.remote.s32 $0x1  }
0xbf: {  	_ =	sfence.sel $0xFFFF  }
0xc0: {  	[dreg:$0x0] =	wrdreg $0xFFFFFFFF;
	(pc) =	sbr.abs _section_cstart, $3  }
0xc1: {  	[dreg:$0x1] =	wrdreg $0xFFFFFFFF  }
0xc2: {  	_ =	task.clear_ibuf [dreg:s7], $0x2FFFF;
	_ =	strace $0x9FFFFFFF  }
0xc3: {  	(tm) =	ssettm $0x7FFFFFFF  }
tec
execute0_lowered:
.L_overlay_start_1:
0x0: {  	(tag) =	ssettag $0x1  }
0x1: {  	s1 =	rddreg [dreg:$0x0]  }
0x2: {  	s0 =	rddreg [dreg:$0x1]  }
0x3: {  	s2 =	rddreg [dreg:$0x2];
	s3 =	simm.s32 $0x0  }
0x4: {  	s4 =	srdreg.scid;
	s11 =	stileid.u32;
	s31 =	simm.s32 $0xB  }
0x5: {  	s28 =	simm.s32 $0xC;
	s29 =	simm.s32 $0x6400;
	[smem:$0x7FF] =	sst s3  }
0x6: {  	s5 =	sadd.s32 $0x67800, s0;
	s4 =	sand.u32 $0x1, s4;
	s8 =	smul.u32 $0x50000, s11  }
0x7: {  	s6 =	sadd.s32 $0x53800, s0;
	s9 =	sadd.s32 $0x2800, s0;
	s10 =	smul.u32 $0x14000, s11  }
0x8: {  	s0 =	sadd.s32 $0x2C00, s0;
	s16 =	sshll.u32 s11, $0x1;
	_ =	strace $0x8000004A  }
0x9: {  	s7 =	ssub.s32 $0x2, s4;
	[dreg:$0x4] =	wrdreg s9;
	s9 =	sor.u32 s4, s16  }
0xa: {  	s4 =	smul.u32 $0x140000, s4;
	s15 =	sshrl.u32 s7, $0x1;
	s8 =	sshrl.u32 s8, $0x2  }
0xb: {  	s17 =	sadd.s32 $0x4000, s10;
	s22 =	sadd.s32 $0x8000, s10;
	s12 =	smul.u32 $0x5000, s9  }
0xc: {  	s23 =	sadd.s32 $0xC000, s10;
	s13 =	sadd.s32 $0x10000, s10;
	s14 =	sadd.s32 s22, s2  }
0xd: {  	s7 =	ssub.s32 s7, s15;
	s21 =	sadd.s32 s8, s2;
	[dreg:$0x9] =	wrdreg s14  }
0xe: {  	s15 =	sadd.s32 s17, s2;
	s30 =	sadd.s32 s23, s2;
	[dreg:$0x5] =	wrdreg s21  }
0xf: {  	s18 =	sadd.s32 s13, s2;
	s10 =	sadd.s32 s10, s4;
	[dreg:$0x7] =	wrdreg s15  }
0x10: {  	s8 =	sadd.s32 s4, s17;
	s11 =	sadd.s32 s4, s22;
	[dreg:$0xa] =	wrdreg s30  }
0x11: {  	s9 =	sadd.s32 s4, s23;
	s19 =	sadd.s32 $0x2000, s21;
	[dreg:$0xb] =	wrdreg s18  }
0x12: {  	s4 =	sadd.s32 s4, s13;
	s20 =	sadd.s32 $0x6000, s21;
	[dreg:$0x6] =	wrdreg s19  }
0x13: {  	s13 =	simm.s32 $0x10;
	s22 =	sadd.s32 $0xA000, s21;
	[dreg:$0x8] =	wrdreg s20  }
0x14: {  	s10 =	sshrl.u32 s10, $0x3;
	s23 =	sadd.s32 $0xE000, s21;
	[dreg:$0x16] =	wrdreg s22  }
0x15: {  	s8 =	sshrl.u32 s8, $0x3;
	s10 =	sadd.s32 s0, s10;
	[dreg:$0x17] =	wrdreg s23  }
0x16: {  	s24 =	sshrl.u32 s12, $0x3;
	s8 =	sadd.s32 s0, s8;
	[dreg:$0xd] =	wrdreg s10  }
0x17: {  	s26 =	sshrl.u32 s11, $0x3;
	s17 =	sadd.s32 s6, s24;
	[dreg:$0xe] =	wrdreg s8  }
0x18: {  	s16 =	sadd.s32 s5, s24;
	s20 =	smax.u32 s7, $0x1;
	[dreg:$0x13] =	wrdreg s17  }
0x19: {  	s25 =	sor.u32 $0x10, s24;
	s24 =	sadd.s32 $0x12000, s21;
	[dreg:$0x15] =	wrdreg s20  }
0x1a: {  	s9 =	sshrl.u32 s9, $0x3;
	s4 =	sshrl.u32 s4, $0x3;
	[dreg:$0x18] =	wrdreg s24  }
0x1b: {  	s14 =	simm.s32 $0x6;
	s8 =	sadd.s32 s0, s26;
	[dreg:$0xc] =	wrdreg s16  }
0x1c: {  	s22 =	simm.s32 $0x40;
	s10 =	sadd.s32 s0, s9;
	[dreg:$0xf] =	wrdreg s8  }
0x1d: {  	s23 =	simm.s32 $0xA;
	s0 =	sadd.s32 s0, s4;
	[dreg:$0x10] =	wrdreg s10  }
0x1e: {  	s11 =	sadd.s32 s5, s25;
	s19 =	sadd.s32 s6, s25;
	[dreg:$0x11] =	wrdreg s0  }
0x1f: {  	s25 =	sadd.s32 $0x20, s16;
	s26 =	sadd.s32 $0x30, s16;
	[dreg:$0x12] =	wrdreg s11  }
.Ltmp0:
0x20: {  	s4 =	simm.s32 $0x11;
	[dreg:$0x14] =	wrdreg s19;
	(pc) =	sbr.rel .LBB2_1-.Ltmp0, $4  }
0x21: {  	s20 =	simm.s32 $0x280;
	s24 =	simm.s32 $0x2400;
	[dreg:$0x19] =	wrdreg s25  }
0x22: {  	s16 =	simm.s32 $0xD;
	s9 =	simm.s32 $0x2;
	[dreg:$0x1a] =	wrdreg s26  }
0x23: {  	s0 =	simm.s32 $0x400;
	s25 =	simm.s32 $0x1;
	s11 =	simm.s32 $0xE  }
0x24: {  	s26 =	simm.s32 $0x380;
	s10 =	simm.s32 $0x3;
	s8 =	simm.s32 $0x0  }
.LBB2_4:
0x25: {  	s7 =	simm.s32 $0x7  }
0x26: {  	_ =	swait.ge [sflag:s7], $0x2000  }
0x27: {  	[sflag:s7] =	ssyncset.done $0x0  }
0x28: {  	s17 =	simm.s32 $0x8;
	[sflag:s7] =	ssyncadd.s32 $0xFFFFE000  }
0x29: {  	_ =	swait.ge [sflag:s17], $0x2000  }
0x2a: {  	[sflag:s17] =	ssyncset.done $0x0  }
0x2b: {  	[sflag:s17] =	ssyncadd.s32 $0xFFFFE000  }
0x2c: {  	s18 =	stileid.u32;
	[bflag:$0x0] =	sbarrier.arrive $0xFFFF  }
0x2d: {  	s7 =	sshll.u32 s18, $0x6;
	s21 =	rddreg [dreg:$0x5]  }
0x2e: {  	s7 =	sor.u32 $0x1C11, s7;
	s17 =	rddreg [dreg:$0xd];
	s8 =	sshrl.u32 s21, $0x3  }
0x2f: {  	[hbm:s17], [sflag:s7] =	dma.local [spmem:s8], $0x800  }
0x30: {  	_ =	swait.ge [sflag:s4], $0x800  }
0x31: {  	[sflag:s4] =	ssyncset.done $0x0;
	s15 =	rddreg [dreg:$0x7]  }
0x32: {  	s18 =	rddreg [dreg:$0xe];
	[sflag:s4] =	ssyncadd.s32 $0xFFFFF800;
	s19 =	sshrl.u32 s15, $0x3  }
0x33: {  	[hbm:s18], [sflag:s7] =	dma.local [spmem:s19], $0x800  }
0x34: {  	_ =	swait.ge [sflag:s4], $0x800  }
0x35: {  	[sflag:s4] =	ssyncset.done $0x0;
	s17 =	rddreg [dreg:$0x9]  }
0x36: {  	s30 =	rddreg [dreg:$0xf];
	[sflag:s4] =	ssyncadd.s32 $0xFFFFF800;
	s8 =	sshrl.u32 s17, $0x3  }
0x37: {  	[hbm:s30], [sflag:s7] =	dma.local [spmem:s8], $0x800  }
0x38: {  	_ =	swait.ge [sflag:s4], $0x800  }
0x39: {  	[sflag:s4] =	ssyncset.done $0x0;
	s30 =	rddreg [dreg:$0xa]  }
0x3a: {  	s19 =	rddreg [dreg:$0x10];
	[sflag:s4] =	ssyncadd.s32 $0xFFFFF800;
	s18 =	sshrl.u32 s30, $0x3  }
0x3b: {  	[hbm:s19], [sflag:s7] =	dma.local [spmem:s18], $0x800  }
0x3c: {  	_ =	swait.ge [sflag:s4], $0x800  }
0x3d: {  	[sflag:s4] =	ssyncset.done $0x0;
	s18 =	rddreg [dreg:$0xb]  }
0x3e: {  	s19 =	rddreg [dreg:$0x11];
	[sflag:s4] =	ssyncadd.s32 $0xFFFFF800;
	s17 =	sshrl.u32 s18, $0x3  }
0x3f: {  	[hbm:s19], [sflag:s7] =	dma.local [spmem:s17], $0x800  }
0x40: {  	_ =	swait.ge [sflag:s4], $0x800  }
0x41: {  	s17 =	rddreg [dreg:$0x1b]  }
0x42: {  	s19 =	rddreg [dreg:$0x15];
	s8 =	sadd.s32 $0x1, s17  }
0x43: {  	p0 =	sne.s32 s8, s19  }
.Ltmp1:
0x44: {  	_ = 	snop;
	(pc) =	sbr.rel @!p0 .LBB2_5-.Ltmp1, $3  }
0x45: {  	_ =	sdelay $0x1  }
0x46: {  	[sflag:s4] =	ssyncset.done $0x0  }
0x47: {  	[sflag:s4] =	ssyncadd.s32 $0xFFFFF800  }
.LBB2_1:
0x48: {  	[dreg:$0x1b] =	wrdreg s8  }
0x49: {  	s7 =	rddreg [dreg:$0x4]  }
0x4a: {  	[tilespmem:s0], [sflag:$0x11] =	stream.linear.gather [hbm4b:s7+s3], $0x2000, $0x38;
	[tilespmem:$0x1C400] =	vst v63  }
0x4b: {  	_ =	swait.ge [sflag:s4], $0x2000  }
0x4c: {  	[sflag:s4] =	ssyncset.done $0x0  }
0x4d: {  	[sflag:s4] =	ssyncadd.s32 $0xFFFFE000  }
0x4e: {  	[spmem:s21] =	stream.linear.scatter [tilespmem:s0], [sflag:$0x11], $0x2000, $0x38;
	[tilespmem:$0x1C400] =	vst v63  }
0x4f: {  	_ =	swait.ge [sflag:s4], $0x2000  }
0x50: {  	[sflag:s4] =	ssyncset.done $0x0  }
0x51: {  	s17 =	rddreg [dreg:$0x6];
	[sflag:s4] =	ssyncadd.s32 $0xFFFFE000  }
0x52: {  	[spmem:s17] =	stream.linear.scatter [tilespmem:s0], [sflag:$0x11], $0x2000, $0x38;
	[tilespmem:$0x1C400] =	vst v63  }
0x53: {  	_ =	swait.ge [sflag:s4], $0x2000  }
0x54: {  	[sflag:s4] =	ssyncset.done $0x0  }
0x55: {  	[sflag:s4] =	ssyncadd.s32 $0xFFFFE000  }
0x56: {  	[spmem:s15] =	stream.linear.scatter [tilespmem:s0], [sflag:$0x11], $0x2000, $0x38;
	[tilespmem:$0x1C400] =	vst v63  }
0x57: {  	_ =	swait.ge [sflag:s4], $0x2000  }
0x58: {  	[sflag:s4] =	ssyncset.done $0x0  }
0x59: {  	s19 =	rddreg [dreg:$0x8];
	[sflag:s4] =	ssyncadd.s32 $0xFFFFE000  }
0x5a: {  	[spmem:s19] =	stream.linear.scatter [tilespmem:s0], [sflag:$0x11], $0x2000, $0x38;
	[tilespmem:$0x1C400] =	vst v63  }
0x5b: {  	_ =	swait.ge [sflag:s4], $0x2000  }
0x5c: {  	[sflag:s4] =	ssyncset.done $0x0  }
0x5d: {  	s8 =	rddreg [dreg:$0x9];
	[sflag:s4] =	ssyncadd.s32 $0xFFFFE000  }
0x5e: {  	[spmem:s8] =	stream.linear.scatter [tilespmem:s0], [sflag:$0x11], $0x2000, $0x38;
	[tilespmem:$0x1C400] =	vst v63  }
0x5f: {  	_ =	swait.ge [sflag:s4], $0x2000  }
0x60: {  	[sflag:s4] =	ssyncset.done $0x0  }
0x61: {  	s17 =	rddreg [dreg:$0x16];
	[sflag:s4] =	ssyncadd.s32 $0xFFFFE000  }
0x62: {  	[spmem:s17] =	stream.linear.scatter [tilespmem:s0], [sflag:$0x11], $0x2000, $0x38;
	[tilespmem:$0x1C400] =	vst v63  }
0x63: {  	_ =	swait.ge [sflag:s4], $0x2000  }
0x64: {  	[sflag:s4] =	ssyncset.done $0x0  }
0x65: {  	[sflag:s4] =	ssyncadd.s32 $0xFFFFE000  }
0x66: {  	[spmem:s30] =	stream.linear.scatter [tilespmem:s0], [sflag:$0x11], $0x2000, $0x38;
	[tilespmem:$0x1C400] =	vst v63  }
0x67: {  	_ =	swait.ge [sflag:s4], $0x2000  }
0x68: {  	[sflag:s4] =	ssyncset.done $0x0  }
0x69: {  	s19 =	rddreg [dreg:$0x17];
	[sflag:s4] =	ssyncadd.s32 $0xFFFFE000  }
0x6a: {  	[spmem:s19] =	stream.linear.scatter [tilespmem:s0], [sflag:$0x11], $0x2000, $0x38;
	[tilespmem:$0x1C400] =	vst v63  }
0x6b: {  	_ =	swait.ge [sflag:s4], $0x2000  }
0x6c: {  	[sflag:s4] =	ssyncset.done $0x0  }
0x6d: {  	[sflag:s4] =	ssyncadd.s32 $0xFFFFE000  }
0x6e: {  	[spmem:s18] =	stream.linear.scatter [tilespmem:s0], [sflag:$0x11], $0x2000, $0x38;
	[tilespmem:$0x1C400] =	vst v63  }
0x6f: {  	_ =	swait.ge [sflag:s4], $0x2000  }
0x70: {  	[sflag:s4] =	ssyncset.done $0x0  }
0x71: {  	s7 =	simm.s32 $0x400;
	s0 =	rddreg [dreg:$0x18];
	[sflag:s4] =	ssyncadd.s32 $0xFFFFE000  }
0x72: {  	[spmem:s0] =	stream.linear.scatter [tilespmem:s7], [sflag:$0x11], $0x2000, $0x38;
	[tilespmem:$0x1C400] =	vst v63  }
0x73: {  	_ =	swait.ge [sflag:s4], $0x2000  }
0x74: {  	[sflag:s4] =	ssyncset.done $0x0  }
0x75: {  	[sflag:s4] =	ssyncadd.s32 $0xFFFFE000  }
0x76: {  	[bflag:$0x0] =	sbarrier.arrive $0xFFFF  }
0x77: {  	[spmem:s21] =	stream.linear.scatter [tilespmem:s7], [sflag:$0x11], $0x2000, $0x38;
	[tilespmem:$0x1C400] =	vst v63  }
0x78: {  	_ =	swait.ge [sflag:s4], $0x2000  }
0x79: {  	[sflag:s4] =	ssyncset.done $0x0  }
0x7a: {  	s21 =	rddreg [dreg:$0x6];
	[sflag:s4] =	ssyncadd.s32 $0xFFFFE000  }
0x7b: {  	[spmem:s21] =	stream.linear.scatter [tilespmem:s7], [sflag:$0x11], $0x2000, $0x38;
	[tilespmem:$0x1C400] =	vst v63  }
0x7c: {  	_ =	swait.ge [sflag:s4], $0x2000  }
0x7d: {  	[sflag:s4] =	ssyncset.done $0x0  }
0x7e: {  	[sflag:s4] =	ssyncadd.s32 $0xFFFFE000  }
0x7f: {  	[spmem:s15] =	stream.linear.scatter [tilespmem:s7], [sflag:$0x11], $0x2000, $0x38;
	[tilespmem:$0x1C400] =	vst v63  }
0x80: {  	_ =	swait.ge [sflag:s4], $0x2000  }
0x81: {  	[sflag:s4] =	ssyncset.done $0x0  }
0x82: {  	s21 =	rddreg [dreg:$0x8];
	[sflag:s4] =	ssyncadd.s32 $0xFFFFE000  }
0x83: {  	[spmem:s21] =	stream.linear.scatter [tilespmem:s7], [sflag:$0x11], $0x2000, $0x38;
	[tilespmem:$0x1C400] =	vst v63  }
0x84: {  	_ =	swait.ge [sflag:s4], $0x2000  }
0x85: {  	[sflag:s4] =	ssyncset.done $0x0  }
0x86: {  	[sflag:s4] =	ssyncadd.s32 $0xFFFFE000  }
0x87: {  	[spmem:s8] =	stream.linear.scatter [tilespmem:s7], [sflag:$0x11], $0x2000, $0x38;
	[tilespmem:$0x1C400] =	vst v63  }
0x88: {  	_ =	swait.ge [sflag:s4], $0x2000  }
0x89: {  	[sflag:s4] =	ssyncset.done $0x0  }
0x8a: {  	[sflag:s4] =	ssyncadd.s32 $0xFFFFE000  }
0x8b: {  	[spmem:s17] =	stream.linear.scatter [tilespmem:s7], [sflag:$0x11], $0x2000, $0x38;
	[tilespmem:$0x1C400] =	vst v63  }
0x8c: {  	_ =	swait.ge [sflag:s4], $0x2000  }
0x8d: {  	[sflag:s4] =	ssyncset.done $0x0  }
0x8e: {  	[sflag:s4] =	ssyncadd.s32 $0xFFFFE000  }
0x8f: {  	[spmem:s30] =	stream.linear.scatter [tilespmem:s7], [sflag:$0x11], $0x2000, $0x38;
	[tilespmem:$0x1C400] =	vst v63  }
0x90: {  	_ =	swait.ge [sflag:s4], $0x2000  }
0x91: {  	[sflag:s4] =	ssyncset.done $0x0  }
0x92: {  	[sflag:s4] =	ssyncadd.s32 $0xFFFFE000  }
0x93: {  	[spmem:s19] =	stream.linear.scatter [tilespmem:s7], [sflag:$0x11], $0x2000, $0x38;
	[tilespmem:$0x1C400] =	vst v63  }
0x94: {  	_ =	swait.ge [sflag:s4], $0x2000  }
0x95: {  	[sflag:s4] =	ssyncset.done $0x0  }
0x96: {  	[sflag:s4] =	ssyncadd.s32 $0xFFFFE000  }
0x97: {  	[spmem:s18] =	stream.linear.scatter [tilespmem:s7], [sflag:$0x11], $0x2000, $0x38;
	[tilespmem:$0x1C400] =	vst v63  }
0x98: {  	_ =	swait.ge [sflag:s4], $0x2000  }
0x99: {  	[sflag:s4] =	ssyncset.done $0x0  }
0x9a: {  	[sflag:s4] =	ssyncadd.s32 $0xFFFFE000  }
0x9b: {  	[spmem:s0] =	stream.linear.scatter [tilespmem:s7], [sflag:$0x11], $0x2000, $0x38;
	[tilespmem:$0x1C400] =	vst v63  }
0x9c: {  	_ =	swait.ge [sflag:s4], $0x2000  }
0x9d: {  	[sflag:s4] =	ssyncset.done $0x0  }
0x9e: {  	[sflag:s4] =	ssyncadd.s32 $0xFFFFE000  }
0x9f: {  	[bflag:$0x0] =	sbarrier.arrive $0xFFFF  }
0xa0: {  	s17 =	rddreg [dreg:$0xc]  }
0xa1: {  	[tilespmem:s3], [sflag:$0x9] =	stream.linear.gather [hbm4b:s17+s3], $0x80, $0x38;
	[tilespmem:$0x1C400] =	vst v63  }
0xa2: {  	s8 =	simm.s32 $0x80;
	s18 =	rddreg [dreg:$0x12]  }
0xa3: {  	[tilespmem:s8], [sflag:$0xA] =	stream.linear.gather [hbm4b:s18+s3], $0x80, $0x38;
	[tilespmem:$0x1C400] =	vst v63  }
0xa4: {  	s30 =	simm.s32 $0x100;
	s21 =	rddreg [dreg:$0x19]  }
0xa5: {  	[tilespmem:s30], [sflag:$0xB] =	stream.linear.gather [hbm4b:s21+s3], $0x80, $0x38;
	[tilespmem:$0x1C400] =	vst v63  }
0xa6: {  	s15 =	rddreg [dreg:$0x1a];
	s17 =	simm.s32 $0x180  }
0xa7: {  	[tilespmem:s17], [sflag:$0xC] =	stream.linear.gather [hbm4b:s15+s3], $0x80, $0x38;
	[tilespmem:$0x1C400] =	vst v63  }
0xa8: {  	s19 =	simm.s32 $0x200;
	s18 =	rddreg [dreg:$0x13]  }
0xa9: {  	[tilespmem:s19], [sflag:$0xD] =	stream.linear.gather [hbm4b:s18+s3], $0x80, $0x38;
	[tilespmem:$0x1C400] =	vst v63  }
0xaa: {  	s21 =	rddreg [dreg:$0x14];
	s30 =	simm.s32 $0x9  }
0xab: {  	[tilespmem:s20], [sflag:$0xE] =	stream.linear.gather [hbm4b:s21+s3], $0x80, $0x38;
	[tilespmem:$0x1C400] =	vst v63  }
0xac: {  	_ =	swait.ge [sflag:s30], $0x80  }
0xad: {  	[sflag:s30] =	ssyncset.done $0x0  }
0xae: {  	s0 =	simm.s32 $0x400;
	[sflag:s30] =	ssyncadd.s32 $0xFFFFFF80  }
0xaf: {  	[tilespmem:s0], [sflag:$0x1] =	stream.indirect.gather [hbm4b:s1+s22], $0x80, s3, s22, $0xb8;
	[tilespmem:$0x1C400] =	vst v63  }
0xb0: {  	_ =	swait.ge [sflag:s23], $0x80  }
0xb1: {  	[sflag:s23] =	ssyncset.done $0x0  }
0xb2: {  	[sflag:s23] =	ssyncadd.s32 $0xFFFFFF80  }
0xb3: {  	[tilespmem:s24], [sflag:$0x2] =	stream.indirect.gather [hbm4b:s1+s22], $0x80, s8, s22, $0xb8;
	[tilespmem:$0x1C400] =	vst v63  }
0xb4: {  	s21 =	simm.s32 $0x80;
	s8 =	simm.s32 $0x0  }
.LBB2_2:
0xb5: {  	p0 =	seq.s32 s8, $0x4E00  }
0xb6: {  	s7 =	sadd.s32 @!p0 $0x200, s8  }
0xb7: {  	s15 =	sand.u32 @!p0 $0xFC00, s7  }
0xb8: {  	s7 =	sand.u32 @!p0 $0x200, s7;
	s15 =	sadd.s32 @!p0 s12, s15  }
0xb9: {  	_ =	swait.ge [sflag:s25], $0x2000;
	s7 =	sor.u32 @!p0 s7, s15  }
0xba: {  	[sflag:s25] =	ssyncset.done $0x0;
	s7 =	sshrl.u32 @!p0 s7, $0x3  }
0xbb: {  	[sflag:s25] =	ssyncadd.s32 $0xFFFFE000;
	s15 =	simm.s32 @!p0 $0x0;
	s30 =	sadd.s32 @!p0 s5, s7  }
0xbc: {  	[tilespmem:s15], [sflag:$0x9] =	stream.linear.gather @!p0 [hbm4b:s30+s15], $0x80, $0x38;
	[tilespmem:$0x1C400] =	vst v63  }
0xbd: {  	s18 =	sand.u32 $0x7C00, s8;
	p1 =	seq.s32 s8, $0x0;
	_ =	swait.ge [sflag:s16], $0x80  }
0xbe: {  	s17 =	sand.u32 $0x200, s8;
	s30 =	sadd.s32 s12, s18;
	[sflag:s16] =	ssyncset.done $0x0  }
0xbf: {  	s18 =	simm.s32 @!p1 $0x7;
	s17 =	sor.u32 s17, s30;
	[sflag:s16] =	ssyncadd.s32 $0xFFFFFF80  }
0xc0: {  	[spmem:s2] =	stream.indirect.scatter.add.f32 [tilespmem:s0], [sflag:$0x5], $0x80, s19, s22, $0xb8;
	[tilespmem:$0x1C400] =	vst v63  }
0xc1: {  	s17 =	sshrl.u32 s17, $0x3;
	_ =	swait.ge @!p1 [sflag:s18], $0x2000  }
0xc2: {  	s17 =	sadd.s32 s17, s6;
	[sflag:s18] =	ssyncset.done @!p1 $0x0  }
0xc3: {  	s30 =	simm.s32 $0x300;
	[sflag:s18] =	ssyncadd.s32 @!p1 $0xFFFFE000;
	s18 =	sadd.s32 $0x20, s17  }
0xc4: {  	[tilespmem:s30], [sflag:$0xF] =	stream.linear.gather [hbm4b:s18+s3], $0x80, $0x38;
	[tilespmem:$0x1C400] =	vst v63  }
0xc5: {  	_ =	swait.ge [sflag:s31], $0x80  }
0xc6: {  	[sflag:s31] =	ssyncset.done $0x0  }
0xc7: {  	s18 =	simm.s32 $0x100;
	s30 =	simm.s32 $0x4400;
	[sflag:s31] =	ssyncadd.s32 $0xFFFFFF80  }
0xc8: {  	[tilespmem:s30], [sflag:$0x3] =	stream.indirect.gather [hbm4b:s1+s22], $0x80, s18, s22, $0xb8;
	[tilespmem:$0x1C400] =	vst v63  }
0xc9: {  	s18 =	sadd.s32 @!p0 $0x280, s8  }
0xca: {  	s30 =	sand.u32 @!p0 $0xFC00, s18  }
0xcb: {  	s18 =	sand.u32 @!p0 $0x280, s18;
	s30 =	sadd.s32 @!p0 s12, s30  }
0xcc: {  	_ =	swait.ge [sflag:s9], $0x2000;
	s18 =	sor.u32 @!p0 s18, s30  }
0xcd: {  	[sflag:s9] =	ssyncset.done $0x0;
	s18 =	sshrl.u32 @!p0 s18, $0x3  }
0xce: {  	[sflag:s9] =	ssyncadd.s32 $0xFFFFE000;
	s30 =	simm.s32 @!p0 $0x80;
	s18 =	sadd.s32 @!p0 s5, s18  }
0xcf: {  	[tilespmem:s30], [sflag:$0xA] =	stream.linear.gather @!p0 [hbm4b:s18+s15], $0x80, $0x38;
	[tilespmem:$0x1C400] =	vst v63  }
0xd0: {  	_ =	swait.ge [sflag:s11], $0x80  }
0xd1: {  	[sflag:s11] =	ssyncset.done $0x0  }
0xd2: {  	s18 =	simm.s32 @!p1 $0x8;
	[sflag:s11] =	ssyncadd.s32 $0xFFFFFF80  }
0xd3: {  	[spmem:s2] =	stream.indirect.scatter.add.f32 [tilespmem:s24], [sflag:$0x6], $0x80, s20, s22, $0xb8;
	[tilespmem:$0x1C400] =	vst v63  }
0xd4: {  	_ =	swait.ge @!p1 [sflag:s18], $0x2000  }
0xd5: {  	[sflag:s18] =	ssyncset.done @!p1 $0x0  }
0xd6: {  	s17 =	sadd.s32 $0x30, s17;
	[sflag:s18] =	ssyncadd.s32 @!p1 $0xFFFFE000  }
0xd7: {  	[tilespmem:s26], [sflag:$0x10] =	stream.linear.gather [hbm4b:s17+s3], $0x80, $0x38;
	[tilespmem:$0x1C400] =	vst v63  }
0xd8: {  	_ =	swait.ge [sflag:s28], $0x80  }
0xd9: {  	[sflag:s28] =	ssyncset.done $0x0  }
0xda: {  	s30 =	simm.s32 $0x180;
	[sflag:s28] =	ssyncadd.s32 $0xFFFFFF80  }
0xdb: {  	[tilespmem:s29], [sflag:$0x4] =	stream.indirect.gather [hbm4b:s1+s22], $0x80, s30, s22, $0xb8;
	[tilespmem:$0x1C400] =	vst v63  }
0xdc: {  	_ =	swait.ge [sflag:s10], $0x2000  }
0xdd: {  	[sflag:s10] =	ssyncset.done $0x0  }
0xde: {  	s17 =	simm.s32 @p0 $0xF;
	[sflag:s10] =	ssyncadd.s32 $0xFFFFE000  }
0xdf: {  	_ =	swait.ge @p0 [sflag:s17], $0x80  }
0xe0: {  	s18 =	simm.s32 @p0 $0x300;
	[sflag:s17] =	ssyncset.done @p0 $0x0  }
0xe1: {  	s30 =	simm.s32 @p0 $0x4400;
	[sflag:s17] =	ssyncadd.s32 @p0 $0xFFFFFF80;
	s17 =	simm.s32 @p0 $0x40  }
0xe2: {  	[spmem:s2] =	stream.indirect.scatter.add.f32 @p0 [tilespmem:s30], [sflag:$0x7], $0x80, s18, s17, $0xb8;
	[tilespmem:$0x1C400] =	vst v63  }
0xe3: {  	s17 =	simm.s32 @p0 $0x5  }
0xe4: {  	_ =	swait.ge @p0 [sflag:s17], $0x2000  }
0xe5: {  	s18 =	sadd.s32 @!p0 $0x300, s8;
	[sflag:s17] =	ssyncset.done @p0 $0x0  }
0xe6: {  	[sflag:s17] =	ssyncadd.s32 @p0 $0xFFFFE000;
	s17 =	sand.u32 @!p0 $0xFC00, s18  }
0xe7: {  	s30 =	simm.s32 @p0 $0x4;
	s18 =	sand.u32 @!p0 $0x300, s18;
	s17 =	sadd.s32 @!p0 s12, s17  }
0xe8: {  	_ =	swait.ge @p0 [sflag:s30], $0x2000;
	s17 =	sor.u32 @!p0 s18, s17  }
0xe9: {  	[sflag:s30] =	ssyncset.done @p0 $0x0;
	s17 =	sshrl.u32 @!p0 s17, $0x3  }
0xea: {  	s18 =	simm.s32 @!p0 $0x100;
	[sflag:s30] =	ssyncadd.s32 @p0 $0xFFFFE000;
	s17 =	sadd.s32 @!p0 s5, s17  }
0xeb: {  	[tilespmem:s18], [sflag:$0xB] =	stream.linear.gather @!p0 [hbm4b:s17+s15], $0x80, $0x38;
	[tilespmem:$0x1C400] =	vst v63  }
0xec: {  	s17 =	simm.s32 @!p0 $0xF  }
0xed: {  	_ =	swait.ge @!p0 [sflag:s17], $0x80  }
0xee: {  	s30 =	simm.s32 @!p0 $0x4400;
	[sflag:s17] =	ssyncset.done @!p0 $0x0  }
0xef: {  	s18 =	simm.s32 @!p0 $0x300;
	[sflag:s17] =	ssyncadd.s32 @!p0 $0xFFFFFF80;
	s17 =	simm.s32 @!p0 $0x40  }
0xf0: {  	[spmem:s2] =	stream.indirect.scatter.add.f32 @!p0 [tilespmem:s30], [sflag:$0x7], $0x80, s18, s17, $0xb8;
	[tilespmem:$0x1C400] =	vst v63  }
0xf1: {  	s18 =	simm.s32 @!p0 $0x5  }
0xf2: {  	_ =	swait.ge @!p0 [sflag:s18], $0x2000  }
0xf3: {  	[sflag:s18] =	ssyncset.done @!p0 $0x0  }
0xf4: {  	s7 =	sadd.s32 @!p0 s6, s7;
	[sflag:s18] =	ssyncadd.s32 @!p0 $0xFFFFE000;
	s18 =	simm.s32 @!p0 $0x200  }
0xf5: {  	[tilespmem:s18], [sflag:$0xD] =	stream.linear.gather @!p0 [hbm4b:s7+s15], $0x80, $0x38;
	[tilespmem:$0x1C400] =	vst v63  }
0xf6: {  	s7 =	simm.s32 @!p0 $0x9  }
0xf7: {  	_ =	swait.ge @!p0 [sflag:s7], $0x80  }
0xf8: {  	[sflag:s7] =	ssyncset.done @!p0 $0x0  }
0xf9: {  	[sflag:s7] =	ssyncadd.s32 @!p0 $0xFFFFFF80;
	s7 =	simm.s32 @!p0 $0x400  }
0xfa: {  	[tilespmem:s7], [sflag:$0x1] =	stream.indirect.gather @!p0 [hbm4b:s1+s17], $0x80, s15, s17, $0xb8;
	[tilespmem:$0x1C400] =	vst v63  }
0xfb: {  	s7 =	sadd.s32 @!p0 $0x380, s8  }
0xfc: {  	s17 =	sand.u32 @!p0 $0xFC00, s7  }
0xfd: {  	s18 =	simm.s32 @!p0 $0x4;
	s7 =	sand.u32 @!p0 $0x380, s7;
	s17 =	sadd.s32 @!p0 s12, s17  }
0xfe: {  	_ =	swait.ge @!p0 [sflag:s18], $0x2000;
	s7 =	sor.u32 @!p0 s7, s17  }
0xff: {  	[sflag:s18] =	ssyncset.done @!p0 $0x0;
	s7 =	sshrl.u32 @!p0 s7, $0x3  }
0x100: {  	[sflag:s18] =	ssyncadd.s32 @!p0 $0xFFFFE000;
	s17 =	simm.s32 @!p0 $0x180;
	s7 =	sadd.s32 @!p0 s5, s7  }
0x101: {  	[tilespmem:s17], [sflag:$0xC] =	stream.linear.gather @!p0 [hbm4b:s7+s15], $0x80, $0x38;
	[tilespmem:$0x1C400] =	vst v63  }
0x102: {  	_ =	swait.ge [sflag:s13], $0x80  }
0x103: {  	[sflag:s13] =	ssyncset.done $0x0  }
.Ltmp2:
0x104: {  	[sflag:s13] =	ssyncadd.s32 $0xFFFFFF80;
	(pc) =	sbr.rel @p0 .LBB2_4-.Ltmp2, $4  }
0x105: {  	[spmem:s2] =	stream.indirect.scatter.add.f32 [tilespmem:s29], [sflag:$0x8], $0x80, s26, s22, $0xb8;
	[tilespmem:$0x1C400] =	vst v63  }
0x106: {  	_ =	swait.ge [sflag:s14], $0x2000  }
0x107: {  	[sflag:s14] =	ssyncset.done $0x0  }
0x108: {  	[sflag:s14] =	ssyncadd.s32 $0xFFFFE000  }
0x109: {  	s7 =	sadd.s32 $0x280, s8  }
0x10a: {  	s15 =	sand.u32 $0xFC00, s7  }
0x10b: {  	s7 =	sand.u32 $0x280, s7;
	s15 =	sadd.s32 s12, s15  }
0x10c: {  	s7 =	sor.u32 s7, s15  }
0x10d: {  	s7 =	sshrl.u32 s7, $0x3  }
0x10e: {  	s7 =	sadd.s32 s6, s7  }
0x10f: {  	[tilespmem:s20], [sflag:$0xE] =	stream.linear.gather [hbm4b:s7+s3], $0x80, $0x38;
	[tilespmem:$0x1C400] =	vst v63  }
.Ltmp3:
0x110: {  	_ = 	snop;
	(pc) =	sbr.rel .LBB2_2-.Ltmp3, $4  }
0x111: {  	_ =	swait.ge [sflag:s23], $0x80  }
0x112: {  	[sflag:s23] =	ssyncset.done $0x0  }
0x113: {  	s8 =	sadd.s32 $0x200, s8;
	[sflag:s23] =	ssyncadd.s32 $0xFFFFFF80  }
0x114: {  	[tilespmem:s24], [sflag:$0x2] =	stream.indirect.gather [hbm4b:s1+s22], $0x80, s21, s22, $0xb8;
	[tilespmem:$0x1C400] =	vst v63  }
.LBB2_5:
0x115: {  	_ =	sfence.sel $0x180000  }
0x116: {  	[bflag:$0x0] =	sbarrier.arrive $0xFFFF  }
0x117: {  	_ =	strace $0x9000004A  }
0x118: {  	s0 =	stileid.u32;
	[bflag:$0x2] =	sbarrier.arrive $0xFFFF  }
0x119: {  	p0 =	sne.s32 s0, $0x0;
	s0 =	rddreg [dreg:$0x3]  }
0x11a: {  	s0 =	sadd.s32 @!p0 $0x100000, s0  }
0x11b: {  	[sflag:s0] =	ssyncadd.tile.s32 @!p0 $0x1;
	_ =	shalt  }
.Lfunc_end2:
_tile_overlayer_lowered:
.L_overlay_start_2:
0x11c: {  	(tag) =	ssettag $0x2  }
0x11d: {  	s0 =	rddreg [dreg:$0x0];
	s2 =	stileid.u32  }
0x11e: {  	s1 =	rddreg [dreg:$0x1];
	p0 =	sne.s32 s2, $0x0  }
0x11f: {  	s3 =	rddreg [dreg:$0x2];
	[bflag:$0x3] =	sbarrier.arrive $0xFFFF;
	s2 =	simm.s32 @!p0 $0x1C11  }
0x120: {  	[timem:s3], [sflag:s2] =	dma.local @!p0 [hbm:s0], s1  }
0x121: {  	s0 =	simm.s32 @!p0 $0x11  }
0x122: {  	_ =	swait.ge @!p0 [sflag:s0], s1  }
0x123: {  	s1 =	ssub.s32 @!p0 $0x0, s1;
	[sflag:s0] =	ssyncset.done @!p0 $0x0  }
0x124: {  	[sflag:s0] =	ssyncadd.s32 @!p0 s1  }
0x125: {  	[bflag:$0x3] =	sbarrier.arrive $0xFFFF  }
0x126: {  	_ =	shalt  }

// kernel: kernel.14.cloned.1.call-start
scs
__scs_entry_jumppad:
0x0: {  	(pc) =	sbr.rel $0x88, $3  }
0x1: {  	(tag) =	ssettag $0x0;
	lr =	simm.s32 $0x1  }
0x2: {  	[smem:$0x3F9B] =	sst lr;
	_ =	strace $0xD0000000  }
0x3: {  	_ = 	snop  }
0x4: {  	_ = 	snop  }
0x5: {  	_ = 	snop  }
0x6: {  	_ = 	snop  }
0x7: {  	_ = 	snop  }
__scs_overlays_trampoline_lowered:
0x8: {  	[smem:$0x3FAA] =	sst s0  }
0x9: {  	[smem:$0x3FAB] =	sst s1  }
0xa: {  	[smem:$0x3FAC] =	sst s2  }
0xb: {  	[smem:$0x3FAD] =	sst s3  }
0xc: {  	[smem:$0x3FAE] =	sst s4  }
0xd: {  	[smem:$0x3FAF] =	sst s5  }
0xe: {  	[smem:$0x3FB0] =	sst s6  }
0xf: {  	[smem:$0x3FB1] =	sst s7  }
0x10: {  	[smem:$0x3FB2] =	sst s8  }
0x11: {  	[smem:$0x3FB3] =	sst s9;
	s0 =	simm.s32 @!p0 $0x0  }
0x12: {  	s1 =	sld [smem:$0x3F99];
	s0 =	simm.s32 @p0 $0x1  }
0x13: {  	[smem:$0x3FB4] =	sst s0;
	s0 =	simm.s32 @!p1 $0x0  }
0x14: {  	s2 =	sld [smem:$0x3F98];
	s0 =	simm.s32 @p1 $0x1  }
0x15: {  	[smem:$0x3FB5] =	sst s0;
	s0 =	simm.s32 @!p2 $0x0  }
0x16: {  	s3 =	sld [smem:$0x3FDB];
	s0 =	simm.s32 @p2 $0x1  }
0x17: {  	s4 =	simm.s32 $0x1BF5;
	[smem:$0x3FB7] =	sst s0  }
0x18: {  	s0 =	sld [smem:$0x3F9A];
	_ =	swait.ge [sflag:s4], $0x0  }
0x19: {  	s7 =	sld [smem:$0x3F9B]  }
0x1a: {  	s8 =	sadd.s32 $0xFFFFE003, lr  }
0x1b: {  	s9 =	sadd.s32 $0xFFFFFEF7, lr;
	s5 =	simm.s32 $0xFFFFFFFF;
	p2 =	slt.u32 s8, $0xFFFFF086  }
0x1c: {  	p1 =	slt.u32 s9, $0xF7A;
	s5 =	simm.s32 @!p2 $0x0  }
0x1d: {  	s5 =	simm.s32 @p1 $0x1;
	p0 =	seq.s32 s7, s2  }
0x1e: {  	s7 =	smul.u32 @!p0 $0xF7A, s2;
	p2 =	seq.s32 @!p0 s5, $0x0  }
0x1f: {  	s9 =	smul.u32 $0xF7A, s1;
	s8 =	simm.s32 @!p0 $0x1BF5;
	p2 =	por !p2, p0  }
0x20: {  	[sflag:s8] =	ssyncset.s32 @!p0 $0xFFFFF086;
	s6 =	sadd.s32 @!p0 s3, s7;
	s7 =	simm.s32 @!p0 $0x108  }
0x21: {  	s3 =	sadd.s32 s3, s9;
	s6 =	sadd.s32 @!p0 $0x88, s6;
	s7 =	simm.s32 @p2 $0x1082  }
0x22: {  	[simem:s7], [sflag:s8] =	dma.local @!p0 [hbm:s6], $0xF7A  }
0x23: {  	s9 =	sor.u32 $0xD0000000, s2;
	s6 =	simm.s32 $0x108;
	_ =	swait.ge @!p0 [sflag:s8], $0x0  }
0x24: {  	s3 =	sadd.s32 $0x88, s3;
	s6 =	simm.s32 @!p1 $0x1082;
	[sflag:s4] =	ssyncset.s32 $0xFFFFF086  }
0x25: {  	[simem:s6], [sflag:s4] =	dma.local [hbm:s3], $0xF7A  }
0x26: {  	[smem:$0x3F9B] =	sst s1;
	(tag) =	ssettag s2;
	_ =	strace s9  }
0x27: {  	s1 =	sld [smem:$0x3FAB]  }
0x28: {  	s2 =	sld [smem:$0x3FAC]  }
0x29: {  	s4 =	sld [smem:$0x3FAE]  }
0x2a: {  	p0 =	seq.s32 s5, $0x0;
	s5 =	sld [smem:$0x3FAF]  }
0x2b: {  	s6 =	sld [smem:$0x3FB0]  }
0x2c: {  	s7 =	sld [smem:$0x3FB1]  }
0x2d: {  	s3 =	simm.s32 $0x108;
	s8 =	sld [smem:$0x3FB2]  }
0x2e: {  	s3 =	simm.s32 @!p0 $0x1082;
	s9 =	sld [smem:$0x3FB3]  }
0x2f: {  	lr =	sadd.s32 s0, s3;
	s0 =	sld [smem:$0x3FAA]  }
0x30: {  	s3 =	sld [smem:$0x3FAD]  }
0x31: {  	[smem:$0x3FB6] =	sst s10  }
0x32: {  	s10 =	sld [smem:$0x3FB4];
	_ =	sdelay $0x3  }
0x33: {  	p0 =	seq.s32 s10, $0x1;
	s10 =	sld [smem:$0x3FB6];
	_ =	sdelay $0x3  }
0x34: {  	[smem:$0x3FB6] =	sst s10  }
0x35: {  	s10 =	sld [smem:$0x3FB5];
	_ =	sdelay $0x3  }
0x36: {  	p1 =	seq.s32 s10, $0x1;
	s10 =	sld [smem:$0x3FB6];
	_ =	sdelay $0x3  }
0x37: {  	[smem:$0x3FB6] =	sst s10  }
0x38: {  	s10 =	sld [smem:$0x3FB7]  }
0x39: {  	_ = 	snop;
	(pc) =	sbr.ind lr, $3  }
0x3a: {  	_ = 	snop  }
0x3b: {  	_ = 	snop  }
0x3c: {  	p2 =	seq.s32 s10, $0x1;
	s10 =	sld [smem:$0x3FB6]  }
0x3d: {  	_ =	shalt  }
0x3e: {  	_ =	shalt  }
0x3f: {  	_ =	shalt  }
0x40: {  	_ =	shalt  }
0x41: {  	_ =	shalt  }
0x42: {  	_ =	shalt  }
0x43: {  	_ =	shalt  }
0x44: {  	_ =	shalt  }
0x45: {  	_ =	shalt  }
0x46: {  	_ =	shalt  }
0x47: {  	_ =	shalt  }
0x48: {  	_ =	shalt  }
0x49: {  	_ =	shalt  }
0x4a: {  	_ =	shalt  }
0x4b: {  	_ =	shalt  }
0x4c: {  	_ =	shalt  }
0x4d: {  	_ =	shalt  }
0x4e: {  	_ =	shalt  }
0x4f: {  	_ =	shalt  }
0x50: {  	_ =	shalt  }
0x51: {  	_ =	shalt  }
0x52: {  	_ =	shalt  }
0x53: {  	_ =	shalt  }
0x54: {  	_ =	shalt  }
0x55: {  	_ =	shalt  }
0x56: {  	_ =	shalt  }
0x57: {  	_ =	shalt  }
0x58: {  	_ =	shalt  }
0x59: {  	_ =	shalt  }
0x5a: {  	_ =	shalt  }
0x5b: {  	_ =	shalt  }
0x5c: {  	_ =	shalt  }
0x5d: {  	_ =	shalt  }
0x5e: {  	_ =	shalt  }
0x5f: {  	_ =	shalt  }
0x60: {  	_ =	shalt  }
0x61: {  	_ =	shalt  }
0x62: {  	_ =	shalt  }
0x63: {  	_ =	shalt  }
0x64: {  	_ =	shalt  }
0x65: {  	_ =	shalt  }
0x66: {  	_ =	shalt  }
0x67: {  	_ =	shalt  }
0x68: {  	_ =	shalt  }
0x69: {  	_ =	shalt  }
0x6a: {  	_ =	shalt  }
0x6b: {  	_ =	shalt  }
0x6c: {  	_ =	shalt  }
0x6d: {  	_ =	shalt  }
0x6e: {  	_ =	shalt  }
0x6f: {  	_ =	shalt  }
0x70: {  	_ =	shalt  }
0x71: {  	_ =	shalt  }
0x72: {  	_ =	shalt  }
0x73: {  	_ =	shalt  }
0x74: {  	_ =	shalt  }
0x75: {  	_ =	shalt  }
0x76: {  	_ =	shalt  }
0x77: {  	_ =	shalt  }
0x78: {  	_ =	shalt  }
0x79: {  	_ =	shalt  }
0x7a: {  	_ =	shalt  }
0x7b: {  	_ =	shalt  }
0x7c: {  	_ =	shalt  }
0x7d: {  	_ =	shalt  }
0x7e: {  	_ =	shalt  }
0x7f: {  	_ =	shalt  }
0x80: {  	_ =	shalt  }
0x81: {  	_ =	shalt  }
0x82: {  	_ =	shalt  }
0x83: {  	_ =	shalt  }
0x84: {  	_ =	shalt  }
0x85: {  	_ =	shalt  }
0x86: {  	_ =	shalt  }
0x87: {  	_ =	shalt  }
.Lfunc_end0:
.L_simem_size_0:
called_computation.2_lowered:
.L_overlay_start_0:
0x88: {  	s2 =	sld [smem:$0x3FD9]  }
0x89: {  	s3 =	sld [smem:$0x3FFE];
	_ =	sdelay $0x1  }
0x8a: {  	s1 =	srdreg.scid  }
0x8b: {  	s0 =	sand.u32 $0x1, s1  }
0x8c: {  	s17 =	sshll.u32 s0, $0xA;
	s2 =	sadd.s32 s3, s2  }
0x8d: {  	s2 =	sadd.s32 s2, s17  }
0x8e: {  	[smem:$0x3FC2] =	sst s2  }
0x8f: {  	_ = 	snop  }
0x90: {  	s2 =	sld [smem:$0x3FD0];
	(tm) =	ssettm $0x1  }
0x91: {  	s18 =	sld [smem:$0x3FFB];
	_ =	sdelay $0x3  }
0x92: {  	_ =	strace s18  }
0x93: {  	s3 =	sld [smem:$0x3FFC];
	_ =	sdelay $0x3  }
0x94: {  	_ =	strace s3  }
0x95: {  	s3 =	sld [smem:$0x3FFD];
	_ =	sdelay $0x3  }
0x96: {  	_ =	strace s3  }
0x97: {  	_ =	strace $0x8FFFFFFF  }
0x98: {  	s19 =	sld [smem:$0x3FDB];
	_ =	sdelay $0x1  }
0x99: {  	s4 =	simm.s32 $_scs_section_size  }
0x9a: {  	s5 =	simm.s32 $_size__tile_overlayer_lowered;
	s6 =	simm.s32 $_tile_overlayer_lowered  }
0x9b: {  	s22 =	simm.s32 $0x1BFF;
	s21 =	sshll.u32 s6, $0x1;
	s3 =	sadd.s32 s4, s19  }
0x9c: {  	s7 =	simm.s32 $0x0;
	s20 =	sshll.u32 s5, $0x1;
	s5 =	sadd.s32 s21, s3  }
0x9d: {  	[timem:s7], [sflag:s22] =	dma.local [hbm:s5], s20  }
0x9e: {  	_ =	swait.ge [sflag:s22], s20  }
0x9f: {  	s4 =	ssub.s32 $0x0, s20;
	[sflag:s22] =	ssyncset.done $0x0  }
0xa0: {  	[sflag:s22] =	ssyncadd.s32 s4;
	_ =	sdelay $0x1  }
0xa1: {  	s23 =	simm.s32 $0x1B8B  }
0xa2: {  	_ =	swait.ge [sflag:s23], $0x1  }
0xa3: {  	[sflag:s23] =	ssyncset.done $0x0  }
0xa4: {  	s25 =	simm.s32 $0x1B8E;
	s24 =	sld [smem:$0x3FFE];
	[sflag:s23] =	ssyncadd.s32 $0xFFFFFFFF  }
0xa5: {  	s26 =	simm.s32 $execute0_lowered;
	[smem:$0x3FD2] =	sst s25  }
0xa6: {  	s5 =	sshll.u32 s26, $0x1;
	_ =	strace $0x8000004C;
	[dreg:$0x1] =	wrdreg $0xFFFFFFFF  }
0xa7: {  	s28 =	simm.s32 $_size_execute0_lowered;
	s3 =	sadd.s32 s3, s5;
	[dreg:$0x0] =	wrdreg $0x0  }
0xa8: {  	s5 =	sshll.u32 s28, $0x1;
	[dreg:$0x2] =	wrdreg s3  }
0xa9: {  	[dreg:$0x3] =	wrdreg s5  }
0xaa: {  	[dreg:$0x4] =	wrdreg $0xC0  }
0xab: {  	_ =	task [dreg:s7], $0x5FFFF  }
0xac: {  	[dreg:$0x1] =	wrdreg $0xFFFFFFFF  }
0xad: {  	[dreg:$0x0] =	wrdreg $0x60  }
0xae: {  	[dreg:$0x2] =	wrdreg s2  }
0xaf: {  	[dreg:$0x3] =	wrdreg s24  }
0xb0: {  	[dreg:$0x4] =	wrdreg $0x84000  }
0xb1: {  	[dreg:$0x5] =	wrdreg $0x9  }
0xb2: {  	_ =	task.clear_ibuf [dreg:s7], $0x6FFFF;
	_ =	strace $0x9000004C  }
0xb3: {  	s29 =	simm.s32 $0x9;
	_ =	strace $0x8000004E  }
0xb4: {  	_ =	swait.ge [sflag:s29], $0x1  }
0xb5: {  	[sflag:s29] =	ssyncadd.s32 $0xFFFFFFFF  }
0xb6: {  	_ =	strace $0x9000004E  }
0xb7: {  	_ =	sfence  }
0xb8: {  	s30 =	sld [smem:$0x0];
	_ =	sdelay $0x2  }
0xb9: {  	s31 =	sshll.u32 s1, $0xD;
	s1 =	sshrl.u32 s1, $0x2  }
0xba: {  	s3 =	sand.u32 $0x4000, s31;
	s1 =	sadd.s32 s1, s30  }
0xbb: {  	s0 =	sor.u32 s3, s0;
	s1 =	sshll.u32 s1, $0x11  }
0xbc: {  	s0 =	sor.u32 s1, s0  }
0xbd: {  	s0 =	sadd.s32 $0x8F2B, s0  }
0xbe: {  	[sflag:s0] =	ssyncadd.remote.s32 $0x1  }
0xbf: {  	_ =	sfence.sel $0xFFFF  }
0xc0: {  	[dreg:$0x0] =	wrdreg $0xFFFFFFFF;
	(pc) =	sbr.abs _section_cstart, $3  }
0xc1: {  	[dreg:$0x1] =	wrdreg $0xFFFFFFFF  }
0xc2: {  	_ =	task.clear_ibuf [dreg:s7], $0x2FFFF;
	_ =	strace $0x9FFFFFFF  }
0xc3: {  	(tm) =	ssettm $0x7FFFFFFF  }
tec
execute0_lowered:
.L_overlay_start_1:
0x0: {  	(tag) =	ssettag $0x1  }
0x1: {  	s1 =	rddreg [dreg:$0x0]  }
0x2: {  	s0 =	rddreg [dreg:$0x1]  }
0x3: {  	s2 =	rddreg [dreg:$0x2];
	s3 =	simm.s32 $0x0  }
0x4: {  	s4 =	srdreg.scid;
	s11 =	stileid.u32;
	s31 =	simm.s32 $0xB  }
0x5: {  	s28 =	simm.s32 $0xC;
	s29 =	simm.s32 $0x6400;
	[smem:$0x7FF] =	sst s3  }
0x6: {  	s5 =	sadd.s32 $0x67800, s0;
	s4 =	sand.u32 $0x1, s4;
	s8 =	smul.u32 $0x50000, s11  }
0x7: {  	s6 =	sadd.s32 $0x53800, s0;
	s9 =	sadd.s32 $0x2800, s0;
	s10 =	smul.u32 $0x14000, s11  }
0x8: {  	s0 =	sadd.s32 $0x2C00, s0;
	s16 =	sshll.u32 s11, $0x1;
	_ =	strace $0x8000004D  }
0x9: {  	s7 =	ssub.s32 $0x2, s4;
	[dreg:$0x4] =	wrdreg s9;
	s9 =	sor.u32 s4, s16  }
0xa: {  	s4 =	smul.u32 $0x140000, s4;
	s15 =	sshrl.u32 s7, $0x1;
	s8 =	sshrl.u32 s8, $0x2  }
0xb: {  	s17 =	sadd.s32 $0x4000, s10;
	s22 =	sadd.s32 $0x8000, s10;
	s12 =	smul.u32 $0x5000, s9  }
0xc: {  	s23 =	sadd.s32 $0xC000, s10;
	s13 =	sadd.s32 $0x10000, s10;
	s14 =	sadd.s32 s22, s2  }
0xd: {  	s7 =	ssub.s32 s7, s15;
	s21 =	sadd.s32 s8, s2;
	[dreg:$0x9] =	wrdreg s14  }
0xe: {  	s15 =	sadd.s32 s17, s2;
	s30 =	sadd.s32 s23, s2;
	[dreg:$0x5] =	wrdreg s21  }
0xf: {  	s18 =	sadd.s32 s13, s2;
	s10 =	sadd.s32 s10, s4;
	[dreg:$0x7] =	wrdreg s15  }
0x10: {  	s8 =	sadd.s32 s4, s17;
	s11 =	sadd.s32 s4, s22;
	[dreg:$0xa] =	wrdreg s30  }
0x11: {  	s9 =	sadd.s32 s4, s23;
	s19 =	sadd.s32 $0x2000, s21;
	[dreg:$0xb] =	wrdreg s18  }
0x12: {  	s4 =	sadd.s32 s4, s13;
	s20 =	sadd.s32 $0x6000, s21;
	[dreg:$0x6] =	wrdreg s19  }
0x13: {  	s13 =	simm.s32 $0x10;
	s22 =	sadd.s32 $0xA000, s21;
	[dreg:$0x8] =	wrdreg s20  }
0x14: {  	s10 =	sshrl.u32 s10, $0x3;
	s23 =	sadd.s32 $0xE000, s21;
	[dreg:$0x16] =	wrdreg s22  }
0x15: {  	s8 =	sshrl.u32 s8, $0x3;
	s10 =	sadd.s32 s0, s10;
	[dreg:$0x17] =	wrdreg s23  }
0x16: {  	s24 =	sshrl.u32 s12, $0x3;
	s8 =	sadd.s32 s0, s8;
	[dreg:$0xd] =	wrdreg s10  }
0x17: {  	s26 =	sshrl.u32 s11, $0x3;
	s17 =	sadd.s32 s6, s24;
	[dreg:$0xe] =	wrdreg s8  }
0x18: {  	s16 =	sadd.s32 s5, s24;
	s20 =	smax.u32 s7, $0x1;
	[dreg:$0x13] =	wrdreg s17  }
0x19: {  	s25 =	sor.u32 $0x10, s24;
	s24 =	sadd.s32 $0x12000, s21;
	[dreg:$0x15] =	wrdreg s20  }
0x1a: {  	s9 =	sshrl.u32 s9, $0x3;
	s4 =	sshrl.u32 s4, $0x3;
	[dreg:$0x18] =	wrdreg s24  }
0x1b: {  	s14 =	simm.s32 $0x6;
	s8 =	sadd.s32 s0, s26;
	[dreg:$0xc] =	wrdreg s16  }
0x1c: {  	s22 =	simm.s32 $0x40;
	s10 =	sadd.s32 s0, s9;
	[dreg:$0xf] =	wrdreg s8  }
0x1d: {  	s23 =	simm.s32 $0xA;
	s0 =	sadd.s32 s0, s4;
	[dreg:$0x10] =	wrdreg s10  }
0x1e: {  	s11 =	sadd.s32 s5, s25;
	s19 =	sadd.s32 s6, s25;
	[dreg:$0x11] =	wrdreg s0  }
0x1f: {  	s25 =	sadd.s32 $0x20, s16;
	s26 =	sadd.s32 $0x30, s16;
	[dreg:$0x12] =	wrdreg s11  }
.Ltmp0:
0x20: {  	s4 =	simm.s32 $0x11;
	[dreg:$0x14] =	wrdreg s19;
	(pc) =	sbr.rel .LBB2_1-.Ltmp0, $4  }
0x21: {  	s20 =	simm.s32 $0x280;
	s24 =	simm.s32 $0x2400;
	[dreg:$0x19] =	wrdreg s25  }
0x22: {  	s16 =	simm.s32 $0xD;
	s9 =	simm.s32 $0x2;
	[dreg:$0x1a] =	wrdreg s26  }
0x23: {  	s0 =	simm.s32 $0x400;
	s25 =	simm.s32 $0x1;
	s11 =	simm.s32 $0xE  }
0x24: {  	s26 =	simm.s32 $0x380;
	s10 =	simm.s32 $0x3;
	s8 =	simm.s32 $0x0  }
.LBB2_4:
0x25: {  	s7 =	simm.s32 $0x7  }
0x26: {  	_ =	swait.ge [sflag:s7], $0x2000  }
0x27: {  	[sflag:s7] =	ssyncset.done $0x0  }
0x28: {  	s17 =	simm.s32 $0x8;
	[sflag:s7] =	ssyncadd.s32 $0xFFFFE000  }
0x29: {  	_ =	swait.ge [sflag:s17], $0x2000  }
0x2a: {  	[sflag:s17] =	ssyncset.done $0x0  }
0x2b: {  	[sflag:s17] =	ssyncadd.s32 $0xFFFFE000  }
0x2c: {  	s18 =	stileid.u32;
	[bflag:$0x0] =	sbarrier.arrive $0xFFFF  }
0x2d: {  	s7 =	sshll.u32 s18, $0x6;
	s21 =	rddreg [dreg:$0x5]  }
0x2e: {  	s7 =	sor.u32 $0x1C11, s7;
	s17 =	rddreg [dreg:$0xd];
	s8 =	sshrl.u32 s21, $0x3  }
0x2f: {  	[hbm:s17], [sflag:s7] =	dma.local [spmem:s8], $0x800  }
0x30: {  	_ =	swait.ge [sflag:s4], $0x800  }
0x31: {  	[sflag:s4] =	ssyncset.done $0x0;
	s15 =	rddreg [dreg:$0x7]  }
0x32: {  	s18 =	rddreg [dreg:$0xe];
	[sflag:s4] =	ssyncadd.s32 $0xFFFFF800;
	s19 =	sshrl.u32 s15, $0x3  }
0x33: {  	[hbm:s18], [sflag:s7] =	dma.local [spmem:s19], $0x800  }
0x34: {  	_ =	swait.ge [sflag:s4], $0x800  }
0x35: {  	[sflag:s4] =	ssyncset.done $0x0;
	s17 =	rddreg [dreg:$0x9]  }
0x36: {  	s30 =	rddreg [dreg:$0xf];
	[sflag:s4] =	ssyncadd.s32 $0xFFFFF800;
	s8 =	sshrl.u32 s17, $0x3  }
0x37: {  	[hbm:s30], [sflag:s7] =	dma.local [spmem:s8], $0x800  }
0x38: {  	_ =	swait.ge [sflag:s4], $0x800  }
0x39: {  	[sflag:s4] =	ssyncset.done $0x0;
	s30 =	rddreg [dreg:$0xa]  }
0x3a: {  	s19 =	rddreg [dreg:$0x10];
	[sflag:s4] =	ssyncadd.s32 $0xFFFFF800;
	s18 =	sshrl.u32 s30, $0x3  }
0x3b: {  	[hbm:s19], [sflag:s7] =	dma.local [spmem:s18], $0x800  }
0x3c: {  	_ =	swait.ge [sflag:s4], $0x800  }
0x3d: {  	[sflag:s4] =	ssyncset.done $0x0;
	s18 =	rddreg [dreg:$0xb]  }
0x3e: {  	s19 =	rddreg [dreg:$0x11];
	[sflag:s4] =	ssyncadd.s32 $0xFFFFF800;
	s17 =	sshrl.u32 s18, $0x3  }
0x3f: {  	[hbm:s19], [sflag:s7] =	dma.local [spmem:s17], $0x800  }
0x40: {  	_ =	swait.ge [sflag:s4], $0x800  }
0x41: {  	s17 =	rddreg [dreg:$0x1b]  }
0x42: {  	s19 =	rddreg [dreg:$0x15];
	s8 =	sadd.s32 $0x1, s17  }
0x43: {  	p0 =	sne.s32 s8, s19  }
.Ltmp1:
0x44: {  	_ = 	snop;
	(pc) =	sbr.rel @!p0 .LBB2_5-.Ltmp1, $3  }
0x45: {  	_ =	sdelay $0x1  }
0x46: {  	[sflag:s4] =	ssyncset.done $0x0  }
0x47: {  	[sflag:s4] =	ssyncadd.s32 $0xFFFFF800  }
.LBB2_1:
0x48: {  	[dreg:$0x1b] =	wrdreg s8  }
0x49: {  	s7 =	rddreg [dreg:$0x4]  }
0x4a: {  	[tilespmem:s0], [sflag:$0x11] =	stream.linear.gather [hbm4b:s7+s3], $0x2000, $0x38;
	[tilespmem:$0x1C400] =	vst v63  }
0x4b: {  	_ =	swait.ge [sflag:s4], $0x2000  }
0x4c: {  	[sflag:s4] =	ssyncset.done $0x0  }
0x4d: {  	[sflag:s4] =	ssyncadd.s32 $0xFFFFE000  }
0x4e: {  	[spmem:s21] =	stream.linear.scatter [tilespmem:s0], [sflag:$0x11], $0x2000, $0x38;
	[tilespmem:$0x1C400] =	vst v63  }
0x4f: {  	_ =	swait.ge [sflag:s4], $0x2000  }
0x50: {  	[sflag:s4] =	ssyncset.done $0x0  }
0x51: {  	s17 =	rddreg [dreg:$0x6];
	[sflag:s4] =	ssyncadd.s32 $0xFFFFE000  }
0x52: {  	[spmem:s17] =	stream.linear.scatter [tilespmem:s0], [sflag:$0x11], $0x2000, $0x38;
	[tilespmem:$0x1C400] =	vst v63  }
0x53: {  	_ =	swait.ge [sflag:s4], $0x2000  }
0x54: {  	[sflag:s4] =	ssyncset.done $0x0  }
0x55: {  	[sflag:s4] =	ssyncadd.s32 $0xFFFFE000  }
0x56: {  	[spmem:s15] =	stream.linear.scatter [tilespmem:s0], [sflag:$0x11], $0x2000, $0x38;
	[tilespmem:$0x1C400] =	vst v63  }
0x57: {  	_ =	swait.ge [sflag:s4], $0x2000  }
0x58: {  	[sflag:s4] =	ssyncset.done $0x0  }
0x59: {  	s19 =	rddreg [dreg:$0x8];
	[sflag:s4] =	ssyncadd.s32 $0xFFFFE000  }
0x5a: {  	[spmem:s19] =	stream.linear.scatter [tilespmem:s0], [sflag:$0x11], $0x2000, $0x38;
	[tilespmem:$0x1C400] =	vst v63  }
0x5b: {  	_ =	swait.ge [sflag:s4], $0x2000  }
0x5c: {  	[sflag:s4] =	ssyncset.done $0x0  }
0x5d: {  	s8 =	rddreg [dreg:$0x9];
	[sflag:s4] =	ssyncadd.s32 $0xFFFFE000  }
0x5e: {  	[spmem:s8] =	stream.linear.scatter [tilespmem:s0], [sflag:$0x11], $0x2000, $0x38;
	[tilespmem:$0x1C400] =	vst v63  }
0x5f: {  	_ =	swait.ge [sflag:s4], $0x2000  }
0x60: {  	[sflag:s4] =	ssyncset.done $0x0  }
0x61: {  	s17 =	rddreg [dreg:$0x16];
	[sflag:s4] =	ssyncadd.s32 $0xFFFFE000  }
0x62: {  	[spmem:s17] =	stream.linear.scatter [tilespmem:s0], [sflag:$0x11], $0x2000, $0x38;
	[tilespmem:$0x1C400] =	vst v63  }
0x63: {  	_ =	swait.ge [sflag:s4], $0x2000  }
0x64: {  	[sflag:s4] =	ssyncset.done $0x0  }
0x65: {  	[sflag:s4] =	ssyncadd.s32 $0xFFFFE000  }
0x66: {  	[spmem:s30] =	stream.linear.scatter [tilespmem:s0], [sflag:$0x11], $0x2000, $0x38;
	[tilespmem:$0x1C400] =	vst v63  }
0x67: {  	_ =	swait.ge [sflag:s4], $0x2000  }
0x68: {  	[sflag:s4] =	ssyncset.done $0x0  }
0x69: {  	s19 =	rddreg [dreg:$0x17];
	[sflag:s4] =	ssyncadd.s32 $0xFFFFE000  }
0x6a: {  	[spmem:s19] =	stream.linear.scatter [tilespmem:s0], [sflag:$0x11], $0x2000, $0x38;
	[tilespmem:$0x1C400] =	vst v63  }
0x6b: {  	_ =	swait.ge [sflag:s4], $0x2000  }
0x6c: {  	[sflag:s4] =	ssyncset.done $0x0  }
0x6d: {  	[sflag:s4] =	ssyncadd.s32 $0xFFFFE000  }
0x6e: {  	[spmem:s18] =	stream.linear.scatter [tilespmem:s0], [sflag:$0x11], $0x2000, $0x38;
	[tilespmem:$0x1C400] =	vst v63  }
0x6f: {  	_ =	swait.ge [sflag:s4], $0x2000  }
0x70: {  	[sflag:s4] =	ssyncset.done $0x0  }
0x71: {  	s7 =	simm.s32 $0x400;
	s0 =	rddreg [dreg:$0x18];
	[sflag:s4] =	ssyncadd.s32 $0xFFFFE000  }
0x72: {  	[spmem:s0] =	stream.linear.scatter [tilespmem:s7], [sflag:$0x11], $0x2000, $0x38;
	[tilespmem:$0x1C400] =	vst v63  }
0x73: {  	_ =	swait.ge [sflag:s4], $0x2000  }
0x74: {  	[sflag:s4] =	ssyncset.done $0x0  }
0x75: {  	[sflag:s4] =	ssyncadd.s32 $0xFFFFE000  }
0x76: {  	[bflag:$0x0] =	sbarrier.arrive $0xFFFF  }
0x77: {  	[spmem:s21] =	stream.linear.scatter [tilespmem:s7], [sflag:$0x11], $0x2000, $0x38;
	[tilespmem:$0x1C400] =	vst v63  }
0x78: {  	_ =	swait.ge [sflag:s4], $0x2000  }
0x79: {  	[sflag:s4] =	ssyncset.done $0x0  }
0x7a: {  	s21 =	rddreg [dreg:$0x6];
	[sflag:s4] =	ssyncadd.s32 $0xFFFFE000  }
0x7b: {  	[spmem:s21] =	stream.linear.scatter [tilespmem:s7], [sflag:$0x11], $0x2000, $0x38;
	[tilespmem:$0x1C400] =	vst v63  }
0x7c: {  	_ =	swait.ge [sflag:s4], $0x2000  }
0x7d: {  	[sflag:s4] =	ssyncset.done $0x0  }
0x7e: {  	[sflag:s4] =	ssyncadd.s32 $0xFFFFE000  }
0x7f: {  	[spmem:s15] =	stream.linear.scatter [tilespmem:s7], [sflag:$0x11], $0x2000, $0x38;
	[tilespmem:$0x1C400] =	vst v63  }
0x80: {  	_ =	swait.ge [sflag:s4], $0x2000  }
0x81: {  	[sflag:s4] =	ssyncset.done $0x0  }
0x82: {  	s21 =	rddreg [dreg:$0x8];
	[sflag:s4] =	ssyncadd.s32 $0xFFFFE000  }
0x83: {  	[spmem:s21] =	stream.linear.scatter [tilespmem:s7], [sflag:$0x11], $0x2000, $0x38;
	[tilespmem:$0x1C400] =	vst v63  }
0x84: {  	_ =	swait.ge [sflag:s4], $0x2000  }
0x85: {  	[sflag:s4] =	ssyncset.done $0x0  }
0x86: {  	[sflag:s4] =	ssyncadd.s32 $0xFFFFE000  }
0x87: {  	[spmem:s8] =	stream.linear.scatter [tilespmem:s7], [sflag:$0x11], $0x2000, $0x38;
	[tilespmem:$0x1C400] =	vst v63  }
0x88: {  	_ =	swait.ge [sflag:s4], $0x2000  }
0x89: {  	[sflag:s4] =	ssyncset.done $0x0  }
0x8a: {  	[sflag:s4] =	ssyncadd.s32 $0xFFFFE000  }
0x8b: {  	[spmem:s17] =	stream.linear.scatter [tilespmem:s7], [sflag:$0x11], $0x2000, $0x38;
	[tilespmem:$0x1C400] =	vst v63  }
0x8c: {  	_ =	swait.ge [sflag:s4], $0x2000  }
0x8d: {  	[sflag:s4] =	ssyncset.done $0x0  }
0x8e: {  	[sflag:s4] =	ssyncadd.s32 $0xFFFFE000  }
0x8f: {  	[spmem:s30] =	stream.linear.scatter [tilespmem:s7], [sflag:$0x11], $0x2000, $0x38;
	[tilespmem:$0x1C400] =	vst v63  }
0x90: {  	_ =	swait.ge [sflag:s4], $0x2000  }
0x91: {  	[sflag:s4] =	ssyncset.done $0x0  }
0x92: {  	[sflag:s4] =	ssyncadd.s32 $0xFFFFE000  }
0x93: {  	[spmem:s19] =	stream.linear.scatter [tilespmem:s7], [sflag:$0x11], $0x2000, $0x38;
	[tilespmem:$0x1C400] =	vst v63  }
0x94: {  	_ =	swait.ge [sflag:s4], $0x2000  }
0x95: {  	[sflag:s4] =	ssyncset.done $0x0  }
0x96: {  	[sflag:s4] =	ssyncadd.s32 $0xFFFFE000  }
0x97: {  	[spmem:s18] =	stream.linear.scatter [tilespmem:s7], [sflag:$0x11], $0x2000, $0x38;
	[tilespmem:$0x1C400] =	vst v63  }
0x98: {  	_ =	swait.ge [sflag:s4], $0x2000  }
0x99: {  	[sflag:s4] =	ssyncset.done $0x0  }
0x9a: {  	[sflag:s4] =	ssyncadd.s32 $0xFFFFE000  }
0x9b: {  	[spmem:s0] =	stream.linear.scatter [tilespmem:s7], [sflag:$0x11], $0x2000, $0x38;
	[tilespmem:$0x1C400] =	vst v63  }
0x9c: {  	_ =	swait.ge [sflag:s4], $0x2000  }
0x9d: {  	[sflag:s4] =	ssyncset.done $0x0  }
0x9e: {  	[sflag:s4] =	ssyncadd.s32 $0xFFFFE000  }
0x9f: {  	[bflag:$0x0] =	sbarrier.arrive $0xFFFF  }
0xa0: {  	s17 =	rddreg [dreg:$0xc]  }
0xa1: {  	[tilespmem:s3], [sflag:$0x9] =	stream.linear.gather [hbm4b:s17+s3], $0x80, $0x38;
	[tilespmem:$0x1C400] =	vst v63  }
0xa2: {  	s8 =	simm.s32 $0x80;
	s18 =	rddreg [dreg:$0x12]  }
0xa3: {  	[tilespmem:s8], [sflag:$0xA] =	stream.linear.gather [hbm4b:s18+s3], $0x80, $0x38;
	[tilespmem:$0x1C400] =	vst v63  }
0xa4: {  	s30 =	simm.s32 $0x100;
	s21 =	rddreg [dreg:$0x19]  }
0xa5: {  	[tilespmem:s30], [sflag:$0xB] =	stream.linear.gather [hbm4b:s21+s3], $0x80, $0x38;
	[tilespmem:$0x1C400] =	vst v63  }
0xa6: {  	s15 =	rddreg [dreg:$0x1a];
	s17 =	simm.s32 $0x180  }
0xa7: {  	[tilespmem:s17], [sflag:$0xC] =	stream.linear.gather [hbm4b:s15+s3], $0x80, $0x38;
	[tilespmem:$0x1C400] =	vst v63  }
0xa8: {  	s19 =	simm.s32 $0x200;
	s18 =	rddreg [dreg:$0x13]  }
0xa9: {  	[tilespmem:s19], [sflag:$0xD] =	stream.linear.gather [hbm4b:s18+s3], $0x80, $0x38;
	[tilespmem:$0x1C400] =	vst v63  }
0xaa: {  	s21 =	rddreg [dreg:$0x14];
	s30 =	simm.s32 $0x9  }
0xab: {  	[tilespmem:s20], [sflag:$0xE] =	stream.linear.gather [hbm4b:s21+s3], $0x80, $0x38;
	[tilespmem:$0x1C400] =	vst v63  }
0xac: {  	_ =	swait.ge [sflag:s30], $0x80  }
0xad: {  	[sflag:s30] =	ssyncset.done $0x0  }
0xae: {  	s0 =	simm.s32 $0x400;
	[sflag:s30] =	ssyncadd.s32 $0xFFFFFF80  }
0xaf: {  	[tilespmem:s0], [sflag:$0x1] =	stream.indirect.gather [hbm4b:s1+s22], $0x80, s3, s22, $0xb8;
	[tilespmem:$0x1C400] =	vst v63  }
0xb0: {  	_ =	swait.ge [sflag:s23], $0x80  }
0xb1: {  	[sflag:s23] =	ssyncset.done $0x0  }
0xb2: {  	[sflag:s23] =	ssyncadd.s32 $0xFFFFFF80  }
0xb3: {  	[tilespmem:s24], [sflag:$0x2] =	stream.indirect.gather [hbm4b:s1+s22], $0x80, s8, s22, $0xb8;
	[tilespmem:$0x1C400] =	vst v63  }
0xb4: {  	s21 =	simm.s32 $0x80;
	s8 =	simm.s32 $0x0  }
.LBB2_2:
0xb5: {  	p0 =	seq.s32 s8, $0x4E00  }
0xb6: {  	s7 =	sadd.s32 @!p0 $0x200, s8  }
0xb7: {  	s15 =	sand.u32 @!p0 $0xFC00, s7  }
0xb8: {  	s7 =	sand.u32 @!p0 $0x200, s7;
	s15 =	sadd.s32 @!p0 s12, s15  }
0xb9: {  	_ =	swait.ge [sflag:s25], $0x2000;
	s7 =	sor.u32 @!p0 s7, s15  }
0xba: {  	[sflag:s25] =	ssyncset.done $0x0;
	s7 =	sshrl.u32 @!p0 s7, $0x3  }
0xbb: {  	[sflag:s25] =	ssyncadd.s32 $0xFFFFE000;
	s15 =	simm.s32 @!p0 $0x0;
	s30 =	sadd.s32 @!p0 s5, s7  }
0xbc: {  	[tilespmem:s15], [sflag:$0x9] =	stream.linear.gather @!p0 [hbm4b:s30+s15], $0x80, $0x38;
	[tilespmem:$0x1C400] =	vst v63  }
0xbd: {  	s18 =	sand.u32 $0x7C00, s8;
	p1 =	seq.s32 s8, $0x0;
	_ =	swait.ge [sflag:s16], $0x80  }
0xbe: {  	s17 =	sand.u32 $0x200, s8;
	s30 =	sadd.s32 s12, s18;
	[sflag:s16] =	ssyncset.done $0x0  }
0xbf: {  	s18 =	simm.s32 @!p1 $0x7;
	s17 =	sor.u32 s17, s30;
	[sflag:s16] =	ssyncadd.s32 $0xFFFFFF80  }
0xc0: {  	[spmem:s2] =	stream.indirect.scatter.add.f32 [tilespmem:s0], [sflag:$0x5], $0x80, s19, s22, $0xb8;
	[tilespmem:$0x1C400] =	vst v63  }
0xc1: {  	s17 =	sshrl.u32 s17, $0x3;
	_ =	swait.ge @!p1 [sflag:s18], $0x2000  }
0xc2: {  	s17 =	sadd.s32 s17, s6;
	[sflag:s18] =	ssyncset.done @!p1 $0x0  }
0xc3: {  	s30 =	simm.s32 $0x300;
	[sflag:s18] =	ssyncadd.s32 @!p1 $0xFFFFE000;
	s18 =	sadd.s32 $0x20, s17  }
0xc4: {  	[tilespmem:s30], [sflag:$0xF] =	stream.linear.gather [hbm4b:s18+s3], $0x80, $0x38;
	[tilespmem:$0x1C400] =	vst v63  }
0xc5: {  	_ =	swait.ge [sflag:s31], $0x80  }
0xc6: {  	[sflag:s31] =	ssyncset.done $0x0  }
0xc7: {  	s18 =	simm.s32 $0x100;
	s30 =	simm.s32 $0x4400;
	[sflag:s31] =	ssyncadd.s32 $0xFFFFFF80  }
0xc8: {  	[tilespmem:s30], [sflag:$0x3] =	stream.indirect.gather [hbm4b:s1+s22], $0x80, s18, s22, $0xb8;
	[tilespmem:$0x1C400] =	vst v63  }
0xc9: {  	s18 =	sadd.s32 @!p0 $0x280, s8  }
0xca: {  	s30 =	sand.u32 @!p0 $0xFC00, s18  }
0xcb: {  	s18 =	sand.u32 @!p0 $0x280, s18;
	s30 =	sadd.s32 @!p0 s12, s30  }
0xcc: {  	_ =	swait.ge [sflag:s9], $0x2000;
	s18 =	sor.u32 @!p0 s18, s30  }
0xcd: {  	[sflag:s9] =	ssyncset.done $0x0;
	s18 =	sshrl.u32 @!p0 s18, $0x3  }
0xce: {  	[sflag:s9] =	ssyncadd.s32 $0xFFFFE000;
	s30 =	simm.s32 @!p0 $0x80;
	s18 =	sadd.s32 @!p0 s5, s18  }
0xcf: {  	[tilespmem:s30], [sflag:$0xA] =	stream.linear.gather @!p0 [hbm4b:s18+s15], $0x80, $0x38;
	[tilespmem:$0x1C400] =	vst v63  }
0xd0: {  	_ =	swait.ge [sflag:s11], $0x80  }
0xd1: {  	[sflag:s11] =	ssyncset.done $0x0  }
0xd2: {  	s18 =	simm.s32 @!p1 $0x8;
	[sflag:s11] =	ssyncadd.s32 $0xFFFFFF80  }
0xd3: {  	[spmem:s2] =	stream.indirect.scatter.add.f32 [tilespmem:s24], [sflag:$0x6], $0x80, s20, s22, $0xb8;
	[tilespmem:$0x1C400] =	vst v63  }
0xd4: {  	_ =	swait.ge @!p1 [sflag:s18], $0x2000  }
0xd5: {  	[sflag:s18] =	ssyncset.done @!p1 $0x0  }
0xd6: {  	s17 =	sadd.s32 $0x30, s17;
	[sflag:s18] =	ssyncadd.s32 @!p1 $0xFFFFE000  }
0xd7: {  	[tilespmem:s26], [sflag:$0x10] =	stream.linear.gather [hbm4b:s17+s3], $0x80, $0x38;
	[tilespmem:$0x1C400] =	vst v63  }
0xd8: {  	_ =	swait.ge [sflag:s28], $0x80  }
0xd9: {  	[sflag:s28] =	ssyncset.done $0x0  }
0xda: {  	s30 =	simm.s32 $0x180;
	[sflag:s28] =	ssyncadd.s32 $0xFFFFFF80  }
0xdb: {  	[tilespmem:s29], [sflag:$0x4] =	stream.indirect.gather [hbm4b:s1+s22], $0x80, s30, s22, $0xb8;
	[tilespmem:$0x1C400] =	vst v63  }
0xdc: {  	_ =	swait.ge [sflag:s10], $0x2000  }
0xdd: {  	[sflag:s10] =	ssyncset.done $0x0  }
0xde: {  	s17 =	simm.s32 @p0 $0xF;
	[sflag:s10] =	ssyncadd.s32 $0xFFFFE000  }
0xdf: {  	_ =	swait.ge @p0 [sflag:s17], $0x80  }
0xe0: {  	s18 =	simm.s32 @p0 $0x300;
	[sflag:s17] =	ssyncset.done @p0 $0x0  }
0xe1: {  	s30 =	simm.s32 @p0 $0x4400;
	[sflag:s17] =	ssyncadd.s32 @p0 $0xFFFFFF80;
	s17 =	simm.s32 @p0 $0x40  }
0xe2: {  	[spmem:s2] =	stream.indirect.scatter.add.f32 @p0 [tilespmem:s30], [sflag:$0x7], $0x80, s18, s17, $0xb8;
	[tilespmem:$0x1C400] =	vst v63  }
0xe3: {  	s17 =	simm.s32 @p0 $0x5  }
0xe4: {  	_ =	swait.ge @p0 [sflag:s17], $0x2000  }
0xe5: {  	s18 =	sadd.s32 @!p0 $0x300, s8;
	[sflag:s17] =	ssyncset.done @p0 $0x0  }
0xe6: {  	[sflag:s17] =	ssyncadd.s32 @p0 $0xFFFFE000;
	s17 =	sand.u32 @!p0 $0xFC00, s18  }
0xe7: {  	s30 =	simm.s32 @p0 $0x4;
	s18 =	sand.u32 @!p0 $0x300, s18;
	s17 =	sadd.s32 @!p0 s12, s17  }
0xe8: {  	_ =	swait.ge @p0 [sflag:s30], $0x2000;
	s17 =	sor.u32 @!p0 s18, s17  }
0xe9: {  	[sflag:s30] =	ssyncset.done @p0 $0x0;
	s17 =	sshrl.u32 @!p0 s17, $0x3  }
0xea: {  	s18 =	simm.s32 @!p0 $0x100;
	[sflag:s30] =	ssyncadd.s32 @p0 $0xFFFFE000;
	s17 =	sadd.s32 @!p0 s5, s17  }
0xeb: {  	[tilespmem:s18], [sflag:$0xB] =	stream.linear.gather @!p0 [hbm4b:s17+s15], $0x80, $0x38;
	[tilespmem:$0x1C400] =	vst v63  }
0xec: {  	s17 =	simm.s32 @!p0 $0xF  }
0xed: {  	_ =	swait.ge @!p0 [sflag:s17], $0x80  }
0xee: {  	s30 =	simm.s32 @!p0 $0x4400;
	[sflag:s17] =	ssyncset.done @!p0 $0x0  }
0xef: {  	s18 =	simm.s32 @!p0 $0x300;
	[sflag:s17] =	ssyncadd.s32 @!p0 $0xFFFFFF80;
	s17 =	simm.s32 @!p0 $0x40  }
0xf0: {  	[spmem:s2] =	stream.indirect.scatter.add.f32 @!p0 [tilespmem:s30], [sflag:$0x7], $0x80, s18, s17, $0xb8;
	[tilespmem:$0x1C400] =	vst v63  }
0xf1: {  	s18 =	simm.s32 @!p0 $0x5  }
0xf2: {  	_ =	swait.ge @!p0 [sflag:s18], $0x2000  }
0xf3: {  	[sflag:s18] =	ssyncset.done @!p0 $0x0  }
0xf4: {  	s7 =	sadd.s32 @!p0 s6, s7;
	[sflag:s18] =	ssyncadd.s32 @!p0 $0xFFFFE000;
	s18 =	simm.s32 @!p0 $0x200  }
0xf5: {  	[tilespmem:s18], [sflag:$0xD] =	stream.linear.gather @!p0 [hbm4b:s7+s15], $0x80, $0x38;
	[tilespmem:$0x1C400] =	vst v63  }
0xf6: {  	s7 =	simm.s32 @!p0 $0x9  }
0xf7: {  	_ =	swait.ge @!p0 [sflag:s7], $0x80  }
0xf8: {  	[sflag:s7] =	ssyncset.done @!p0 $0x0  }
0xf9: {  	[sflag:s7] =	ssyncadd.s32 @!p0 $0xFFFFFF80;
	s7 =	simm.s32 @!p0 $0x400  }
0xfa: {  	[tilespmem:s7], [sflag:$0x1] =	stream.indirect.gather @!p0 [hbm4b:s1+s17], $0x80, s15, s17, $0xb8;
	[tilespmem:$0x1C400] =	vst v63  }
0xfb: {  	s7 =	sadd.s32 @!p0 $0x380, s8  }
0xfc: {  	s17 =	sand.u32 @!p0 $0xFC00, s7  }
0xfd: {  	s18 =	simm.s32 @!p0 $0x4;
	s7 =	sand.u32 @!p0 $0x380, s7;
	s17 =	sadd.s32 @!p0 s12, s17  }
0xfe: {  	_ =	swait.ge @!p0 [sflag:s18], $0x2000;
	s7 =	sor.u32 @!p0 s7, s17  }
0xff: {  	[sflag:s18] =	ssyncset.done @!p0 $0x0;
	s7 =	sshrl.u32 @!p0 s7, $0x3  }
0x100: {  	[sflag:s18] =	ssyncadd.s32 @!p0 $0xFFFFE000;
	s17 =	simm.s32 @!p0 $0x180;
	s7 =	sadd.s32 @!p0 s5, s7  }
0x101: {  	[tilespmem:s17], [sflag:$0xC] =	stream.linear.gather @!p0 [hbm4b:s7+s15], $0x80, $0x38;
	[tilespmem:$0x1C400] =	vst v63  }
0x102: {  	_ =	swait.ge [sflag:s13], $0x80  }
0x103: {  	[sflag:s13] =	ssyncset.done $0x0  }
.Ltmp2:
0x104: {  	[sflag:s13] =	ssyncadd.s32 $0xFFFFFF80;
	(pc) =	sbr.rel @p0 .LBB2_4-.Ltmp2, $4  }
0x105: {  	[spmem:s2] =	stream.indirect.scatter.add.f32 [tilespmem:s29], [sflag:$0x8], $0x80, s26, s22, $0xb8;
	[tilespmem:$0x1C400] =	vst v63  }
0x106: {  	_ =	swait.ge [sflag:s14], $0x2000  }
0x107: {  	[sflag:s14] =	ssyncset.done $0x0  }
0x108: {  	[sflag:s14] =	ssyncadd.s32 $0xFFFFE000  }
0x109: {  	s7 =	sadd.s32 $0x280, s8  }
0x10a: {  	s15 =	sand.u32 $0xFC00, s7  }
0x10b: {  	s7 =	sand.u32 $0x280, s7;
	s15 =	sadd.s32 s12, s15  }
0x10c: {  	s7 =	sor.u32 s7, s15  }
0x10d: {  	s7 =	sshrl.u32 s7, $0x3  }
0x10e: {  	s7 =	sadd.s32 s6, s7  }
0x10f: {  	[tilespmem:s20], [sflag:$0xE] =	stream.linear.gather [hbm4b:s7+s3], $0x80, $0x38;
	[tilespmem:$0x1C400] =	vst v63  }
.Ltmp3:
0x110: {  	_ = 	snop;
	(pc) =	sbr.rel .LBB2_2-.Ltmp3, $4  }
0x111: {  	_ =	swait.ge [sflag:s23], $0x80  }
0x112: {  	[sflag:s23] =	ssyncset.done $0x0  }
0x113: {  	s8 =	sadd.s32 $0x200, s8;
	[sflag:s23] =	ssyncadd.s32 $0xFFFFFF80  }
0x114: {  	[tilespmem:s24], [sflag:$0x2] =	stream.indirect.gather [hbm4b:s1+s22], $0x80, s21, s22, $0xb8;
	[tilespmem:$0x1C400] =	vst v63  }
.LBB2_5:
0x115: {  	_ =	sfence.sel $0x180000  }
0x116: {  	[bflag:$0x0] =	sbarrier.arrive $0xFFFF  }
0x117: {  	_ =	strace $0x9000004D  }
0x118: {  	s0 =	stileid.u32;
	[bflag:$0x2] =	sbarrier.arrive $0xFFFF  }
0x119: {  	p0 =	sne.s32 s0, $0x0;
	s0 =	rddreg [dreg:$0x3]  }
0x11a: {  	s0 =	sadd.s32 @!p0 $0x100000, s0  }
0x11b: {  	[sflag:s0] =	ssyncadd.tile.s32 @!p0 $0x1;
	_ =	shalt  }
.Lfunc_end2:
_tile_overlayer_lowered:
.L_overlay_start_2:
0x11c: {  	(tag) =	ssettag $0x2  }
0x11d: {  	s0 =	rddreg [dreg:$0x0];
	s2 =	stileid.u32  }
0x11e: {  	s1 =	rddreg [dreg:$0x1];
	p0 =	sne.s32 s2, $0x0  }
0x11f: {  	s3 =	rddreg [dreg:$0x2];
	[bflag:$0x3] =	sbarrier.arrive $0xFFFF;
	s2 =	simm.s32 @!p0 $0x1C11  }
0x120: {  	[timem:s3], [sflag:s2] =	dma.local @!p0 [hbm:s0], s1  }
0x121: {  	s0 =	simm.s32 @!p0 $0x11  }
0x122: {  	_ =	swait.ge @!p0 [sflag:s0], s1  }
0x123: {  	s1 =	ssub.s32 @!p0 $0x0, s1;
	[sflag:s0] =	ssyncset.done @!p0 $0x0  }
0x124: {  	[sflag:s0] =	ssyncadd.s32 @!p0 s1  }
0x125: {  	[bflag:$0x3] =	sbarrier.arrive $0xFFFF  }
0x126: {  	_ =	shalt  }

// kernel: kernel.8.cloned.1.call-start
scs
__scs_entry_jumppad:
0x0: {  	(pc) =	sbr.rel $0x88, $3  }
0x1: {  	(tag) =	ssettag $0x0;
	lr =	simm.s32 $0x1  }
0x2: {  	[smem:$0x3F9B] =	sst lr;
	_ =	strace $0xD0000000  }
0x3: {  	_ = 	snop  }
0x4: {  	_ = 	snop  }
0x5: {  	_ = 	snop  }
0x6: {  	_ = 	snop  }
0x7: {  	_ = 	snop  }
__scs_overlays_trampoline_lowered:
0x8: {  	[smem:$0x3FAA] =	sst s0  }
0x9: {  	[smem:$0x3FAB] =	sst s1  }
0xa: {  	[smem:$0x3FAC] =	sst s2  }
0xb: {  	[smem:$0x3FAD] =	sst s3  }
0xc: {  	[smem:$0x3FAE] =	sst s4  }
0xd: {  	[smem:$0x3FAF] =	sst s5  }
0xe: {  	[smem:$0x3FB0] =	sst s6  }
0xf: {  	[smem:$0x3FB1] =	sst s7  }
0x10: {  	[smem:$0x3FB2] =	sst s8  }
0x11: {  	[smem:$0x3FB3] =	sst s9;
	s0 =	simm.s32 @!p0 $0x0  }
0x12: {  	s1 =	sld [smem:$0x3F99];
	s0 =	simm.s32 @p0 $0x1  }
0x13: {  	[smem:$0x3FB4] =	sst s0;
	s0 =	simm.s32 @!p1 $0x0  }
0x14: {  	s2 =	sld [smem:$0x3F98];
	s0 =	simm.s32 @p1 $0x1  }
0x15: {  	[smem:$0x3FB5] =	sst s0;
	s0 =	simm.s32 @!p2 $0x0  }
0x16: {  	s3 =	sld [smem:$0x3FDB];
	s0 =	simm.s32 @p2 $0x1  }
0x17: {  	s4 =	simm.s32 $0x1BF5;
	[smem:$0x3FB7] =	sst s0  }
0x18: {  	s0 =	sld [smem:$0x3F9A];
	_ =	swait.ge [sflag:s4], $0x0  }
0x19: {  	s7 =	sld [smem:$0x3F9B]  }
0x1a: {  	s8 =	sadd.s32 $0xFFFFE003, lr  }
0x1b: {  	s9 =	sadd.s32 $0xFFFFFEF7, lr;
	s5 =	simm.s32 $0xFFFFFFFF;
	p2 =	slt.u32 s8, $0xFFFFF086  }
0x1c: {  	p1 =	slt.u32 s9, $0xF7A;
	s5 =	simm.s32 @!p2 $0x0  }
0x1d: {  	s5 =	simm.s32 @p1 $0x1;
	p0 =	seq.s32 s7, s2  }
0x1e: {  	s7 =	smul.u32 @!p0 $0xF7A, s2;
	p2 =	seq.s32 @!p0 s5, $0x0  }
0x1f: {  	s9 =	smul.u32 $0xF7A, s1;
	s8 =	simm.s32 @!p0 $0x1BF5;
	p2 =	por !p2, p0  }
0x20: {  	[sflag:s8] =	ssyncset.s32 @!p0 $0xFFFFF086;
	s6 =	sadd.s32 @!p0 s3, s7;
	s7 =	simm.s32 @!p0 $0x108  }
0x21: {  	s3 =	sadd.s32 s3, s9;
	s6 =	sadd.s32 @!p0 $0x88, s6;
	s7 =	simm.s32 @p2 $0x1082  }
0x22: {  	[simem:s7], [sflag:s8] =	dma.local @!p0 [hbm:s6], $0xF7A  }
0x23: {  	s9 =	sor.u32 $0xD0000000, s2;
	s6 =	simm.s32 $0x108;
	_ =	swait.ge @!p0 [sflag:s8], $0x0  }
0x24: {  	s3 =	sadd.s32 $0x88, s3;
	s6 =	simm.s32 @!p1 $0x1082;
	[sflag:s4] =	ssyncset.s32 $0xFFFFF086  }
0x25: {  	[simem:s6], [sflag:s4] =	dma.local [hbm:s3], $0xF7A  }
0x26: {  	[smem:$0x3F9B] =	sst s1;
	(tag) =	ssettag s2;
	_ =	strace s9  }
0x27: {  	s1 =	sld [smem:$0x3FAB]  }
0x28: {  	s2 =	sld [smem:$0x3FAC]  }
0x29: {  	s4 =	sld [smem:$0x3FAE]  }
0x2a: {  	p0 =	seq.s32 s5, $0x0;
	s5 =	sld [smem:$0x3FAF]  }
0x2b: {  	s6 =	sld [smem:$0x3FB0]  }
0x2c: {  	s7 =	sld [smem:$0x3FB1]  }
0x2d: {  	s3 =	simm.s32 $0x108;
	s8 =	sld [smem:$0x3FB2]  }
0x2e: {  	s3 =	simm.s32 @!p0 $0x1082;
	s9 =	sld [smem:$0x3FB3]  }
0x2f: {  	lr =	sadd.s32 s0, s3;
	s0 =	sld [smem:$0x3FAA]  }
0x30: {  	s3 =	sld [smem:$0x3FAD]  }
0x31: {  	[smem:$0x3FB6] =	sst s10  }
0x32: {  	s10 =	sld [smem:$0x3FB4];
	_ =	sdelay $0x3  }
0x33: {  	p0 =	seq.s32 s10, $0x1;
	s10 =	sld [smem:$0x3FB6];
	_ =	sdelay $0x3  }
0x34: {  	[smem:$0x3FB6] =	sst s10  }
0x35: {  	s10 =	sld [smem:$0x3FB5];
	_ =	sdelay $0x3  }
0x36: {  	p1 =	seq.s32 s10, $0x1;
	s10 =	sld [smem:$0x3FB6];
	_ =	sdelay $0x3  }
0x37: {  	[smem:$0x3FB6] =	sst s10  }
0x38: {  	s10 =	sld [smem:$0x3FB7]  }
0x39: {  	_ = 	snop;
	(pc) =	sbr.ind lr, $3  }
0x3a: {  	_ = 	snop  }
0x3b: {  	_ = 	snop  }
0x3c: {  	p2 =	seq.s32 s10, $0x1;
	s10 =	sld [smem:$0x3FB6]  }
0x3d: {  	_ =	shalt  }
0x3e: {  	_ =	shalt  }
0x3f: {  	_ =	shalt  }
0x40: {  	_ =	shalt  }
0x41: {  	_ =	shalt  }
0x42: {  	_ =	shalt  }
0x43: {  	_ =	shalt  }
0x44: {  	_ =	shalt  }
0x45: {  	_ =	shalt  }
0x46: {  	_ =	shalt  }
0x47: {  	_ =	shalt  }
0x48: {  	_ =	shalt  }
0x49: {  	_ =	shalt  }
0x4a: {  	_ =	shalt  }
0x4b: {  	_ =	shalt  }
0x4c: {  	_ =	shalt  }
0x4d: {  	_ =	shalt  }
0x4e: {  	_ =	shalt  }
0x4f: {  	_ =	shalt  }
0x50: {  	_ =	shalt  }
0x51: {  	_ =	shalt  }
0x52: {  	_ =	shalt  }
0x53: {  	_ =	shalt  }
0x54: {  	_ =	shalt  }
0x55: {  	_ =	shalt  }
0x56: {  	_ =	shalt  }
0x57: {  	_ =	shalt  }
0x58: {  	_ =	shalt  }
0x59: {  	_ =	shalt  }
0x5a: {  	_ =	shalt  }
0x5b: {  	_ =	shalt  }
0x5c: {  	_ =	shalt  }
0x5d: {  	_ =	shalt  }
0x5e: {  	_ =	shalt  }
0x5f: {  	_ =	shalt  }
0x60: {  	_ =	shalt  }
0x61: {  	_ =	shalt  }
0x62: {  	_ =	shalt  }
0x63: {  	_ =	shalt  }
0x64: {  	_ =	shalt  }
0x65: {  	_ =	shalt  }
0x66: {  	_ =	shalt  }
0x67: {  	_ =	shalt  }
0x68: {  	_ =	shalt  }
0x69: {  	_ =	shalt  }
0x6a: {  	_ =	shalt  }
0x6b: {  	_ =	shalt  }
0x6c: {  	_ =	shalt  }
0x6d: {  	_ =	shalt  }
0x6e: {  	_ =	shalt  }
0x6f: {  	_ =	shalt  }
0x70: {  	_ =	shalt  }
0x71: {  	_ =	shalt  }
0x72: {  	_ =	shalt  }
0x73: {  	_ =	shalt  }
0x74: {  	_ =	shalt  }
0x75: {  	_ =	shalt  }
0x76: {  	_ =	shalt  }
0x77: {  	_ =	shalt  }
0x78: {  	_ =	shalt  }
0x79: {  	_ =	shalt  }
0x7a: {  	_ =	shalt  }
0x7b: {  	_ =	shalt  }
0x7c: {  	_ =	shalt  }
0x7d: {  	_ =	shalt  }
0x7e: {  	_ =	shalt  }
0x7f: {  	_ =	shalt  }
0x80: {  	_ =	shalt  }
0x81: {  	_ =	shalt  }
0x82: {  	_ =	shalt  }
0x83: {  	_ =	shalt  }
0x84: {  	_ =	shalt  }
0x85: {  	_ =	shalt  }
0x86: {  	_ =	shalt  }
0x87: {  	_ =	shalt  }
.Lfunc_end0:
.L_simem_size_0:
called_computation_lowered:
.L_overlay_start_0:
0x88: {  	s2 =	sld [smem:$0x3FD9]  }
0x89: {  	s3 =	sld [smem:$0x3FFE];
	_ =	sdelay $0x1  }
0x8a: {  	s1 =	srdreg.scid  }
0x8b: {  	s0 =	sand.u32 $0x1, s1  }
0x8c: {  	s17 =	sshll.u32 s0, $0xA;
	s2 =	sadd.s32 s3, s2  }
0x8d: {  	s2 =	sadd.s32 s2, s17  }
0x8e: {  	[smem:$0x3FC2] =	sst s2  }
0x8f: {  	_ = 	snop  }
0x90: {  	s2 =	sld [smem:$0x3FD0];
	(tm) =	ssettm $0x1  }
0x91: {  	s18 =	sld [smem:$0x3FFB];
	_ =	sdelay $0x3  }
0x92: {  	_ =	strace s18  }
0x93: {  	s3 =	sld [smem:$0x3FFC];
	_ =	sdelay $0x3  }
0x94: {  	_ =	strace s3  }
0x95: {  	s3 =	sld [smem:$0x3FFD];
	_ =	sdelay $0x3  }
0x96: {  	_ =	strace s3  }
0x97: {  	_ =	strace $0x8FFFFFFF  }
0x98: {  	s19 =	sld [smem:$0x3FDB];
	_ =	sdelay $0x1  }
0x99: {  	s4 =	simm.s32 $_scs_section_size  }
0x9a: {  	s5 =	simm.s32 $_size__tile_overlayer_lowered;
	s6 =	simm.s32 $_tile_overlayer_lowered  }
0x9b: {  	s22 =	simm.s32 $0x1BFF;
	s21 =	sshll.u32 s6, $0x1;
	s3 =	sadd.s32 s4, s19  }
0x9c: {  	s7 =	simm.s32 $0x0;
	s20 =	sshll.u32 s5, $0x1;
	s5 =	sadd.s32 s21, s3  }
0x9d: {  	[timem:s7], [sflag:s22] =	dma.local [hbm:s5], s20  }
0x9e: {  	_ =	swait.ge [sflag:s22], s20  }
0x9f: {  	s4 =	ssub.s32 $0x0, s20;
	[sflag:s22] =	ssyncset.done $0x0  }
0xa0: {  	[sflag:s22] =	ssyncadd.s32 s4;
	_ =	sdelay $0x1  }
0xa1: {  	s23 =	simm.s32 $0x1B8B  }
0xa2: {  	_ =	swait.ge [sflag:s23], $0x1  }
0xa3: {  	[sflag:s23] =	ssyncset.done $0x0  }
0xa4: {  	s25 =	simm.s32 $0x1B8E;
	s24 =	sld [smem:$0x3FFE];
	[sflag:s23] =	ssyncadd.s32 $0xFFFFFFFF  }
0xa5: {  	s26 =	simm.s32 $execute0_lowered;
	[smem:$0x3FD2] =	sst s25  }
0xa6: {  	s5 =	sshll.u32 s26, $0x1;
	_ =	strace $0x80000046;
	[dreg:$0x1] =	wrdreg $0xFFFFFFFF  }
0xa7: {  	s28 =	simm.s32 $_size_execute0_lowered;
	s3 =	sadd.s32 s3, s5;
	[dreg:$0x0] =	wrdreg $0x0  }
0xa8: {  	s5 =	sshll.u32 s28, $0x1;
	[dreg:$0x2] =	wrdreg s3  }
0xa9: {  	[dreg:$0x3] =	wrdreg s5  }
0xaa: {  	[dreg:$0x4] =	wrdreg $0xC0  }
0xab: {  	_ =	task [dreg:s7], $0x5FFFF  }
0xac: {  	[dreg:$0x1] =	wrdreg $0xFFFFFFFF  }
0xad: {  	[dreg:$0x0] =	wrdreg $0x60  }
0xae: {  	[dreg:$0x2] =	wrdreg s2  }
0xaf: {  	[dreg:$0x3] =	wrdreg s24  }
0xb0: {  	[dreg:$0x4] =	wrdreg $0x68000  }
0xb1: {  	[dreg:$0x5] =	wrdreg $0x9  }
0xb2: {  	_ =	task.clear_ibuf [dreg:s7], $0x6FFFF;
	_ =	strace $0x90000046  }
0xb3: {  	s29 =	simm.s32 $0x9;
	_ =	strace $0x80000048  }
0xb4: {  	_ =	swait.ge [sflag:s29], $0x1  }
0xb5: {  	[sflag:s29] =	ssyncadd.s32 $0xFFFFFFFF  }
0xb6: {  	_ =	strace $0x90000048  }
0xb7: {  	_ =	sfence  }
0xb8: {  	s30 =	sld [smem:$0x0];
	_ =	sdelay $0x2  }
0xb9: {  	s31 =	sshll.u32 s1, $0xD;
	s1 =	sshrl.u32 s1, $0x2  }
0xba: {  	s3 =	sand.u32 $0x4000, s31;
	s1 =	sadd.s32 s1, s30  }
0xbb: {  	s0 =	sor.u32 s3, s0;
	s1 =	sshll.u32 s1, $0x11  }
0xbc: {  	s0 =	sor.u32 s1, s0  }
0xbd: {  	s0 =	sadd.s32 $0x8F2B, s0  }
0xbe: {  	[sflag:s0] =	ssyncadd.remote.s32 $0x1  }
0xbf: {  	_ =	sfence.sel $0xFFFF  }
0xc0: {  	[dreg:$0x0] =	wrdreg $0xFFFFFFFF;
	(pc) =	sbr.abs _section_cstart, $3  }
0xc1: {  	[dreg:$0x1] =	wrdreg $0xFFFFFFFF  }
0xc2: {  	_ =	task.clear_ibuf [dreg:s7], $0x2FFFF;
	_ =	strace $0x9FFFFFFF  }
0xc3: {  	(tm) =	ssettm $0x7FFFFFFF  }
tec
execute0_lowered:
.L_overlay_start_1:
0x0: {  	(tag) =	ssettag $0x1  }
0x1: {  	s11 =	rddreg [dreg:$0x0]  }
0x2: {  	s6 =	rddreg [dreg:$0x1]  }
0x3: {  	s1 =	rddreg [dreg:$0x2]  }
0x4: {  	s0 =	rddreg [dreg:$0x3];
	s3 =	simm.s32 $0x0  }
0x5: {  	s4 =	srdreg.scid;
	s2 =	stileid.u32;
	s21 =	simm.s32 $0x100  }
0x6: {  	s22 =	simm.s32 $0x180;
	s23 =	simm.s32 $0x1;
	s24 =	simm.s32 $0x2  }
0x7: {  	s25 =	simm.s32 $0x3;
	s26 =	simm.s32 $0x4;
	s28 =	simm.s32 $0x0  }
0x8: {  	[smem:$0x7FF] =	sst s3;
	s10 =	sand.u32 $0x1, s4;
	s7 =	smul.u32 $0x50000, s2  }
0x9: {  	s4 =	sadd.s32 $0x3000, s6;
	s12 =	smul.u32 $0x14000, s2;
	s5 =	sadd.s32 $0x2800, s6  }
0xa: {  	s16 =	sadd.s32 $0x3800, s6;
	s18 =	sshll.u32 s2, $0x1;
	_ =	strace $0x80000047  }
0xb: {  	s8 =	ssub.s32 $0x2, s10;
	s19 =	smul.u32 $0x140000, s10;
	s10 =	sor.u32 s10, s18  }
0xc: {  	s29 =	sshrl.u32 s8, $0x1;
	s30 =	sshrl.u32 s7, $0x2;
	s13 =	sadd.s32 $0x4000, s12  }
0xd: {  	s14 =	sadd.s32 $0x8000, s12;
	s15 =	sadd.s32 $0xC000, s12;
	s31 =	sadd.s32 $0x10000, s12  }
0xe: {  	s20 =	smul.u32 $0x500, s10;
	s17 =	ssub.s32 s8, s29;
	s6 =	sadd.s32 s30, s1  }
0xf: {  	s7 =	sadd.s32 s13, s1;
	s8 =	sadd.s32 s14, s1;
	s9 =	sadd.s32 s15, s1  }
0x10: {  	s12 =	sadd.s32 s12, s19;
	s10 =	sadd.s32 s31, s1;
	s13 =	sadd.s32 s19, s13  }
0x11: {  	s14 =	sadd.s32 s19, s14;
	s15 =	sadd.s32 s19, s15;
	s18 =	sadd.s32 s19, s31  }
0x12: {  	s19 =	simm.s32 $0x5;
	s12 =	sshrl.u32 s12, $0x3;
	s11 =	sadd.s32 s11, s20  }
0x13: {  	s13 =	sshrl.u32 s13, $0x3;
	s14 =	sshrl.u32 s14, $0x3;
	s15 =	sshrl.u32 s15, $0x3  }
0x14: {  	s18 =	sshrl.u32 s18, $0x3;
	s17 =	smax.u32 s17, $0x1;
	s20 =	simm.s32 $0x80  }
0x15: {  	s12 =	sadd.s32 s16, s12;
	s13 =	sadd.s32 s16, s13;
	s14 =	sadd.s32 s16, s14  }
0x16: {  	s15 =	sadd.s32 s16, s15;
	s16 =	sadd.s32 s16, s18;
	s18 =	simm.s32 $0x2800  }
.LBB2_1:
0x17: {  	[tilespmem:s18], [sflag:$0x5] =	stream.linear.gather [hbm4b:s5+s3], $0x4000, $0x38;
	[tilespmem:$0x1A800] =	vst v63  }
0x18: {  	_ =	swait.ge [sflag:s19], $0x4000  }
0x19: {  	[sflag:s19] =	ssyncset.done $0x0  }
0x1a: {  	[sflag:s19] =	ssyncadd.s32 $0xFFFFC000  }
0x1b: {  	[spmem:s6] =	stream.linear.scatter [tilespmem:s18], [sflag:$0x5], $0x4000, $0x38;
	[tilespmem:$0x1A800] =	vst v63  }
0x1c: {  	_ =	swait.ge [sflag:s19], $0x4000  }
0x1d: {  	[sflag:s19] =	ssyncset.done $0x0  }
0x1e: {  	[sflag:s19] =	ssyncadd.s32 $0xFFFFC000  }
0x1f: {  	[spmem:s7] =	stream.linear.scatter [tilespmem:s18], [sflag:$0x5], $0x4000, $0x38;
	[tilespmem:$0x1A800] =	vst v63  }
0x20: {  	_ =	swait.ge [sflag:s19], $0x4000  }
0x21: {  	[sflag:s19] =	ssyncset.done $0x0  }
0x22: {  	[sflag:s19] =	ssyncadd.s32 $0xFFFFC000  }
0x23: {  	[spmem:s8] =	stream.linear.scatter [tilespmem:s18], [sflag:$0x5], $0x4000, $0x38;
	[tilespmem:$0x1A800] =	vst v63  }
0x24: {  	_ =	swait.ge [sflag:s19], $0x4000  }
0x25: {  	[sflag:s19] =	ssyncset.done $0x0  }
0x26: {  	[sflag:s19] =	ssyncadd.s32 $0xFFFFC000  }
0x27: {  	[spmem:s9] =	stream.linear.scatter [tilespmem:s18], [sflag:$0x5], $0x4000, $0x38;
	[tilespmem:$0x1A800] =	vst v63  }
0x28: {  	_ =	swait.ge [sflag:s19], $0x4000  }
0x29: {  	[sflag:s19] =	ssyncset.done $0x0  }
0x2a: {  	[sflag:s19] =	ssyncadd.s32 $0xFFFFC000  }
0x2b: {  	[spmem:s10] =	stream.linear.scatter [tilespmem:s18], [sflag:$0x5], $0x4000, $0x38;
	[tilespmem:$0x1A800] =	vst v63  }
0x2c: {  	_ =	swait.ge [sflag:s19], $0x4000  }
0x2d: {  	[sflag:s19] =	ssyncset.done $0x0  }
0x2e: {  	[sflag:s19] =	ssyncadd.s32 $0xFFFFC000  }
0x2f: {  	[bflag:$0x0] =	sbarrier.arrive $0xFFFF  }
0x30: {  	[spmem:s6] =	stream.linear.scatter [tilespmem:s18], [sflag:$0x5], $0x4000, $0x38;
	[tilespmem:$0x1A800] =	vst v63  }
0x31: {  	_ =	swait.ge [sflag:s19], $0x4000  }
0x32: {  	[sflag:s19] =	ssyncset.done $0x0  }
0x33: {  	[sflag:s19] =	ssyncadd.s32 $0xFFFFC000  }
0x34: {  	[spmem:s7] =	stream.linear.scatter [tilespmem:s18], [sflag:$0x5], $0x4000, $0x38;
	[tilespmem:$0x1A800] =	vst v63  }
0x35: {  	_ =	swait.ge [sflag:s19], $0x4000  }
0x36: {  	[sflag:s19] =	ssyncset.done $0x0  }
0x37: {  	[sflag:s19] =	ssyncadd.s32 $0xFFFFC000  }
0x38: {  	[spmem:s8] =	stream.linear.scatter [tilespmem:s18], [sflag:$0x5], $0x4000, $0x38;
	[tilespmem:$0x1A800] =	vst v63  }
0x39: {  	_ =	swait.ge [sflag:s19], $0x4000  }
0x3a: {  	[sflag:s19] =	ssyncset.done $0x0  }
0x3b: {  	[sflag:s19] =	ssyncadd.s32 $0xFFFFC000  }
0x3c: {  	[spmem:s9] =	stream.linear.scatter [tilespmem:s18], [sflag:$0x5], $0x4000, $0x38;
	[tilespmem:$0x1A800] =	vst v63  }
0x3d: {  	_ =	swait.ge [sflag:s19], $0x4000  }
0x3e: {  	[sflag:s19] =	ssyncset.done $0x0  }
0x3f: {  	[sflag:s19] =	ssyncadd.s32 $0xFFFFC000  }
0x40: {  	[spmem:s10] =	stream.linear.scatter [tilespmem:s18], [sflag:$0x5], $0x4000, $0x38;
	[tilespmem:$0x1A800] =	vst v63  }
0x41: {  	_ =	swait.ge [sflag:s19], $0x4000  }
0x42: {  	[sflag:s19] =	ssyncset.done $0x0  }
0x43: {  	[sflag:s19] =	ssyncadd.s32 $0xFFFFC000  }
0x44: {  	[bflag:$0x0] =	sbarrier.arrive $0xFFFF  }
0x45: {  	[tilespmem:s3], [sflag:$0x5] =	stream.linear.gather [hbm4b:s11+s3], $0x2800, $0x38;
	[tilespmem:$0x1A800] =	vst v63  }
0x46: {  	_ =	swait.ge [sflag:s19], $0x2800  }
0x47: {  	[sflag:s19] =	ssyncset.done $0x0  }
0x48: {  	[sflag:s19] =	ssyncadd.s32 $0xFFFFD800  }
0x49: {  	[tilespmem:s18], [sflag:$0x5] =	stream.linear.gather [hbm4b:s4+s3], $0x4000, $0x38;
	[tilespmem:$0x1A800] =	vst v63  }
0x4a: {  	_ =	swait.ge [sflag:s19], $0x4000  }
0x4b: {  	[sflag:s19] =	ssyncset.done $0x0  }
0x4c: {  	[sflag:s19] =	ssyncadd.s32 $0xFFFFC000  }
0x4d: {  	[bflag:$0x0] =	sbarrier.arrive $0xFFFF  }
0x4e: {  	[spmem:s1] =	stream.indirect.scatter.add.f32 [tilespmem:s18], [sflag:$0x1], $0x80, s3, s20, $0xb8;
	[tilespmem:$0x1A800] =	vst v63  }
0x4f: {  	_ = 	snop  }
0x50: {  	[spmem:s1] =	stream.indirect.scatter.add.f32 [tilespmem:s18], [sflag:$0x2], $0x80, s20, s20, $0xb8;
	[tilespmem:$0x1A800] =	vst v63  }
0x51: {  	_ = 	snop  }
0x52: {  	[spmem:s1] =	stream.indirect.scatter.add.f32 [tilespmem:s18], [sflag:$0x3], $0x80, s21, s20, $0xb8;
	[tilespmem:$0x1A800] =	vst v63  }
0x53: {  	_ = 	snop  }
0x54: {  	[spmem:s1] =	stream.indirect.scatter.add.f32 [tilespmem:s18], [sflag:$0x4], $0x80, s22, s20, $0xb8;
	[tilespmem:$0x1A800] =	vst v63  }
0x55: {  	_ =	swait.ge [sflag:s23], $0x4000  }
0x56: {  	[sflag:s23] =	ssyncset.done $0x0  }
0x57: {  	s29 =	simm.s32 $0x200;
	[sflag:s23] =	ssyncadd.s32 $0xFFFFC000  }
0x58: {  	[spmem:s1] =	stream.indirect.scatter.add.f32 [tilespmem:s18], [sflag:$0x1], $0x80, s29, s20, $0xb8;
	[tilespmem:$0x1A800] =	vst v63  }
0x59: {  	_ =	swait.ge [sflag:s24], $0x4000  }
0x5a: {  	[sflag:s24] =	ssyncset.done $0x0  }
0x5b: {  	s29 =	simm.s32 $0x280;
	[sflag:s24] =	ssyncadd.s32 $0xFFFFC000  }
0x5c: {  	[spmem:s1] =	stream.indirect.scatter.add.f32 [tilespmem:s18], [sflag:$0x2], $0x80, s29, s20, $0xb8;
	[tilespmem:$0x1A800] =	vst v63  }
0x5d: {  	_ =	swait.ge [sflag:s25], $0x4000  }
0x5e: {  	[sflag:s25] =	ssyncset.done $0x0  }
0x5f: {  	s29 =	simm.s32 $0x300;
	[sflag:s25] =	ssyncadd.s32 $0xFFFFC000  }
0x60: {  	[spmem:s1] =	stream.indirect.scatter.add.f32 [tilespmem:s18], [sflag:$0x3], $0x80, s29, s20, $0xb8;
	[tilespmem:$0x1A800] =	vst v63  }
0x61: {  	_ =	swait.ge [sflag:s26], $0x4000  }
0x62: {  	[sflag:s26] =	ssyncset.done $0x0  }
0x63: {  	s30 =	simm.s32 $0x380;
	s29 =	simm.s32 $0xFFFF7000;
	[sflag:s26] =	ssyncadd.s32 $0xFFFFC000  }
.LBB2_2:
0x64: {  	[spmem:s1] =	stream.indirect.scatter.add.f32 [tilespmem:s18], [sflag:$0x4], $0x80, s30, s20, $0xb8;
	[tilespmem:$0x1A800] =	vst v63  }
0x65: {  	s30 =	smov.u32 s29  }
0x66: {  	p0 =	sne.s32 s29, $0xFFFFF800;
	s29 =	sadd.s32 $0x800, s29;
	_ =	swait.ge [sflag:s23], $0x4000  }
0x67: {  	s30 =	sshra.s32 s30, $0x2;
	[sflag:s23] =	ssyncset.done $0x0  }
0x68: {  	s31 =	sadd.s32 $0x2800, s30;
	[sflag:s23] =	ssyncadd.s32 $0xFFFFC000  }
0x69: {  	[spmem:s1] =	stream.indirect.scatter.add.f32 [tilespmem:s18], [sflag:$0x1], $0x80, s31, s20, $0xb8;
	[tilespmem:$0x1A800] =	vst v63  }
0x6a: {  	_ =	swait.ge [sflag:s24], $0x4000  }
0x6b: {  	[sflag:s24] =	ssyncset.done $0x0  }
0x6c: {  	s31 =	sadd.s32 $0x2880, s30;
	[sflag:s24] =	ssyncadd.s32 $0xFFFFC000  }
0x6d: {  	[spmem:s1] =	stream.indirect.scatter.add.f32 [tilespmem:s18], [sflag:$0x2], $0x80, s31, s20, $0xb8;
	[tilespmem:$0x1A800] =	vst v63  }
0x6e: {  	_ =	swait.ge [sflag:s25], $0x4000  }
0x6f: {  	[sflag:s25] =	ssyncset.done $0x0  }
.Ltmp0:
0x70: {  	s31 =	sadd.s32 $0x2900, s30;
	[sflag:s25] =	ssyncadd.s32 $0xFFFFC000;
	(pc) =	sbr.rel @p0 .LBB2_2-.Ltmp0, $4  }
0x71: {  	[spmem:s1] =	stream.indirect.scatter.add.f32 [tilespmem:s18], [sflag:$0x3], $0x80, s31, s20, $0xb8;
	[tilespmem:$0x1A800] =	vst v63  }
0x72: {  	_ =	swait.ge [sflag:s26], $0x4000  }
0x73: {  	[sflag:s26] =	ssyncset.done $0x0  }
0x74: {  	s30 =	sadd.s32 $0x2980, s30;
	[sflag:s26] =	ssyncadd.s32 $0xFFFFC000  }
0x75: {  	[spmem:s1] =	stream.indirect.scatter.add.f32 [tilespmem:s18], [sflag:$0x4], $0x80, s30, s20, $0xb8;
	[tilespmem:$0x1A800] =	vst v63  }
0x76: {  	_ =	swait.ge [sflag:s23], $0x4000  }
0x77: {  	[sflag:s23] =	ssyncset.done $0x0  }
0x78: {  	[sflag:s23] =	ssyncadd.s32 $0xFFFFC000  }
0x79: {  	_ =	swait.ge [sflag:s24], $0x4000  }
0x7a: {  	[sflag:s24] =	ssyncset.done $0x0  }
0x7b: {  	[sflag:s24] =	ssyncadd.s32 $0xFFFFC000  }
0x7c: {  	_ =	swait.ge [sflag:s25], $0x4000  }
0x7d: {  	[sflag:s25] =	ssyncset.done $0x0  }
0x7e: {  	[sflag:s25] =	ssyncadd.s32 $0xFFFFC000  }
0x7f: {  	_ =	swait.ge [sflag:s26], $0x4000  }
0x80: {  	[sflag:s26] =	ssyncset.done $0x0  }
0x81: {  	s29 =	sshll.u32 s2, $0x6;
	[sflag:s26] =	ssyncadd.s32 $0xFFFFC000  }
0x82: {  	s31 =	sshrl.u32 s6, $0x3;
	s29 =	sor.u32 $0x1C05, s29;
	[bflag:$0x0] =	sbarrier.arrive $0xFFFF  }
0x83: {  	[hbm:s12], [sflag:s29] =	dma.local [spmem:s31], $0x800  }
0x84: {  	_ =	swait.ge [sflag:s19], $0x800  }
0x85: {  	[sflag:s19] =	ssyncset.done $0x0  }
0x86: {  	s31 =	sshrl.u32 s7, $0x3;
	[sflag:s19] =	ssyncadd.s32 $0xFFFFF800  }
0x87: {  	[hbm:s13], [sflag:s29] =	dma.local [spmem:s31], $0x800  }
0x88: {  	_ =	swait.ge [sflag:s19], $0x800  }
0x89: {  	[sflag:s19] =	ssyncset.done $0x0  }
0x8a: {  	s31 =	sshrl.u32 s8, $0x3;
	[sflag:s19] =	ssyncadd.s32 $0xFFFFF800  }
0x8b: {  	[hbm:s14], [sflag:s29] =	dma.local [spmem:s31], $0x800  }
0x8c: {  	_ =	swait.ge [sflag:s19], $0x800  }
0x8d: {  	[sflag:s19] =	ssyncset.done $0x0  }
0x8e: {  	s31 =	sshrl.u32 s9, $0x3;
	[sflag:s19] =	ssyncadd.s32 $0xFFFFF800  }
0x8f: {  	[hbm:s15], [sflag:s29] =	dma.local [spmem:s31], $0x800  }
0x90: {  	s28 =	sadd.s32 $0x1, s28;
	_ =	swait.ge [sflag:s19], $0x800  }
0x91: {  	p0 =	sne.s32 s28, s17;
	[sflag:s19] =	ssyncset.done $0x0  }
.Ltmp1:
0x92: {  	s31 =	sshrl.u32 s10, $0x3;
	[sflag:s19] =	ssyncadd.s32 $0xFFFFF800;
	(pc) =	sbr.rel @p0 .LBB2_1-.Ltmp1, $4  }
0x93: {  	[hbm:s16], [sflag:s29] =	dma.local [spmem:s31], $0x800  }
0x94: {  	_ =	swait.ge [sflag:s19], $0x800  }
0x95: {  	[sflag:s19] =	ssyncset.done $0x0  }
0x96: {  	[sflag:s19] =	ssyncadd.s32 $0xFFFFF800  }
0x97: {  	_ =	sfence.sel $0x180000  }
0x98: {  	[bflag:$0x0] =	sbarrier.arrive $0xFFFF  }
0x99: {  	p0 =	sne.s32 s2, $0x0;
	_ =	strace $0x90000047  }
0x9a: {  	s0 =	sadd.s32 @!p0 $0x100000, s0;
	[bflag:$0x2] =	sbarrier.arrive $0xFFFF  }
0x9b: {  	[sflag:s0] =	ssyncadd.tile.s32 @!p0 $0x1;
	_ =	shalt  }
.Lfunc_end2:
_tile_overlayer_lowered:
.L_overlay_start_2:
0x9c: {  	(tag) =	ssettag $0x2  }
0x9d: {  	s0 =	rddreg [dreg:$0x0];
	s2 =	stileid.u32  }
0x9e: {  	s1 =	rddreg [dreg:$0x1];
	p0 =	sne.s32 s2, $0x0  }
0x9f: {  	s3 =	rddreg [dreg:$0x2];
	[bflag:$0x3] =	sbarrier.arrive $0xFFFF;
	s2 =	simm.s32 @!p0 $0x1C05  }
0xa0: {  	[timem:s3], [sflag:s2] =	dma.local @!p0 [hbm:s0], s1  }
0xa1: {  	s0 =	simm.s32 @!p0 $0x5  }
0xa2: {  	_ =	swait.ge @!p0 [sflag:s0], s1  }
0xa3: {  	s1 =	ssub.s32 @!p0 $0x0, s1;
	[sflag:s0] =	ssyncset.done @!p0 $0x0  }
0xa4: {  	[sflag:s0] =	ssyncadd.s32 @!p0 s1  }
0xa5: {  	[bflag:$0x3] =	sbarrier.arrive $0xFFFF  }
0xa6: {  	_ =	shalt  }

</sc_bundles>
